<compile_context>
chip_gen: v7x
topology: tpu7x:2x2x1
jax: 0.10.2.dev20260603
libtpu: 0.0.44.dev20260713+nightly
codegen_flags: <defaults>
</compile_context>

<pallas_src>
import functools

import jax
import jax.numpy as jnp
from jax import lax
from jax.experimental import pallas as pl
from jax.experimental.pallas import tpu as pltpu
from jax.experimental.pallas import tpu_sc as plsc

N_POINTS = 1600000
N_VOXELS = 100000
CH = 32
NCLS = 20
EPS = 1e-4

LANES = 128
VPAD = 100352
NW = 32
PPW = N_POINTS // NW
SUBS = 15
CHUNK = SUBS * LANES
NCHUNK = PPW // CHUNK
REM = PPW - NCHUNK * CHUNK
TILE_V = VPAD // 16

_mesh = plsc.VectorSubcoreMesh(core_axis_name="c", subcore_axis_name="s")
_sc_params = pltpu.CompilerParams(use_tc_tiling_on_sc=False)


@functools.partial(
    pl.kernel,
    out_type=jax.ShapeDtypeStruct((2 * VPAD, 8), jnp.float32),
    mesh=_mesh,
    scratch_types=[
        pltpu.VMEM((SUBS, LANES), jnp.int32),
        pltpu.VMEM((SUBS, LANES), jnp.int32),
        pltpu.VMEM((CHUNK, 8), jnp.float32),
        pltpu.VMEM((LANES, 8), jnp.float32),
        pltpu.VMEM_SHARED((VPAD, 8), jnp.float32),
        pltpu.SemaphoreType.DMA,
    ],
    compiler_params=_sc_params,
)
def _stage_a(xext, p2v, v2p, tmpl, zeros, dumpc, out, i1, i2, vbuf, tbuf,
             acc, sem):
    c = lax.axis_index("c")
    s = lax.axis_index("s")
    wid = c * 16 + s

    pltpu.sync_copy(zeros, acc.at[pl.ds(s * TILE_V, TILE_V)])
    pltpu.sync_copy(tmpl, tbuf)
    plsc.subcore_barrier()

    def chunk(g, _):
        base = wid * PPW + g * CHUNK
        loads = [pltpu.async_copy(xext.at[pl.ds(base, CHUNK)], vbuf, sem)]
        for j in range(SUBS):
            loads.append(pltpu.async_copy(
                p2v.at[pl.ds(base + j * LANES, LANES)], i1.at[j], sem))
            loads.append(pltpu.async_copy(
                v2p.at[pl.ds(base + j * LANES, LANES)], i2.at[j], sem))
        for d in loads:
            d.wait()
        descs = []
        for j in range(SUBS):
            descs.append(pltpu.async_copy(
                vbuf.at[pl.ds(j * LANES, LANES)], acc.at[i1.at[j]], sem,
                add=True))
            descs.append(pltpu.async_copy(tbuf, acc.at[i2.at[j]], sem,
                                          add=True))
        for d in descs:
            d.wait()
        return 0

    lax.fori_loop(0, NCHUNK, chunk, 0)

    base = wid * PPW + NCHUNK * CHUNK
    pltpu.sync_copy(p2v.at[pl.ds(base, REM)], i1.at[0].at[pl.ds(0, REM)])
    pltpu.sync_copy(v2p.at[pl.ds(base, REM)], i2.at[0].at[pl.ds(0, REM)])
    pltpu.sync_copy(dumpc, i1.at[0].at[pl.ds(REM, LANES - REM)])
    pltpu.sync_copy(dumpc, i2.at[0].at[pl.ds(REM, LANES - REM)])
    pltpu.sync_copy(xext.at[pl.ds(base, REM)], vbuf.at[pl.ds(0, REM)])
    pltpu.sync_copy(zeros.at[pl.ds(0, LANES - REM)],
                    vbuf.at[pl.ds(REM, LANES - REM)])
    d1 = pltpu.async_copy(vbuf.at[pl.ds(0, LANES)], acc.at[i1.at[0]], sem,
                          add=True)
    d2 = pltpu.async_copy(tbuf, acc.at[i2.at[0]], sem, add=True)
    d1.wait()
    d2.wait()
    plsc.subcore_barrier()

    pltpu.sync_copy(acc.at[pl.ds(s * TILE_V, TILE_V)],
                    out.at[pl.ds(c * VPAD + s * TILE_V, TILE_V)])


NCLS_PAD = 24
HALF_ROWS = VPAD // 16
REAL_ROWS = N_VOXELS // 16


def _stage_b_body(tab_ref, e6_ref, bin_ref, e7_ref, b1_ref, b2_ref, k_ref,
                  g1t, b1nt, b1vt, g2t, b2nt, b2vt, out_ref):
    f32 = jnp.float32
    P = tab_ref[:HALF_ROWS, :] + tab_ref[HALF_ROWS:, :]
    row = lax.broadcasted_iota(jnp.int32, (HALF_ROWS, 1), 0)
    rmask = row < REAL_ROWS

    def chan_sum(x):
        return jnp.dot(jnp.sum(x, axis=0, keepdims=True), k_ref[...],
                       preferred_element_type=f32)

    cntp = jnp.dot(P, e6_ref[...], preferred_element_type=f32)
    vf = P / jnp.maximum(cntp, 1.0)
    h = jnp.dot(vf, bin_ref[...], preferred_element_type=f32)
    cnt = jnp.dot(P, e7_ref[...], preferred_element_type=f32)
    cnt = jnp.where(rmask, cnt, 0.0)
    nv = jnp.float32(N_VOXELS)
    mu1 = chan_sum(h) / nv
    var1 = chan_sum(jnp.where(rmask, (h - mu1) ** 2, 0.0)) / nv
    h = jnp.maximum((h - mu1) * lax.rsqrt(var1 + EPS) * g1t[...] + b1nt[...],
                    0.0)
    z = jnp.dot(h, b1_ref[...], preferred_element_type=f32) + b1vt[...]
    n = jnp.float32(N_POINTS)
    mu2 = chan_sum(z * cnt) / n
    var2 = chan_sum(cnt * (z - mu2) ** 2) / n
    z = jnp.maximum((z - mu2) * lax.rsqrt(var2 + EPS) * g2t[...] + b2nt[...],
                    0.0)
    out_ref[...] = jnp.dot(z, b2_ref[...], preferred_element_type=f32) \
        + b2vt[...]


_stage_b = pl.pallas_call(
    _stage_b_body,
    out_shape=jax.ShapeDtypeStruct((HALF_ROWS, 16 * NCLS_PAD), jnp.float32),
)


@functools.partial(
    pl.kernel,
    out_type=jax.ShapeDtypeStruct((N_POINTS, NCLS_PAD), jnp.float32),
    mesh=_mesh,
    scratch_types=[
        pltpu.VMEM((CHUNK,), jnp.int32),
        pltpu.VMEM((CHUNK, NCLS_PAD), jnp.float32),
        pltpu.SemaphoreType.DMA,
    ],
    compiler_params=_sc_params,
)
def _stage_c(table, v2p, out, ibuf, rows, sem):
    c = lax.axis_index("c")
    s = lax.axis_index("s")
    wid = c * 16 + s

    def chunk(g, _):
        base = wid * PPW + g * CHUNK
        pltpu.sync_copy(v2p.at[pl.ds(base, CHUNK)], ibuf)
        descs = []
        for j in range(SUBS):
            descs.append(pltpu.async_copy(
                table.at[ibuf.at[pl.ds(j * LANES, LANES)]],
                rows.at[pl.ds(j * LANES, LANES)], sem))
        for d in descs:
            d.wait()
        pltpu.sync_copy(rows, out.at[pl.ds(base, CHUNK)])
        return 0

    lax.fori_loop(0, NCHUNK, chunk, 0)

    base = wid * PPW + NCHUNK * CHUNK
    pltpu.sync_copy(v2p.at[pl.ds(base, REM)], ibuf.at[pl.ds(0, REM)])
    pltpu.async_copy(table.at[ibuf.at[pl.ds(0, REM)]],
                     rows.at[pl.ds(0, REM)], sem).wait()
    pltpu.sync_copy(rows.at[pl.ds(0, REM)], out.at[pl.ds(base, REM)])


def kernel(feats, coords_float, W_in, gamma1, beta1, W1, b1, gamma2, beta2,
           W2, b2, p2v_map, v2p_map):
    f32 = jnp.float32
    p2v = p2v_map.astype(jnp.int32)
    v2p = v2p_map.astype(jnp.int32)

    ones = jnp.ones((N_POINTS, 1), f32)
    zcol = jnp.zeros((N_POINTS, 1), f32)
    xext = jnp.concatenate([feats, coords_float, ones, zcol], axis=1)

    tmpl = jnp.concatenate(
        [jnp.zeros((LANES, 7), f32), jnp.ones((LANES, 1), f32)], axis=1)
    zeros = jnp.zeros((TILE_V, 8), f32)
    dumpc = jnp.full((LANES - REM,), N_VOXELS, jnp.int32)

    tables = _stage_a(xext, p2v, v2p, tmpl, zeros, dumpc)
    tab128 = tables.reshape(2 * VPAD // 16, 128)

    eye16 = jnp.eye(16, dtype=f32)
    m6 = jnp.zeros((8, 8), f32).at[6].set(1.0)
    m7 = jnp.zeros((8, CH), f32).at[7].set(1.0)
    w_in8 = jnp.concatenate([W_in, jnp.zeros((2, CH), f32)], axis=0)
    w2p = jnp.concatenate(
        [W2, jnp.zeros((CH, NCLS_PAD - NCLS), f32)], axis=1)
    b2p = jnp.concatenate([b2, jnp.zeros((NCLS_PAD - NCLS,), f32)])
    e6 = jnp.kron(eye16, m6)
    e7 = jnp.kron(eye16, m7)
    binw = jnp.kron(eye16, w_in8)
    b1w = jnp.kron(eye16, W1)
    b2w = jnp.kron(eye16, w2p)
    ksum = jnp.kron(jnp.ones((16, 16), f32), jnp.eye(CH, dtype=f32))
    tl = lambda v: jnp.tile(v, 16).reshape(1, -1)
    scores_pack = _stage_b(tab128, e6, binw, e7, b1w, b2w, ksum,
                           tl(gamma1), tl(beta1), tl(b1), tl(gamma2),
                           tl(beta2), tl(b2p))
    scores_v = scores_pack.reshape(VPAD, NCLS_PAD)

    return _stage_c(scores_v, v2p)[:, :NCLS]

# --- scband reference (transcript-rebuilt; emitter-appended) ---
"""Pipeline reference for scband-semantic-segmentation-model-17111149707394 (READ-ONLY COPY).

The authoritative reference and input builder live on the scoring server;
editing this copy changes nothing except your own understanding.
"""

import jax, jax.numpy as jnp
import numpy as np

N_POINTS = 1600000
N_VOXELS = 100000
CHANNELS = 32
SEM_CLASSES = 20
EPS = 1e-4


def _bn(x, gamma, beta):
    mu = jnp.mean(x, axis=0, keepdims=True)
    var = jnp.var(x, axis=0, keepdims=True)
    return (x - mu) / jnp.sqrt(var + EPS) * gamma + beta


def setup_inputs(seed: int = 0) -> dict:
    key = jax.random.key(seed)
    ks = jax.random.split(key, 12)
    feats = jax.random.normal(ks[0], (N_POINTS, 3), dtype=jnp.float32)
    coords_float = jax.random.normal(ks[1], (N_POINTS, 3), dtype=jnp.float32)
    p2v_map = jnp.sort(jax.random.randint(ks[2], (N_POINTS,), 0, N_VOXELS, dtype=jnp.int64))
    v2p_map = jax.random.randint(ks[3], (N_POINTS,), 0, N_VOXELS, dtype=jnp.int64)
    W_in = jax.random.normal(ks[4], (6, CHANNELS), dtype=jnp.float32) * 0.1
    gamma1 = jnp.ones((CHANNELS,), dtype=jnp.float32)
    beta1 = jnp.zeros((CHANNELS,), dtype=jnp.float32)
    W1 = jax.random.normal(ks[5], (CHANNELS, CHANNELS), dtype=jnp.float32) * 0.1
    b1 = jnp.zeros((CHANNELS,), dtype=jnp.float32)
    gamma2 = jnp.ones((CHANNELS,), dtype=jnp.float32)
    beta2 = jnp.zeros((CHANNELS,), dtype=jnp.float32)
    W2 = jax.random.normal(ks[6], (CHANNELS, SEM_CLASSES), dtype=jnp.float32) * 0.1
    b2 = jnp.zeros((SEM_CLASSES,), dtype=jnp.float32)
    return {"feats": feats, "coords_float": coords_float, "W_in": W_in,
            "gamma1": gamma1, "beta1": beta1, "W1": W1, "b1": b1,
            "gamma2": gamma2, "beta2": beta2, "W2": W2, "b2": b2,
            "p2v_map": p2v_map, "v2p_map": v2p_map}


def reference(feats, coords_float, W_in, gamma1, beta1, W1, b1, gamma2, beta2, W2, b2, p2v_map, v2p_map):
    # with_coords: concat colors + coords -> 6 channels
    x = jnp.concatenate([feats, coords_float], axis=1)
    # voxelization: scatter-mean of point features into voxels (p2v_map)
    sums = jax.ops.segment_sum(x, p2v_map, num_segments=N_VOXELS)
    counts = jax.ops.segment_sum(jnp.ones((x.shape[0], 1), dtype=x.dtype), p2v_map, num_segments=N_VOXELS)
    voxel_feats = sums / jnp.maximum(counts, 1.0)
    # input_conv (SubMConv3d approximated as pointwise linear on voxel features)
    h = voxel_feats @ W_in
    # output_layer: BatchNorm1d(eps=1e-4) + ReLU
    h = jax.nn.relu(_bn(h, gamma1, beta1))
    # devoxelize: gather voxel features back to points (v2p_map)
    out_feats = jnp.take(h, v2p_map, axis=0)
    # semantic_linear: 2-layer MLP (Linear -> BN -> ReLU -> Linear)
    z = out_feats @ W1 + b1
    z = jax.nn.relu(_bn(z, gamma2, beta2))
    semantic_scores = z @ W2 + b2
    return semantic_scores

if __name__ == "__main__":
    import jax
    _d = setup_inputs()
    print(jax.jit(kernel)(*tuple(_d.values())))

</pallas_src>

<mosaic_0001>
#map = affine_map<(d0, d1) -> (0, 0)>
#map1 = affine_map<(d0, d1) -> (0)>
module attributes {stable_mosaic.version = 14 : i64} {
  func.func @_stage_c(%arg0: i32, %arg1: i32, %arg2: memref<100352x24xf32, #tpu.memory_space<hbm>>, %arg3: memref<1600000xi32, #tpu.memory_space<hbm>>, %arg4: memref<1600000x24xf32, #tpu.memory_space<hbm>>, %arg5: memref<1920xi32, #tpu.memory_space<vmem>>, %arg6: memref<1920x24xf32, #tpu.memory_space<vmem>>, %arg7: memref<!tpu.dma_semaphore, #tpu.memory_space<semaphore_mem>>) attributes {dimension_semantics = [#tpu.dimension_semantics<core_parallel>, #tpu.dimension_semantics<subcore_parallel>], iteration_bounds = array<i64: 2, 16>, scalar_prefetch = 0 : i64, scratch_operands = 3 : i64, tpu.core_type = #tpu.core_type<sc_vector_subcore>, window_params = [{transform_indices = #map}, {transform_indices = #map1}, {transform_indices = #map}]} {
    %mul3A = arith.constant 16 : i32
    %mul3A_0 = arith.muli %arg0, %mul3A : i32
    %add3A = arith.addi %mul3A_0, %arg1 : i32
    %scan3A = arith.constant 0 : i32
    %scan3A_1 = arith.constant 0 : i32
    %scan3A_2 = arith.constant 26 : i32
    %scan3A_3 = arith.addi %scan3A_1, %scan3A_2 : i32
    %scan3A_4 = arith.constant 1 : i32
    %scan3A_5 = scf.for %scan3A_25 = %scan3A_1 to %scan3A_3 step %scan3A_4 iter_args(%scan3A_26 = %scan3A) -> (i32)  : i32 {
      %mul3A_27 = arith.constant 50000 : i32
      %mul3A_28 = arith.muli %add3A, %mul3A_27 : i32
      %mul3A_29 = arith.constant 1920 : i32
      %mul3A_30 = arith.muli %scan3A_25, %mul3A_29 : i32
      %add3A_31 = arith.addi %mul3A_28, %mul3A_30 : i32
      "tpu.region"() ({
        %run_scoped3A = tpu.sem_alloc : memref<!tpu.dma_semaphore, #tpu.memory_space<semaphore_mem>>
        %dma_start3A_273 = tpu.memref_slice %arg3[%add3A_31] : memref<1600000xi32, #tpu.memory_space<hbm>> -> memref<1920xi32, #tpu.memory_space<hbm>>
        %dma_start3A_274 = tpu.memref_slice %arg3[%add3A_31] : memref<1600000xi32, #tpu.memory_space<hbm>> -> memref<1920xi32, #tpu.memory_space<hbm>>
        tpu.enqueue_dma source(%dma_start3A_274 : memref<1920xi32, #tpu.memory_space<hbm>>) target(%arg5 : memref<1920xi32, #tpu.memory_space<vmem>>) target_semaphore(%run_scoped3A : memref<!tpu.dma_semaphore, #tpu.memory_space<semaphore_mem>>)
        %dma_wait3A_275 = tpu.memref_slice %arg3[%add3A_31] : memref<1600000xi32, #tpu.memory_space<hbm>> -> memref<1920xi32, #tpu.memory_space<hbm>>
        %dma_wait3A_276 = tpu.memref_slice %arg3[%add3A_31] : memref<1600000xi32, #tpu.memory_space<hbm>> -> memref<1920xi32, #tpu.memory_space<hbm>>
        tpu.wait_dma2 semaphore(%run_scoped3A : memref<!tpu.dma_semaphore, #tpu.memory_space<semaphore_mem>>) src(%dma_wait3A_276 : memref<1920xi32, #tpu.memory_space<hbm>>) dst(%arg5 : memref<1920xi32, #tpu.memory_space<vmem>>)
        tpu.yield
      }) : () -> ()
      %dma_start3A_32 = arith.constant 0 : i32
      %dma_start3A_33 = arith.constant 0 : i32
      %dma_start3A_34 = tpu.memref_slice %arg6[%dma_start3A_32, %dma_start3A_33] : memref<1920x24xf32, #tpu.memory_space<vmem>> -> memref<128x24xf32, #tpu.memory_space<vmem>>
      %dma_start3A_35 = arith.constant 0 : i32
      %dma_start3A_36 = tpu.memref_slice %arg5[%dma_start3A_35] : memref<1920xi32, #tpu.memory_space<vmem>> -> memref<128xi32, #tpu.memory_space<vmem>>
      %dma_start3A_37 = arith.constant 0 : i32
      %dma_start3A_38 = arith.constant 0 : i32
      %dma_start3A_39 = tpu.memref_slice %arg2[%dma_start3A_37, %dma_start3A_38] : memref<100352x24xf32, #tpu.memory_space<hbm>> -> memref<100352x24xf32, #tpu.memory_space<hbm>>
      tpu.enqueue_indirect_dma source(%dma_start3A_39 : memref<100352x24xf32, #tpu.memory_space<hbm>>) target(%dma_start3A_34 : memref<128x24xf32, #tpu.memory_space<vmem>>) offsets(%dma_start3A_36 : memref<128xi32, #tpu.memory_space<vmem>>) semaphore(%arg7 : memref<!tpu.dma_semaphore, #tpu.memory_space<semaphore_mem>>)
      %dma_start3A_40 = arith.constant 128 : i32
      %dma_start3A_41 = arith.constant 0 : i32
      %dma_start3A_42 = tpu.memref_slice %arg6[%dma_start3A_40, %dma_start3A_41] : memref<1920x24xf32, #tpu.memory_space<vmem>> -> memref<128x24xf32, #tpu.memory_space<vmem>>
      %dma_start3A_43 = arith.constant 128 : i32
      %dma_start3A_44 = tpu.memref_slice %arg5[%dma_start3A_43] : memref<1920xi32, #tpu.memory_space<vmem>> -> memref<128xi32, #tpu.memory_space<vmem>>
      %dma_start3A_45 = arith.constant 0 : i32
      %dma_start3A_46 = arith.constant 0 : i32
      %dma_start3A_47 = tpu.memref_slice %arg2[%dma_start3A_45, %dma_start3A_46] : memref<100352x24xf32, #tpu.memory_space<hbm>> -> memref<100352x24xf32, #tpu.memory_space<hbm>>
      tpu.enqueue_indirect_dma source(%dma_start3A_47 : memref<100352x24xf32, #tpu.memory_space<hbm>>) target(%dma_start3A_42 : memref<128x24xf32, #tpu.memory_space<vmem>>) offsets(%dma_start3A_44 : memref<128xi32, #tpu.memory_space<vmem>>) semaphore(%arg7 : memref<!tpu.dma_semaphore, #tpu.memory_space<semaphore_mem>>)
      %dma_start3A_48 = arith.constant 256 : i32
      %dma_start3A_49 = arith.constant 0 : i32
      %dma_start3A_50 = tpu.memref_slice %arg6[%dma_start3A_48, %dma_start3A_49] : memref<1920x24xf32, #tpu.memory_space<vmem>> -> memref<128x24xf32, #tpu.memory_space<vmem>>
      %dma_start3A_51 = arith.constant 256 : i32
      %dma_start3A_52 = tpu.memref_slice %arg5[%dma_start3A_51] : memref<1920xi32, #tpu.memory_space<vmem>> -> memref<128xi32, #tpu.memory_space<vmem>>
      %dma_start3A_53 = arith.constant 0 : i32
      %dma_start3A_54 = arith.constant 0 : i32
      %dma_start3A_55 = tpu.memref_slice %arg2[%dma_start3A_53, %dma_start3A_54] : memref<100352x24xf32, #tpu.memory_space<hbm>> -> memref<100352x24xf32, #tpu.memory_space<hbm>>
      tpu.enqueue_indirect_dma source(%dma_start3A_55 : memref<100352x24xf32, #tpu.memory_space<hbm>>) target(%dma_start3A_50 : memref<128x24xf32, #tpu.memory_space<vmem>>) offsets(%dma_start3A_52 : memref<128xi32, #tpu.memory_space<vmem>>) semaphore(%arg7 : memref<!tpu.dma_semaphore, #tpu.memory_space<semaphore_mem>>)
      %dma_start3A_56 = arith.constant 384 : i32
      %dma_start3A_57 = arith.constant 0 : i32
      %dma_start3A_58 = tpu.memref_slice %arg6[%dma_start3A_56, %dma_start3A_57] : memref<1920x24xf32, #tpu.memory_space<vmem>> -> memref<128x24xf32, #tpu.memory_space<vmem>>
      %dma_start3A_59 = arith.constant 384 : i32
      %dma_start3A_60 = tpu.memref_slice %arg5[%dma_start3A_59] : memref<1920xi32, #tpu.memory_space<vmem>> -> memref<128xi32, #tpu.memory_space<vmem>>
      %dma_start3A_61 = arith.constant 0 : i32
      %dma_start3A_62 = arith.constant 0 : i32
      %dma_start3A_63 = tpu.memref_slice %arg2[%dma_start3A_61, %dma_start3A_62] : memref<100352x24xf32, #tpu.memory_space<hbm>> -> memref<100352x24xf32, #tpu.memory_space<hbm>>
      tpu.enqueue_indirect_dma source(%dma_start3A_63 : memref<100352x24xf32, #tpu.memory_space<hbm>>) target(%dma_start3A_58 : memref<128x24xf32, #tpu.memory_space<vmem>>) offsets(%dma_start3A_60 : memref<128xi32, #tpu.memory_space<vmem>>) semaphore(%arg7 : memref<!tpu.dma_semaphore, #tpu.memory_space<semaphore_mem>>)
      %dma_start3A_64 = arith.constant 512 : i32
      %dma_start3A_65 = arith.constant 0 : i32
      %dma_start3A_66 = tpu.memref_slice %arg6[%dma_start3A_64, %dma_start3A_65] : memref<1920x24xf32, #tpu.memory_space<vmem>> -> memref<128x24xf32, #tpu.memory_space<vmem>>
      %dma_start3A_67 = arith.constant 512 : i32
      %dma_start3A_68 = tpu.memref_slice %arg5[%dma_start3A_67] : memref<1920xi32, #tpu.memory_space<vmem>> -> memref<128xi32, #tpu.memory_space<vmem>>
      %dma_start3A_69 = arith.constant 0 : i32
      %dma_start3A_70 = arith.constant 0 : i32
      %dma_start3A_71 = tpu.memref_slice %arg2[%dma_start3A_69, %dma_start3A_70] : memref<100352x24xf32, #tpu.memory_space<hbm>> -> memref<100352x24xf32, #tpu.memory_space<hbm>>
      tpu.enqueue_indirect_dma source(%dma_start3A_71 : memref<100352x24xf32, #tpu.memory_space<hbm>>) target(%dma_start3A_66 : memref<128x24xf32, #tpu.memory_space<vmem>>) offsets(%dma_start3A_68 : memref<128xi32, #tpu.memory_space<vmem>>) semaphore(%arg7 : memref<!tpu.dma_semaphore, #tpu.memory_space<semaphore_mem>>)
      %dma_start3A_72 = arith.constant 640 : i32
      %dma_start3A_73 = arith.constant 0 : i32
      %dma_start3A_74 = tpu.memref_slice %arg6[%dma_start3A_72, %dma_start3A_73] : memref<1920x24xf32, #tpu.memory_space<vmem>> -> memref<128x24xf32, #tpu.memory_space<vmem>>
      %dma_start3A_75 = arith.constant 640 : i32
      %dma_start3A_76 = tpu.memref_slice %arg5[%dma_start3A_75] : memref<1920xi32, #tpu.memory_space<vmem>> -> memref<128xi32, #tpu.memory_space<vmem>>
      %dma_start3A_77 = arith.constant 0 : i32
      %dma_start3A_78 = arith.constant 0 : i32
      %dma_start3A_79 = tpu.memref_slice %arg2[%dma_start3A_77, %dma_start3A_78] : memref<100352x24xf32, #tpu.memory_space<hbm>> -> memref<100352x24xf32, #tpu.memory_space<hbm>>
      tpu.enqueue_indirect_dma source(%dma_start3A_79 : memref<100352x24xf32, #tpu.memory_space<hbm>>) target(%dma_start3A_74 : memref<128x24xf32, #tpu.memory_space<vmem>>) offsets(%dma_start3A_76 : memref<128xi32, #tpu.memory_space<vmem>>) semaphore(%arg7 : memref<!tpu.dma_semaphore, #tpu.memory_space<semaphore_mem>>)
      %dma_start3A_80 = arith.constant 768 : i32
      %dma_start3A_81 = arith.constant 0 : i32
      %dma_start3A_82 = tpu.memref_slice %arg6[%dma_start3A_80, %dma_start3A_81] : memref<1920x24xf32, #tpu.memory_space<vmem>> -> memref<128x24xf32, #tpu.memory_space<vmem>>
      %dma_start3A_83 = arith.constant 768 : i32
      %dma_start3A_84 = tpu.memref_slice %arg5[%dma_start3A_83] : memref<1920xi32, #tpu.memory_space<vmem>> -> memref<128xi32, #tpu.memory_space<vmem>>
      %dma_start3A_85 = arith.constant 0 : i32
      %dma_start3A_86 = arith.constant 0 : i32
      %dma_start3A_87 = tpu.memref_slice %arg2[%dma_start3A_85, %dma_start3A_86] : memref<100352x24xf32, #tpu.memory_space<hbm>> -> memref<100352x24xf32, #tpu.memory_space<hbm>>
      tpu.enqueue_indirect_dma source(%dma_start3A_87 : memref<100352x24xf32, #tpu.memory_space<hbm>>) target(%dma_start3A_82 : memref<128x24xf32, #tpu.memory_space<vmem>>) offsets(%dma_start3A_84 : memref<128xi32, #tpu.memory_space<vmem>>) semaphore(%arg7 : memref<!tpu.dma_semaphore, #tpu.memory_space<semaphore_mem>>)
      %dma_start3A_88 = arith.constant 896 : i32
      %dma_start3A_89 = arith.constant 0 : i32
      %dma_start3A_90 = tpu.memref_slice %arg6[%dma_start3A_88, %dma_start3A_89] : memref<1920x24xf32, #tpu.memory_space<vmem>> -> memref<128x24xf32, #tpu.memory_space<vmem>>
      %dma_start3A_91 = arith.constant 896 : i32
      %dma_start3A_92 = tpu.memref_slice %arg5[%dma_start3A_91] : memref<1920xi32, #tpu.memory_space<vmem>> -> memref<128xi32, #tpu.memory_space<vmem>>
      %dma_start3A_93 = arith.constant 0 : i32
      %dma_start3A_94 = arith.constant 0 : i32
      %dma_start3A_95 = tpu.memref_slice %arg2[%dma_start3A_93, %dma_start3A_94] : memref<100352x24xf32, #tpu.memory_space<hbm>> -> memref<100352x24xf32, #tpu.memory_space<hbm>>
      tpu.enqueue_indirect_dma source(%dma_start3A_95 : memref<100352x24xf32, #tpu.memory_space<hbm>>) target(%dma_start3A_90 : memref<128x24xf32, #tpu.memory_space<vmem>>) offsets(%dma_start3A_92 : memref<128xi32, #tpu.memory_space<vmem>>) semaphore(%arg7 : memref<!tpu.dma_semaphore, #tpu.memory_space<semaphore_mem>>)
      %dma_start3A_96 = arith.constant 1024 : i32
      %dma_start3A_97 = arith.constant 0 : i32
      %dma_start3A_98 = tpu.memref_slice %arg6[%dma_start3A_96, %dma_start3A_97] : memref<1920x24xf32, #tpu.memory_space<vmem>> -> memref<128x24xf32, #tpu.memory_space<vmem>>
      %dma_start3A_99 = arith.constant 1024 : i32
      %dma_start3A_100 = tpu.memref_slice %arg5[%dma_start3A_99] : memref<1920xi32, #tpu.memory_space<vmem>> -> memref<128xi32, #tpu.memory_space<vmem>>
      %dma_start3A_101 = arith.constant 0 : i32
      %dma_start3A_102 = arith.constant 0 : i32
      %dma_start3A_103 = tpu.memref_slice %arg2[%dma_start3A_101, %dma_start3A_102] : memref<100352x24xf32, #tpu.memory_space<hbm>> -> memref<100352x24xf32, #tpu.memory_space<hbm>>
      tpu.enqueue_indirect_dma source(%dma_start3A_103 : memref<100352x24xf32, #tpu.memory_space<hbm>>) target(%dma_start3A_98 : memref<128x24xf32, #tpu.memory_space<vmem>>) offsets(%dma_start3A_100 : memref<128xi32, #tpu.memory_space<vmem>>) semaphore(%arg7 : memref<!tpu.dma_semaphore, #tpu.memory_space<semaphore_mem>>)
      %dma_start3A_104 = arith.constant 1152 : i32
      %dma_start3A_105 = arith.constant 0 : i32
      %dma_start3A_106 = tpu.memref_slice %arg6[%dma_start3A_104, %dma_start3A_105] : memref<1920x24xf32, #tpu.memory_space<vmem>> -> memref<128x24xf32, #tpu.memory_space<vmem>>
      %dma_start3A_107 = arith.constant 1152 : i32
      %dma_start3A_108 = tpu.memref_slice %arg5[%dma_start3A_107] : memref<1920xi32, #tpu.memory_space<vmem>> -> memref<128xi32, #tpu.memory_space<vmem>>
      %dma_start3A_109 = arith.constant 0 : i32
      %dma_start3A_110 = arith.constant 0 : i32
      %dma_start3A_111 = tpu.memref_slice %arg2[%dma_start3A_109, %dma_start3A_110] : memref<100352x24xf32, #tpu.memory_space<hbm>> -> memref<100352x24xf32, #tpu.memory_space<hbm>>
      tpu.enqueue_indirect_dma source(%dma_start3A_111 : memref<100352x24xf32, #tpu.memory_space<hbm>>) target(%dma_start3A_106 : memref<128x24xf32, #tpu.memory_space<vmem>>) offsets(%dma_start3A_108 : memref<128xi32, #tpu.memory_space<vmem>>) semaphore(%arg7 : memref<!tpu.dma_semaphore, #tpu.memory_space<semaphore_mem>>)
      %dma_start3A_112 = arith.constant 1280 : i32
      %dma_start3A_113 = arith.constant 0 : i32
      %dma_start3A_114 = tpu.memref_slice %arg6[%dma_start3A_112, %dma_start3A_113] : memref<1920x24xf32, #tpu.memory_space<vmem>> -> memref<128x24xf32, #tpu.memory_space<vmem>>
      %dma_start3A_115 = arith.constant 1280 : i32
      %dma_start3A_116 = tpu.memref_slice %arg5[%dma_start3A_115] : memref<1920xi32, #tpu.memory_space<vmem>> -> memref<128xi32, #tpu.memory_space<vmem>>
      %dma_start3A_117 = arith.constant 0 : i32
      %dma_start3A_118 = arith.constant 0 : i32
      %dma_start3A_119 = tpu.memref_slice %arg2[%dma_start3A_117, %dma_start3A_118] : memref<100352x24xf32, #tpu.memory_space<hbm>> -> memref<100352x24xf32, #tpu.memory_space<hbm>>
      tpu.enqueue_indirect_dma source(%dma_start3A_119 : memref<100352x24xf32, #tpu.memory_space<hbm>>) target(%dma_start3A_114 : memref<128x24xf32, #tpu.memory_space<vmem>>) offsets(%dma_start3A_116 : memref<128xi32, #tpu.memory_space<vmem>>) semaphore(%arg7 : memref<!tpu.dma_semaphore, #tpu.memory_space<semaphore_mem>>)
      %dma_start3A_120 = arith.constant 1408 : i32
      %dma_start3A_121 = arith.constant 0 : i32
      %dma_start3A_122 = tpu.memref_slice %arg6[%dma_start3A_120, %dma_start3A_121] : memref<1920x24xf32, #tpu.memory_space<vmem>> -> memref<128x24xf32, #tpu.memory_space<vmem>>
      %dma_start3A_123 = arith.constant 1408 : i32
      %dma_start3A_124 = tpu.memref_slice %arg5[%dma_start3A_123] : memref<1920xi32, #tpu.memory_space<vmem>> -> memref<128xi32, #tpu.memory_space<vmem>>
      %dma_start3A_125 = arith.constant 0 : i32
      %dma_start3A_126 = arith.constant 0 : i32
      %dma_start3A_127 = tpu.memref_slice %arg2[%dma_start3A_125, %dma_start3A_126] : memref<100352x24xf32, #tpu.memory_space<hbm>> -> memref<100352x24xf32, #tpu.memory_space<hbm>>
      tpu.enqueue_indirect_dma source(%dma_start3A_127 : memref<100352x24xf32, #tpu.memory_space<hbm>>) target(%dma_start3A_122 : memref<128x24xf32, #tpu.memory_space<vmem>>) offsets(%dma_start3A_124 : memref<128xi32, #tpu.memory_space<vmem>>) semaphore(%arg7 : memref<!tpu.dma_semaphore, #tpu.memory_space<semaphore_mem>>)
      %dma_start3A_128 = arith.constant 1536 : i32
      %dma_start3A_129 = arith.constant 0 : i32
      %dma_start3A_130 = tpu.memref_slice %arg6[%dma_start3A_128, %dma_start3A_129] : memref<1920x24xf32, #tpu.memory_space<vmem>> -> memref<128x24xf32, #tpu.memory_space<vmem>>
      %dma_start3A_131 = arith.constant 1536 : i32
      %dma_start3A_132 = tpu.memref_slice %arg5[%dma_start3A_131] : memref<1920xi32, #tpu.memory_space<vmem>> -> memref<128xi32, #tpu.memory_space<vmem>>
      %dma_start3A_133 = arith.constant 0 : i32
      %dma_start3A_134 = arith.constant 0 : i32
      %dma_start3A_135 = tpu.memref_slice %arg2[%dma_start3A_133, %dma_start3A_134] : memref<100352x24xf32, #tpu.memory_space<hbm>> -> memref<100352x24xf32, #tpu.memory_space<hbm>>
      tpu.enqueue_indirect_dma source(%dma_start3A_135 : memref<100352x24xf32, #tpu.memory_space<hbm>>) target(%dma_start3A_130 : memref<128x24xf32, #tpu.memory_space<vmem>>) offsets(%dma_start3A_132 : memref<128xi32, #tpu.memory_space<vmem>>) semaphore(%arg7 : memref<!tpu.dma_semaphore, #tpu.memory_space<semaphore_mem>>)
      %dma_start3A_136 = arith.constant 1664 : i32
      %dma_start3A_137 = arith.constant 0 : i32
      %dma_start3A_138 = tpu.memref_slice %arg6[%dma_start3A_136, %dma_start3A_137] : memref<1920x24xf32, #tpu.memory_space<vmem>> -> memref<128x24xf32, #tpu.memory_space<vmem>>
      %dma_start3A_139 = arith.constant 1664 : i32
      %dma_start3A_140 = tpu.memref_slice %arg5[%dma_start3A_139] : memref<1920xi32, #tpu.memory_space<vmem>> -> memref<128xi32, #tpu.memory_space<vmem>>
      %dma_start3A_141 = arith.constant 0 : i32
      %dma_start3A_142 = arith.constant 0 : i32
      %dma_start3A_143 = tpu.memref_slice %arg2[%dma_start3A_141, %dma_start3A_142] : memref<100352x24xf32, #tpu.memory_space<hbm>> -> memref<100352x24xf32, #tpu.memory_space<hbm>>
      tpu.enqueue_indirect_dma source(%dma_start3A_143 : memref<100352x24xf32, #tpu.memory_space<hbm>>) target(%dma_start3A_138 : memref<128x24xf32, #tpu.memory_space<vmem>>) offsets(%dma_start3A_140 : memref<128xi32, #tpu.memory_space<vmem>>) semaphore(%arg7 : memref<!tpu.dma_semaphore, #tpu.memory_space<semaphore_mem>>)
      %dma_start3A_144 = arith.constant 1792 : i32
      %dma_start3A_145 = arith.constant 0 : i32
      %dma_start3A_146 = tpu.memref_slice %arg6[%dma_start3A_144, %dma_start3A_145] : memref<1920x24xf32, #tpu.memory_space<vmem>> -> memref<128x24xf32, #tpu.memory_space<vmem>>
      %dma_start3A_147 = arith.constant 1792 : i32
      %dma_start3A_148 = tpu.memref_slice %arg5[%dma_start3A_147] : memref<1920xi32, #tpu.memory_space<vmem>> -> memref<128xi32, #tpu.memory_space<vmem>>
      %dma_start3A_149 = arith.constant 0 : i32
      %dma_start3A_150 = arith.constant 0 : i32
      %dma_start3A_151 = tpu.memref_slice %arg2[%dma_start3A_149, %dma_start3A_150] : memref<100352x24xf32, #tpu.memory_space<hbm>> -> memref<100352x24xf32, #tpu.memory_space<hbm>>
      tpu.enqueue_indirect_dma source(%dma_start3A_151 : memref<100352x24xf32, #tpu.memory_space<hbm>>) target(%dma_start3A_146 : memref<128x24xf32, #tpu.memory_space<vmem>>) offsets(%dma_start3A_148 : memref<128xi32, #tpu.memory_space<vmem>>) semaphore(%arg7 : memref<!tpu.dma_semaphore, #tpu.memory_space<semaphore_mem>>)
      %dma_wait3A_152 = arith.constant 0 : i32
      %dma_wait3A_153 = arith.constant 0 : i32
      %dma_wait3A_154 = tpu.memref_slice %arg6[%dma_wait3A_152, %dma_wait3A_153] : memref<1920x24xf32, #tpu.memory_space<vmem>> -> memref<128x24xf32, #tpu.memory_space<vmem>>
      %dma_wait3A_155 = arith.constant 0 : i32
      %dma_wait3A_156 = tpu.memref_slice %arg5[%dma_wait3A_155] : memref<1920xi32, #tpu.memory_space<vmem>> -> memref<128xi32, #tpu.memory_space<vmem>>
      %dma_wait3A_157 = arith.constant 0 : i32
      %dma_wait3A_158 = arith.constant 0 : i32
      %dma_wait3A_159 = tpu.memref_slice %arg2[%dma_wait3A_157, %dma_wait3A_158] : memref<100352x24xf32, #tpu.memory_space<hbm>> -> memref<100352x24xf32, #tpu.memory_space<hbm>>
      tpu.wait_indirect_dma semaphore(%arg7 : memref<!tpu.dma_semaphore, #tpu.memory_space<semaphore_mem>>) src(%dma_wait3A_159 : memref<100352x24xf32, #tpu.memory_space<hbm>>) dst(%dma_wait3A_154 : memref<128x24xf32, #tpu.memory_space<vmem>>)
      %dma_wait3A_160 = arith.constant 128 : i32
      %dma_wait3A_161 = arith.constant 0 : i32
      %dma_wait3A_162 = tpu.memref_slice %arg6[%dma_wait3A_160, %dma_wait3A_161] : memref<1920x24xf32, #tpu.memory_space<vmem>> -> memref<128x24xf32, #tpu.memory_space<vmem>>
      %dma_wait3A_163 = arith.constant 128 : i32
      %dma_wait3A_164 = tpu.memref_slice %arg5[%dma_wait3A_163] : memref<1920xi32, #tpu.memory_space<vmem>> -> memref<128xi32, #tpu.memory_space<vmem>>
      %dma_wait3A_165 = arith.constant 0 : i32
      %dma_wait3A_166 = arith.constant 0 : i32
      %dma_wait3A_167 = tpu.memref_slice %arg2[%dma_wait3A_165, %dma_wait3A_166] : memref<100352x24xf32, #tpu.memory_space<hbm>> -> memref<100352x24xf32, #tpu.memory_space<hbm>>
      tpu.wait_indirect_dma semaphore(%arg7 : memref<!tpu.dma_semaphore, #tpu.memory_space<semaphore_mem>>) src(%dma_wait3A_167 : memref<100352x24xf32, #tpu.memory_space<hbm>>) dst(%dma_wait3A_162 : memref<128x24xf32, #tpu.memory_space<vmem>>)
      %dma_wait3A_168 = arith.constant 256 : i32
      %dma_wait3A_169 = arith.constant 0 : i32
      %dma_wait3A_170 = tpu.memref_slice %arg6[%dma_wait3A_168, %dma_wait3A_169] : memref<1920x24xf32, #tpu.memory_space<vmem>> -> memref<128x24xf32, #tpu.memory_space<vmem>>
      %dma_wait3A_171 = arith.constant 256 : i32
      %dma_wait3A_172 = tpu.memref_slice %arg5[%dma_wait3A_171] : memref<1920xi32, #tpu.memory_space<vmem>> -> memref<128xi32, #tpu.memory_space<vmem>>
      %dma_wait3A_173 = arith.constant 0 : i32
      %dma_wait3A_174 = arith.constant 0 : i32
      %dma_wait3A_175 = tpu.memref_slice %arg2[%dma_wait3A_173, %dma_wait3A_174] : memref<100352x24xf32, #tpu.memory_space<hbm>> -> memref<100352x24xf32, #tpu.memory_space<hbm>>
      tpu.wait_indirect_dma semaphore(%arg7 : memref<!tpu.dma_semaphore, #tpu.memory_space<semaphore_mem>>) src(%dma_wait3A_175 : memref<100352x24xf32, #tpu.memory_space<hbm>>) dst(%dma_wait3A_170 : memref<128x24xf32, #tpu.memory_space<vmem>>)
      %dma_wait3A_176 = arith.constant 384 : i32
      %dma_wait3A_177 = arith.constant 0 : i32
      %dma_wait3A_178 = tpu.memref_slice %arg6[%dma_wait3A_176, %dma_wait3A_177] : memref<1920x24xf32, #tpu.memory_space<vmem>> -> memref<128x24xf32, #tpu.memory_space<vmem>>
      %dma_wait3A_179 = arith.constant 384 : i32
      %dma_wait3A_180 = tpu.memref_slice %arg5[%dma_wait3A_179] : memref<1920xi32, #tpu.memory_space<vmem>> -> memref<128xi32, #tpu.memory_space<vmem>>
      %dma_wait3A_181 = arith.constant 0 : i32
      %dma_wait3A_182 = arith.constant 0 : i32
      %dma_wait3A_183 = tpu.memref_slice %arg2[%dma_wait3A_181, %dma_wait3A_182] : memref<100352x24xf32, #tpu.memory_space<hbm>> -> memref<100352x24xf32, #tpu.memory_space<hbm>>
      tpu.wait_indirect_dma semaphore(%arg7 : memref<!tpu.dma_semaphore, #tpu.memory_space<semaphore_mem>>) src(%dma_wait3A_183 : memref<100352x24xf32, #tpu.memory_space<hbm>>) dst(%dma_wait3A_178 : memref<128x24xf32, #tpu.memory_space<vmem>>)
      %dma_wait3A_184 = arith.constant 512 : i32
      %dma_wait3A_185 = arith.constant 0 : i32
      %dma_wait3A_186 = tpu.memref_slice %arg6[%dma_wait3A_184, %dma_wait3A_185] : memref<1920x24xf32, #tpu.memory_space<vmem>> -> memref<128x24xf32, #tpu.memory_space<vmem>>
      %dma_wait3A_187 = arith.constant 512 : i32
      %dma_wait3A_188 = tpu.memref_slice %arg5[%dma_wait3A_187] : memref<1920xi32, #tpu.memory_space<vmem>> -> memref<128xi32, #tpu.memory_space<vmem>>
      %dma_wait3A_189 = arith.constant 0 : i32
      %dma_wait3A_190 = arith.constant 0 : i32
      %dma_wait3A_191 = tpu.memref_slice %arg2[%dma_wait3A_189, %dma_wait3A_190] : memref<100352x24xf32, #tpu.memory_space<hbm>> -> memref<100352x24xf32, #tpu.memory_space<hbm>>
      tpu.wait_indirect_dma semaphore(%arg7 : memref<!tpu.dma_semaphore, #tpu.memory_space<semaphore_mem>>) src(%dma_wait3A_191 : memref<100352x24xf32, #tpu.memory_space<hbm>>) dst(%dma_wait3A_186 : memref<128x24xf32, #tpu.memory_space<vmem>>)
      %dma_wait3A_192 = arith.constant 640 : i32
      %dma_wait3A_193 = arith.constant 0 : i32
      %dma_wait3A_194 = tpu.memref_slice %arg6[%dma_wait3A_192, %dma_wait3A_193] : memref<1920x24xf32, #tpu.memory_space<vmem>> -> memref<128x24xf32, #tpu.memory_space<vmem>>
      %dma_wait3A_195 = arith.constant 640 : i32
      %dma_wait3A_196 = tpu.memref_slice %arg5[%dma_wait3A_195] : memref<1920xi32, #tpu.memory_space<vmem>> -> memref<128xi32, #tpu.memory_space<vmem>>
      %dma_wait3A_197 = arith.constant 0 : i32
      %dma_wait3A_198 = arith.constant 0 : i32
      %dma_wait3A_199 = tpu.memref_slice %arg2[%dma_wait3A_197, %dma_wait3A_198] : memref<100352x24xf32, #tpu.memory_space<hbm>> -> memref<100352x24xf32, #tpu.memory_space<hbm>>
      tpu.wait_indirect_dma semaphore(%arg7 : memref<!tpu.dma_semaphore, #tpu.memory_space<semaphore_mem>>) src(%dma_wait3A_199 : memref<100352x24xf32, #tpu.memory_space<hbm>>) dst(%dma_wait3A_194 : memref<128x24xf32, #tpu.memory_space<vmem>>)
      %dma_wait3A_200 = arith.constant 768 : i32
      %dma_wait3A_201 = arith.constant 0 : i32
      %dma_wait3A_202 = tpu.memref_slice %arg6[%dma_wait3A_200, %dma_wait3A_201] : memref<1920x24xf32, #tpu.memory_space<vmem>> -> memref<128x24xf32, #tpu.memory_space<vmem>>
      %dma_wait3A_203 = arith.constant 768 : i32
      %dma_wait3A_204 = tpu.memref_slice %arg5[%dma_wait3A_203] : memref<1920xi32, #tpu.memory_space<vmem>> -> memref<128xi32, #tpu.memory_space<vmem>>
      %dma_wait3A_205 = arith.constant 0 : i32
      %dma_wait3A_206 = arith.constant 0 : i32
      %dma_wait3A_207 = tpu.memref_slice %arg2[%dma_wait3A_205, %dma_wait3A_206] : memref<100352x24xf32, #tpu.memory_space<hbm>> -> memref<100352x24xf32, #tpu.memory_space<hbm>>
      tpu.wait_indirect_dma semaphore(%arg7 : memref<!tpu.dma_semaphore, #tpu.memory_space<semaphore_mem>>) src(%dma_wait3A_207 : memref<100352x24xf32, #tpu.memory_space<hbm>>) dst(%dma_wait3A_202 : memref<128x24xf32, #tpu.memory_space<vmem>>)
      %dma_wait3A_208 = arith.constant 896 : i32
      %dma_wait3A_209 = arith.constant 0 : i32
      %dma_wait3A_210 = tpu.memref_slice %arg6[%dma_wait3A_208, %dma_wait3A_209] : memref<1920x24xf32, #tpu.memory_space<vmem>> -> memref<128x24xf32, #tpu.memory_space<vmem>>
      %dma_wait3A_211 = arith.constant 896 : i32
      %dma_wait3A_212 = tpu.memref_slice %arg5[%dma_wait3A_211] : memref<1920xi32, #tpu.memory_space<vmem>> -> memref<128xi32, #tpu.memory_space<vmem>>
      %dma_wait3A_213 = arith.constant 0 : i32
      %dma_wait3A_214 = arith.constant 0 : i32
      %dma_wait3A_215 = tpu.memref_slice %arg2[%dma_wait3A_213, %dma_wait3A_214] : memref<100352x24xf32, #tpu.memory_space<hbm>> -> memref<100352x24xf32, #tpu.memory_space<hbm>>
      tpu.wait_indirect_dma semaphore(%arg7 : memref<!tpu.dma_semaphore, #tpu.memory_space<semaphore_mem>>) src(%dma_wait3A_215 : memref<100352x24xf32, #tpu.memory_space<hbm>>) dst(%dma_wait3A_210 : memref<128x24xf32, #tpu.memory_space<vmem>>)
      %dma_wait3A_216 = arith.constant 1024 : i32
      %dma_wait3A_217 = arith.constant 0 : i32
      %dma_wait3A_218 = tpu.memref_slice %arg6[%dma_wait3A_216, %dma_wait3A_217] : memref<1920x24xf32, #tpu.memory_space<vmem>> -> memref<128x24xf32, #tpu.memory_space<vmem>>
      %dma_wait3A_219 = arith.constant 1024 : i32
      %dma_wait3A_220 = tpu.memref_slice %arg5[%dma_wait3A_219] : memref<1920xi32, #tpu.memory_space<vmem>> -> memref<128xi32, #tpu.memory_space<vmem>>
      %dma_wait3A_221 = arith.constant 0 : i32
      %dma_wait3A_222 = arith.constant 0 : i32
      %dma_wait3A_223 = tpu.memref_slice %arg2[%dma_wait3A_221, %dma_wait3A_222] : memref<100352x24xf32, #tpu.memory_space<hbm>> -> memref<100352x24xf32, #tpu.memory_space<hbm>>
      tpu.wait_indirect_dma semaphore(%arg7 : memref<!tpu.dma_semaphore, #tpu.memory_space<semaphore_mem>>) src(%dma_wait3A_223 : memref<100352x24xf32, #tpu.memory_space<hbm>>) dst(%dma_wait3A_218 : memref<128x24xf32, #tpu.memory_space<vmem>>)
      %dma_wait3A_224 = arith.constant 1152 : i32
      %dma_wait3A_225 = arith.constant 0 : i32
      %dma_wait3A_226 = tpu.memref_slice %arg6[%dma_wait3A_224, %dma_wait3A_225] : memref<1920x24xf32, #tpu.memory_space<vmem>> -> memref<128x24xf32, #tpu.memory_space<vmem>>
      %dma_wait3A_227 = arith.constant 1152 : i32
      %dma_wait3A_228 = tpu.memref_slice %arg5[%dma_wait3A_227] : memref<1920xi32, #tpu.memory_space<vmem>> -> memref<128xi32, #tpu.memory_space<vmem>>
      %dma_wait3A_229 = arith.constant 0 : i32
      %dma_wait3A_230 = arith.constant 0 : i32
      %dma_wait3A_231 = tpu.memref_slice %arg2[%dma_wait3A_229, %dma_wait3A_230] : memref<100352x24xf32, #tpu.memory_space<hbm>> -> memref<100352x24xf32, #tpu.memory_space<hbm>>
      tpu.wait_indirect_dma semaphore(%arg7 : memref<!tpu.dma_semaphore, #tpu.memory_space<semaphore_mem>>) src(%dma_wait3A_231 : memref<100352x24xf32, #tpu.memory_space<hbm>>) dst(%dma_wait3A_226 : memref<128x24xf32, #tpu.memory_space<vmem>>)
      %dma_wait3A_232 = arith.constant 1280 : i32
      %dma_wait3A_233 = arith.constant 0 : i32
      %dma_wait3A_234 = tpu.memref_slice %arg6[%dma_wait3A_232, %dma_wait3A_233] : memref<1920x24xf32, #tpu.memory_space<vmem>> -> memref<128x24xf32, #tpu.memory_space<vmem>>
      %dma_wait3A_235 = arith.constant 1280 : i32
      %dma_wait3A_236 = tpu.memref_slice %arg5[%dma_wait3A_235] : memref<1920xi32, #tpu.memory_space<vmem>> -> memref<128xi32, #tpu.memory_space<vmem>>
      %dma_wait3A_237 = arith.constant 0 : i32
      %dma_wait3A_238 = arith.constant 0 : i32
      %dma_wait3A_239 = tpu.memref_slice %arg2[%dma_wait3A_237, %dma_wait3A_238] : memref<100352x24xf32, #tpu.memory_space<hbm>> -> memref<100352x24xf32, #tpu.memory_space<hbm>>
      tpu.wait_indirect_dma semaphore(%arg7 : memref<!tpu.dma_semaphore, #tpu.memory_space<semaphore_mem>>) src(%dma_wait3A_239 : memref<100352x24xf32, #tpu.memory_space<hbm>>) dst(%dma_wait3A_234 : memref<128x24xf32, #tpu.memory_space<vmem>>)
      %dma_wait3A_240 = arith.constant 1408 : i32
      %dma_wait3A_241 = arith.constant 0 : i32
      %dma_wait3A_242 = tpu.memref_slice %arg6[%dma_wait3A_240, %dma_wait3A_241] : memref<1920x24xf32, #tpu.memory_space<vmem>> -> memref<128x24xf32, #tpu.memory_space<vmem>>
      %dma_wait3A_243 = arith.constant 1408 : i32
      %dma_wait3A_244 = tpu.memref_slice %arg5[%dma_wait3A_243] : memref<1920xi32, #tpu.memory_space<vmem>> -> memref<128xi32, #tpu.memory_space<vmem>>
      %dma_wait3A_245 = arith.constant 0 : i32
      %dma_wait3A_246 = arith.constant 0 : i32
      %dma_wait3A_247 = tpu.memref_slice %arg2[%dma_wait3A_245, %dma_wait3A_246] : memref<100352x24xf32, #tpu.memory_space<hbm>> -> memref<100352x24xf32, #tpu.memory_space<hbm>>
      tpu.wait_indirect_dma semaphore(%arg7 : memref<!tpu.dma_semaphore, #tpu.memory_space<semaphore_mem>>) src(%dma_wait3A_247 : memref<100352x24xf32, #tpu.memory_space<hbm>>) dst(%dma_wait3A_242 : memref<128x24xf32, #tpu.memory_space<vmem>>)
      %dma_wait3A_248 = arith.constant 1536 : i32
      %dma_wait3A_249 = arith.constant 0 : i32
      %dma_wait3A_250 = tpu.memref_slice %arg6[%dma_wait3A_248, %dma_wait3A_249] : memref<1920x24xf32, #tpu.memory_space<vmem>> -> memref<128x24xf32, #tpu.memory_space<vmem>>
      %dma_wait3A_251 = arith.constant 1536 : i32
      %dma_wait3A_252 = tpu.memref_slice %arg5[%dma_wait3A_251] : memref<1920xi32, #tpu.memory_space<vmem>> -> memref<128xi32, #tpu.memory_space<vmem>>
      %dma_wait3A_253 = arith.constant 0 : i32
      %dma_wait3A_254 = arith.constant 0 : i32
      %dma_wait3A_255 = tpu.memref_slice %arg2[%dma_wait3A_253, %dma_wait3A_254] : memref<100352x24xf32, #tpu.memory_space<hbm>> -> memref<100352x24xf32, #tpu.memory_space<hbm>>
      tpu.wait_indirect_dma semaphore(%arg7 : memref<!tpu.dma_semaphore, #tpu.memory_space<semaphore_mem>>) src(%dma_wait3A_255 : memref<100352x24xf32, #tpu.memory_space<hbm>>) dst(%dma_wait3A_250 : memref<128x24xf32, #tpu.memory_space<vmem>>)
      %dma_wait3A_256 = arith.constant 1664 : i32
      %dma_wait3A_257 = arith.constant 0 : i32
      %dma_wait3A_258 = tpu.memref_slice %arg6[%dma_wait3A_256, %dma_wait3A_257] : memref<1920x24xf32, #tpu.memory_space<vmem>> -> memref<128x24xf32, #tpu.memory_space<vmem>>
      %dma_wait3A_259 = arith.constant 1664 : i32
      %dma_wait3A_260 = tpu.memref_slice %arg5[%dma_wait3A_259] : memref<1920xi32, #tpu.memory_space<vmem>> -> memref<128xi32, #tpu.memory_space<vmem>>
      %dma_wait3A_261 = arith.constant 0 : i32
      %dma_wait3A_262 = arith.constant 0 : i32
      %dma_wait3A_263 = tpu.memref_slice %arg2[%dma_wait3A_261, %dma_wait3A_262] : memref<100352x24xf32, #tpu.memory_space<hbm>> -> memref<100352x24xf32, #tpu.memory_space<hbm>>
      tpu.wait_indirect_dma semaphore(%arg7 : memref<!tpu.dma_semaphore, #tpu.memory_space<semaphore_mem>>) src(%dma_wait3A_263 : memref<100352x24xf32, #tpu.memory_space<hbm>>) dst(%dma_wait3A_258 : memref<128x24xf32, #tpu.memory_space<vmem>>)
      %dma_wait3A_264 = arith.constant 1792 : i32
      %dma_wait3A_265 = arith.constant 0 : i32
      %dma_wait3A_266 = tpu.memref_slice %arg6[%dma_wait3A_264, %dma_wait3A_265] : memref<1920x24xf32, #tpu.memory_space<vmem>> -> memref<128x24xf32, #tpu.memory_space<vmem>>
      %dma_wait3A_267 = arith.constant 1792 : i32
      %dma_wait3A_268 = tpu.memref_slice %arg5[%dma_wait3A_267] : memref<1920xi32, #tpu.memory_space<vmem>> -> memref<128xi32, #tpu.memory_space<vmem>>
      %dma_wait3A_269 = arith.constant 0 : i32
      %dma_wait3A_270 = arith.constant 0 : i32
      %dma_wait3A_271 = tpu.memref_slice %arg2[%dma_wait3A_269, %dma_wait3A_270] : memref<100352x24xf32, #tpu.memory_space<hbm>> -> memref<100352x24xf32, #tpu.memory_space<hbm>>
      tpu.wait_indirect_dma semaphore(%arg7 : memref<!tpu.dma_semaphore, #tpu.memory_space<semaphore_mem>>) src(%dma_wait3A_271 : memref<100352x24xf32, #tpu.memory_space<hbm>>) dst(%dma_wait3A_266 : memref<128x24xf32, #tpu.memory_space<vmem>>)
      "tpu.region"() ({
        %run_scoped3A = tpu.sem_alloc : memref<!tpu.dma_semaphore, #tpu.memory_space<semaphore_mem>>
        %dma_start3A_273 = arith.constant 0 : i32
        %dma_start3A_274 = tpu.memref_slice %arg4[%add3A_31, %dma_start3A_273] : memref<1600000x24xf32, #tpu.memory_space<hbm>> -> memref<1920x24xf32, #tpu.memory_space<hbm>>
        %dma_start3A_275 = arith.constant 0 : i32
        %dma_start3A_276 = tpu.memref_slice %arg4[%add3A_31, %dma_start3A_275] : memref<1600000x24xf32, #tpu.memory_space<hbm>> -> memref<1920x24xf32, #tpu.memory_space<hbm>>
        tpu.enqueue_dma source(%arg6 : memref<1920x24xf32, #tpu.memory_space<vmem>>) target(%dma_start3A_276 : memref<1920x24xf32, #tpu.memory_space<hbm>>) target_semaphore(%run_scoped3A : memref<!tpu.dma_semaphore, #tpu.memory_space<semaphore_mem>>)
        %dma_wait3A_277 = arith.constant 0 : i32
        %dma_wait3A_278 = tpu.memref_slice %arg4[%add3A_31, %dma_wait3A_277] : memref<1600000x24xf32, #tpu.memory_space<hbm>> -> memref<1920x24xf32, #tpu.memory_space<hbm>>
        %dma_wait3A_279 = arith.constant 0 : i32
        %dma_wait3A_280 = tpu.memref_slice %arg4[%add3A_31, %dma_wait3A_279] : memref<1600000x24xf32, #tpu.memory_space<hbm>> -> memref<1920x24xf32, #tpu.memory_space<hbm>>
        tpu.wait_dma2 semaphore(%run_scoped3A : memref<!tpu.dma_semaphore, #tpu.memory_space<semaphore_mem>>) src(%arg6 : memref<1920x24xf32, #tpu.memory_space<vmem>>) dst(%dma_wait3A_280 : memref<1920x24xf32, #tpu.memory_space<hbm>>)
        tpu.yield
      }) : () -> ()
      %scan3A_272 = arith.constant 0 : i32
      scf.yield %scan3A_272 : i32
    }
    %scan3A_6 = arith.constant 26 : i32
    %mul3A_7 = arith.constant 50000 : i32
    %mul3A_8 = arith.muli %add3A, %mul3A_7 : i32
    %add3A_9 = arith.constant 49920 : i32
    %add3A_10 = arith.addi %mul3A_8, %add3A_9 : i32
    "tpu.region"() ({
      %run_scoped3A = tpu.sem_alloc : memref<!tpu.dma_semaphore, #tpu.memory_space<semaphore_mem>>
      %dma_start3A_25 = arith.constant 0 : i32
      %dma_start3A_26 = tpu.memref_slice %arg5[%dma_start3A_25] : memref<1920xi32, #tpu.memory_space<vmem>> -> memref<80xi32, #tpu.memory_space<vmem>>
      %dma_start3A_27 = tpu.memref_slice %arg3[%add3A_10] : memref<1600000xi32, #tpu.memory_space<hbm>> -> memref<80xi32, #tpu.memory_space<hbm>>
      %dma_start3A_28 = arith.constant 0 : i32
      %dma_start3A_29 = tpu.memref_slice %arg5[%dma_start3A_28] : memref<1920xi32, #tpu.memory_space<vmem>> -> memref<80xi32, #tpu.memory_space<vmem>>
      %dma_start3A_30 = tpu.memref_slice %arg3[%add3A_10] : memref<1600000xi32, #tpu.memory_space<hbm>> -> memref<80xi32, #tpu.memory_space<hbm>>
      tpu.enqueue_dma source(%dma_start3A_30 : memref<80xi32, #tpu.memory_space<hbm>>) target(%dma_start3A_29 : memref<80xi32, #tpu.memory_space<vmem>>) target_semaphore(%run_scoped3A : memref<!tpu.dma_semaphore, #tpu.memory_space<semaphore_mem>>)
      %dma_wait3A_31 = arith.constant 0 : i32
      %dma_wait3A_32 = tpu.memref_slice %arg5[%dma_wait3A_31] : memref<1920xi32, #tpu.memory_space<vmem>> -> memref<80xi32, #tpu.memory_space<vmem>>
      %dma_wait3A_33 = tpu.memref_slice %arg3[%add3A_10] : memref<1600000xi32, #tpu.memory_space<hbm>> -> memref<80xi32, #tpu.memory_space<hbm>>
      %dma_wait3A_34 = arith.constant 0 : i32
      %dma_wait3A_35 = tpu.memref_slice %arg5[%dma_wait3A_34] : memref<1920xi32, #tpu.memory_space<vmem>> -> memref<80xi32, #tpu.memory_space<vmem>>
      %dma_wait3A_36 = tpu.memref_slice %arg3[%add3A_10] : memref<1600000xi32, #tpu.memory_space<hbm>> -> memref<80xi32, #tpu.memory_space<hbm>>
      tpu.wait_dma2 semaphore(%run_scoped3A : memref<!tpu.dma_semaphore, #tpu.memory_space<semaphore_mem>>) src(%dma_wait3A_36 : memref<80xi32, #tpu.memory_space<hbm>>) dst(%dma_wait3A_35 : memref<80xi32, #tpu.memory_space<vmem>>)
      tpu.yield
    }) : () -> ()
    %dma_start3A = arith.constant 0 : i32
    %dma_start3A_11 = arith.constant 0 : i32
    %dma_start3A_12 = tpu.memref_slice %arg6[%dma_start3A, %dma_start3A_11] : memref<1920x24xf32, #tpu.memory_space<vmem>> -> memref<80x24xf32, #tpu.memory_space<vmem>>
    %dma_start3A_13 = arith.constant 0 : i32
    %dma_start3A_14 = tpu.memref_slice %arg5[%dma_start3A_13] : memref<1920xi32, #tpu.memory_space<vmem>> -> memref<80xi32, #tpu.memory_space<vmem>>
    %dma_start3A_15 = arith.constant 0 : i32
    %dma_start3A_16 = arith.constant 0 : i32
    %dma_start3A_17 = tpu.memref_slice %arg2[%dma_start3A_15, %dma_start3A_16] : memref<100352x24xf32, #tpu.memory_space<hbm>> -> memref<100352x24xf32, #tpu.memory_space<hbm>>
    tpu.enqueue_indirect_dma source(%dma_start3A_17 : memref<100352x24xf32, #tpu.memory_space<hbm>>) target(%dma_start3A_12 : memref<80x24xf32, #tpu.memory_space<vmem>>) offsets(%dma_start3A_14 : memref<80xi32, #tpu.memory_space<vmem>>) semaphore(%arg7 : memref<!tpu.dma_semaphore, #tpu.memory_space<semaphore_mem>>)
    %dma_wait3A = arith.constant 0 : i32
    %dma_wait3A_18 = arith.constant 0 : i32
    %dma_wait3A_19 = tpu.memref_slice %arg6[%dma_wait3A, %dma_wait3A_18] : memref<1920x24xf32, #tpu.memory_space<vmem>> -> memref<80x24xf32, #tpu.memory_space<vmem>>
    %dma_wait3A_20 = arith.constant 0 : i32
    %dma_wait3A_21 = tpu.memref_slice %arg5[%dma_wait3A_20] : memref<1920xi32, #tpu.memory_space<vmem>> -> memref<80xi32, #tpu.memory_space<vmem>>
    %dma_wait3A_22 = arith.constant 0 : i32
    %dma_wait3A_23 = arith.constant 0 : i32
    %dma_wait3A_24 = tpu.memref_slice %arg2[%dma_wait3A_22, %dma_wait3A_23] : memref<100352x24xf32, #tpu.memory_space<hbm>> -> memref<100352x24xf32, #tpu.memory_space<hbm>>
    tpu.wait_indirect_dma semaphore(%arg7 : memref<!tpu.dma_semaphore, #tpu.memory_space<semaphore_mem>>) src(%dma_wait3A_24 : memref<100352x24xf32, #tpu.memory_space<hbm>>) dst(%dma_wait3A_19 : memref<80x24xf32, #tpu.memory_space<vmem>>)
    "tpu.region"() ({
      %run_scoped3A = tpu.sem_alloc : memref<!tpu.dma_semaphore, #tpu.memory_space<semaphore_mem>>
      %dma_start3A_25 = arith.constant 0 : i32
      %dma_start3A_26 = arith.constant 0 : i32
      %dma_start3A_27 = tpu.memref_slice %arg6[%dma_start3A_25, %dma_start3A_26] : memref<1920x24xf32, #tpu.memory_space<vmem>> -> memref<80x24xf32, #tpu.memory_space<vmem>>
      %dma_start3A_28 = arith.constant 0 : i32
      %dma_start3A_29 = tpu.memref_slice %arg4[%add3A_10, %dma_start3A_28] : memref<1600000x24xf32, #tpu.memory_space<hbm>> -> memref<80x24xf32, #tpu.memory_space<hbm>>
      %dma_start3A_30 = arith.constant 0 : i32
      %dma_start3A_31 = tpu.memref_slice %arg4[%add3A_10, %dma_start3A_30] : memref<1600000x24xf32, #tpu.memory_space<hbm>> -> memref<80x24xf32, #tpu.memory_space<hbm>>
      %dma_start3A_32 = arith.constant 0 : i32
      %dma_start3A_33 = arith.constant 0 : i32
      %dma_start3A_34 = tpu.memref_slice %arg6[%dma_start3A_32, %dma_start3A_33] : memref<1920x24xf32, #tpu.memory_space<vmem>> -> memref<80x24xf32, #tpu.memory_space<vmem>>
      tpu.enqueue_dma source(%dma_start3A_34 : memref<80x24xf32, #tpu.memory_space<vmem>>) target(%dma_start3A_31 : memref<80x24xf32, #tpu.memory_space<hbm>>) target_semaphore(%run_scoped3A : memref<!tpu.dma_semaphore, #tpu.memory_space<semaphore_mem>>)
      %dma_wait3A_35 = arith.constant 0 : i32
      %dma_wait3A_36 = arith.constant 0 : i32
      %dma_wait3A_37 = tpu.memref_slice %arg6[%dma_wait3A_35, %dma_wait3A_36] : memref<1920x24xf32, #tpu.memory_space<vmem>> -> memref<80x24xf32, #tpu.memory_space<vmem>>
      %dma_wait3A_38 = arith.constant 0 : i32
      %dma_wait3A_39 = tpu.memref_slice %arg4[%add3A_10, %dma_wait3A_38] : memref<1600000x24xf32, #tpu.memory_space<hbm>> -> memref<80x24xf32, #tpu.memory_space<hbm>>
      %dma_wait3A_40 = arith.constant 0 : i32
      %dma_wait3A_41 = tpu.memref_slice %arg4[%add3A_10, %dma_wait3A_40] : memref<1600000x24xf32, #tpu.memory_space<hbm>> -> memref<80x24xf32, #tpu.memory_space<hbm>>
      %dma_wait3A_42 = arith.constant 0 : i32
      %dma_wait3A_43 = arith.constant 0 : i32
      %dma_wait3A_44 = tpu.memref_slice %arg6[%dma_wait3A_42, %dma_wait3A_43] : memref<1920x24xf32, #tpu.memory_space<vmem>> -> memref<80x24xf32, #tpu.memory_space<vmem>>
      tpu.wait_dma2 semaphore(%run_scoped3A : memref<!tpu.dma_semaphore, #tpu.memory_space<semaphore_mem>>) src(%dma_wait3A_44 : memref<80x24xf32, #tpu.memory_space<vmem>>) dst(%dma_wait3A_41 : memref<80x24xf32, #tpu.memory_space<hbm>>)
      tpu.yield
    }) : () -> ()
    return
  }
}

#map = affine_map<(d0, d1) -> (0, 0)>
#map1 = affine_map<(d0, d1) -> (0)>
module attributes {stable_mosaic.version = 14 : i64} {
  func.func @_stage_a(%arg0: i32, %arg1: i32, %arg2: memref<1600000x8xf32, #tpu.memory_space<hbm>>, %arg3: memref<1600000xi32, #tpu.memory_space<hbm>>, %arg4: memref<1600000xi32, #tpu.memory_space<hbm>>, %arg5: memref<128x8xf32, #tpu.memory_space<hbm>>, %arg6: memref<6272x8xf32, #tpu.memory_space<hbm>>, %arg7: memref<48xi32, #tpu.memory_space<hbm>>, %arg8: memref<200704x8xf32, #tpu.memory_space<hbm>>, %arg9: memref<15x128xi32, #tpu.memory_space<vmem>>, %arg10: memref<15x128xi32, #tpu.memory_space<vmem>>, %arg11: memref<1920x8xf32, #tpu.memory_space<vmem>>, %arg12: memref<128x8xf32, #tpu.memory_space<vmem>>, %arg13: memref<100352x8xf32, #tpu.memory_space<vmem_shared>>, %arg14: memref<!tpu.dma_semaphore, #tpu.memory_space<semaphore_mem>>) attributes {dimension_semantics = [#tpu.dimension_semantics<core_parallel>, #tpu.dimension_semantics<subcore_parallel>], iteration_bounds = array<i64: 2, 16>, scalar_prefetch = 0 : i64, scratch_operands = 6 : i64, tpu.core_type = #tpu.core_type<sc_vector_subcore>, window_params = [{transform_indices = #map}, {transform_indices = #map1}, {transform_indices = #map1}, {transform_indices = #map}, {transform_indices = #map}, {transform_indices = #map1}, {transform_indices = #map}]} {
    %mul3A = arith.constant 16 : i32
    %mul3A_0 = arith.muli %arg0, %mul3A : i32
    %add3A = arith.addi %mul3A_0, %arg1 : i32
    %mul3A_1 = arith.constant 6272 : i32
    %mul3A_2 = arith.muli %arg1, %mul3A_1 : i32
    "tpu.region"() ({
      %run_scoped3A_56 = tpu.sem_alloc : memref<!tpu.dma_semaphore, #tpu.memory_space<semaphore_mem>>
      %dma_start3A_57 = arith.constant 0 : i32
      %dma_start3A_58 = tpu.memref_slice %arg13[%mul3A_2, %dma_start3A_57] : memref<100352x8xf32, #tpu.memory_space<vmem_shared>> -> memref<6272x8xf32, #tpu.memory_space<vmem_shared>>
      tpu.enqueue_dma source(%arg6 : memref<6272x8xf32, #tpu.memory_space<hbm>>) target(%dma_start3A_58 : memref<6272x8xf32, #tpu.memory_space<vmem_shared>>) target_semaphore(%run_scoped3A_56 : memref<!tpu.dma_semaphore, #tpu.memory_space<semaphore_mem>>)
      %dma_wait3A_59 = arith.constant 0 : i32
      %dma_wait3A_60 = tpu.memref_slice %arg13[%mul3A_2, %dma_wait3A_59] : memref<100352x8xf32, #tpu.memory_space<vmem_shared>> -> memref<6272x8xf32, #tpu.memory_space<vmem_shared>>
      tpu.wait_dma2 semaphore(%run_scoped3A_56 : memref<!tpu.dma_semaphore, #tpu.memory_space<semaphore_mem>>) src(%arg6 : memref<6272x8xf32, #tpu.memory_space<hbm>>) dst(%dma_wait3A_60 : memref<6272x8xf32, #tpu.memory_space<vmem_shared>>)
      tpu.yield
    }) : () -> ()
    "tpu.region"() ({
      %run_scoped3A_56 = tpu.sem_alloc : memref<!tpu.dma_semaphore, #tpu.memory_space<semaphore_mem>>
      tpu.enqueue_dma source(%arg5 : memref<128x8xf32, #tpu.memory_space<hbm>>) target(%arg12 : memref<128x8xf32, #tpu.memory_space<vmem>>) target_semaphore(%run_scoped3A_56 : memref<!tpu.dma_semaphore, #tpu.memory_space<semaphore_mem>>)
      tpu.wait_dma2 semaphore(%run_scoped3A_56 : memref<!tpu.dma_semaphore, #tpu.memory_space<semaphore_mem>>) src(%arg5 : memref<128x8xf32, #tpu.memory_space<hbm>>) dst(%arg12 : memref<128x8xf32, #tpu.memory_space<vmem>>)
      tpu.yield
    }) : () -> ()
    %barrier3A = arith.constant 0 : index
    tpu.barrier barrier_id(%barrier3A)
    %scan3A = arith.constant 0 : i32
    %scan3A_3 = arith.constant 0 : i32
    %scan3A_4 = arith.constant 26 : i32
    %scan3A_5 = arith.addi %scan3A_3, %scan3A_4 : i32
    %scan3A_6 = arith.constant 1 : i32
    %scan3A_7 = scf.for %scan3A_56 = %scan3A_3 to %scan3A_5 step %scan3A_6 iter_args(%scan3A_57 = %scan3A) -> (i32)  : i32 {
      %mul3A_58 = arith.constant 50000 : i32
      %mul3A_59 = arith.muli %add3A, %mul3A_58 : i32
      %mul3A_60 = arith.constant 1920 : i32
      %mul3A_61 = arith.muli %scan3A_56, %mul3A_60 : i32
      %add3A_62 = arith.addi %mul3A_59, %mul3A_61 : i32
      %dma_start3A_63 = arith.constant 0 : i32
      %dma_start3A_64 = tpu.memref_slice %arg2[%add3A_62, %dma_start3A_63] : memref<1600000x8xf32, #tpu.memory_space<hbm>> -> memref<1920x8xf32, #tpu.memory_space<hbm>>
      %dma_start3A_65 = arith.constant 0 : i32
      %dma_start3A_66 = tpu.memref_slice %arg2[%add3A_62, %dma_start3A_65] : memref<1600000x8xf32, #tpu.memory_space<hbm>> -> memref<1920x8xf32, #tpu.memory_space<hbm>>
      tpu.enqueue_dma source(%dma_start3A_66 : memref<1920x8xf32, #tpu.memory_space<hbm>>) target(%arg11 : memref<1920x8xf32, #tpu.memory_space<vmem>>) target_semaphore(%arg14 : memref<!tpu.dma_semaphore, #tpu.memory_space<semaphore_mem>>)
      %add3A_67 = arith.constant 0 : i32
      %add3A_68 = arith.addi %add3A_62, %add3A_67 : i32
      %dma_start3A_69 = arith.constant 0 : i32
      %dma_start3A_70 = arith.constant 0 : i32
      %dma_start3A_71 = tpu.memref_slice %arg9[%dma_start3A_69, %dma_start3A_70] : memref<15x128xi32, #tpu.memory_space<vmem>> -> memref<1x128xi32, #tpu.memory_space<vmem>>
      %dma_start3A_72 = tpu.memref_squeeze %dma_start3A_71 : memref<1x128xi32, #tpu.memory_space<vmem>> -> memref<128xi32, #tpu.memory_space<vmem>>
      %dma_start3A_73 = tpu.memref_slice %arg3[%add3A_68] : memref<1600000xi32, #tpu.memory_space<hbm>> -> memref<128xi32, #tpu.memory_space<hbm>>
      %dma_start3A_74 = arith.constant 0 : i32
      %dma_start3A_75 = tpu.memref_slice %arg9[%dma_start3A_69, %dma_start3A_74] : memref<15x128xi32, #tpu.memory_space<vmem>> -> memref<1x128xi32, #tpu.memory_space<vmem>>
      %dma_start3A_76 = tpu.memref_squeeze %dma_start3A_75 : memref<1x128xi32, #tpu.memory_space<vmem>> -> memref<128xi32, #tpu.memory_space<vmem>>
      %dma_start3A_77 = tpu.memref_slice %arg3[%add3A_68] : memref<1600000xi32, #tpu.memory_space<hbm>> -> memref<128xi32, #tpu.memory_space<hbm>>
      tpu.enqueue_dma source(%dma_start3A_77 : memref<128xi32, #tpu.memory_space<hbm>>) target(%dma_start3A_76 : memref<128xi32, #tpu.memory_space<vmem>>) target_semaphore(%arg14 : memref<!tpu.dma_semaphore, #tpu.memory_space<semaphore_mem>>)
      %add3A_78 = arith.constant 0 : i32
      %add3A_79 = arith.addi %add3A_62, %add3A_78 : i32
      %dma_start3A_80 = arith.constant 0 : i32
      %dma_start3A_81 = arith.constant 0 : i32
      %dma_start3A_82 = tpu.memref_slice %arg10[%dma_start3A_80, %dma_start3A_81] : memref<15x128xi32, #tpu.memory_space<vmem>> -> memref<1x128xi32, #tpu.memory_space<vmem>>
      %dma_start3A_83 = tpu.memref_squeeze %dma_start3A_82 : memref<1x128xi32, #tpu.memory_space<vmem>> -> memref<128xi32, #tpu.memory_space<vmem>>
      %dma_start3A_84 = tpu.memref_slice %arg4[%add3A_79] : memref<1600000xi32, #tpu.memory_space<hbm>> -> memref<128xi32, #tpu.memory_space<hbm>>
      %dma_start3A_85 = arith.constant 0 : i32
      %dma_start3A_86 = tpu.memref_slice %arg10[%dma_start3A_80, %dma_start3A_85] : memref<15x128xi32, #tpu.memory_space<vmem>> -> memref<1x128xi32, #tpu.memory_space<vmem>>
      %dma_start3A_87 = tpu.memref_squeeze %dma_start3A_86 : memref<1x128xi32, #tpu.memory_space<vmem>> -> memref<128xi32, #tpu.memory_space<vmem>>
      %dma_start3A_88 = tpu.memref_slice %arg4[%add3A_79] : memref<1600000xi32, #tpu.memory_space<hbm>> -> memref<128xi32, #tpu.memory_space<hbm>>
      tpu.enqueue_dma source(%dma_start3A_88 : memref<128xi32, #tpu.memory_space<hbm>>) target(%dma_start3A_87 : memref<128xi32, #tpu.memory_space<vmem>>) target_semaphore(%arg14 : memref<!tpu.dma_semaphore, #tpu.memory_space<semaphore_mem>>)
      %add3A_89 = arith.constant 128 : i32
      %add3A_90 = arith.addi %add3A_62, %add3A_89 : i32
      %dma_start3A_91 = arith.constant 1 : i32
      %dma_start3A_92 = arith.constant 0 : i32
      %dma_start3A_93 = tpu.memref_slice %arg9[%dma_start3A_91, %dma_start3A_92] : memref<15x128xi32, #tpu.memory_space<vmem>> -> memref<1x128xi32, #tpu.memory_space<vmem>>
      %dma_start3A_94 = tpu.memref_squeeze %dma_start3A_93 : memref<1x128xi32, #tpu.memory_space<vmem>> -> memref<128xi32, #tpu.memory_space<vmem>>
      %dma_start3A_95 = tpu.memref_slice %arg3[%add3A_90] : memref<1600000xi32, #tpu.memory_space<hbm>> -> memref<128xi32, #tpu.memory_space<hbm>>
      %dma_start3A_96 = arith.constant 0 : i32
      %dma_start3A_97 = tpu.memref_slice %arg9[%dma_start3A_91, %dma_start3A_96] : memref<15x128xi32, #tpu.memory_space<vmem>> -> memref<1x128xi32, #tpu.memory_space<vmem>>
      %dma_start3A_98 = tpu.memref_squeeze %dma_start3A_97 : memref<1x128xi32, #tpu.memory_space<vmem>> -> memref<128xi32, #tpu.memory_space<vmem>>
      %dma_start3A_99 = tpu.memref_slice %arg3[%add3A_90] : memref<1600000xi32, #tpu.memory_space<hbm>> -> memref<128xi32, #tpu.memory_space<hbm>>
      tpu.enqueue_dma source(%dma_start3A_99 : memref<128xi32, #tpu.memory_space<hbm>>) target(%dma_start3A_98 : memref<128xi32, #tpu.memory_space<vmem>>) target_semaphore(%arg14 : memref<!tpu.dma_semaphore, #tpu.memory_space<semaphore_mem>>)
      %add3A_100 = arith.constant 128 : i32
      %add3A_101 = arith.addi %add3A_62, %add3A_100 : i32
      %dma_start3A_102 = arith.constant 1 : i32
      %dma_start3A_103 = arith.constant 0 : i32
      %dma_start3A_104 = tpu.memref_slice %arg10[%dma_start3A_102, %dma_start3A_103] : memref<15x128xi32, #tpu.memory_space<vmem>> -> memref<1x128xi32, #tpu.memory_space<vmem>>
      %dma_start3A_105 = tpu.memref_squeeze %dma_start3A_104 : memref<1x128xi32, #tpu.memory_space<vmem>> -> memref<128xi32, #tpu.memory_space<vmem>>
      %dma_start3A_106 = tpu.memref_slice %arg4[%add3A_101] : memref<1600000xi32, #tpu.memory_space<hbm>> -> memref<128xi32, #tpu.memory_space<hbm>>
      %dma_start3A_107 = arith.constant 0 : i32
      %dma_start3A_108 = tpu.memref_slice %arg10[%dma_start3A_102, %dma_start3A_107] : memref<15x128xi32, #tpu.memory_space<vmem>> -> memref<1x128xi32, #tpu.memory_space<vmem>>
      %dma_start3A_109 = tpu.memref_squeeze %dma_start3A_108 : memref<1x128xi32, #tpu.memory_space<vmem>> -> memref<128xi32, #tpu.memory_space<vmem>>
      %dma_start3A_110 = tpu.memref_slice %arg4[%add3A_101] : memref<1600000xi32, #tpu.memory_space<hbm>> -> memref<128xi32, #tpu.memory_space<hbm>>
      tpu.enqueue_dma source(%dma_start3A_110 : memref<128xi32, #tpu.memory_space<hbm>>) target(%dma_start3A_109 : memref<128xi32, #tpu.memory_space<vmem>>) target_semaphore(%arg14 : memref<!tpu.dma_semaphore, #tpu.memory_space<semaphore_mem>>)
      %add3A_111 = arith.constant 256 : i32
      %add3A_112 = arith.addi %add3A_62, %add3A_111 : i32
      %dma_start3A_113 = arith.constant 2 : i32
      %dma_start3A_114 = arith.constant 0 : i32
      %dma_start3A_115 = tpu.memref_slice %arg9[%dma_start3A_113, %dma_start3A_114] : memref<15x128xi32, #tpu.memory_space<vmem>> -> memref<1x128xi32, #tpu.memory_space<vmem>>
      %dma_start3A_116 = tpu.memref_squeeze %dma_start3A_115 : memref<1x128xi32, #tpu.memory_space<vmem>> -> memref<128xi32, #tpu.memory_space<vmem>>
      %dma_start3A_117 = tpu.memref_slice %arg3[%add3A_112] : memref<1600000xi32, #tpu.memory_space<hbm>> -> memref<128xi32, #tpu.memory_space<hbm>>
      %dma_start3A_118 = arith.constant 0 : i32
      %dma_start3A_119 = tpu.memref_slice %arg9[%dma_start3A_113, %dma_start3A_118] : memref<15x128xi32, #tpu.memory_space<vmem>> -> memref<1x128xi32, #tpu.memory_space<vmem>>
      %dma_start3A_120 = tpu.memref_squeeze %dma_start3A_119 : memref<1x128xi32, #tpu.memory_space<vmem>> -> memref<128xi32, #tpu.memory_space<vmem>>
      %dma_start3A_121 = tpu.memref_slice %arg3[%add3A_112] : memref<1600000xi32, #tpu.memory_space<hbm>> -> memref<128xi32, #tpu.memory_space<hbm>>
      tpu.enqueue_dma source(%dma_start3A_121 : memref<128xi32, #tpu.memory_space<hbm>>) target(%dma_start3A_120 : memref<128xi32, #tpu.memory_space<vmem>>) target_semaphore(%arg14 : memref<!tpu.dma_semaphore, #tpu.memory_space<semaphore_mem>>)
      %add3A_122 = arith.constant 256 : i32
      %add3A_123 = arith.addi %add3A_62, %add3A_122 : i32
      %dma_start3A_124 = arith.constant 2 : i32
      %dma_start3A_125 = arith.constant 0 : i32
      %dma_start3A_126 = tpu.memref_slice %arg10[%dma_start3A_124, %dma_start3A_125] : memref<15x128xi32, #tpu.memory_space<vmem>> -> memref<1x128xi32, #tpu.memory_space<vmem>>
      %dma_start3A_127 = tpu.memref_squeeze %dma_start3A_126 : memref<1x128xi32, #tpu.memory_space<vmem>> -> memref<128xi32, #tpu.memory_space<vmem>>
      %dma_start3A_128 = tpu.memref_slice %arg4[%add3A_123] : memref<1600000xi32, #tpu.memory_space<hbm>> -> memref<128xi32, #tpu.memory_space<hbm>>
      %dma_start3A_129 = arith.constant 0 : i32
      %dma_start3A_130 = tpu.memref_slice %arg10[%dma_start3A_124, %dma_start3A_129] : memref<15x128xi32, #tpu.memory_space<vmem>> -> memref<1x128xi32, #tpu.memory_space<vmem>>
      %dma_start3A_131 = tpu.memref_squeeze %dma_start3A_130 : memref<1x128xi32, #tpu.memory_space<vmem>> -> memref<128xi32, #tpu.memory_space<vmem>>
      %dma_start3A_132 = tpu.memref_slice %arg4[%add3A_123] : memref<1600000xi32, #tpu.memory_space<hbm>> -> memref<128xi32, #tpu.memory_space<hbm>>
      tpu.enqueue_dma source(%dma_start3A_132 : memref<128xi32, #tpu.memory_space<hbm>>) target(%dma_start3A_131 : memref<128xi32, #tpu.memory_space<vmem>>) target_semaphore(%arg14 : memref<!tpu.dma_semaphore, #tpu.memory_space<semaphore_mem>>)
      %add3A_133 = arith.constant 384 : i32
      %add3A_134 = arith.addi %add3A_62, %add3A_133 : i32
      %dma_start3A_135 = arith.constant 3 : i32
      %dma_start3A_136 = arith.constant 0 : i32
      %dma_start3A_137 = tpu.memref_slice %arg9[%dma_start3A_135, %dma_start3A_136] : memref<15x128xi32, #tpu.memory_space<vmem>> -> memref<1x128xi32, #tpu.memory_space<vmem>>
      %dma_start3A_138 = tpu.memref_squeeze %dma_start3A_137 : memref<1x128xi32, #tpu.memory_space<vmem>> -> memref<128xi32, #tpu.memory_space<vmem>>
      %dma_start3A_139 = tpu.memref_slice %arg3[%add3A_134] : memref<1600000xi32, #tpu.memory_space<hbm>> -> memref<128xi32, #tpu.memory_space<hbm>>
      %dma_start3A_140 = arith.constant 0 : i32
      %dma_start3A_141 = tpu.memref_slice %arg9[%dma_start3A_135, %dma_start3A_140] : memref<15x128xi32, #tpu.memory_space<vmem>> -> memref<1x128xi32, #tpu.memory_space<vmem>>
      %dma_start3A_142 = tpu.memref_squeeze %dma_start3A_141 : memref<1x128xi32, #tpu.memory_space<vmem>> -> memref<128xi32, #tpu.memory_space<vmem>>
      %dma_start3A_143 = tpu.memref_slice %arg3[%add3A_134] : memref<1600000xi32, #tpu.memory_space<hbm>> -> memref<128xi32, #tpu.memory_space<hbm>>
      tpu.enqueue_dma source(%dma_start3A_143 : memref<128xi32, #tpu.memory_space<hbm>>) target(%dma_start3A_142 : memref<128xi32, #tpu.memory_space<vmem>>) target_semaphore(%arg14 : memref<!tpu.dma_semaphore, #tpu.memory_space<semaphore_mem>>)
      %add3A_144 = arith.constant 384 : i32
      %add3A_145 = arith.addi %add3A_62, %add3A_144 : i32
      %dma_start3A_146 = arith.constant 3 : i32
      %dma_start3A_147 = arith.constant 0 : i32
      %dma_start3A_148 = tpu.memref_slice %arg10[%dma_start3A_146, %dma_start3A_147] : memref<15x128xi32, #tpu.memory_space<vmem>> -> memref<1x128xi32, #tpu.memory_space<vmem>>
      %dma_start3A_149 = tpu.memref_squeeze %dma_start3A_148 : memref<1x128xi32, #tpu.memory_space<vmem>> -> memref<128xi32, #tpu.memory_space<vmem>>
      %dma_start3A_150 = tpu.memref_slice %arg4[%add3A_145] : memref<1600000xi32, #tpu.memory_space<hbm>> -> memref<128xi32, #tpu.memory_space<hbm>>
      %dma_start3A_151 = arith.constant 0 : i32
      %dma_start3A_152 = tpu.memref_slice %arg10[%dma_start3A_146, %dma_start3A_151] : memref<15x128xi32, #tpu.memory_space<vmem>> -> memref<1x128xi32, #tpu.memory_space<vmem>>
      %dma_start3A_153 = tpu.memref_squeeze %dma_start3A_152 : memref<1x128xi32, #tpu.memory_space<vmem>> -> memref<128xi32, #tpu.memory_space<vmem>>
      %dma_start3A_154 = tpu.memref_slice %arg4[%add3A_145] : memref<1600000xi32, #tpu.memory_space<hbm>> -> memref<128xi32, #tpu.memory_space<hbm>>
      tpu.enqueue_dma source(%dma_start3A_154 : memref<128xi32, #tpu.memory_space<hbm>>) target(%dma_start3A_153 : memref<128xi32, #tpu.memory_space<vmem>>) target_semaphore(%arg14 : memref<!tpu.dma_semaphore, #tpu.memory_space<semaphore_mem>>)
      %add3A_155 = arith.constant 512 : i32
      %add3A_156 = arith.addi %add3A_62, %add3A_155 : i32
      %dma_start3A_157 = arith.constant 4 : i32
      %dma_start3A_158 = arith.constant 0 : i32
      %dma_start3A_159 = tpu.memref_slice %arg9[%dma_start3A_157, %dma_start3A_158] : memref<15x128xi32, #tpu.memory_space<vmem>> -> memref<1x128xi32, #tpu.memory_space<vmem>>
      %dma_start3A_160 = tpu.memref_squeeze %dma_start3A_159 : memref<1x128xi32, #tpu.memory_space<vmem>> -> memref<128xi32, #tpu.memory_space<vmem>>
      %dma_start3A_161 = tpu.memref_slice %arg3[%add3A_156] : memref<1600000xi32, #tpu.memory_space<hbm>> -> memref<128xi32, #tpu.memory_space<hbm>>
      %dma_start3A_162 = arith.constant 0 : i32
      %dma_start3A_163 = tpu.memref_slice %arg9[%dma_start3A_157, %dma_start3A_162] : memref<15x128xi32, #tpu.memory_space<vmem>> -> memref<1x128xi32, #tpu.memory_space<vmem>>
      %dma_start3A_164 = tpu.memref_squeeze %dma_start3A_163 : memref<1x128xi32, #tpu.memory_space<vmem>> -> memref<128xi32, #tpu.memory_space<vmem>>
      %dma_start3A_165 = tpu.memref_slice %arg3[%add3A_156] : memref<1600000xi32, #tpu.memory_space<hbm>> -> memref<128xi32, #tpu.memory_space<hbm>>
      tpu.enqueue_dma source(%dma_start3A_165 : memref<128xi32, #tpu.memory_space<hbm>>) target(%dma_start3A_164 : memref<128xi32, #tpu.memory_space<vmem>>) target_semaphore(%arg14 : memref<!tpu.dma_semaphore, #tpu.memory_space<semaphore_mem>>)
      %add3A_166 = arith.constant 512 : i32
      %add3A_167 = arith.addi %add3A_62, %add3A_166 : i32
      %dma_start3A_168 = arith.constant 4 : i32
      %dma_start3A_169 = arith.constant 0 : i32
      %dma_start3A_170 = tpu.memref_slice %arg10[%dma_start3A_168, %dma_start3A_169] : memref<15x128xi32, #tpu.memory_space<vmem>> -> memref<1x128xi32, #tpu.memory_space<vmem>>
      %dma_start3A_171 = tpu.memref_squeeze %dma_start3A_170 : memref<1x128xi32, #tpu.memory_space<vmem>> -> memref<128xi32, #tpu.memory_space<vmem>>
      %dma_start3A_172 = tpu.memref_slice %arg4[%add3A_167] : memref<1600000xi32, #tpu.memory_space<hbm>> -> memref<128xi32, #tpu.memory_space<hbm>>
      %dma_start3A_173 = arith.constant 0 : i32
      %dma_start3A_174 = tpu.memref_slice %arg10[%dma_start3A_168, %dma_start3A_173] : memref<15x128xi32, #tpu.memory_space<vmem>> -> memref<1x128xi32, #tpu.memory_space<vmem>>
      %dma_start3A_175 = tpu.memref_squeeze %dma_start3A_174 : memref<1x128xi32, #tpu.memory_space<vmem>> -> memref<128xi32, #tpu.memory_space<vmem>>
      %dma_start3A_176 = tpu.memref_slice %arg4[%add3A_167] : memref<1600000xi32, #tpu.memory_space<hbm>> -> memref<128xi32, #tpu.memory_space<hbm>>
      tpu.enqueue_dma source(%dma_start3A_176 : memref<128xi32, #tpu.memory_space<hbm>>) target(%dma_start3A_175 : memref<128xi32, #tpu.memory_space<vmem>>) target_semaphore(%arg14 : memref<!tpu.dma_semaphore, #tpu.memory_space<semaphore_mem>>)
      %add3A_177 = arith.constant 640 : i32
      %add3A_178 = arith.addi %add3A_62, %add3A_177 : i32
      %dma_start3A_179 = arith.constant 5 : i32
      %dma_start3A_180 = arith.constant 0 : i32
      %dma_start3A_181 = tpu.memref_slice %arg9[%dma_start3A_179, %dma_start3A_180] : memref<15x128xi32, #tpu.memory_space<vmem>> -> memref<1x128xi32, #tpu.memory_space<vmem>>
      %dma_start3A_182 = tpu.memref_squeeze %dma_start3A_181 : memref<1x128xi32, #tpu.memory_space<vmem>> -> memref<128xi32, #tpu.memory_space<vmem>>
      %dma_start3A_183 = tpu.memref_slice %arg3[%add3A_178] : memref<1600000xi32, #tpu.memory_space<hbm>> -> memref<128xi32, #tpu.memory_space<hbm>>
      %dma_start3A_184 = arith.constant 0 : i32
      %dma_start3A_185 = tpu.memref_slice %arg9[%dma_start3A_179, %dma_start3A_184] : memref<15x128xi32, #tpu.memory_space<vmem>> -> memref<1x128xi32, #tpu.memory_space<vmem>>
      %dma_start3A_186 = tpu.memref_squeeze %dma_start3A_185 : memref<1x128xi32, #tpu.memory_space<vmem>> -> memref<128xi32, #tpu.memory_space<vmem>>
      %dma_start3A_187 = tpu.memref_slice %arg3[%add3A_178] : memref<1600000xi32, #tpu.memory_space<hbm>> -> memref<128xi32, #tpu.memory_space<hbm>>
      tpu.enqueue_dma source(%dma_start3A_187 : memref<128xi32, #tpu.memory_space<hbm>>) target(%dma_start3A_186 : memref<128xi32, #tpu.memory_space<vmem>>) target_semaphore(%arg14 : memref<!tpu.dma_semaphore, #tpu.memory_space<semaphore_mem>>)
      %add3A_188 = arith.constant 640 : i32
      %add3A_189 = arith.addi %add3A_62, %add3A_188 : i32
      %dma_start3A_190 = arith.constant 5 : i32
      %dma_start3A_191 = arith.constant 0 : i32
      %dma_start3A_192 = tpu.memref_slice %arg10[%dma_start3A_190, %dma_start3A_191] : memref<15x128xi32, #tpu.memory_space<vmem>> -> memref<1x128xi32, #tpu.memory_space<vmem>>
      %dma_start3A_193 = tpu.memref_squeeze %dma_start3A_192 : memref<1x128xi32, #tpu.memory_space<vmem>> -> memref<128xi32, #tpu.memory_space<vmem>>
      %dma_start3A_194 = tpu.memref_slice %arg4[%add3A_189] : memref<1600000xi32, #tpu.memory_space<hbm>> -> memref<128xi32, #tpu.memory_space<hbm>>
      %dma_start3A_195 = arith.constant 0 : i32
      %dma_start3A_196 = tpu.memref_slice %arg10[%dma_start3A_190, %dma_start3A_195] : memref<15x128xi32, #tpu.memory_space<vmem>> -> memref<1x128xi32, #tpu.memory_space<vmem>>
      %dma_start3A_197 = tpu.memref_squeeze %dma_start3A_196 : memref<1x128xi32, #tpu.memory_space<vmem>> -> memref<128xi32, #tpu.memory_space<vmem>>
      %dma_start3A_198 = tpu.memref_slice %arg4[%add3A_189] : memref<1600000xi32, #tpu.memory_space<hbm>> -> memref<128xi32, #tpu.memory_space<hbm>>
      tpu.enqueue_dma source(%dma_start3A_198 : memref<128xi32, #tpu.memory_space<hbm>>) target(%dma_start3A_197 : memref<128xi32, #tpu.memory_space<vmem>>) target_semaphore(%arg14 : memref<!tpu.dma_semaphore, #tpu.memory_space<semaphore_mem>>)
      %add3A_199 = arith.constant 768 : i32
      %add3A_200 = arith.addi %add3A_62, %add3A_199 : i32
      %dma_start3A_201 = arith.constant 6 : i32
      %dma_start3A_202 = arith.constant 0 : i32
      %dma_start3A_203 = tpu.memref_slice %arg9[%dma_start3A_201, %dma_start3A_202] : memref<15x128xi32, #tpu.memory_space<vmem>> -> memref<1x128xi32, #tpu.memory_space<vmem>>
      %dma_start3A_204 = tpu.memref_squeeze %dma_start3A_203 : memref<1x128xi32, #tpu.memory_space<vmem>> -> memref<128xi32, #tpu.memory_space<vmem>>
      %dma_start3A_205 = tpu.memref_slice %arg3[%add3A_200] : memref<1600000xi32, #tpu.memory_space<hbm>> -> memref<128xi32, #tpu.memory_space<hbm>>
      %dma_start3A_206 = arith.constant 0 : i32
      %dma_start3A_207 = tpu.memref_slice %arg9[%dma_start3A_201, %dma_start3A_206] : memref<15x128xi32, #tpu.memory_space<vmem>> -> memref<1x128xi32, #tpu.memory_space<vmem>>
      %dma_start3A_208 = tpu.memref_squeeze %dma_start3A_207 : memref<1x128xi32, #tpu.memory_space<vmem>> -> memref<128xi32, #tpu.memory_space<vmem>>
      %dma_start3A_209 = tpu.memref_slice %arg3[%add3A_200] : memref<1600000xi32, #tpu.memory_space<hbm>> -> memref<128xi32, #tpu.memory_space<hbm>>
      tpu.enqueue_dma source(%dma_start3A_209 : memref<128xi32, #tpu.memory_space<hbm>>) target(%dma_start3A_208 : memref<128xi32, #tpu.memory_space<vmem>>) target_semaphore(%arg14 : memref<!tpu.dma_semaphore, #tpu.memory_space<semaphore_mem>>)
      %add3A_210 = arith.constant 768 : i32
      %add3A_211 = arith.addi %add3A_62, %add3A_210 : i32
      %dma_start3A_212 = arith.constant 6 : i32
      %dma_start3A_213 = arith.constant 0 : i32
      %dma_start3A_214 = tpu.memref_slice %arg10[%dma_start3A_212, %dma_start3A_213] : memref<15x128xi32, #tpu.memory_space<vmem>> -> memref<1x128xi32, #tpu.memory_space<vmem>>
      %dma_start3A_215 = tpu.memref_squeeze %dma_start3A_214 : memref<1x128xi32, #tpu.memory_space<vmem>> -> memref<128xi32, #tpu.memory_space<vmem>>
      %dma_start3A_216 = tpu.memref_slice %arg4[%add3A_211] : memref<1600000xi32, #tpu.memory_space<hbm>> -> memref<128xi32, #tpu.memory_space<hbm>>
      %dma_start3A_217 = arith.constant 0 : i32
      %dma_start3A_218 = tpu.memref_slice %arg10[%dma_start3A_212, %dma_start3A_217] : memref<15x128xi32, #tpu.memory_space<vmem>> -> memref<1x128xi32, #tpu.memory_space<vmem>>
      %dma_start3A_219 = tpu.memref_squeeze %dma_start3A_218 : memref<1x128xi32, #tpu.memory_space<vmem>> -> memref<128xi32, #tpu.memory_space<vmem>>
      %dma_start3A_220 = tpu.memref_slice %arg4[%add3A_211] : memref<1600000xi32, #tpu.memory_space<hbm>> -> memref<128xi32, #tpu.memory_space<hbm>>
      tpu.enqueue_dma source(%dma_start3A_220 : memref<128xi32, #tpu.memory_space<hbm>>) target(%dma_start3A_219 : memref<128xi32, #tpu.memory_space<vmem>>) target_semaphore(%arg14 : memref<!tpu.dma_semaphore, #tpu.memory_space<semaphore_mem>>)
      %add3A_221 = arith.constant 896 : i32
      %add3A_222 = arith.addi %add3A_62, %add3A_221 : i32
      %dma_start3A_223 = arith.constant 7 : i32
      %dma_start3A_224 = arith.constant 0 : i32
      %dma_start3A_225 = tpu.memref_slice %arg9[%dma_start3A_223, %dma_start3A_224] : memref<15x128xi32, #tpu.memory_space<vmem>> -> memref<1x128xi32, #tpu.memory_space<vmem>>
      %dma_start3A_226 = tpu.memref_squeeze %dma_start3A_225 : memref<1x128xi32, #tpu.memory_space<vmem>> -> memref<128xi32, #tpu.memory_space<vmem>>
      %dma_start3A_227 = tpu.memref_slice %arg3[%add3A_222] : memref<1600000xi32, #tpu.memory_space<hbm>> -> memref<128xi32, #tpu.memory_space<hbm>>
      %dma_start3A_228 = arith.constant 0 : i32
      %dma_start3A_229 = tpu.memref_slice %arg9[%dma_start3A_223, %dma_start3A_228] : memref<15x128xi32, #tpu.memory_space<vmem>> -> memref<1x128xi32, #tpu.memory_space<vmem>>
      %dma_start3A_230 = tpu.memref_squeeze %dma_start3A_229 : memref<1x128xi32, #tpu.memory_space<vmem>> -> memref<128xi32, #tpu.memory_space<vmem>>
      %dma_start3A_231 = tpu.memref_slice %arg3[%add3A_222] : memref<1600000xi32, #tpu.memory_space<hbm>> -> memref<128xi32, #tpu.memory_space<hbm>>
      tpu.enqueue_dma source(%dma_start3A_231 : memref<128xi32, #tpu.memory_space<hbm>>) target(%dma_start3A_230 : memref<128xi32, #tpu.memory_space<vmem>>) target_semaphore(%arg14 : memref<!tpu.dma_semaphore, #tpu.memory_space<semaphore_mem>>)
      %add3A_232 = arith.constant 896 : i32
      %add3A_233 = arith.addi %add3A_62, %add3A_232 : i32
      %dma_start3A_234 = arith.constant 7 : i32
      %dma_start3A_235 = arith.constant 0 : i32
      %dma_start3A_236 = tpu.memref_slice %arg10[%dma_start3A_234, %dma_start3A_235] : memref<15x128xi32, #tpu.memory_space<vmem>> -> memref<1x128xi32, #tpu.memory_space<vmem>>
      %dma_start3A_237 = tpu.memref_squeeze %dma_start3A_236 : memref<1x128xi32, #tpu.memory_space<vmem>> -> memref<128xi32, #tpu.memory_space<vmem>>
      %dma_start3A_238 = tpu.memref_slice %arg4[%add3A_233] : memref<1600000xi32, #tpu.memory_space<hbm>> -> memref<128xi32, #tpu.memory_space<hbm>>
      %dma_start3A_239 = arith.constant 0 : i32
      %dma_start3A_240 = tpu.memref_slice %arg10[%dma_start3A_234, %dma_start3A_239] : memref<15x128xi32, #tpu.memory_space<vmem>> -> memref<1x128xi32, #tpu.memory_space<vmem>>
      %dma_start3A_241 = tpu.memref_squeeze %dma_start3A_240 : memref<1x128xi32, #tpu.memory_space<vmem>> -> memref<128xi32, #tpu.memory_space<vmem>>
      %dma_start3A_242 = tpu.memref_slice %arg4[%add3A_233] : memref<1600000xi32, #tpu.memory_space<hbm>> -> memref<128xi32, #tpu.memory_space<hbm>>
      tpu.enqueue_dma source(%dma_start3A_242 : memref<128xi32, #tpu.memory_space<hbm>>) target(%dma_start3A_241 : memref<128xi32, #tpu.memory_space<vmem>>) target_semaphore(%arg14 : memref<!tpu.dma_semaphore, #tpu.memory_space<semaphore_mem>>)
      %add3A_243 = arith.constant 1024 : i32
      %add3A_244 = arith.addi %add3A_62, %add3A_243 : i32
      %dma_start3A_245 = arith.constant 8 : i32
      %dma_start3A_246 = arith.constant 0 : i32
      %dma_start3A_247 = tpu.memref_slice %arg9[%dma_start3A_245, %dma_start3A_246] : memref<15x128xi32, #tpu.memory_space<vmem>> -> memref<1x128xi32, #tpu.memory_space<vmem>>
      %dma_start3A_248 = tpu.memref_squeeze %dma_start3A_247 : memref<1x128xi32, #tpu.memory_space<vmem>> -> memref<128xi32, #tpu.memory_space<vmem>>
      %dma_start3A_249 = tpu.memref_slice %arg3[%add3A_244] : memref<1600000xi32, #tpu.memory_space<hbm>> -> memref<128xi32, #tpu.memory_space<hbm>>
      %dma_start3A_250 = arith.constant 0 : i32
      %dma_start3A_251 = tpu.memref_slice %arg9[%dma_start3A_245, %dma_start3A_250] : memref<15x128xi32, #tpu.memory_space<vmem>> -> memref<1x128xi32, #tpu.memory_space<vmem>>
      %dma_start3A_252 = tpu.memref_squeeze %dma_start3A_251 : memref<1x128xi32, #tpu.memory_space<vmem>> -> memref<128xi32, #tpu.memory_space<vmem>>
      %dma_start3A_253 = tpu.memref_slice %arg3[%add3A_244] : memref<1600000xi32, #tpu.memory_space<hbm>> -> memref<128xi32, #tpu.memory_space<hbm>>
      tpu.enqueue_dma source(%dma_start3A_253 : memref<128xi32, #tpu.memory_space<hbm>>) target(%dma_start3A_252 : memref<128xi32, #tpu.memory_space<vmem>>) target_semaphore(%arg14 : memref<!tpu.dma_semaphore, #tpu.memory_space<semaphore_mem>>)
      %add3A_254 = arith.constant 1024 : i32
      %add3A_255 = arith.addi %add3A_62, %add3A_254 : i32
      %dma_start3A_256 = arith.constant 8 : i32
      %dma_start3A_257 = arith.constant 0 : i32
      %dma_start3A_258 = tpu.memref_slice %arg10[%dma_start3A_256, %dma_start3A_257] : memref<15x128xi32, #tpu.memory_space<vmem>> -> memref<1x128xi32, #tpu.memory_space<vmem>>
      %dma_start3A_259 = tpu.memref_squeeze %dma_start3A_258 : memref<1x128xi32, #tpu.memory_space<vmem>> -> memref<128xi32, #tpu.memory_space<vmem>>
      %dma_start3A_260 = tpu.memref_slice %arg4[%add3A_255] : memref<1600000xi32, #tpu.memory_space<hbm>> -> memref<128xi32, #tpu.memory_space<hbm>>
      %dma_start3A_261 = arith.constant 0 : i32
      %dma_start3A_262 = tpu.memref_slice %arg10[%dma_start3A_256, %dma_start3A_261] : memref<15x128xi32, #tpu.memory_space<vmem>> -> memref<1x128xi32, #tpu.memory_space<vmem>>
      %dma_start3A_263 = tpu.memref_squeeze %dma_start3A_262 : memref<1x128xi32, #tpu.memory_space<vmem>> -> memref<128xi32, #tpu.memory_space<vmem>>
      %dma_start3A_264 = tpu.memref_slice %arg4[%add3A_255] : memref<1600000xi32, #tpu.memory_space<hbm>> -> memref<128xi32, #tpu.memory_space<hbm>>
      tpu.enqueue_dma source(%dma_start3A_264 : memref<128xi32, #tpu.memory_space<hbm>>) target(%dma_start3A_263 : memref<128xi32, #tpu.memory_space<vmem>>) target_semaphore(%arg14 : memref<!tpu.dma_semaphore, #tpu.memory_space<semaphore_mem>>)
      %add3A_265 = arith.constant 1152 : i32
      %add3A_266 = arith.addi %add3A_62, %add3A_265 : i32
      %dma_start3A_267 = arith.constant 9 : i32
      %dma_start3A_268 = arith.constant 0 : i32
      %dma_start3A_269 = tpu.memref_slice %arg9[%dma_start3A_267, %dma_start3A_268] : memref<15x128xi32, #tpu.memory_space<vmem>> -> memref<1x128xi32, #tpu.memory_space<vmem>>
      %dma_start3A_270 = tpu.memref_squeeze %dma_start3A_269 : memref<1x128xi32, #tpu.memory_space<vmem>> -> memref<128xi32, #tpu.memory_space<vmem>>
      %dma_start3A_271 = tpu.memref_slice %arg3[%add3A_266] : memref<1600000xi32, #tpu.memory_space<hbm>> -> memref<128xi32, #tpu.memory_space<hbm>>
      %dma_start3A_272 = arith.constant 0 : i32
      %dma_start3A_273 = tpu.memref_slice %arg9[%dma_start3A_267, %dma_start3A_272] : memref<15x128xi32, #tpu.memory_space<vmem>> -> memref<1x128xi32, #tpu.memory_space<vmem>>
      %dma_start3A_274 = tpu.memref_squeeze %dma_start3A_273 : memref<1x128xi32, #tpu.memory_space<vmem>> -> memref<128xi32, #tpu.memory_space<vmem>>
      %dma_start3A_275 = tpu.memref_slice %arg3[%add3A_266] : memref<1600000xi32, #tpu.memory_space<hbm>> -> memref<128xi32, #tpu.memory_space<hbm>>
      tpu.enqueue_dma source(%dma_start3A_275 : memref<128xi32, #tpu.memory_space<hbm>>) target(%dma_start3A_274 : memref<128xi32, #tpu.memory_space<vmem>>) target_semaphore(%arg14 : memref<!tpu.dma_semaphore, #tpu.memory_space<semaphore_mem>>)
      %add3A_276 = arith.constant 1152 : i32
      %add3A_277 = arith.addi %add3A_62, %add3A_276 : i32
      %dma_start3A_278 = arith.constant 9 : i32
      %dma_start3A_279 = arith.constant 0 : i32
      %dma_start3A_280 = tpu.memref_slice %arg10[%dma_start3A_278, %dma_start3A_279] : memref<15x128xi32, #tpu.memory_space<vmem>> -> memref<1x128xi32, #tpu.memory_space<vmem>>
      %dma_start3A_281 = tpu.memref_squeeze %dma_start3A_280 : memref<1x128xi32, #tpu.memory_space<vmem>> -> memref<128xi32, #tpu.memory_space<vmem>>
      %dma_start3A_282 = tpu.memref_slice %arg4[%add3A_277] : memref<1600000xi32, #tpu.memory_space<hbm>> -> memref<128xi32, #tpu.memory_space<hbm>>
      %dma_start3A_283 = arith.constant 0 : i32
      %dma_start3A_284 = tpu.memref_slice %arg10[%dma_start3A_278, %dma_start3A_283] : memref<15x128xi32, #tpu.memory_space<vmem>> -> memref<1x128xi32, #tpu.memory_space<vmem>>
      %dma_start3A_285 = tpu.memref_squeeze %dma_start3A_284 : memref<1x128xi32, #tpu.memory_space<vmem>> -> memref<128xi32, #tpu.memory_space<vmem>>
      %dma_start3A_286 = tpu.memref_slice %arg4[%add3A_277] : memref<1600000xi32, #tpu.memory_space<hbm>> -> memref<128xi32, #tpu.memory_space<hbm>>
      tpu.enqueue_dma source(%dma_start3A_286 : memref<128xi32, #tpu.memory_space<hbm>>) target(%dma_start3A_285 : memref<128xi32, #tpu.memory_space<vmem>>) target_semaphore(%arg14 : memref<!tpu.dma_semaphore, #tpu.memory_space<semaphore_mem>>)
      %add3A_287 = arith.constant 1280 : i32
      %add3A_288 = arith.addi %add3A_62, %add3A_287 : i32
      %dma_start3A_289 = arith.constant 10 : i32
      %dma_start3A_290 = arith.constant 0 : i32
      %dma_start3A_291 = tpu.memref_slice %arg9[%dma_start3A_289, %dma_start3A_290] : memref<15x128xi32, #tpu.memory_space<vmem>> -> memref<1x128xi32, #tpu.memory_space<vmem>>
      %dma_start3A_292 = tpu.memref_squeeze %dma_start3A_291 : memref<1x128xi32, #tpu.memory_space<vmem>> -> memref<128xi32, #tpu.memory_space<vmem>>
      %dma_start3A_293 = tpu.memref_slice %arg3[%add3A_288] : memref<1600000xi32, #tpu.memory_space<hbm>> -> memref<128xi32, #tpu.memory_space<hbm>>
      %dma_start3A_294 = arith.constant 0 : i32
      %dma_start3A_295 = tpu.memref_slice %arg9[%dma_start3A_289, %dma_start3A_294] : memref<15x128xi32, #tpu.memory_space<vmem>> -> memref<1x128xi32, #tpu.memory_space<vmem>>
      %dma_start3A_296 = tpu.memref_squeeze %dma_start3A_295 : memref<1x128xi32, #tpu.memory_space<vmem>> -> memref<128xi32, #tpu.memory_space<vmem>>
      %dma_start3A_297 = tpu.memref_slice %arg3[%add3A_288] : memref<1600000xi32, #tpu.memory_space<hbm>> -> memref<128xi32, #tpu.memory_space<hbm>>
      tpu.enqueue_dma source(%dma_start3A_297 : memref<128xi32, #tpu.memory_space<hbm>>) target(%dma_start3A_296 : memref<128xi32, #tpu.memory_space<vmem>>) target_semaphore(%arg14 : memref<!tpu.dma_semaphore, #tpu.memory_space<semaphore_mem>>)
      %add3A_298 = arith.constant 1280 : i32
      %add3A_299 = arith.addi %add3A_62, %add3A_298 : i32
      %dma_start3A_300 = arith.constant 10 : i32
      %dma_start3A_301 = arith.constant 0 : i32
      %dma_start3A_302 = tpu.memref_slice %arg10[%dma_start3A_300, %dma_start3A_301] : memref<15x128xi32, #tpu.memory_space<vmem>> -> memref<1x128xi32, #tpu.memory_space<vmem>>
      %dma_start3A_303 = tpu.memref_squeeze %dma_start3A_302 : memref<1x128xi32, #tpu.memory_space<vmem>> -> memref<128xi32, #tpu.memory_space<vmem>>
      %dma_start3A_304 = tpu.memref_slice %arg4[%add3A_299] : memref<1600000xi32, #tpu.memory_space<hbm>> -> memref<128xi32, #tpu.memory_space<hbm>>
      %dma_start3A_305 = arith.constant 0 : i32
      %dma_start3A_306 = tpu.memref_slice %arg10[%dma_start3A_300, %dma_start3A_305] : memref<15x128xi32, #tpu.memory_space<vmem>> -> memref<1x128xi32, #tpu.memory_space<vmem>>
      %dma_start3A_307 = tpu.memref_squeeze %dma_start3A_306 : memref<1x128xi32, #tpu.memory_space<vmem>> -> memref<128xi32, #tpu.memory_space<vmem>>
      %dma_start3A_308 = tpu.memref_slice %arg4[%add3A_299] : memref<1600000xi32, #tpu.memory_space<hbm>> -> memref<128xi32, #tpu.memory_space<hbm>>
      tpu.enqueue_dma source(%dma_start3A_308 : memref<128xi32, #tpu.memory_space<hbm>>) target(%dma_start3A_307 : memref<128xi32, #tpu.memory_space<vmem>>) target_semaphore(%arg14 : memref<!tpu.dma_semaphore, #tpu.memory_space<semaphore_mem>>)
      %add3A_309 = arith.constant 1408 : i32
      %add3A_310 = arith.addi %add3A_62, %add3A_309 : i32
      %dma_start3A_311 = arith.constant 11 : i32
      %dma_start3A_312 = arith.constant 0 : i32
      %dma_start3A_313 = tpu.memref_slice %arg9[%dma_start3A_311, %dma_start3A_312] : memref<15x128xi32, #tpu.memory_space<vmem>> -> memref<1x128xi32, #tpu.memory_space<vmem>>
      %dma_start3A_314 = tpu.memref_squeeze %dma_start3A_313 : memref<1x128xi32, #tpu.memory_space<vmem>> -> memref<128xi32, #tpu.memory_space<vmem>>
      %dma_start3A_315 = tpu.memref_slice %arg3[%add3A_310] : memref<1600000xi32, #tpu.memory_space<hbm>> -> memref<128xi32, #tpu.memory_space<hbm>>
      %dma_start3A_316 = arith.constant 0 : i32
      %dma_start3A_317 = tpu.memref_slice %arg9[%dma_start3A_311, %dma_start3A_316] : memref<15x128xi32, #tpu.memory_space<vmem>> -> memref<1x128xi32, #tpu.memory_space<vmem>>
      %dma_start3A_318 = tpu.memref_squeeze %dma_start3A_317 : memref<1x128xi32, #tpu.memory_space<vmem>> -> memref<128xi32, #tpu.memory_space<vmem>>
      %dma_start3A_319 = tpu.memref_slice %arg3[%add3A_310] : memref<1600000xi32, #tpu.memory_space<hbm>> -> memref<128xi32, #tpu.memory_space<hbm>>
      tpu.enqueue_dma source(%dma_start3A_319 : memref<128xi32, #tpu.memory_space<hbm>>) target(%dma_start3A_318 : memref<128xi32, #tpu.memory_space<vmem>>) target_semaphore(%arg14 : memref<!tpu.dma_semaphore, #tpu.memory_space<semaphore_mem>>)
      %add3A_320 = arith.constant 1408 : i32
      %add3A_321 = arith.addi %add3A_62, %add3A_320 : i32
      %dma_start3A_322 = arith.constant 11 : i32
      %dma_start3A_323 = arith.constant 0 : i32
      %dma_start3A_324 = tpu.memref_slice %arg10[%dma_start3A_322, %dma_start3A_323] : memref<15x128xi32, #tpu.memory_space<vmem>> -> memref<1x128xi32, #tpu.memory_space<vmem>>
      %dma_start3A_325 = tpu.memref_squeeze %dma_start3A_324 : memref<1x128xi32, #tpu.memory_space<vmem>> -> memref<128xi32, #tpu.memory_space<vmem>>
      %dma_start3A_326 = tpu.memref_slice %arg4[%add3A_321] : memref<1600000xi32, #tpu.memory_space<hbm>> -> memref<128xi32, #tpu.memory_space<hbm>>
      %dma_start3A_327 = arith.constant 0 : i32
      %dma_start3A_328 = tpu.memref_slice %arg10[%dma_start3A_322, %dma_start3A_327] : memref<15x128xi32, #tpu.memory_space<vmem>> -> memref<1x128xi32, #tpu.memory_space<vmem>>
      %dma_start3A_329 = tpu.memref_squeeze %dma_start3A_328 : memref<1x128xi32, #tpu.memory_space<vmem>> -> memref<128xi32, #tpu.memory_space<vmem>>
      %dma_start3A_330 = tpu.memref_slice %arg4[%add3A_321] : memref<1600000xi32, #tpu.memory_space<hbm>> -> memref<128xi32, #tpu.memory_space<hbm>>
      tpu.enqueue_dma source(%dma_start3A_330 : memref<128xi32, #tpu.memory_space<hbm>>) target(%dma_start3A_329 : memref<128xi32, #tpu.memory_space<vmem>>) target_semaphore(%arg14 : memref<!tpu.dma_semaphore, #tpu.memory_space<semaphore_mem>>)
      %add3A_331 = arith.constant 1536 : i32
      %add3A_332 = arith.addi %add3A_62, %add3A_331 : i32
      %dma_start3A_333 = arith.constant 12 : i32
      %dma_start3A_334 = arith.constant 0 : i32
      %dma_start3A_335 = tpu.memref_slice %arg9[%dma_start3A_333, %dma_start3A_334] : memref<15x128xi32, #tpu.memory_space<vmem>> -> memref<1x128xi32, #tpu.memory_space<vmem>>
      %dma_start3A_336 = tpu.memref_squeeze %dma_start3A_335 : memref<1x128xi32, #tpu.memory_space<vmem>> -> memref<128xi32, #tpu.memory_space<vmem>>
      %dma_start3A_337 = tpu.memref_slice %arg3[%add3A_332] : memref<1600000xi32, #tpu.memory_space<hbm>> -> memref<128xi32, #tpu.memory_space<hbm>>
      %dma_start3A_338 = arith.constant 0 : i32
      %dma_start3A_339 = tpu.memref_slice %arg9[%dma_start3A_333, %dma_start3A_338] : memref<15x128xi32, #tpu.memory_space<vmem>> -> memref<1x128xi32, #tpu.memory_space<vmem>>
      %dma_start3A_340 = tpu.memref_squeeze %dma_start3A_339 : memref<1x128xi32, #tpu.memory_space<vmem>> -> memref<128xi32, #tpu.memory_space<vmem>>
      %dma_start3A_341 = tpu.memref_slice %arg3[%add3A_332] : memref<1600000xi32, #tpu.memory_space<hbm>> -> memref<128xi32, #tpu.memory_space<hbm>>
      tpu.enqueue_dma source(%dma_start3A_341 : memref<128xi32, #tpu.memory_space<hbm>>) target(%dma_start3A_340 : memref<128xi32, #tpu.memory_space<vmem>>) target_semaphore(%arg14 : memref<!tpu.dma_semaphore, #tpu.memory_space<semaphore_mem>>)
      %add3A_342 = arith.constant 1536 : i32
      %add3A_343 = arith.addi %add3A_62, %add3A_342 : i32
      %dma_start3A_344 = arith.constant 12 : i32
      %dma_start3A_345 = arith.constant 0 : i32
      %dma_start3A_346 = tpu.memref_slice %arg10[%dma_start3A_344, %dma_start3A_345] : memref<15x128xi32, #tpu.memory_space<vmem>> -> memref<1x128xi32, #tpu.memory_space<vmem>>
      %dma_start3A_347 = tpu.memref_squeeze %dma_start3A_346 : memref<1x128xi32, #tpu.memory_space<vmem>> -> memref<128xi32, #tpu.memory_space<vmem>>
      %dma_start3A_348 = tpu.memref_slice %arg4[%add3A_343] : memref<1600000xi32, #tpu.memory_space<hbm>> -> memref<128xi32, #tpu.memory_space<hbm>>
      %dma_start3A_349 = arith.constant 0 : i32
      %dma_start3A_350 = tpu.memref_slice %arg10[%dma_start3A_344, %dma_start3A_349] : memref<15x128xi32, #tpu.memory_space<vmem>> -> memref<1x128xi32, #tpu.memory_space<vmem>>
      %dma_start3A_351 = tpu.memref_squeeze %dma_start3A_350 : memref<1x128xi32, #tpu.memory_space<vmem>> -> memref<128xi32, #tpu.memory_space<vmem>>
      %dma_start3A_352 = tpu.memref_slice %arg4[%add3A_343] : memref<1600000xi32, #tpu.memory_space<hbm>> -> memref<128xi32, #tpu.memory_space<hbm>>
      tpu.enqueue_dma source(%dma_start3A_352 : memref<128xi32, #tpu.memory_space<hbm>>) target(%dma_start3A_351 : memref<128xi32, #tpu.memory_space<vmem>>) target_semaphore(%arg14 : memref<!tpu.dma_semaphore, #tpu.memory_space<semaphore_mem>>)
      %add3A_353 = arith.constant 1664 : i32
      %add3A_354 = arith.addi %add3A_62, %add3A_353 : i32
      %dma_start3A_355 = arith.constant 13 : i32
      %dma_start3A_356 = arith.constant 0 : i32
      %dma_start3A_357 = tpu.memref_slice %arg9[%dma_start3A_355, %dma_start3A_356] : memref<15x128xi32, #tpu.memory_space<vmem>> -> memref<1x128xi32, #tpu.memory_space<vmem>>
      %dma_start3A_358 = tpu.memref_squeeze %dma_start3A_357 : memref<1x128xi32, #tpu.memory_space<vmem>> -> memref<128xi32, #tpu.memory_space<vmem>>
      %dma_start3A_359 = tpu.memref_slice %arg3[%add3A_354] : memref<1600000xi32, #tpu.memory_space<hbm>> -> memref<128xi32, #tpu.memory_space<hbm>>
      %dma_start3A_360 = arith.constant 0 : i32
      %dma_start3A_361 = tpu.memref_slice %arg9[%dma_start3A_355, %dma_start3A_360] : memref<15x128xi32, #tpu.memory_space<vmem>> -> memref<1x128xi32, #tpu.memory_space<vmem>>
      %dma_start3A_362 = tpu.memref_squeeze %dma_start3A_361 : memref<1x128xi32, #tpu.memory_space<vmem>> -> memref<128xi32, #tpu.memory_space<vmem>>
      %dma_start3A_363 = tpu.memref_slice %arg3[%add3A_354] : memref<1600000xi32, #tpu.memory_space<hbm>> -> memref<128xi32, #tpu.memory_space<hbm>>
      tpu.enqueue_dma source(%dma_start3A_363 : memref<128xi32, #tpu.memory_space<hbm>>) target(%dma_start3A_362 : memref<128xi32, #tpu.memory_space<vmem>>) target_semaphore(%arg14 : memref<!tpu.dma_semaphore, #tpu.memory_space<semaphore_mem>>)
      %add3A_364 = arith.constant 1664 : i32
      %add3A_365 = arith.addi %add3A_62, %add3A_364 : i32
      %dma_start3A_366 = arith.constant 13 : i32
      %dma_start3A_367 = arith.constant 0 : i32
      %dma_start3A_368 = tpu.memref_slice %arg10[%dma_start3A_366, %dma_start3A_367] : memref<15x128xi32, #tpu.memory_space<vmem>> -> memref<1x128xi32, #tpu.memory_space<vmem>>
      %dma_start3A_369 = tpu.memref_squeeze %dma_start3A_368 : memref<1x128xi32, #tpu.memory_space<vmem>> -> memref<128xi32, #tpu.memory_space<vmem>>
      %dma_start3A_370 = tpu.memref_slice %arg4[%add3A_365] : memref<1600000xi32, #tpu.memory_space<hbm>> -> memref<128xi32, #tpu.memory_space<hbm>>
      %dma_start3A_371 = arith.constant 0 : i32
      %dma_start3A_372 = tpu.memref_slice %arg10[%dma_start3A_366, %dma_start3A_371] : memref<15x128xi32, #tpu.memory_space<vmem>> -> memref<1x128xi32, #tpu.memory_space<vmem>>
      %dma_start3A_373 = tpu.memref_squeeze %dma_start3A_372 : memref<1x128xi32, #tpu.memory_space<vmem>> -> memref<128xi32, #tpu.memory_space<vmem>>
      %dma_start3A_374 = tpu.memref_slice %arg4[%add3A_365] : memref<1600000xi32, #tpu.memory_space<hbm>> -> memref<128xi32, #tpu.memory_space<hbm>>
      tpu.enqueue_dma source(%dma_start3A_374 : memref<128xi32, #tpu.memory_space<hbm>>) target(%dma_start3A_373 : memref<128xi32, #tpu.memory_space<vmem>>) target_semaphore(%arg14 : memref<!tpu.dma_semaphore, #tpu.memory_space<semaphore_mem>>)
      %add3A_375 = arith.constant 1792 : i32
      %add3A_376 = arith.addi %add3A_62, %add3A_375 : i32
      %dma_start3A_377 = arith.constant 14 : i32
      %dma_start3A_378 = arith.constant 0 : i32
      %dma_start3A_379 = tpu.memref_slice %arg9[%dma_start3A_377, %dma_start3A_378] : memref<15x128xi32, #tpu.memory_space<vmem>> -> memref<1x128xi32, #tpu.memory_space<vmem>>
      %dma_start3A_380 = tpu.memref_squeeze %dma_start3A_379 : memref<1x128xi32, #tpu.memory_space<vmem>> -> memref<128xi32, #tpu.memory_space<vmem>>
      %dma_start3A_381 = tpu.memref_slice %arg3[%add3A_376] : memref<1600000xi32, #tpu.memory_space<hbm>> -> memref<128xi32, #tpu.memory_space<hbm>>
      %dma_start3A_382 = arith.constant 0 : i32
      %dma_start3A_383 = tpu.memref_slice %arg9[%dma_start3A_377, %dma_start3A_382] : memref<15x128xi32, #tpu.memory_space<vmem>> -> memref<1x128xi32, #tpu.memory_space<vmem>>
      %dma_start3A_384 = tpu.memref_squeeze %dma_start3A_383 : memref<1x128xi32, #tpu.memory_space<vmem>> -> memref<128xi32, #tpu.memory_space<vmem>>
      %dma_start3A_385 = tpu.memref_slice %arg3[%add3A_376] : memref<1600000xi32, #tpu.memory_space<hbm>> -> memref<128xi32, #tpu.memory_space<hbm>>
      tpu.enqueue_dma source(%dma_start3A_385 : memref<128xi32, #tpu.memory_space<hbm>>) target(%dma_start3A_384 : memref<128xi32, #tpu.memory_space<vmem>>) target_semaphore(%arg14 : memref<!tpu.dma_semaphore, #tpu.memory_space<semaphore_mem>>)
      %add3A_386 = arith.constant 1792 : i32
      %add3A_387 = arith.addi %add3A_62, %add3A_386 : i32
      %dma_start3A_388 = arith.constant 14 : i32
      %dma_start3A_389 = arith.constant 0 : i32
      %dma_start3A_390 = tpu.memref_slice %arg10[%dma_start3A_388, %dma_start3A_389] : memref<15x128xi32, #tpu.memory_space<vmem>> -> memref<1x128xi32, #tpu.memory_space<vmem>>
      %dma_start3A_391 = tpu.memref_squeeze %dma_start3A_390 : memref<1x128xi32, #tpu.memory_space<vmem>> -> memref<128xi32, #tpu.memory_space<vmem>>
      %dma_start3A_392 = tpu.memref_slice %arg4[%add3A_387] : memref<1600000xi32, #tpu.memory_space<hbm>> -> memref<128xi32, #tpu.memory_space<hbm>>
      %dma_start3A_393 = arith.constant 0 : i32
      %dma_start3A_394 = tpu.memref_slice %arg10[%dma_start3A_388, %dma_start3A_393] : memref<15x128xi32, #tpu.memory_space<vmem>> -> memref<1x128xi32, #tpu.memory_space<vmem>>
      %dma_start3A_395 = tpu.memref_squeeze %dma_start3A_394 : memref<1x128xi32, #tpu.memory_space<vmem>> -> memref<128xi32, #tpu.memory_space<vmem>>
      %dma_start3A_396 = tpu.memref_slice %arg4[%add3A_387] : memref<1600000xi32, #tpu.memory_space<hbm>> -> memref<128xi32, #tpu.memory_space<hbm>>
      tpu.enqueue_dma source(%dma_start3A_396 : memref<128xi32, #tpu.memory_space<hbm>>) target(%dma_start3A_395 : memref<128xi32, #tpu.memory_space<vmem>>) target_semaphore(%arg14 : memref<!tpu.dma_semaphore, #tpu.memory_space<semaphore_mem>>)
      %dma_wait3A_397 = arith.constant 0 : i32
      %dma_wait3A_398 = tpu.memref_slice %arg2[%add3A_62, %dma_wait3A_397] : memref<1600000x8xf32, #tpu.memory_space<hbm>> -> memref<1920x8xf32, #tpu.memory_space<hbm>>
      %dma_wait3A_399 = arith.constant 0 : i32
      %dma_wait3A_400 = tpu.memref_slice %arg2[%add3A_62, %dma_wait3A_399] : memref<1600000x8xf32, #tpu.memory_space<hbm>> -> memref<1920x8xf32, #tpu.memory_space<hbm>>
      tpu.wait_dma2 semaphore(%arg14 : memref<!tpu.dma_semaphore, #tpu.memory_space<semaphore_mem>>) src(%dma_wait3A_400 : memref<1920x8xf32, #tpu.memory_space<hbm>>) dst(%arg11 : memref<1920x8xf32, #tpu.memory_space<vmem>>)
      %dma_wait3A_401 = arith.constant 0 : i32
      %dma_wait3A_402 = arith.constant 0 : i32
      %dma_wait3A_403 = tpu.memref_slice %arg9[%dma_wait3A_401, %dma_wait3A_402] : memref<15x128xi32, #tpu.memory_space<vmem>> -> memref<1x128xi32, #tpu.memory_space<vmem>>
      %dma_wait3A_404 = tpu.memref_squeeze %dma_wait3A_403 : memref<1x128xi32, #tpu.memory_space<vmem>> -> memref<128xi32, #tpu.memory_space<vmem>>
      %dma_wait3A_405 = tpu.memref_slice %arg3[%add3A_68] : memref<1600000xi32, #tpu.memory_space<hbm>> -> memref<128xi32, #tpu.memory_space<hbm>>
      %dma_wait3A_406 = arith.constant 0 : i32
      %dma_wait3A_407 = tpu.memref_slice %arg9[%dma_wait3A_401, %dma_wait3A_406] : memref<15x128xi32, #tpu.memory_space<vmem>> -> memref<1x128xi32, #tpu.memory_space<vmem>>
      %dma_wait3A_408 = tpu.memref_squeeze %dma_wait3A_407 : memref<1x128xi32, #tpu.memory_space<vmem>> -> memref<128xi32, #tpu.memory_space<vmem>>
      %dma_wait3A_409 = tpu.memref_slice %arg3[%add3A_68] : memref<1600000xi32, #tpu.memory_space<hbm>> -> memref<128xi32, #tpu.memory_space<hbm>>
      tpu.wait_dma2 semaphore(%arg14 : memref<!tpu.dma_semaphore, #tpu.memory_space<semaphore_mem>>) src(%dma_wait3A_409 : memref<128xi32, #tpu.memory_space<hbm>>) dst(%dma_wait3A_408 : memref<128xi32, #tpu.memory_space<vmem>>)
      %dma_wait3A_410 = arith.constant 0 : i32
      %dma_wait3A_411 = arith.constant 0 : i32
      %dma_wait3A_412 = tpu.memref_slice %arg10[%dma_wait3A_410, %dma_wait3A_411] : memref<15x128xi32, #tpu.memory_space<vmem>> -> memref<1x128xi32, #tpu.memory_space<vmem>>
      %dma_wait3A_413 = tpu.memref_squeeze %dma_wait3A_412 : memref<1x128xi32, #tpu.memory_space<vmem>> -> memref<128xi32, #tpu.memory_space<vmem>>
      %dma_wait3A_414 = tpu.memref_slice %arg4[%add3A_79] : memref<1600000xi32, #tpu.memory_space<hbm>> -> memref<128xi32, #tpu.memory_space<hbm>>
      %dma_wait3A_415 = arith.constant 0 : i32
      %dma_wait3A_416 = tpu.memref_slice %arg10[%dma_wait3A_410, %dma_wait3A_415] : memref<15x128xi32, #tpu.memory_space<vmem>> -> memref<1x128xi32, #tpu.memory_space<vmem>>
      %dma_wait3A_417 = tpu.memref_squeeze %dma_wait3A_416 : memref<1x128xi32, #tpu.memory_space<vmem>> -> memref<128xi32, #tpu.memory_space<vmem>>
      %dma_wait3A_418 = tpu.memref_slice %arg4[%add3A_79] : memref<1600000xi32, #tpu.memory_space<hbm>> -> memref<128xi32, #tpu.memory_space<hbm>>
      tpu.wait_dma2 semaphore(%arg14 : memref<!tpu.dma_semaphore, #tpu.memory_space<semaphore_mem>>) src(%dma_wait3A_418 : memref<128xi32, #tpu.memory_space<hbm>>) dst(%dma_wait3A_417 : memref<128xi32, #tpu.memory_space<vmem>>)
      %dma_wait3A_419 = arith.constant 1 : i32
      %dma_wait3A_420 = arith.constant 0 : i32
      %dma_wait3A_421 = tpu.memref_slice %arg9[%dma_wait3A_419, %dma_wait3A_420] : memref<15x128xi32, #tpu.memory_space<vmem>> -> memref<1x128xi32, #tpu.memory_space<vmem>>
      %dma_wait3A_422 = tpu.memref_squeeze %dma_wait3A_421 : memref<1x128xi32, #tpu.memory_space<vmem>> -> memref<128xi32, #tpu.memory_space<vmem>>
      %dma_wait3A_423 = tpu.memref_slice %arg3[%add3A_90] : memref<1600000xi32, #tpu.memory_space<hbm>> -> memref<128xi32, #tpu.memory_space<hbm>>
      %dma_wait3A_424 = arith.constant 0 : i32
      %dma_wait3A_425 = tpu.memref_slice %arg9[%dma_wait3A_419, %dma_wait3A_424] : memref<15x128xi32, #tpu.memory_space<vmem>> -> memref<1x128xi32, #tpu.memory_space<vmem>>
      %dma_wait3A_426 = tpu.memref_squeeze %dma_wait3A_425 : memref<1x128xi32, #tpu.memory_space<vmem>> -> memref<128xi32, #tpu.memory_space<vmem>>
      %dma_wait3A_427 = tpu.memref_slice %arg3[%add3A_90] : memref<1600000xi32, #tpu.memory_space<hbm>> -> memref<128xi32, #tpu.memory_space<hbm>>
      tpu.wait_dma2 semaphore(%arg14 : memref<!tpu.dma_semaphore, #tpu.memory_space<semaphore_mem>>) src(%dma_wait3A_427 : memref<128xi32, #tpu.memory_space<hbm>>) dst(%dma_wait3A_426 : memref<128xi32, #tpu.memory_space<vmem>>)
      %dma_wait3A_428 = arith.constant 1 : i32
      %dma_wait3A_429 = arith.constant 0 : i32
      %dma_wait3A_430 = tpu.memref_slice %arg10[%dma_wait3A_428, %dma_wait3A_429] : memref<15x128xi32, #tpu.memory_space<vmem>> -> memref<1x128xi32, #tpu.memory_space<vmem>>
      %dma_wait3A_431 = tpu.memref_squeeze %dma_wait3A_430 : memref<1x128xi32, #tpu.memory_space<vmem>> -> memref<128xi32, #tpu.memory_space<vmem>>
      %dma_wait3A_432 = tpu.memref_slice %arg4[%add3A_101] : memref<1600000xi32, #tpu.memory_space<hbm>> -> memref<128xi32, #tpu.memory_space<hbm>>
      %dma_wait3A_433 = arith.constant 0 : i32
      %dma_wait3A_434 = tpu.memref_slice %arg10[%dma_wait3A_428, %dma_wait3A_433] : memref<15x128xi32, #tpu.memory_space<vmem>> -> memref<1x128xi32, #tpu.memory_space<vmem>>
      %dma_wait3A_435 = tpu.memref_squeeze %dma_wait3A_434 : memref<1x128xi32, #tpu.memory_space<vmem>> -> memref<128xi32, #tpu.memory_space<vmem>>
      %dma_wait3A_436 = tpu.memref_slice %arg4[%add3A_101] : memref<1600000xi32, #tpu.memory_space<hbm>> -> memref<128xi32, #tpu.memory_space<hbm>>
      tpu.wait_dma2 semaphore(%arg14 : memref<!tpu.dma_semaphore, #tpu.memory_space<semaphore_mem>>) src(%dma_wait3A_436 : memref<128xi32, #tpu.memory_space<hbm>>) dst(%dma_wait3A_435 : memref<128xi32, #tpu.memory_space<vmem>>)
      %dma_wait3A_437 = arith.constant 2 : i32
      %dma_wait3A_438 = arith.constant 0 : i32
      %dma_wait3A_439 = tpu.memref_slice %arg9[%dma_wait3A_437, %dma_wait3A_438] : memref<15x128xi32, #tpu.memory_space<vmem>> -> memref<1x128xi32, #tpu.memory_space<vmem>>
      %dma_wait3A_440 = tpu.memref_squeeze %dma_wait3A_439 : memref<1x128xi32, #tpu.memory_space<vmem>> -> memref<128xi32, #tpu.memory_space<vmem>>
      %dma_wait3A_441 = tpu.memref_slice %arg3[%add3A_112] : memref<1600000xi32, #tpu.memory_space<hbm>> -> memref<128xi32, #tpu.memory_space<hbm>>
      %dma_wait3A_442 = arith.constant 0 : i32
      %dma_wait3A_443 = tpu.memref_slice %arg9[%dma_wait3A_437, %dma_wait3A_442] : memref<15x128xi32, #tpu.memory_space<vmem>> -> memref<1x128xi32, #tpu.memory_space<vmem>>
      %dma_wait3A_444 = tpu.memref_squeeze %dma_wait3A_443 : memref<1x128xi32, #tpu.memory_space<vmem>> -> memref<128xi32, #tpu.memory_space<vmem>>
      %dma_wait3A_445 = tpu.memref_slice %arg3[%add3A_112] : memref<1600000xi32, #tpu.memory_space<hbm>> -> memref<128xi32, #tpu.memory_space<hbm>>
      tpu.wait_dma2 semaphore(%arg14 : memref<!tpu.dma_semaphore, #tpu.memory_space<semaphore_mem>>) src(%dma_wait3A_445 : memref<128xi32, #tpu.memory_space<hbm>>) dst(%dma_wait3A_444 : memref<128xi32, #tpu.memory_space<vmem>>)
      %dma_wait3A_446 = arith.constant 2 : i32
      %dma_wait3A_447 = arith.constant 0 : i32
      %dma_wait3A_448 = tpu.memref_slice %arg10[%dma_wait3A_446, %dma_wait3A_447] : memref<15x128xi32, #tpu.memory_space<vmem>> -> memref<1x128xi32, #tpu.memory_space<vmem>>
      %dma_wait3A_449 = tpu.memref_squeeze %dma_wait3A_448 : memref<1x128xi32, #tpu.memory_space<vmem>> -> memref<128xi32, #tpu.memory_space<vmem>>
      %dma_wait3A_450 = tpu.memref_slice %arg4[%add3A_123] : memref<1600000xi32, #tpu.memory_space<hbm>> -> memref<128xi32, #tpu.memory_space<hbm>>
      %dma_wait3A_451 = arith.constant 0 : i32
      %dma_wait3A_452 = tpu.memref_slice %arg10[%dma_wait3A_446, %dma_wait3A_451] : memref<15x128xi32, #tpu.memory_space<vmem>> -> memref<1x128xi32, #tpu.memory_space<vmem>>
      %dma_wait3A_453 = tpu.memref_squeeze %dma_wait3A_452 : memref<1x128xi32, #tpu.memory_space<vmem>> -> memref<128xi32, #tpu.memory_space<vmem>>
      %dma_wait3A_454 = tpu.memref_slice %arg4[%add3A_123] : memref<1600000xi32, #tpu.memory_space<hbm>> -> memref<128xi32, #tpu.memory_space<hbm>>
      tpu.wait_dma2 semaphore(%arg14 : memref<!tpu.dma_semaphore, #tpu.memory_space<semaphore_mem>>) src(%dma_wait3A_454 : memref<128xi32, #tpu.memory_space<hbm>>) dst(%dma_wait3A_453 : memref<128xi32, #tpu.memory_space<vmem>>)
      %dma_wait3A_455 = arith.constant 3 : i32
      %dma_wait3A_456 = arith.constant 0 : i32
      %dma_wait3A_457 = tpu.memref_slice %arg9[%dma_wait3A_455, %dma_wait3A_456] : memref<15x128xi32, #tpu.memory_space<vmem>> -> memref<1x128xi32, #tpu.memory_space<vmem>>
      %dma_wait3A_458 = tpu.memref_squeeze %dma_wait3A_457 : memref<1x128xi32, #tpu.memory_space<vmem>> -> memref<128xi32, #tpu.memory_space<vmem>>
      %dma_wait3A_459 = tpu.memref_slice %arg3[%add3A_134] : memref<1600000xi32, #tpu.memory_space<hbm>> -> memref<128xi32, #tpu.memory_space<hbm>>
      %dma_wait3A_460 = arith.constant 0 : i32
      %dma_wait3A_461 = tpu.memref_slice %arg9[%dma_wait3A_455, %dma_wait3A_460] : memref<15x128xi32, #tpu.memory_space<vmem>> -> memref<1x128xi32, #tpu.memory_space<vmem>>
      %dma_wait3A_462 = tpu.memref_squeeze %dma_wait3A_461 : memref<1x128xi32, #tpu.memory_space<vmem>> -> memref<128xi32, #tpu.memory_space<vmem>>
      %dma_wait3A_463 = tpu.memref_slice %arg3[%add3A_134] : memref<1600000xi32, #tpu.memory_space<hbm>> -> memref<128xi32, #tpu.memory_space<hbm>>
      tpu.wait_dma2 semaphore(%arg14 : memref<!tpu.dma_semaphore, #tpu.memory_space<semaphore_mem>>) src(%dma_wait3A_463 : memref<128xi32, #tpu.memory_space<hbm>>) dst(%dma_wait3A_462 : memref<128xi32, #tpu.memory_space<vmem>>)
      %dma_wait3A_464 = arith.constant 3 : i32
      %dma_wait3A_465 = arith.constant 0 : i32
      %dma_wait3A_466 = tpu.memref_slice %arg10[%dma_wait3A_464, %dma_wait3A_465] : memref<15x128xi32, #tpu.memory_space<vmem>> -> memref<1x128xi32, #tpu.memory_space<vmem>>
      %dma_wait3A_467 = tpu.memref_squeeze %dma_wait3A_466 : memref<1x128xi32, #tpu.memory_space<vmem>> -> memref<128xi32, #tpu.memory_space<vmem>>
      %dma_wait3A_468 = tpu.memref_slice %arg4[%add3A_145] : memref<1600000xi32, #tpu.memory_space<hbm>> -> memref<128xi32, #tpu.memory_space<hbm>>
      %dma_wait3A_469 = arith.constant 0 : i32
      %dma_wait3A_470 = tpu.memref_slice %arg10[%dma_wait3A_464, %dma_wait3A_469] : memref<15x128xi32, #tpu.memory_space<vmem>> -> memref<1x128xi32, #tpu.memory_space<vmem>>
      %dma_wait3A_471 = tpu.memref_squeeze %dma_wait3A_470 : memref<1x128xi32, #tpu.memory_space<vmem>> -> memref<128xi32, #tpu.memory_space<vmem>>
      %dma_wait3A_472 = tpu.memref_slice %arg4[%add3A_145] : memref<1600000xi32, #tpu.memory_space<hbm>> -> memref<128xi32, #tpu.memory_space<hbm>>
      tpu.wait_dma2 semaphore(%arg14 : memref<!tpu.dma_semaphore, #tpu.memory_space<semaphore_mem>>) src(%dma_wait3A_472 : memref<128xi32, #tpu.memory_space<hbm>>) dst(%dma_wait3A_471 : memref<128xi32, #tpu.memory_space<vmem>>)
      %dma_wait3A_473 = arith.constant 4 : i32
      %dma_wait3A_474 = arith.constant 0 : i32
      %dma_wait3A_475 = tpu.memref_slice %arg9[%dma_wait3A_473, %dma_wait3A_474] : memref<15x128xi32, #tpu.memory_space<vmem>> -> memref<1x128xi32, #tpu.memory_space<vmem>>
      %dma_wait3A_476 = tpu.memref_squeeze %dma_wait3A_475 : memref<1x128xi32, #tpu.memory_space<vmem>> -> memref<128xi32, #tpu.memory_space<vmem>>
      %dma_wait3A_477 = tpu.memref_slice %arg3[%add3A_156] : memref<1600000xi32, #tpu.memory_space<hbm>> -> memref<128xi32, #tpu.memory_space<hbm>>
      %dma_wait3A_478 = arith.constant 0 : i32
      %dma_wait3A_479 = tpu.memref_slice %arg9[%dma_wait3A_473, %dma_wait3A_478] : memref<15x128xi32, #tpu.memory_space<vmem>> -> memref<1x128xi32, #tpu.memory_space<vmem>>
      %dma_wait3A_480 = tpu.memref_squeeze %dma_wait3A_479 : memref<1x128xi32, #tpu.memory_space<vmem>> -> memref<128xi32, #tpu.memory_space<vmem>>
      %dma_wait3A_481 = tpu.memref_slice %arg3[%add3A_156] : memref<1600000xi32, #tpu.memory_space<hbm>> -> memref<128xi32, #tpu.memory_space<hbm>>
      tpu.wait_dma2 semaphore(%arg14 : memref<!tpu.dma_semaphore, #tpu.memory_space<semaphore_mem>>) src(%dma_wait3A_481 : memref<128xi32, #tpu.memory_space<hbm>>) dst(%dma_wait3A_480 : memref<128xi32, #tpu.memory_space<vmem>>)
      %dma_wait3A_482 = arith.constant 4 : i32
      %dma_wait3A_483 = arith.constant 0 : i32
      %dma_wait3A_484 = tpu.memref_slice %arg10[%dma_wait3A_482, %dma_wait3A_483] : memref<15x128xi32, #tpu.memory_space<vmem>> -> memref<1x128xi32, #tpu.memory_space<vmem>>
      %dma_wait3A_485 = tpu.memref_squeeze %dma_wait3A_484 : memref<1x128xi32, #tpu.memory_space<vmem>> -> memref<128xi32, #tpu.memory_space<vmem>>
      %dma_wait3A_486 = tpu.memref_slice %arg4[%add3A_167] : memref<1600000xi32, #tpu.memory_space<hbm>> -> memref<128xi32, #tpu.memory_space<hbm>>
      %dma_wait3A_487 = arith.constant 0 : i32
      %dma_wait3A_488 = tpu.memref_slice %arg10[%dma_wait3A_482, %dma_wait3A_487] : memref<15x128xi32, #tpu.memory_space<vmem>> -> memref<1x128xi32, #tpu.memory_space<vmem>>
      %dma_wait3A_489 = tpu.memref_squeeze %dma_wait3A_488 : memref<1x128xi32, #tpu.memory_space<vmem>> -> memref<128xi32, #tpu.memory_space<vmem>>
      %dma_wait3A_490 = tpu.memref_slice %arg4[%add3A_167] : memref<1600000xi32, #tpu.memory_space<hbm>> -> memref<128xi32, #tpu.memory_space<hbm>>
      tpu.wait_dma2 semaphore(%arg14 : memref<!tpu.dma_semaphore, #tpu.memory_space<semaphore_mem>>) src(%dma_wait3A_490 : memref<128xi32, #tpu.memory_space<hbm>>) dst(%dma_wait3A_489 : memref<128xi32, #tpu.memory_space<vmem>>)
      %dma_wait3A_491 = arith.constant 5 : i32
      %dma_wait3A_492 = arith.constant 0 : i32
      %dma_wait3A_493 = tpu.memref_slice %arg9[%dma_wait3A_491, %dma_wait3A_492] : memref<15x128xi32, #tpu.memory_space<vmem>> -> memref<1x128xi32, #tpu.memory_space<vmem>>
      %dma_wait3A_494 = tpu.memref_squeeze %dma_wait3A_493 : memref<1x128xi32, #tpu.memory_space<vmem>> -> memref<128xi32, #tpu.memory_space<vmem>>
      %dma_wait3A_495 = tpu.memref_slice %arg3[%add3A_178] : memref<1600000xi32, #tpu.memory_space<hbm>> -> memref<128xi32, #tpu.memory_space<hbm>>
      %dma_wait3A_496 = arith.constant 0 : i32
      %dma_wait3A_497 = tpu.memref_slice %arg9[%dma_wait3A_491, %dma_wait3A_496] : memref<15x128xi32, #tpu.memory_space<vmem>> -> memref<1x128xi32, #tpu.memory_space<vmem>>
      %dma_wait3A_498 = tpu.memref_squeeze %dma_wait3A_497 : memref<1x128xi32, #tpu.memory_space<vmem>> -> memref<128xi32, #tpu.memory_space<vmem>>
      %dma_wait3A_499 = tpu.memref_slice %arg3[%add3A_178] : memref<1600000xi32, #tpu.memory_space<hbm>> -> memref<128xi32, #tpu.memory_space<hbm>>
      tpu.wait_dma2 semaphore(%arg14 : memref<!tpu.dma_semaphore, #tpu.memory_space<semaphore_mem>>) src(%dma_wait3A_499 : memref<128xi32, #tpu.memory_space<hbm>>) dst(%dma_wait3A_498 : memref<128xi32, #tpu.memory_space<vmem>>)
      %dma_wait3A_500 = arith.constant 5 : i32
      %dma_wait3A_501 = arith.constant 0 : i32
      %dma_wait3A_502 = tpu.memref_slice %arg10[%dma_wait3A_500, %dma_wait3A_501] : memref<15x128xi32, #tpu.memory_space<vmem>> -> memref<1x128xi32, #tpu.memory_space<vmem>>
      %dma_wait3A_503 = tpu.memref_squeeze %dma_wait3A_502 : memref<1x128xi32, #tpu.memory_space<vmem>> -> memref<128xi32, #tpu.memory_space<vmem>>
      %dma_wait3A_504 = tpu.memref_slice %arg4[%add3A_189] : memref<1600000xi32, #tpu.memory_space<hbm>> -> memref<128xi32, #tpu.memory_space<hbm>>
      %dma_wait3A_505 = arith.constant 0 : i32
      %dma_wait3A_506 = tpu.memref_slice %arg10[%dma_wait3A_500, %dma_wait3A_505] : memref<15x128xi32, #tpu.memory_space<vmem>> -> memref<1x128xi32, #tpu.memory_space<vmem>>
      %dma_wait3A_507 = tpu.memref_squeeze %dma_wait3A_506 : memref<1x128xi32, #tpu.memory_space<vmem>> -> memref<128xi32, #tpu.memory_space<vmem>>
      %dma_wait3A_508 = tpu.memref_slice %arg4[%add3A_189] : memref<1600000xi32, #tpu.memory_space<hbm>> -> memref<128xi32, #tpu.memory_space<hbm>>
      tpu.wait_dma2 semaphore(%arg14 : memref<!tpu.dma_semaphore, #tpu.memory_space<semaphore_mem>>) src(%dma_wait3A_508 : memref<128xi32, #tpu.memory_space<hbm>>) dst(%dma_wait3A_507 : memref<128xi32, #tpu.memory_space<vmem>>)
      %dma_wait3A_509 = arith.constant 6 : i32
      %dma_wait3A_510 = arith.constant 0 : i32
      %dma_wait3A_511 = tpu.memref_slice %arg9[%dma_wait3A_509, %dma_wait3A_510] : memref<15x128xi32, #tpu.memory_space<vmem>> -> memref<1x128xi32, #tpu.memory_space<vmem>>
      %dma_wait3A_512 = tpu.memref_squeeze %dma_wait3A_511 : memref<1x128xi32, #tpu.memory_space<vmem>> -> memref<128xi32, #tpu.memory_space<vmem>>
      %dma_wait3A_513 = tpu.memref_slice %arg3[%add3A_200] : memref<1600000xi32, #tpu.memory_space<hbm>> -> memref<128xi32, #tpu.memory_space<hbm>>
      %dma_wait3A_514 = arith.constant 0 : i32
      %dma_wait3A_515 = tpu.memref_slice %arg9[%dma_wait3A_509, %dma_wait3A_514] : memref<15x128xi32, #tpu.memory_space<vmem>> -> memref<1x128xi32, #tpu.memory_space<vmem>>
      %dma_wait3A_516 = tpu.memref_squeeze %dma_wait3A_515 : memref<1x128xi32, #tpu.memory_space<vmem>> -> memref<128xi32, #tpu.memory_space<vmem>>
      %dma_wait3A_517 = tpu.memref_slice %arg3[%add3A_200] : memref<1600000xi32, #tpu.memory_space<hbm>> -> memref<128xi32, #tpu.memory_space<hbm>>
      tpu.wait_dma2 semaphore(%arg14 : memref<!tpu.dma_semaphore, #tpu.memory_space<semaphore_mem>>) src(%dma_wait3A_517 : memref<128xi32, #tpu.memory_space<hbm>>) dst(%dma_wait3A_516 : memref<128xi32, #tpu.memory_space<vmem>>)
      %dma_wait3A_518 = arith.constant 6 : i32
      %dma_wait3A_519 = arith.constant 0 : i32
      %dma_wait3A_520 = tpu.memref_slice %arg10[%dma_wait3A_518, %dma_wait3A_519] : memref<15x128xi32, #tpu.memory_space<vmem>> -> memref<1x128xi32, #tpu.memory_space<vmem>>
      %dma_wait3A_521 = tpu.memref_squeeze %dma_wait3A_520 : memref<1x128xi32, #tpu.memory_space<vmem>> -> memref<128xi32, #tpu.memory_space<vmem>>
      %dma_wait3A_522 = tpu.memref_slice %arg4[%add3A_211] : memref<1600000xi32, #tpu.memory_space<hbm>> -> memref<128xi32, #tpu.memory_space<hbm>>
      %dma_wait3A_523 = arith.constant 0 : i32
      %dma_wait3A_524 = tpu.memref_slice %arg10[%dma_wait3A_518, %dma_wait3A_523] : memref<15x128xi32, #tpu.memory_space<vmem>> -> memref<1x128xi32, #tpu.memory_space<vmem>>
      %dma_wait3A_525 = tpu.memref_squeeze %dma_wait3A_524 : memref<1x128xi32, #tpu.memory_space<vmem>> -> memref<128xi32, #tpu.memory_space<vmem>>
      %dma_wait3A_526 = tpu.memref_slice %arg4[%add3A_211] : memref<1600000xi32, #tpu.memory_space<hbm>> -> memref<128xi32, #tpu.memory_space<hbm>>
      tpu.wait_dma2 semaphore(%arg14 : memref<!tpu.dma_semaphore, #tpu.memory_space<semaphore_mem>>) src(%dma_wait3A_526 : memref<128xi32, #tpu.memory_space<hbm>>) dst(%dma_wait3A_525 : memref<128xi32, #tpu.memory_space<vmem>>)
      %dma_wait3A_527 = arith.constant 7 : i32
      %dma_wait3A_528 = arith.constant 0 : i32
      %dma_wait3A_529 = tpu.memref_slice %arg9[%dma_wait3A_527, %dma_wait3A_528] : memref<15x128xi32, #tpu.memory_space<vmem>> -> memref<1x128xi32, #tpu.memory_space<vmem>>
      %dma_wait3A_530 = tpu.memref_squeeze %dma_wait3A_529 : memref<1x128xi32, #tpu.memory_space<vmem>> -> memref<128xi32, #tpu.memory_space<vmem>>
      %dma_wait3A_531 = tpu.memref_slice %arg3[%add3A_222] : memref<1600000xi32, #tpu.memory_space<hbm>> -> memref<128xi32, #tpu.memory_space<hbm>>
      %dma_wait3A_532 = arith.constant 0 : i32
      %dma_wait3A_533 = tpu.memref_slice %arg9[%dma_wait3A_527, %dma_wait3A_532] : memref<15x128xi32, #tpu.memory_space<vmem>> -> memref<1x128xi32, #tpu.memory_space<vmem>>
      %dma_wait3A_534 = tpu.memref_squeeze %dma_wait3A_533 : memref<1x128xi32, #tpu.memory_space<vmem>> -> memref<128xi32, #tpu.memory_space<vmem>>
      %dma_wait3A_535 = tpu.memref_slice %arg3[%add3A_222] : memref<1600000xi32, #tpu.memory_space<hbm>> -> memref<128xi32, #tpu.memory_space<hbm>>
      tpu.wait_dma2 semaphore(%arg14 : memref<!tpu.dma_semaphore, #tpu.memory_space<semaphore_mem>>) src(%dma_wait3A_535 : memref<128xi32, #tpu.memory_space<hbm>>) dst(%dma_wait3A_534 : memref<128xi32, #tpu.memory_space<vmem>>)
      %dma_wait3A_536 = arith.constant 7 : i32
      %dma_wait3A_537 = arith.constant 0 : i32
      %dma_wait3A_538 = tpu.memref_slice %arg10[%dma_wait3A_536, %dma_wait3A_537] : memref<15x128xi32, #tpu.memory_space<vmem>> -> memref<1x128xi32, #tpu.memory_space<vmem>>
      %dma_wait3A_539 = tpu.memref_squeeze %dma_wait3A_538 : memref<1x128xi32, #tpu.memory_space<vmem>> -> memref<128xi32, #tpu.memory_space<vmem>>
      %dma_wait3A_540 = tpu.memref_slice %arg4[%add3A_233] : memref<1600000xi32, #tpu.memory_space<hbm>> -> memref<128xi32, #tpu.memory_space<hbm>>
      %dma_wait3A_541 = arith.constant 0 : i32
      %dma_wait3A_542 = tpu.memref_slice %arg10[%dma_wait3A_536, %dma_wait3A_541] : memref<15x128xi32, #tpu.memory_space<vmem>> -> memref<1x128xi32, #tpu.memory_space<vmem>>
      %dma_wait3A_543 = tpu.memref_squeeze %dma_wait3A_542 : memref<1x128xi32, #tpu.memory_space<vmem>> -> memref<128xi32, #tpu.memory_space<vmem>>
      %dma_wait3A_544 = tpu.memref_slice %arg4[%add3A_233] : memref<1600000xi32, #tpu.memory_space<hbm>> -> memref<128xi32, #tpu.memory_space<hbm>>
      tpu.wait_dma2 semaphore(%arg14 : memref<!tpu.dma_semaphore, #tpu.memory_space<semaphore_mem>>) src(%dma_wait3A_544 : memref<128xi32, #tpu.memory_space<hbm>>) dst(%dma_wait3A_543 : memref<128xi32, #tpu.memory_space<vmem>>)
      %dma_wait3A_545 = arith.constant 8 : i32
      %dma_wait3A_546 = arith.constant 0 : i32
      %dma_wait3A_547 = tpu.memref_slice %arg9[%dma_wait3A_545, %dma_wait3A_546] : memref<15x128xi32, #tpu.memory_space<vmem>> -> memref<1x128xi32, #tpu.memory_space<vmem>>
      %dma_wait3A_548 = tpu.memref_squeeze %dma_wait3A_547 : memref<1x128xi32, #tpu.memory_space<vmem>> -> memref<128xi32, #tpu.memory_space<vmem>>
      %dma_wait3A_549 = tpu.memref_slice %arg3[%add3A_244] : memref<1600000xi32, #tpu.memory_space<hbm>> -> memref<128xi32, #tpu.memory_space<hbm>>
      %dma_wait3A_550 = arith.constant 0 : i32
      %dma_wait3A_551 = tpu.memref_slice %arg9[%dma_wait3A_545, %dma_wait3A_550] : memref<15x128xi32, #tpu.memory_space<vmem>> -> memref<1x128xi32, #tpu.memory_space<vmem>>
      %dma_wait3A_552 = tpu.memref_squeeze %dma_wait3A_551 : memref<1x128xi32, #tpu.memory_space<vmem>> -> memref<128xi32, #tpu.memory_space<vmem>>
      %dma_wait3A_553 = tpu.memref_slice %arg3[%add3A_244] : memref<1600000xi32, #tpu.memory_space<hbm>> -> memref<128xi32, #tpu.memory_space<hbm>>
      tpu.wait_dma2 semaphore(%arg14 : memref<!tpu.dma_semaphore, #tpu.memory_space<semaphore_mem>>) src(%dma_wait3A_553 : memref<128xi32, #tpu.memory_space<hbm>>) dst(%dma_wait3A_552 : memref<128xi32, #tpu.memory_space<vmem>>)
      %dma_wait3A_554 = arith.constant 8 : i32
      %dma_wait3A_555 = arith.constant 0 : i32
      %dma_wait3A_556 = tpu.memref_slice %arg10[%dma_wait3A_554, %dma_wait3A_555] : memref<15x128xi32, #tpu.memory_space<vmem>> -> memref<1x128xi32, #tpu.memory_space<vmem>>
      %dma_wait3A_557 = tpu.memref_squeeze %dma_wait3A_556 : memref<1x128xi32, #tpu.memory_space<vmem>> -> memref<128xi32, #tpu.memory_space<vmem>>
      %dma_wait3A_558 = tpu.memref_slice %arg4[%add3A_255] : memref<1600000xi32, #tpu.memory_space<hbm>> -> memref<128xi32, #tpu.memory_space<hbm>>
      %dma_wait3A_559 = arith.constant 0 : i32
      %dma_wait3A_560 = tpu.memref_slice %arg10[%dma_wait3A_554, %dma_wait3A_559] : memref<15x128xi32, #tpu.memory_space<vmem>> -> memref<1x128xi32, #tpu.memory_space<vmem>>
      %dma_wait3A_561 = tpu.memref_squeeze %dma_wait3A_560 : memref<1x128xi32, #tpu.memory_space<vmem>> -> memref<128xi32, #tpu.memory_space<vmem>>
      %dma_wait3A_562 = tpu.memref_slice %arg4[%add3A_255] : memref<1600000xi32, #tpu.memory_space<hbm>> -> memref<128xi32, #tpu.memory_space<hbm>>
      tpu.wait_dma2 semaphore(%arg14 : memref<!tpu.dma_semaphore, #tpu.memory_space<semaphore_mem>>) src(%dma_wait3A_562 : memref<128xi32, #tpu.memory_space<hbm>>) dst(%dma_wait3A_561 : memref<128xi32, #tpu.memory_space<vmem>>)
      %dma_wait3A_563 = arith.constant 9 : i32
      %dma_wait3A_564 = arith.constant 0 : i32
      %dma_wait3A_565 = tpu.memref_slice %arg9[%dma_wait3A_563, %dma_wait3A_564] : memref<15x128xi32, #tpu.memory_space<vmem>> -> memref<1x128xi32, #tpu.memory_space<vmem>>
      %dma_wait3A_566 = tpu.memref_squeeze %dma_wait3A_565 : memref<1x128xi32, #tpu.memory_space<vmem>> -> memref<128xi32, #tpu.memory_space<vmem>>
      %dma_wait3A_567 = tpu.memref_slice %arg3[%add3A_266] : memref<1600000xi32, #tpu.memory_space<hbm>> -> memref<128xi32, #tpu.memory_space<hbm>>
      %dma_wait3A_568 = arith.constant 0 : i32
      %dma_wait3A_569 = tpu.memref_slice %arg9[%dma_wait3A_563, %dma_wait3A_568] : memref<15x128xi32, #tpu.memory_space<vmem>> -> memref<1x128xi32, #tpu.memory_space<vmem>>
      %dma_wait3A_570 = tpu.memref_squeeze %dma_wait3A_569 : memref<1x128xi32, #tpu.memory_space<vmem>> -> memref<128xi32, #tpu.memory_space<vmem>>
      %dma_wait3A_571 = tpu.memref_slice %arg3[%add3A_266] : memref<1600000xi32, #tpu.memory_space<hbm>> -> memref<128xi32, #tpu.memory_space<hbm>>
      tpu.wait_dma2 semaphore(%arg14 : memref<!tpu.dma_semaphore, #tpu.memory_space<semaphore_mem>>) src(%dma_wait3A_571 : memref<128xi32, #tpu.memory_space<hbm>>) dst(%dma_wait3A_570 : memref<128xi32, #tpu.memory_space<vmem>>)
      %dma_wait3A_572 = arith.constant 9 : i32
      %dma_wait3A_573 = arith.constant 0 : i32
      %dma_wait3A_574 = tpu.memref_slice %arg10[%dma_wait3A_572, %dma_wait3A_573] : memref<15x128xi32, #tpu.memory_space<vmem>> -> memref<1x128xi32, #tpu.memory_space<vmem>>
      %dma_wait3A_575 = tpu.memref_squeeze %dma_wait3A_574 : memref<1x128xi32, #tpu.memory_space<vmem>> -> memref<128xi32, #tpu.memory_space<vmem>>
      %dma_wait3A_576 = tpu.memref_slice %arg4[%add3A_277] : memref<1600000xi32, #tpu.memory_space<hbm>> -> memref<128xi32, #tpu.memory_space<hbm>>
      %dma_wait3A_577 = arith.constant 0 : i32
      %dma_wait3A_578 = tpu.memref_slice %arg10[%dma_wait3A_572, %dma_wait3A_577] : memref<15x128xi32, #tpu.memory_space<vmem>> -> memref<1x128xi32, #tpu.memory_space<vmem>>
      %dma_wait3A_579 = tpu.memref_squeeze %dma_wait3A_578 : memref<1x128xi32, #tpu.memory_space<vmem>> -> memref<128xi32, #tpu.memory_space<vmem>>
      %dma_wait3A_580 = tpu.memref_slice %arg4[%add3A_277] : memref<1600000xi32, #tpu.memory_space<hbm>> -> memref<128xi32, #tpu.memory_space<hbm>>
      tpu.wait_dma2 semaphore(%arg14 : memref<!tpu.dma_semaphore, #tpu.memory_space<semaphore_mem>>) src(%dma_wait3A_580 : memref<128xi32, #tpu.memory_space<hbm>>) dst(%dma_wait3A_579 : memref<128xi32, #tpu.memory_space<vmem>>)
      %dma_wait3A_581 = arith.constant 10 : i32
      %dma_wait3A_582 = arith.constant 0 : i32
      %dma_wait3A_583 = tpu.memref_slice %arg9[%dma_wait3A_581, %dma_wait3A_582] : memref<15x128xi32, #tpu.memory_space<vmem>> -> memref<1x128xi32, #tpu.memory_space<vmem>>
      %dma_wait3A_584 = tpu.memref_squeeze %dma_wait3A_583 : memref<1x128xi32, #tpu.memory_space<vmem>> -> memref<128xi32, #tpu.memory_space<vmem>>
      %dma_wait3A_585 = tpu.memref_slice %arg3[%add3A_288] : memref<1600000xi32, #tpu.memory_space<hbm>> -> memref<128xi32, #tpu.memory_space<hbm>>
      %dma_wait3A_586 = arith.constant 0 : i32
      %dma_wait3A_587 = tpu.memref_slice %arg9[%dma_wait3A_581, %dma_wait3A_586] : memref<15x128xi32, #tpu.memory_space<vmem>> -> memref<1x128xi32, #tpu.memory_space<vmem>>
      %dma_wait3A_588 = tpu.memref_squeeze %dma_wait3A_587 : memref<1x128xi32, #tpu.memory_space<vmem>> -> memref<128xi32, #tpu.memory_space<vmem>>
      %dma_wait3A_589 = tpu.memref_slice %arg3[%add3A_288] : memref<1600000xi32, #tpu.memory_space<hbm>> -> memref<128xi32, #tpu.memory_space<hbm>>
      tpu.wait_dma2 semaphore(%arg14 : memref<!tpu.dma_semaphore, #tpu.memory_space<semaphore_mem>>) src(%dma_wait3A_589 : memref<128xi32, #tpu.memory_space<hbm>>) dst(%dma_wait3A_588 : memref<128xi32, #tpu.memory_space<vmem>>)
      %dma_wait3A_590 = arith.constant 10 : i32
      %dma_wait3A_591 = arith.constant 0 : i32
      %dma_wait3A_592 = tpu.memref_slice %arg10[%dma_wait3A_590, %dma_wait3A_591] : memref<15x128xi32, #tpu.memory_space<vmem>> -> memref<1x128xi32, #tpu.memory_space<vmem>>
      %dma_wait3A_593 = tpu.memref_squeeze %dma_wait3A_592 : memref<1x128xi32, #tpu.memory_space<vmem>> -> memref<128xi32, #tpu.memory_space<vmem>>
      %dma_wait3A_594 = tpu.memref_slice %arg4[%add3A_299] : memref<1600000xi32, #tpu.memory_space<hbm>> -> memref<128xi32, #tpu.memory_space<hbm>>
      %dma_wait3A_595 = arith.constant 0 : i32
      %dma_wait3A_596 = tpu.memref_slice %arg10[%dma_wait3A_590, %dma_wait3A_595] : memref<15x128xi32, #tpu.memory_space<vmem>> -> memref<1x128xi32, #tpu.memory_space<vmem>>
      %dma_wait3A_597 = tpu.memref_squeeze %dma_wait3A_596 : memref<1x128xi32, #tpu.memory_space<vmem>> -> memref<128xi32, #tpu.memory_space<vmem>>
      %dma_wait3A_598 = tpu.memref_slice %arg4[%add3A_299] : memref<1600000xi32, #tpu.memory_space<hbm>> -> memref<128xi32, #tpu.memory_space<hbm>>
      tpu.wait_dma2 semaphore(%arg14 : memref<!tpu.dma_semaphore, #tpu.memory_space<semaphore_mem>>) src(%dma_wait3A_598 : memref<128xi32, #tpu.memory_space<hbm>>) dst(%dma_wait3A_597 : memref<128xi32, #tpu.memory_space<vmem>>)
      %dma_wait3A_599 = arith.constant 11 : i32
      %dma_wait3A_600 = arith.constant 0 : i32
      %dma_wait3A_601 = tpu.memref_slice %arg9[%dma_wait3A_599, %dma_wait3A_600] : memref<15x128xi32, #tpu.memory_space<vmem>> -> memref<1x128xi32, #tpu.memory_space<vmem>>
      %dma_wait3A_602 = tpu.memref_squeeze %dma_wait3A_601 : memref<1x128xi32, #tpu.memory_space<vmem>> -> memref<128xi32, #tpu.memory_space<vmem>>
      %dma_wait3A_603 = tpu.memref_slice %arg3[%add3A_310] : memref<1600000xi32, #tpu.memory_space<hbm>> -> memref<128xi32, #tpu.memory_space<hbm>>
      %dma_wait3A_604 = arith.constant 0 : i32
      %dma_wait3A_605 = tpu.memref_slice %arg9[%dma_wait3A_599, %dma_wait3A_604] : memref<15x128xi32, #tpu.memory_space<vmem>> -> memref<1x128xi32, #tpu.memory_space<vmem>>
      %dma_wait3A_606 = tpu.memref_squeeze %dma_wait3A_605 : memref<1x128xi32, #tpu.memory_space<vmem>> -> memref<128xi32, #tpu.memory_space<vmem>>
      %dma_wait3A_607 = tpu.memref_slice %arg3[%add3A_310] : memref<1600000xi32, #tpu.memory_space<hbm>> -> memref<128xi32, #tpu.memory_space<hbm>>
      tpu.wait_dma2 semaphore(%arg14 : memref<!tpu.dma_semaphore, #tpu.memory_space<semaphore_mem>>) src(%dma_wait3A_607 : memref<128xi32, #tpu.memory_space<hbm>>) dst(%dma_wait3A_606 : memref<128xi32, #tpu.memory_space<vmem>>)
      %dma_wait3A_608 = arith.constant 11 : i32
      %dma_wait3A_609 = arith.constant 0 : i32
      %dma_wait3A_610 = tpu.memref_slice %arg10[%dma_wait3A_608, %dma_wait3A_609] : memref<15x128xi32, #tpu.memory_space<vmem>> -> memref<1x128xi32, #tpu.memory_space<vmem>>
      %dma_wait3A_611 = tpu.memref_squeeze %dma_wait3A_610 : memref<1x128xi32, #tpu.memory_space<vmem>> -> memref<128xi32, #tpu.memory_space<vmem>>
      %dma_wait3A_612 = tpu.memref_slice %arg4[%add3A_321] : memref<1600000xi32, #tpu.memory_space<hbm>> -> memref<128xi32, #tpu.memory_space<hbm>>
      %dma_wait3A_613 = arith.constant 0 : i32
      %dma_wait3A_614 = tpu.memref_slice %arg10[%dma_wait3A_608, %dma_wait3A_613] : memref<15x128xi32, #tpu.memory_space<vmem>> -> memref<1x128xi32, #tpu.memory_space<vmem>>
      %dma_wait3A_615 = tpu.memref_squeeze %dma_wait3A_614 : memref<1x128xi32, #tpu.memory_space<vmem>> -> memref<128xi32, #tpu.memory_space<vmem>>
      %dma_wait3A_616 = tpu.memref_slice %arg4[%add3A_321] : memref<1600000xi32, #tpu.memory_space<hbm>> -> memref<128xi32, #tpu.memory_space<hbm>>
      tpu.wait_dma2 semaphore(%arg14 : memref<!tpu.dma_semaphore, #tpu.memory_space<semaphore_mem>>) src(%dma_wait3A_616 : memref<128xi32, #tpu.memory_space<hbm>>) dst(%dma_wait3A_615 : memref<128xi32, #tpu.memory_space<vmem>>)
      %dma_wait3A_617 = arith.constant 12 : i32
      %dma_wait3A_618 = arith.constant 0 : i32
      %dma_wait3A_619 = tpu.memref_slice %arg9[%dma_wait3A_617, %dma_wait3A_618] : memref<15x128xi32, #tpu.memory_space<vmem>> -> memref<1x128xi32, #tpu.memory_space<vmem>>
      %dma_wait3A_620 = tpu.memref_squeeze %dma_wait3A_619 : memref<1x128xi32, #tpu.memory_space<vmem>> -> memref<128xi32, #tpu.memory_space<vmem>>
      %dma_wait3A_621 = tpu.memref_slice %arg3[%add3A_332] : memref<1600000xi32, #tpu.memory_space<hbm>> -> memref<128xi32, #tpu.memory_space<hbm>>
      %dma_wait3A_622 = arith.constant 0 : i32
      %dma_wait3A_623 = tpu.memref_slice %arg9[%dma_wait3A_617, %dma_wait3A_622] : memref<15x128xi32, #tpu.memory_space<vmem>> -> memref<1x128xi32, #tpu.memory_space<vmem>>
      %dma_wait3A_624 = tpu.memref_squeeze %dma_wait3A_623 : memref<1x128xi32, #tpu.memory_space<vmem>> -> memref<128xi32, #tpu.memory_space<vmem>>
      %dma_wait3A_625 = tpu.memref_slice %arg3[%add3A_332] : memref<1600000xi32, #tpu.memory_space<hbm>> -> memref<128xi32, #tpu.memory_space<hbm>>
      tpu.wait_dma2 semaphore(%arg14 : memref<!tpu.dma_semaphore, #tpu.memory_space<semaphore_mem>>) src(%dma_wait3A_625 : memref<128xi32, #tpu.memory_space<hbm>>) dst(%dma_wait3A_624 : memref<128xi32, #tpu.memory_space<vmem>>)
      %dma_wait3A_626 = arith.constant 12 : i32
      %dma_wait3A_627 = arith.constant 0 : i32
      %dma_wait3A_628 = tpu.memref_slice %arg10[%dma_wait3A_626, %dma_wait3A_627] : memref<15x128xi32, #tpu.memory_space<vmem>> -> memref<1x128xi32, #tpu.memory_space<vmem>>
      %dma_wait3A_629 = tpu.memref_squeeze %dma_wait3A_628 : memref<1x128xi32, #tpu.memory_space<vmem>> -> memref<128xi32, #tpu.memory_space<vmem>>
      %dma_wait3A_630 = tpu.memref_slice %arg4[%add3A_343] : memref<1600000xi32, #tpu.memory_space<hbm>> -> memref<128xi32, #tpu.memory_space<hbm>>
      %dma_wait3A_631 = arith.constant 0 : i32
      %dma_wait3A_632 = tpu.memref_slice %arg10[%dma_wait3A_626, %dma_wait3A_631] : memref<15x128xi32, #tpu.memory_space<vmem>> -> memref<1x128xi32, #tpu.memory_space<vmem>>
      %dma_wait3A_633 = tpu.memref_squeeze %dma_wait3A_632 : memref<1x128xi32, #tpu.memory_space<vmem>> -> memref<128xi32, #tpu.memory_space<vmem>>
      %dma_wait3A_634 = tpu.memref_slice %arg4[%add3A_343] : memref<1600000xi32, #tpu.memory_space<hbm>> -> memref<128xi32, #tpu.memory_space<hbm>>
      tpu.wait_dma2 semaphore(%arg14 : memref<!tpu.dma_semaphore, #tpu.memory_space<semaphore_mem>>) src(%dma_wait3A_634 : memref<128xi32, #tpu.memory_space<hbm>>) dst(%dma_wait3A_633 : memref<128xi32, #tpu.memory_space<vmem>>)
      %dma_wait3A_635 = arith.constant 13 : i32
      %dma_wait3A_636 = arith.constant 0 : i32
      %dma_wait3A_637 = tpu.memref_slice %arg9[%dma_wait3A_635, %dma_wait3A_636] : memref<15x128xi32, #tpu.memory_space<vmem>> -> memref<1x128xi32, #tpu.memory_space<vmem>>
      %dma_wait3A_638 = tpu.memref_squeeze %dma_wait3A_637 : memref<1x128xi32, #tpu.memory_space<vmem>> -> memref<128xi32, #tpu.memory_space<vmem>>
      %dma_wait3A_639 = tpu.memref_slice %arg3[%add3A_354] : memref<1600000xi32, #tpu.memory_space<hbm>> -> memref<128xi32, #tpu.memory_space<hbm>>
      %dma_wait3A_640 = arith.constant 0 : i32
      %dma_wait3A_641 = tpu.memref_slice %arg9[%dma_wait3A_635, %dma_wait3A_640] : memref<15x128xi32, #tpu.memory_space<vmem>> -> memref<1x128xi32, #tpu.memory_space<vmem>>
      %dma_wait3A_642 = tpu.memref_squeeze %dma_wait3A_641 : memref<1x128xi32, #tpu.memory_space<vmem>> -> memref<128xi32, #tpu.memory_space<vmem>>
      %dma_wait3A_643 = tpu.memref_slice %arg3[%add3A_354] : memref<1600000xi32, #tpu.memory_space<hbm>> -> memref<128xi32, #tpu.memory_space<hbm>>
      tpu.wait_dma2 semaphore(%arg14 : memref<!tpu.dma_semaphore, #tpu.memory_space<semaphore_mem>>) src(%dma_wait3A_643 : memref<128xi32, #tpu.memory_space<hbm>>) dst(%dma_wait3A_642 : memref<128xi32, #tpu.memory_space<vmem>>)
      %dma_wait3A_644 = arith.constant 13 : i32
      %dma_wait3A_645 = arith.constant 0 : i32
      %dma_wait3A_646 = tpu.memref_slice %arg10[%dma_wait3A_644, %dma_wait3A_645] : memref<15x128xi32, #tpu.memory_space<vmem>> -> memref<1x128xi32, #tpu.memory_space<vmem>>
      %dma_wait3A_647 = tpu.memref_squeeze %dma_wait3A_646 : memref<1x128xi32, #tpu.memory_space<vmem>> -> memref<128xi32, #tpu.memory_space<vmem>>
      %dma_wait3A_648 = tpu.memref_slice %arg4[%add3A_365] : memref<1600000xi32, #tpu.memory_space<hbm>> -> memref<128xi32, #tpu.memory_space<hbm>>
      %dma_wait3A_649 = arith.constant 0 : i32
      %dma_wait3A_650 = tpu.memref_slice %arg10[%dma_wait3A_644, %dma_wait3A_649] : memref<15x128xi32, #tpu.memory_space<vmem>> -> memref<1x128xi32, #tpu.memory_space<vmem>>
      %dma_wait3A_651 = tpu.memref_squeeze %dma_wait3A_650 : memref<1x128xi32, #tpu.memory_space<vmem>> -> memref<128xi32, #tpu.memory_space<vmem>>
      %dma_wait3A_652 = tpu.memref_slice %arg4[%add3A_365] : memref<1600000xi32, #tpu.memory_space<hbm>> -> memref<128xi32, #tpu.memory_space<hbm>>
      tpu.wait_dma2 semaphore(%arg14 : memref<!tpu.dma_semaphore, #tpu.memory_space<semaphore_mem>>) src(%dma_wait3A_652 : memref<128xi32, #tpu.memory_space<hbm>>) dst(%dma_wait3A_651 : memref<128xi32, #tpu.memory_space<vmem>>)
      %dma_wait3A_653 = arith.constant 14 : i32
      %dma_wait3A_654 = arith.constant 0 : i32
      %dma_wait3A_655 = tpu.memref_slice %arg9[%dma_wait3A_653, %dma_wait3A_654] : memref<15x128xi32, #tpu.memory_space<vmem>> -> memref<1x128xi32, #tpu.memory_space<vmem>>
      %dma_wait3A_656 = tpu.memref_squeeze %dma_wait3A_655 : memref<1x128xi32, #tpu.memory_space<vmem>> -> memref<128xi32, #tpu.memory_space<vmem>>
      %dma_wait3A_657 = tpu.memref_slice %arg3[%add3A_376] : memref<1600000xi32, #tpu.memory_space<hbm>> -> memref<128xi32, #tpu.memory_space<hbm>>
      %dma_wait3A_658 = arith.constant 0 : i32
      %dma_wait3A_659 = tpu.memref_slice %arg9[%dma_wait3A_653, %dma_wait3A_658] : memref<15x128xi32, #tpu.memory_space<vmem>> -> memref<1x128xi32, #tpu.memory_space<vmem>>
      %dma_wait3A_660 = tpu.memref_squeeze %dma_wait3A_659 : memref<1x128xi32, #tpu.memory_space<vmem>> -> memref<128xi32, #tpu.memory_space<vmem>>
      %dma_wait3A_661 = tpu.memref_slice %arg3[%add3A_376] : memref<1600000xi32, #tpu.memory_space<hbm>> -> memref<128xi32, #tpu.memory_space<hbm>>
      tpu.wait_dma2 semaphore(%arg14 : memref<!tpu.dma_semaphore, #tpu.memory_space<semaphore_mem>>) src(%dma_wait3A_661 : memref<128xi32, #tpu.memory_space<hbm>>) dst(%dma_wait3A_660 : memref<128xi32, #tpu.memory_space<vmem>>)
      %dma_wait3A_662 = arith.constant 14 : i32
      %dma_wait3A_663 = arith.constant 0 : i32
      %dma_wait3A_664 = tpu.memref_slice %arg10[%dma_wait3A_662, %dma_wait3A_663] : memref<15x128xi32, #tpu.memory_space<vmem>> -> memref<1x128xi32, #tpu.memory_space<vmem>>
      %dma_wait3A_665 = tpu.memref_squeeze %dma_wait3A_664 : memref<1x128xi32, #tpu.memory_space<vmem>> -> memref<128xi32, #tpu.memory_space<vmem>>
      %dma_wait3A_666 = tpu.memref_slice %arg4[%add3A_387] : memref<1600000xi32, #tpu.memory_space<hbm>> -> memref<128xi32, #tpu.memory_space<hbm>>
      %dma_wait3A_667 = arith.constant 0 : i32
      %dma_wait3A_668 = tpu.memref_slice %arg10[%dma_wait3A_662, %dma_wait3A_667] : memref<15x128xi32, #tpu.memory_space<vmem>> -> memref<1x128xi32, #tpu.memory_space<vmem>>
      %dma_wait3A_669 = tpu.memref_squeeze %dma_wait3A_668 : memref<1x128xi32, #tpu.memory_space<vmem>> -> memref<128xi32, #tpu.memory_space<vmem>>
      %dma_wait3A_670 = tpu.memref_slice %arg4[%add3A_387] : memref<1600000xi32, #tpu.memory_space<hbm>> -> memref<128xi32, #tpu.memory_space<hbm>>
      tpu.wait_dma2 semaphore(%arg14 : memref<!tpu.dma_semaphore, #tpu.memory_space<semaphore_mem>>) src(%dma_wait3A_670 : memref<128xi32, #tpu.memory_space<hbm>>) dst(%dma_wait3A_669 : memref<128xi32, #tpu.memory_space<vmem>>)
      %dma_start3A_671 = arith.constant 0 : i32
      %dma_start3A_672 = arith.constant 0 : i32
      %dma_start3A_673 = arith.constant 0 : i32
      %dma_start3A_674 = tpu.memref_slice %arg11[%dma_start3A_672, %dma_start3A_673] : memref<1920x8xf32, #tpu.memory_space<vmem>> -> memref<128x8xf32, #tpu.memory_space<vmem>>
      %dma_start3A_675 = arith.constant 0 : i32
      %dma_start3A_676 = tpu.memref_slice %arg9[%dma_start3A_671, %dma_start3A_675] : memref<15x128xi32, #tpu.memory_space<vmem>> -> memref<1x128xi32, #tpu.memory_space<vmem>>
      %dma_start3A_677 = tpu.memref_squeeze %dma_start3A_676 : memref<1x128xi32, #tpu.memory_space<vmem>> -> memref<128xi32, #tpu.memory_space<vmem>>
      %dma_start3A_678 = arith.constant 0 : i32
      %dma_start3A_679 = arith.constant 0 : i32
      %dma_start3A_680 = tpu.memref_slice %arg13[%dma_start3A_678, %dma_start3A_679] : memref<100352x8xf32, #tpu.memory_space<vmem_shared>> -> memref<100352x8xf32, #tpu.memory_space<vmem_shared>>
      tpu.enqueue_indirect_dma source(%dma_start3A_674 : memref<128x8xf32, #tpu.memory_space<vmem>>) target(%dma_start3A_680 : memref<100352x8xf32, #tpu.memory_space<vmem_shared>>) offsets(%dma_start3A_677 : memref<128xi32, #tpu.memory_space<vmem>>) semaphore(%arg14 : memref<!tpu.dma_semaphore, #tpu.memory_space<semaphore_mem>>) {add = true}
      %dma_start3A_681 = arith.constant 0 : i32
      %dma_start3A_682 = arith.constant 0 : i32
      %dma_start3A_683 = tpu.memref_slice %arg10[%dma_start3A_681, %dma_start3A_682] : memref<15x128xi32, #tpu.memory_space<vmem>> -> memref<1x128xi32, #tpu.memory_space<vmem>>
      %dma_start3A_684 = tpu.memref_squeeze %dma_start3A_683 : memref<1x128xi32, #tpu.memory_space<vmem>> -> memref<128xi32, #tpu.memory_space<vmem>>
      %dma_start3A_685 = arith.constant 0 : i32
      %dma_start3A_686 = arith.constant 0 : i32
      %dma_start3A_687 = tpu.memref_slice %arg13[%dma_start3A_685, %dma_start3A_686] : memref<100352x8xf32, #tpu.memory_space<vmem_shared>> -> memref<100352x8xf32, #tpu.memory_space<vmem_shared>>
      tpu.enqueue_indirect_dma source(%arg12 : memref<128x8xf32, #tpu.memory_space<vmem>>) target(%dma_start3A_687 : memref<100352x8xf32, #tpu.memory_space<vmem_shared>>) offsets(%dma_start3A_684 : memref<128xi32, #tpu.memory_space<vmem>>) semaphore(%arg14 : memref<!tpu.dma_semaphore, #tpu.memory_space<semaphore_mem>>) {add = true}
      %dma_start3A_688 = arith.constant 1 : i32
      %dma_start3A_689 = arith.constant 128 : i32
      %dma_start3A_690 = arith.constant 0 : i32
      %dma_start3A_691 = tpu.memref_slice %arg11[%dma_start3A_689, %dma_start3A_690] : memref<1920x8xf32, #tpu.memory_space<vmem>> -> memref<128x8xf32, #tpu.memory_space<vmem>>
      %dma_start3A_692 = arith.constant 0 : i32
      %dma_start3A_693 = tpu.memref_slice %arg9[%dma_start3A_688, %dma_start3A_692] : memref<15x128xi32, #tpu.memory_space<vmem>> -> memref<1x128xi32, #tpu.memory_space<vmem>>
      %dma_start3A_694 = tpu.memref_squeeze %dma_start3A_693 : memref<1x128xi32, #tpu.memory_space<vmem>> -> memref<128xi32, #tpu.memory_space<vmem>>
      %dma_start3A_695 = arith.constant 0 : i32
      %dma_start3A_696 = arith.constant 0 : i32
      %dma_start3A_697 = tpu.memref_slice %arg13[%dma_start3A_695, %dma_start3A_696] : memref<100352x8xf32, #tpu.memory_space<vmem_shared>> -> memref<100352x8xf32, #tpu.memory_space<vmem_shared>>
      tpu.enqueue_indirect_dma source(%dma_start3A_691 : memref<128x8xf32, #tpu.memory_space<vmem>>) target(%dma_start3A_697 : memref<100352x8xf32, #tpu.memory_space<vmem_shared>>) offsets(%dma_start3A_694 : memref<128xi32, #tpu.memory_space<vmem>>) semaphore(%arg14 : memref<!tpu.dma_semaphore, #tpu.memory_space<semaphore_mem>>) {add = true}
      %dma_start3A_698 = arith.constant 1 : i32
      %dma_start3A_699 = arith.constant 0 : i32
      %dma_start3A_700 = tpu.memref_slice %arg10[%dma_start3A_698, %dma_start3A_699] : memref<15x128xi32, #tpu.memory_space<vmem>> -> memref<1x128xi32, #tpu.memory_space<vmem>>
      %dma_start3A_701 = tpu.memref_squeeze %dma_start3A_700 : memref<1x128xi32, #tpu.memory_space<vmem>> -> memref<128xi32, #tpu.memory_space<vmem>>
      %dma_start3A_702 = arith.constant 0 : i32
      %dma_start3A_703 = arith.constant 0 : i32
      %dma_start3A_704 = tpu.memref_slice %arg13[%dma_start3A_702, %dma_start3A_703] : memref<100352x8xf32, #tpu.memory_space<vmem_shared>> -> memref<100352x8xf32, #tpu.memory_space<vmem_shared>>
      tpu.enqueue_indirect_dma source(%arg12 : memref<128x8xf32, #tpu.memory_space<vmem>>) target(%dma_start3A_704 : memref<100352x8xf32, #tpu.memory_space<vmem_shared>>) offsets(%dma_start3A_701 : memref<128xi32, #tpu.memory_space<vmem>>) semaphore(%arg14 : memref<!tpu.dma_semaphore, #tpu.memory_space<semaphore_mem>>) {add = true}
      %dma_start3A_705 = arith.constant 2 : i32
      %dma_start3A_706 = arith.constant 256 : i32
      %dma_start3A_707 = arith.constant 0 : i32
      %dma_start3A_708 = tpu.memref_slice %arg11[%dma_start3A_706, %dma_start3A_707] : memref<1920x8xf32, #tpu.memory_space<vmem>> -> memref<128x8xf32, #tpu.memory_space<vmem>>
      %dma_start3A_709 = arith.constant 0 : i32
      %dma_start3A_710 = tpu.memref_slice %arg9[%dma_start3A_705, %dma_start3A_709] : memref<15x128xi32, #tpu.memory_space<vmem>> -> memref<1x128xi32, #tpu.memory_space<vmem>>
      %dma_start3A_711 = tpu.memref_squeeze %dma_start3A_710 : memref<1x128xi32, #tpu.memory_space<vmem>> -> memref<128xi32, #tpu.memory_space<vmem>>
      %dma_start3A_712 = arith.constant 0 : i32
      %dma_start3A_713 = arith.constant 0 : i32
      %dma_start3A_714 = tpu.memref_slice %arg13[%dma_start3A_712, %dma_start3A_713] : memref<100352x8xf32, #tpu.memory_space<vmem_shared>> -> memref<100352x8xf32, #tpu.memory_space<vmem_shared>>
      tpu.enqueue_indirect_dma source(%dma_start3A_708 : memref<128x8xf32, #tpu.memory_space<vmem>>) target(%dma_start3A_714 : memref<100352x8xf32, #tpu.memory_space<vmem_shared>>) offsets(%dma_start3A_711 : memref<128xi32, #tpu.memory_space<vmem>>) semaphore(%arg14 : memref<!tpu.dma_semaphore, #tpu.memory_space<semaphore_mem>>) {add = true}
      %dma_start3A_715 = arith.constant 2 : i32
      %dma_start3A_716 = arith.constant 0 : i32
      %dma_start3A_717 = tpu.memref_slice %arg10[%dma_start3A_715, %dma_start3A_716] : memref<15x128xi32, #tpu.memory_space<vmem>> -> memref<1x128xi32, #tpu.memory_space<vmem>>
      %dma_start3A_718 = tpu.memref_squeeze %dma_start3A_717 : memref<1x128xi32, #tpu.memory_space<vmem>> -> memref<128xi32, #tpu.memory_space<vmem>>
      %dma_start3A_719 = arith.constant 0 : i32
      %dma_start3A_720 = arith.constant 0 : i32
      %dma_start3A_721 = tpu.memref_slice %arg13[%dma_start3A_719, %dma_start3A_720] : memref<100352x8xf32, #tpu.memory_space<vmem_shared>> -> memref<100352x8xf32, #tpu.memory_space<vmem_shared>>
      tpu.enqueue_indirect_dma source(%arg12 : memref<128x8xf32, #tpu.memory_space<vmem>>) target(%dma_start3A_721 : memref<100352x8xf32, #tpu.memory_space<vmem_shared>>) offsets(%dma_start3A_718 : memref<128xi32, #tpu.memory_space<vmem>>) semaphore(%arg14 : memref<!tpu.dma_semaphore, #tpu.memory_space<semaphore_mem>>) {add = true}
      %dma_start3A_722 = arith.constant 3 : i32
      %dma_start3A_723 = arith.constant 384 : i32
      %dma_start3A_724 = arith.constant 0 : i32
      %dma_start3A_725 = tpu.memref_slice %arg11[%dma_start3A_723, %dma_start3A_724] : memref<1920x8xf32, #tpu.memory_space<vmem>> -> memref<128x8xf32, #tpu.memory_space<vmem>>
      %dma_start3A_726 = arith.constant 0 : i32
      %dma_start3A_727 = tpu.memref_slice %arg9[%dma_start3A_722, %dma_start3A_726] : memref<15x128xi32, #tpu.memory_space<vmem>> -> memref<1x128xi32, #tpu.memory_space<vmem>>
      %dma_start3A_728 = tpu.memref_squeeze %dma_start3A_727 : memref<1x128xi32, #tpu.memory_space<vmem>> -> memref<128xi32, #tpu.memory_space<vmem>>
      %dma_start3A_729 = arith.constant 0 : i32
      %dma_start3A_730 = arith.constant 0 : i32
      %dma_start3A_731 = tpu.memref_slice %arg13[%dma_start3A_729, %dma_start3A_730] : memref<100352x8xf32, #tpu.memory_space<vmem_shared>> -> memref<100352x8xf32, #tpu.memory_space<vmem_shared>>
      tpu.enqueue_indirect_dma source(%dma_start3A_725 : memref<128x8xf32, #tpu.memory_space<vmem>>) target(%dma_start3A_731 : memref<100352x8xf32, #tpu.memory_space<vmem_shared>>) offsets(%dma_start3A_728 : memref<128xi32, #tpu.memory_space<vmem>>) semaphore(%arg14 : memref<!tpu.dma_semaphore, #tpu.memory_space<semaphore_mem>>) {add = true}
      %dma_start3A_732 = arith.constant 3 : i32
      %dma_start3A_733 = arith.constant 0 : i32
      %dma_start3A_734 = tpu.memref_slice %arg10[%dma_start3A_732, %dma_start3A_733] : memref<15x128xi32, #tpu.memory_space<vmem>> -> memref<1x128xi32, #tpu.memory_space<vmem>>
      %dma_start3A_735 = tpu.memref_squeeze %dma_start3A_734 : memref<1x128xi32, #tpu.memory_space<vmem>> -> memref<128xi32, #tpu.memory_space<vmem>>
      %dma_start3A_736 = arith.constant 0 : i32
      %dma_start3A_737 = arith.constant 0 : i32
      %dma_start3A_738 = tpu.memref_slice %arg13[%dma_start3A_736, %dma_start3A_737] : memref<100352x8xf32, #tpu.memory_space<vmem_shared>> -> memref<100352x8xf32, #tpu.memory_space<vmem_shared>>
      tpu.enqueue_indirect_dma source(%arg12 : memref<128x8xf32, #tpu.memory_space<vmem>>) target(%dma_start3A_738 : memref<100352x8xf32, #tpu.memory_space<vmem_shared>>) offsets(%dma_start3A_735 : memref<128xi32, #tpu.memory_space<vmem>>) semaphore(%arg14 : memref<!tpu.dma_semaphore, #tpu.memory_space<semaphore_mem>>) {add = true}
      %dma_start3A_739 = arith.constant 4 : i32
      %dma_start3A_740 = arith.constant 512 : i32
      %dma_start3A_741 = arith.constant 0 : i32
      %dma_start3A_742 = tpu.memref_slice %arg11[%dma_start3A_740, %dma_start3A_741] : memref<1920x8xf32, #tpu.memory_space<vmem>> -> memref<128x8xf32, #tpu.memory_space<vmem>>
      %dma_start3A_743 = arith.constant 0 : i32
      %dma_start3A_744 = tpu.memref_slice %arg9[%dma_start3A_739, %dma_start3A_743] : memref<15x128xi32, #tpu.memory_space<vmem>> -> memref<1x128xi32, #tpu.memory_space<vmem>>
      %dma_start3A_745 = tpu.memref_squeeze %dma_start3A_744 : memref<1x128xi32, #tpu.memory_space<vmem>> -> memref<128xi32, #tpu.memory_space<vmem>>
      %dma_start3A_746 = arith.constant 0 : i32
      %dma_start3A_747 = arith.constant 0 : i32
      %dma_start3A_748 = tpu.memref_slice %arg13[%dma_start3A_746, %dma_start3A_747] : memref<100352x8xf32, #tpu.memory_space<vmem_shared>> -> memref<100352x8xf32, #tpu.memory_space<vmem_shared>>
      tpu.enqueue_indirect_dma source(%dma_start3A_742 : memref<128x8xf32, #tpu.memory_space<vmem>>) target(%dma_start3A_748 : memref<100352x8xf32, #tpu.memory_space<vmem_shared>>) offsets(%dma_start3A_745 : memref<128xi32, #tpu.memory_space<vmem>>) semaphore(%arg14 : memref<!tpu.dma_semaphore, #tpu.memory_space<semaphore_mem>>) {add = true}
      %dma_start3A_749 = arith.constant 4 : i32
      %dma_start3A_750 = arith.constant 0 : i32
      %dma_start3A_751 = tpu.memref_slice %arg10[%dma_start3A_749, %dma_start3A_750] : memref<15x128xi32, #tpu.memory_space<vmem>> -> memref<1x128xi32, #tpu.memory_space<vmem>>
      %dma_start3A_752 = tpu.memref_squeeze %dma_start3A_751 : memref<1x128xi32, #tpu.memory_space<vmem>> -> memref<128xi32, #tpu.memory_space<vmem>>
      %dma_start3A_753 = arith.constant 0 : i32
      %dma_start3A_754 = arith.constant 0 : i32
      %dma_start3A_755 = tpu.memref_slice %arg13[%dma_start3A_753, %dma_start3A_754] : memref<100352x8xf32, #tpu.memory_space<vmem_shared>> -> memref<100352x8xf32, #tpu.memory_space<vmem_shared>>
      tpu.enqueue_indirect_dma source(%arg12 : memref<128x8xf32, #tpu.memory_space<vmem>>) target(%dma_start3A_755 : memref<100352x8xf32, #tpu.memory_space<vmem_shared>>) offsets(%dma_start3A_752 : memref<128xi32, #tpu.memory_space<vmem>>) semaphore(%arg14 : memref<!tpu.dma_semaphore, #tpu.memory_space<semaphore_mem>>) {add = true}
      %dma_start3A_756 = arith.constant 5 : i32
      %dma_start3A_757 = arith.constant 640 : i32
      %dma_start3A_758 = arith.constant 0 : i32
      %dma_start3A_759 = tpu.memref_slice %arg11[%dma_start3A_757, %dma_start3A_758] : memref<1920x8xf32, #tpu.memory_space<vmem>> -> memref<128x8xf32, #tpu.memory_space<vmem>>
      %dma_start3A_760 = arith.constant 0 : i32
      %dma_start3A_761 = tpu.memref_slice %arg9[%dma_start3A_756, %dma_start3A_760] : memref<15x128xi32, #tpu.memory_space<vmem>> -> memref<1x128xi32, #tpu.memory_space<vmem>>
      %dma_start3A_762 = tpu.memref_squeeze %dma_start3A_761 : memref<1x128xi32, #tpu.memory_space<vmem>> -> memref<128xi32, #tpu.memory_space<vmem>>
      %dma_start3A_763 = arith.constant 0 : i32
      %dma_start3A_764 = arith.constant 0 : i32
      %dma_start3A_765 = tpu.memref_slice %arg13[%dma_start3A_763, %dma_start3A_764] : memref<100352x8xf32, #tpu.memory_space<vmem_shared>> -> memref<100352x8xf32, #tpu.memory_space<vmem_shared>>
      tpu.enqueue_indirect_dma source(%dma_start3A_759 : memref<128x8xf32, #tpu.memory_space<vmem>>) target(%dma_start3A_765 : memref<100352x8xf32, #tpu.memory_space<vmem_shared>>) offsets(%dma_start3A_762 : memref<128xi32, #tpu.memory_space<vmem>>) semaphore(%arg14 : memref<!tpu.dma_semaphore, #tpu.memory_space<semaphore_mem>>) {add = true}
      %dma_start3A_766 = arith.constant 5 : i32
      %dma_start3A_767 = arith.constant 0 : i32
      %dma_start3A_768 = tpu.memref_slice %arg10[%dma_start3A_766, %dma_start3A_767] : memref<15x128xi32, #tpu.memory_space<vmem>> -> memref<1x128xi32, #tpu.memory_space<vmem>>
      %dma_start3A_769 = tpu.memref_squeeze %dma_start3A_768 : memref<1x128xi32, #tpu.memory_space<vmem>> -> memref<128xi32, #tpu.memory_space<vmem>>
      %dma_start3A_770 = arith.constant 0 : i32
      %dma_start3A_771 = arith.constant 0 : i32
      %dma_start3A_772 = tpu.memref_slice %arg13[%dma_start3A_770, %dma_start3A_771] : memref<100352x8xf32, #tpu.memory_space<vmem_shared>> -> memref<100352x8xf32, #tpu.memory_space<vmem_shared>>
      tpu.enqueue_indirect_dma source(%arg12 : memref<128x8xf32, #tpu.memory_space<vmem>>) target(%dma_start3A_772 : memref<100352x8xf32, #tpu.memory_space<vmem_shared>>) offsets(%dma_start3A_769 : memref<128xi32, #tpu.memory_space<vmem>>) semaphore(%arg14 : memref<!tpu.dma_semaphore, #tpu.memory_space<semaphore_mem>>) {add = true}
      %dma_start3A_773 = arith.constant 6 : i32
      %dma_start3A_774 = arith.constant 768 : i32
      %dma_start3A_775 = arith.constant 0 : i32
      %dma_start3A_776 = tpu.memref_slice %arg11[%dma_start3A_774, %dma_start3A_775] : memref<1920x8xf32, #tpu.memory_space<vmem>> -> memref<128x8xf32, #tpu.memory_space<vmem>>
      %dma_start3A_777 = arith.constant 0 : i32
      %dma_start3A_778 = tpu.memref_slice %arg9[%dma_start3A_773, %dma_start3A_777] : memref<15x128xi32, #tpu.memory_space<vmem>> -> memref<1x128xi32, #tpu.memory_space<vmem>>
      %dma_start3A_779 = tpu.memref_squeeze %dma_start3A_778 : memref<1x128xi32, #tpu.memory_space<vmem>> -> memref<128xi32, #tpu.memory_space<vmem>>
      %dma_start3A_780 = arith.constant 0 : i32
      %dma_start3A_781 = arith.constant 0 : i32
      %dma_start3A_782 = tpu.memref_slice %arg13[%dma_start3A_780, %dma_start3A_781] : memref<100352x8xf32, #tpu.memory_space<vmem_shared>> -> memref<100352x8xf32, #tpu.memory_space<vmem_shared>>
      tpu.enqueue_indirect_dma source(%dma_start3A_776 : memref<128x8xf32, #tpu.memory_space<vmem>>) target(%dma_start3A_782 : memref<100352x8xf32, #tpu.memory_space<vmem_shared>>) offsets(%dma_start3A_779 : memref<128xi32, #tpu.memory_space<vmem>>) semaphore(%arg14 : memref<!tpu.dma_semaphore, #tpu.memory_space<semaphore_mem>>) {add = true}
      %dma_start3A_783 = arith.constant 6 : i32
      %dma_start3A_784 = arith.constant 0 : i32
      %dma_start3A_785 = tpu.memref_slice %arg10[%dma_start3A_783, %dma_start3A_784] : memref<15x128xi32, #tpu.memory_space<vmem>> -> memref<1x128xi32, #tpu.memory_space<vmem>>
      %dma_start3A_786 = tpu.memref_squeeze %dma_start3A_785 : memref<1x128xi32, #tpu.memory_space<vmem>> -> memref<128xi32, #tpu.memory_space<vmem>>
      %dma_start3A_787 = arith.constant 0 : i32
      %dma_start3A_788 = arith.constant 0 : i32
      %dma_start3A_789 = tpu.memref_slice %arg13[%dma_start3A_787, %dma_start3A_788] : memref<100352x8xf32, #tpu.memory_space<vmem_shared>> -> memref<100352x8xf32, #tpu.memory_space<vmem_shared>>
      tpu.enqueue_indirect_dma source(%arg12 : memref<128x8xf32, #tpu.memory_space<vmem>>) target(%dma_start3A_789 : memref<100352x8xf32, #tpu.memory_space<vmem_shared>>) offsets(%dma_start3A_786 : memref<128xi32, #tpu.memory_space<vmem>>) semaphore(%arg14 : memref<!tpu.dma_semaphore, #tpu.memory_space<semaphore_mem>>) {add = true}
      %dma_start3A_790 = arith.constant 7 : i32
      %dma_start3A_791 = arith.constant 896 : i32
      %dma_start3A_792 = arith.constant 0 : i32
      %dma_start3A_793 = tpu.memref_slice %arg11[%dma_start3A_791, %dma_start3A_792] : memref<1920x8xf32, #tpu.memory_space<vmem>> -> memref<128x8xf32, #tpu.memory_space<vmem>>
      %dma_start3A_794 = arith.constant 0 : i32
      %dma_start3A_795 = tpu.memref_slice %arg9[%dma_start3A_790, %dma_start3A_794] : memref<15x128xi32, #tpu.memory_space<vmem>> -> memref<1x128xi32, #tpu.memory_space<vmem>>
      %dma_start3A_796 = tpu.memref_squeeze %dma_start3A_795 : memref<1x128xi32, #tpu.memory_space<vmem>> -> memref<128xi32, #tpu.memory_space<vmem>>
      %dma_start3A_797 = arith.constant 0 : i32
      %dma_start3A_798 = arith.constant 0 : i32
      %dma_start3A_799 = tpu.memref_slice %arg13[%dma_start3A_797, %dma_start3A_798] : memref<100352x8xf32, #tpu.memory_space<vmem_shared>> -> memref<100352x8xf32, #tpu.memory_space<vmem_shared>>
      tpu.enqueue_indirect_dma source(%dma_start3A_793 : memref<128x8xf32, #tpu.memory_space<vmem>>) target(%dma_start3A_799 : memref<100352x8xf32, #tpu.memory_space<vmem_shared>>) offsets(%dma_start3A_796 : memref<128xi32, #tpu.memory_space<vmem>>) semaphore(%arg14 : memref<!tpu.dma_semaphore, #tpu.memory_space<semaphore_mem>>) {add = true}
      %dma_start3A_800 = arith.constant 7 : i32
      %dma_start3A_801 = arith.constant 0 : i32
      %dma_start3A_802 = tpu.memref_slice %arg10[%dma_start3A_800, %dma_start3A_801] : memref<15x128xi32, #tpu.memory_space<vmem>> -> memref<1x128xi32, #tpu.memory_space<vmem>>
      %dma_start3A_803 = tpu.memref_squeeze %dma_start3A_802 : memref<1x128xi32, #tpu.memory_space<vmem>> -> memref<128xi32, #tpu.memory_space<vmem>>
      %dma_start3A_804 = arith.constant 0 : i32
      %dma_start3A_805 = arith.constant 0 : i32
      %dma_start3A_806 = tpu.memref_slice %arg13[%dma_start3A_804, %dma_start3A_805] : memref<100352x8xf32, #tpu.memory_space<vmem_shared>> -> memref<100352x8xf32, #tpu.memory_space<vmem_shared>>
      tpu.enqueue_indirect_dma source(%arg12 : memref<128x8xf32, #tpu.memory_space<vmem>>) target(%dma_start3A_806 : memref<100352x8xf32, #tpu.memory_space<vmem_shared>>) offsets(%dma_start3A_803 : memref<128xi32, #tpu.memory_space<vmem>>) semaphore(%arg14 : memref<!tpu.dma_semaphore, #tpu.memory_space<semaphore_mem>>) {add = true}
      %dma_start3A_807 = arith.constant 8 : i32
      %dma_start3A_808 = arith.constant 1024 : i32
      %dma_start3A_809 = arith.constant 0 : i32
      %dma_start3A_810 = tpu.memref_slice %arg11[%dma_start3A_808, %dma_start3A_809] : memref<1920x8xf32, #tpu.memory_space<vmem>> -> memref<128x8xf32, #tpu.memory_space<vmem>>
      %dma_start3A_811 = arith.constant 0 : i32
      %dma_start3A_812 = tpu.memref_slice %arg9[%dma_start3A_807, %dma_start3A_811] : memref<15x128xi32, #tpu.memory_space<vmem>> -> memref<1x128xi32, #tpu.memory_space<vmem>>
      %dma_start3A_813 = tpu.memref_squeeze %dma_start3A_812 : memref<1x128xi32, #tpu.memory_space<vmem>> -> memref<128xi32, #tpu.memory_space<vmem>>
      %dma_start3A_814 = arith.constant 0 : i32
      %dma_start3A_815 = arith.constant 0 : i32
      %dma_start3A_816 = tpu.memref_slice %arg13[%dma_start3A_814, %dma_start3A_815] : memref<100352x8xf32, #tpu.memory_space<vmem_shared>> -> memref<100352x8xf32, #tpu.memory_space<vmem_shared>>
      tpu.enqueue_indirect_dma source(%dma_start3A_810 : memref<128x8xf32, #tpu.memory_space<vmem>>) target(%dma_start3A_816 : memref<100352x8xf32, #tpu.memory_space<vmem_shared>>) offsets(%dma_start3A_813 : memref<128xi32, #tpu.memory_space<vmem>>) semaphore(%arg14 : memref<!tpu.dma_semaphore, #tpu.memory_space<semaphore_mem>>) {add = true}
      %dma_start3A_817 = arith.constant 8 : i32
      %dma_start3A_818 = arith.constant 0 : i32
      %dma_start3A_819 = tpu.memref_slice %arg10[%dma_start3A_817, %dma_start3A_818] : memref<15x128xi32, #tpu.memory_space<vmem>> -> memref<1x128xi32, #tpu.memory_space<vmem>>
      %dma_start3A_820 = tpu.memref_squeeze %dma_start3A_819 : memref<1x128xi32, #tpu.memory_space<vmem>> -> memref<128xi32, #tpu.memory_space<vmem>>
      %dma_start3A_821 = arith.constant 0 : i32
      %dma_start3A_822 = arith.constant 0 : i32
      %dma_start3A_823 = tpu.memref_slice %arg13[%dma_start3A_821, %dma_start3A_822] : memref<100352x8xf32, #tpu.memory_space<vmem_shared>> -> memref<100352x8xf32, #tpu.memory_space<vmem_shared>>
      tpu.enqueue_indirect_dma source(%arg12 : memref<128x8xf32, #tpu.memory_space<vmem>>) target(%dma_start3A_823 : memref<100352x8xf32, #tpu.memory_space<vmem_shared>>) offsets(%dma_start3A_820 : memref<128xi32, #tpu.memory_space<vmem>>) semaphore(%arg14 : memref<!tpu.dma_semaphore, #tpu.memory_space<semaphore_mem>>) {add = true}
      %dma_start3A_824 = arith.constant 9 : i32
      %dma_start3A_825 = arith.constant 1152 : i32
      %dma_start3A_826 = arith.constant 0 : i32
      %dma_start3A_827 = tpu.memref_slice %arg11[%dma_start3A_825, %dma_start3A_826] : memref<1920x8xf32, #tpu.memory_space<vmem>> -> memref<128x8xf32, #tpu.memory_space<vmem>>
      %dma_start3A_828 = arith.constant 0 : i32
      %dma_start3A_829 = tpu.memref_slice %arg9[%dma_start3A_824, %dma_start3A_828] : memref<15x128xi32, #tpu.memory_space<vmem>> -> memref<1x128xi32, #tpu.memory_space<vmem>>
      %dma_start3A_830 = tpu.memref_squeeze %dma_start3A_829 : memref<1x128xi32, #tpu.memory_space<vmem>> -> memref<128xi32, #tpu.memory_space<vmem>>
      %dma_start3A_831 = arith.constant 0 : i32
      %dma_start3A_832 = arith.constant 0 : i32
      %dma_start3A_833 = tpu.memref_slice %arg13[%dma_start3A_831, %dma_start3A_832] : memref<100352x8xf32, #tpu.memory_space<vmem_shared>> -> memref<100352x8xf32, #tpu.memory_space<vmem_shared>>
      tpu.enqueue_indirect_dma source(%dma_start3A_827 : memref<128x8xf32, #tpu.memory_space<vmem>>) target(%dma_start3A_833 : memref<100352x8xf32, #tpu.memory_space<vmem_shared>>) offsets(%dma_start3A_830 : memref<128xi32, #tpu.memory_space<vmem>>) semaphore(%arg14 : memref<!tpu.dma_semaphore, #tpu.memory_space<semaphore_mem>>) {add = true}
      %dma_start3A_834 = arith.constant 9 : i32
      %dma_start3A_835 = arith.constant 0 : i32
      %dma_start3A_836 = tpu.memref_slice %arg10[%dma_start3A_834, %dma_start3A_835] : memref<15x128xi32, #tpu.memory_space<vmem>> -> memref<1x128xi32, #tpu.memory_space<vmem>>
      %dma_start3A_837 = tpu.memref_squeeze %dma_start3A_836 : memref<1x128xi32, #tpu.memory_space<vmem>> -> memref<128xi32, #tpu.memory_space<vmem>>
      %dma_start3A_838 = arith.constant 0 : i32
      %dma_start3A_839 = arith.constant 0 : i32
      %dma_start3A_840 = tpu.memref_slice %arg13[%dma_start3A_838, %dma_start3A_839] : memref<100352x8xf32, #tpu.memory_space<vmem_shared>> -> memref<100352x8xf32, #tpu.memory_space<vmem_shared>>
      tpu.enqueue_indirect_dma source(%arg12 : memref<128x8xf32, #tpu.memory_space<vmem>>) target(%dma_start3A_840 : memref<100352x8xf32, #tpu.memory_space<vmem_shared>>) offsets(%dma_start3A_837 : memref<128xi32, #tpu.memory_space<vmem>>) semaphore(%arg14 : memref<!tpu.dma_semaphore, #tpu.memory_space<semaphore_mem>>) {add = true}
      %dma_start3A_841 = arith.constant 10 : i32
      %dma_start3A_842 = arith.constant 1280 : i32
      %dma_start3A_843 = arith.constant 0 : i32
      %dma_start3A_844 = tpu.memref_slice %arg11[%dma_start3A_842, %dma_start3A_843] : memref<1920x8xf32, #tpu.memory_space<vmem>> -> memref<128x8xf32, #tpu.memory_space<vmem>>
      %dma_start3A_845 = arith.constant 0 : i32
      %dma_start3A_846 = tpu.memref_slice %arg9[%dma_start3A_841, %dma_start3A_845] : memref<15x128xi32, #tpu.memory_space<vmem>> -> memref<1x128xi32, #tpu.memory_space<vmem>>
      %dma_start3A_847 = tpu.memref_squeeze %dma_start3A_846 : memref<1x128xi32, #tpu.memory_space<vmem>> -> memref<128xi32, #tpu.memory_space<vmem>>
      %dma_start3A_848 = arith.constant 0 : i32
      %dma_start3A_849 = arith.constant 0 : i32
      %dma_start3A_850 = tpu.memref_slice %arg13[%dma_start3A_848, %dma_start3A_849] : memref<100352x8xf32, #tpu.memory_space<vmem_shared>> -> memref<100352x8xf32, #tpu.memory_space<vmem_shared>>
      tpu.enqueue_indirect_dma source(%dma_start3A_844 : memref<128x8xf32, #tpu.memory_space<vmem>>) target(%dma_start3A_850 : memref<100352x8xf32, #tpu.memory_space<vmem_shared>>) offsets(%dma_start3A_847 : memref<128xi32, #tpu.memory_space<vmem>>) semaphore(%arg14 : memref<!tpu.dma_semaphore, #tpu.memory_space<semaphore_mem>>) {add = true}
      %dma_start3A_851 = arith.constant 10 : i32
      %dma_start3A_852 = arith.constant 0 : i32
      %dma_start3A_853 = tpu.memref_slice %arg10[%dma_start3A_851, %dma_start3A_852] : memref<15x128xi32, #tpu.memory_space<vmem>> -> memref<1x128xi32, #tpu.memory_space<vmem>>
      %dma_start3A_854 = tpu.memref_squeeze %dma_start3A_853 : memref<1x128xi32, #tpu.memory_space<vmem>> -> memref<128xi32, #tpu.memory_space<vmem>>
      %dma_start3A_855 = arith.constant 0 : i32
      %dma_start3A_856 = arith.constant 0 : i32
      %dma_start3A_857 = tpu.memref_slice %arg13[%dma_start3A_855, %dma_start3A_856] : memref<100352x8xf32, #tpu.memory_space<vmem_shared>> -> memref<100352x8xf32, #tpu.memory_space<vmem_shared>>
      tpu.enqueue_indirect_dma source(%arg12 : memref<128x8xf32, #tpu.memory_space<vmem>>) target(%dma_start3A_857 : memref<100352x8xf32, #tpu.memory_space<vmem_shared>>) offsets(%dma_start3A_854 : memref<128xi32, #tpu.memory_space<vmem>>) semaphore(%arg14 : memref<!tpu.dma_semaphore, #tpu.memory_space<semaphore_mem>>) {add = true}
      %dma_start3A_858 = arith.constant 11 : i32
      %dma_start3A_859 = arith.constant 1408 : i32
      %dma_start3A_860 = arith.constant 0 : i32
      %dma_start3A_861 = tpu.memref_slice %arg11[%dma_start3A_859, %dma_start3A_860] : memref<1920x8xf32, #tpu.memory_space<vmem>> -> memref<128x8xf32, #tpu.memory_space<vmem>>
      %dma_start3A_862 = arith.constant 0 : i32
      %dma_start3A_863 = tpu.memref_slice %arg9[%dma_start3A_858, %dma_start3A_862] : memref<15x128xi32, #tpu.memory_space<vmem>> -> memref<1x128xi32, #tpu.memory_space<vmem>>
      %dma_start3A_864 = tpu.memref_squeeze %dma_start3A_863 : memref<1x128xi32, #tpu.memory_space<vmem>> -> memref<128xi32, #tpu.memory_space<vmem>>
      %dma_start3A_865 = arith.constant 0 : i32
      %dma_start3A_866 = arith.constant 0 : i32
      %dma_start3A_867 = tpu.memref_slice %arg13[%dma_start3A_865, %dma_start3A_866] : memref<100352x8xf32, #tpu.memory_space<vmem_shared>> -> memref<100352x8xf32, #tpu.memory_space<vmem_shared>>
      tpu.enqueue_indirect_dma source(%dma_start3A_861 : memref<128x8xf32, #tpu.memory_space<vmem>>) target(%dma_start3A_867 : memref<100352x8xf32, #tpu.memory_space<vmem_shared>>) offsets(%dma_start3A_864 : memref<128xi32, #tpu.memory_space<vmem>>) semaphore(%arg14 : memref<!tpu.dma_semaphore, #tpu.memory_space<semaphore_mem>>) {add = true}
      %dma_start3A_868 = arith.constant 11 : i32
      %dma_start3A_869 = arith.constant 0 : i32
      %dma_start3A_870 = tpu.memref_slice %arg10[%dma_start3A_868, %dma_start3A_869] : memref<15x128xi32, #tpu.memory_space<vmem>> -> memref<1x128xi32, #tpu.memory_space<vmem>>
      %dma_start3A_871 = tpu.memref_squeeze %dma_start3A_870 : memref<1x128xi32, #tpu.memory_space<vmem>> -> memref<128xi32, #tpu.memory_space<vmem>>
      %dma_start3A_872 = arith.constant 0 : i32
      %dma_start3A_873 = arith.constant 0 : i32
      %dma_start3A_874 = tpu.memref_slice %arg13[%dma_start3A_872, %dma_start3A_873] : memref<100352x8xf32, #tpu.memory_space<vmem_shared>> -> memref<100352x8xf32, #tpu.memory_space<vmem_shared>>
      tpu.enqueue_indirect_dma source(%arg12 : memref<128x8xf32, #tpu.memory_space<vmem>>) target(%dma_start3A_874 : memref<100352x8xf32, #tpu.memory_space<vmem_shared>>) offsets(%dma_start3A_871 : memref<128xi32, #tpu.memory_space<vmem>>) semaphore(%arg14 : memref<!tpu.dma_semaphore, #tpu.memory_space<semaphore_mem>>) {add = true}
      %dma_start3A_875 = arith.constant 12 : i32
      %dma_start3A_876 = arith.constant 1536 : i32
      %dma_start3A_877 = arith.constant 0 : i32
      %dma_start3A_878 = tpu.memref_slice %arg11[%dma_start3A_876, %dma_start3A_877] : memref<1920x8xf32, #tpu.memory_space<vmem>> -> memref<128x8xf32, #tpu.memory_space<vmem>>
      %dma_start3A_879 = arith.constant 0 : i32
      %dma_start3A_880 = tpu.memref_slice %arg9[%dma_start3A_875, %dma_start3A_879] : memref<15x128xi32, #tpu.memory_space<vmem>> -> memref<1x128xi32, #tpu.memory_space<vmem>>
      %dma_start3A_881 = tpu.memref_squeeze %dma_start3A_880 : memref<1x128xi32, #tpu.memory_space<vmem>> -> memref<128xi32, #tpu.memory_space<vmem>>
      %dma_start3A_882 = arith.constant 0 : i32
      %dma_start3A_883 = arith.constant 0 : i32
      %dma_start3A_884 = tpu.memref_slice %arg13[%dma_start3A_882, %dma_start3A_883] : memref<100352x8xf32, #tpu.memory_space<vmem_shared>> -> memref<100352x8xf32, #tpu.memory_space<vmem_shared>>
      tpu.enqueue_indirect_dma source(%dma_start3A_878 : memref<128x8xf32, #tpu.memory_space<vmem>>) target(%dma_start3A_884 : memref<100352x8xf32, #tpu.memory_space<vmem_shared>>) offsets(%dma_start3A_881 : memref<128xi32, #tpu.memory_space<vmem>>) semaphore(%arg14 : memref<!tpu.dma_semaphore, #tpu.memory_space<semaphore_mem>>) {add = true}
      %dma_start3A_885 = arith.constant 12 : i32
      %dma_start3A_886 = arith.constant 0 : i32
      %dma_start3A_887 = tpu.memref_slice %arg10[%dma_start3A_885, %dma_start3A_886] : memref<15x128xi32, #tpu.memory_space<vmem>> -> memref<1x128xi32, #tpu.memory_space<vmem>>
      %dma_start3A_888 = tpu.memref_squeeze %dma_start3A_887 : memref<1x128xi32, #tpu.memory_space<vmem>> -> memref<128xi32, #tpu.memory_space<vmem>>
      %dma_start3A_889 = arith.constant 0 : i32
      %dma_start3A_890 = arith.constant 0 : i32
      %dma_start3A_891 = tpu.memref_slice %arg13[%dma_start3A_889, %dma_start3A_890] : memref<100352x8xf32, #tpu.memory_space<vmem_shared>> -> memref<100352x8xf32, #tpu.memory_space<vmem_shared>>
      tpu.enqueue_indirect_dma source(%arg12 : memref<128x8xf32, #tpu.memory_space<vmem>>) target(%dma_start3A_891 : memref<100352x8xf32, #tpu.memory_space<vmem_shared>>) offsets(%dma_start3A_888 : memref<128xi32, #tpu.memory_space<vmem>>) semaphore(%arg14 : memref<!tpu.dma_semaphore, #tpu.memory_space<semaphore_mem>>) {add = true}
      %dma_start3A_892 = arith.constant 13 : i32
      %dma_start3A_893 = arith.constant 1664 : i32
      %dma_start3A_894 = arith.constant 0 : i32
      %dma_start3A_895 = tpu.memref_slice %arg11[%dma_start3A_893, %dma_start3A_894] : memref<1920x8xf32, #tpu.memory_space<vmem>> -> memref<128x8xf32, #tpu.memory_space<vmem>>
      %dma_start3A_896 = arith.constant 0 : i32
      %dma_start3A_897 = tpu.memref_slice %arg9[%dma_start3A_892, %dma_start3A_896] : memref<15x128xi32, #tpu.memory_space<vmem>> -> memref<1x128xi32, #tpu.memory_space<vmem>>
      %dma_start3A_898 = tpu.memref_squeeze %dma_start3A_897 : memref<1x128xi32, #tpu.memory_space<vmem>> -> memref<128xi32, #tpu.memory_space<vmem>>
      %dma_start3A_899 = arith.constant 0 : i32
      %dma_start3A_900 = arith.constant 0 : i32
      %dma_start3A_901 = tpu.memref_slice %arg13[%dma_start3A_899, %dma_start3A_900] : memref<100352x8xf32, #tpu.memory_space<vmem_shared>> -> memref<100352x8xf32, #tpu.memory_space<vmem_shared>>
      tpu.enqueue_indirect_dma source(%dma_start3A_895 : memref<128x8xf32, #tpu.memory_space<vmem>>) target(%dma_start3A_901 : memref<100352x8xf32, #tpu.memory_space<vmem_shared>>) offsets(%dma_start3A_898 : memref<128xi32, #tpu.memory_space<vmem>>) semaphore(%arg14 : memref<!tpu.dma_semaphore, #tpu.memory_space<semaphore_mem>>) {add = true}
      %dma_start3A_902 = arith.constant 13 : i32
      %dma_start3A_903 = arith.constant 0 : i32
      %dma_start3A_904 = tpu.memref_slice %arg10[%dma_start3A_902, %dma_start3A_903] : memref<15x128xi32, #tpu.memory_space<vmem>> -> memref<1x128xi32, #tpu.memory_space<vmem>>
      %dma_start3A_905 = tpu.memref_squeeze %dma_start3A_904 : memref<1x128xi32, #tpu.memory_space<vmem>> -> memref<128xi32, #tpu.memory_space<vmem>>
      %dma_start3A_906 = arith.constant 0 : i32
      %dma_start3A_907 = arith.constant 0 : i32
      %dma_start3A_908 = tpu.memref_slice %arg13[%dma_start3A_906, %dma_start3A_907] : memref<100352x8xf32, #tpu.memory_space<vmem_shared>> -> memref<100352x8xf32, #tpu.memory_space<vmem_shared>>
      tpu.enqueue_indirect_dma source(%arg12 : memref<128x8xf32, #tpu.memory_space<vmem>>) target(%dma_start3A_908 : memref<100352x8xf32, #tpu.memory_space<vmem_shared>>) offsets(%dma_start3A_905 : memref<128xi32, #tpu.memory_space<vmem>>) semaphore(%arg14 : memref<!tpu.dma_semaphore, #tpu.memory_space<semaphore_mem>>) {add = true}
      %dma_start3A_909 = arith.constant 14 : i32
      %dma_start3A_910 = arith.constant 1792 : i32
      %dma_start3A_911 = arith.constant 0 : i32
      %dma_start3A_912 = tpu.memref_slice %arg11[%dma_start3A_910, %dma_start3A_911] : memref<1920x8xf32, #tpu.memory_space<vmem>> -> memref<128x8xf32, #tpu.memory_space<vmem>>
      %dma_start3A_913 = arith.constant 0 : i32
      %dma_start3A_914 = tpu.memref_slice %arg9[%dma_start3A_909, %dma_start3A_913] : memref<15x128xi32, #tpu.memory_space<vmem>> -> memref<1x128xi32, #tpu.memory_space<vmem>>
      %dma_start3A_915 = tpu.memref_squeeze %dma_start3A_914 : memref<1x128xi32, #tpu.memory_space<vmem>> -> memref<128xi32, #tpu.memory_space<vmem>>
      %dma_start3A_916 = arith.constant 0 : i32
      %dma_start3A_917 = arith.constant 0 : i32
      %dma_start3A_918 = tpu.memref_slice %arg13[%dma_start3A_916, %dma_start3A_917] : memref<100352x8xf32, #tpu.memory_space<vmem_shared>> -> memref<100352x8xf32, #tpu.memory_space<vmem_shared>>
      tpu.enqueue_indirect_dma source(%dma_start3A_912 : memref<128x8xf32, #tpu.memory_space<vmem>>) target(%dma_start3A_918 : memref<100352x8xf32, #tpu.memory_space<vmem_shared>>) offsets(%dma_start3A_915 : memref<128xi32, #tpu.memory_space<vmem>>) semaphore(%arg14 : memref<!tpu.dma_semaphore, #tpu.memory_space<semaphore_mem>>) {add = true}
      %dma_start3A_919 = arith.constant 14 : i32
      %dma_start3A_920 = arith.constant 0 : i32
      %dma_start3A_921 = tpu.memref_slice %arg10[%dma_start3A_919, %dma_start3A_920] : memref<15x128xi32, #tpu.memory_space<vmem>> -> memref<1x128xi32, #tpu.memory_space<vmem>>
      %dma_start3A_922 = tpu.memref_squeeze %dma_start3A_921 : memref<1x128xi32, #tpu.memory_space<vmem>> -> memref<128xi32, #tpu.memory_space<vmem>>
      %dma_start3A_923 = arith.constant 0 : i32
      %dma_start3A_924 = arith.constant 0 : i32
      %dma_start3A_925 = tpu.memref_slice %arg13[%dma_start3A_923, %dma_start3A_924] : memref<100352x8xf32, #tpu.memory_space<vmem_shared>> -> memref<100352x8xf32, #tpu.memory_space<vmem_shared>>
      tpu.enqueue_indirect_dma source(%arg12 : memref<128x8xf32, #tpu.memory_space<vmem>>) target(%dma_start3A_925 : memref<100352x8xf32, #tpu.memory_space<vmem_shared>>) offsets(%dma_start3A_922 : memref<128xi32, #tpu.memory_space<vmem>>) semaphore(%arg14 : memref<!tpu.dma_semaphore, #tpu.memory_space<semaphore_mem>>) {add = true}
      %dma_wait3A_926 = arith.constant 0 : i32
      %dma_wait3A_927 = arith.constant 0 : i32
      %dma_wait3A_928 = arith.constant 0 : i32
      %dma_wait3A_929 = tpu.memref_slice %arg11[%dma_wait3A_927, %dma_wait3A_928] : memref<1920x8xf32, #tpu.memory_space<vmem>> -> memref<128x8xf32, #tpu.memory_space<vmem>>
      %dma_wait3A_930 = arith.constant 0 : i32
      %dma_wait3A_931 = tpu.memref_slice %arg9[%dma_wait3A_926, %dma_wait3A_930] : memref<15x128xi32, #tpu.memory_space<vmem>> -> memref<1x128xi32, #tpu.memory_space<vmem>>
      %dma_wait3A_932 = tpu.memref_squeeze %dma_wait3A_931 : memref<1x128xi32, #tpu.memory_space<vmem>> -> memref<128xi32, #tpu.memory_space<vmem>>
      %dma_wait3A_933 = arith.constant 0 : i32
      %dma_wait3A_934 = arith.constant 0 : i32
      %dma_wait3A_935 = tpu.memref_slice %arg13[%dma_wait3A_933, %dma_wait3A_934] : memref<100352x8xf32, #tpu.memory_space<vmem_shared>> -> memref<100352x8xf32, #tpu.memory_space<vmem_shared>>
      tpu.wait_indirect_dma semaphore(%arg14 : memref<!tpu.dma_semaphore, #tpu.memory_space<semaphore_mem>>) src(%dma_wait3A_929 : memref<128x8xf32, #tpu.memory_space<vmem>>) dst(%dma_wait3A_935 : memref<100352x8xf32, #tpu.memory_space<vmem_shared>>)
      %dma_wait3A_936 = arith.constant 0 : i32
      %dma_wait3A_937 = arith.constant 0 : i32
      %dma_wait3A_938 = tpu.memref_slice %arg10[%dma_wait3A_936, %dma_wait3A_937] : memref<15x128xi32, #tpu.memory_space<vmem>> -> memref<1x128xi32, #tpu.memory_space<vmem>>
      %dma_wait3A_939 = tpu.memref_squeeze %dma_wait3A_938 : memref<1x128xi32, #tpu.memory_space<vmem>> -> memref<128xi32, #tpu.memory_space<vmem>>
      %dma_wait3A_940 = arith.constant 0 : i32
      %dma_wait3A_941 = arith.constant 0 : i32
      %dma_wait3A_942 = tpu.memref_slice %arg13[%dma_wait3A_940, %dma_wait3A_941] : memref<100352x8xf32, #tpu.memory_space<vmem_shared>> -> memref<100352x8xf32, #tpu.memory_space<vmem_shared>>
      tpu.wait_indirect_dma semaphore(%arg14 : memref<!tpu.dma_semaphore, #tpu.memory_space<semaphore_mem>>) src(%arg12 : memref<128x8xf32, #tpu.memory_space<vmem>>) dst(%dma_wait3A_942 : memref<100352x8xf32, #tpu.memory_space<vmem_shared>>)
      %dma_wait3A_943 = arith.constant 1 : i32
      %dma_wait3A_944 = arith.constant 128 : i32
      %dma_wait3A_945 = arith.constant 0 : i32
      %dma_wait3A_946 = tpu.memref_slice %arg11[%dma_wait3A_944, %dma_wait3A_945] : memref<1920x8xf32, #tpu.memory_space<vmem>> -> memref<128x8xf32, #tpu.memory_space<vmem>>
      %dma_wait3A_947 = arith.constant 0 : i32
      %dma_wait3A_948 = tpu.memref_slice %arg9[%dma_wait3A_943, %dma_wait3A_947] : memref<15x128xi32, #tpu.memory_space<vmem>> -> memref<1x128xi32, #tpu.memory_space<vmem>>
      %dma_wait3A_949 = tpu.memref_squeeze %dma_wait3A_948 : memref<1x128xi32, #tpu.memory_space<vmem>> -> memref<128xi32, #tpu.memory_space<vmem>>
      %dma_wait3A_950 = arith.constant 0 : i32
      %dma_wait3A_951 = arith.constant 0 : i32
      %dma_wait3A_952 = tpu.memref_slice %arg13[%dma_wait3A_950, %dma_wait3A_951] : memref<100352x8xf32, #tpu.memory_space<vmem_shared>> -> memref<100352x8xf32, #tpu.memory_space<vmem_shared>>
      tpu.wait_indirect_dma semaphore(%arg14 : memref<!tpu.dma_semaphore, #tpu.memory_space<semaphore_mem>>) src(%dma_wait3A_946 : memref<128x8xf32, #tpu.memory_space<vmem>>) dst(%dma_wait3A_952 : memref<100352x8xf32, #tpu.memory_space<vmem_shared>>)
      %dma_wait3A_953 = arith.constant 1 : i32
      %dma_wait3A_954 = arith.constant 0 : i32
      %dma_wait3A_955 = tpu.memref_slice %arg10[%dma_wait3A_953, %dma_wait3A_954] : memref<15x128xi32, #tpu.memory_space<vmem>> -> memref<1x128xi32, #tpu.memory_space<vmem>>
      %dma_wait3A_956 = tpu.memref_squeeze %dma_wait3A_955 : memref<1x128xi32, #tpu.memory_space<vmem>> -> memref<128xi32, #tpu.memory_space<vmem>>
      %dma_wait3A_957 = arith.constant 0 : i32
      %dma_wait3A_958 = arith.constant 0 : i32
      %dma_wait3A_959 = tpu.memref_slice %arg13[%dma_wait3A_957, %dma_wait3A_958] : memref<100352x8xf32, #tpu.memory_space<vmem_shared>> -> memref<100352x8xf32, #tpu.memory_space<vmem_shared>>
      tpu.wait_indirect_dma semaphore(%arg14 : memref<!tpu.dma_semaphore, #tpu.memory_space<semaphore_mem>>) src(%arg12 : memref<128x8xf32, #tpu.memory_space<vmem>>) dst(%dma_wait3A_959 : memref<100352x8xf32, #tpu.memory_space<vmem_shared>>)
      %dma_wait3A_960 = arith.constant 2 : i32
      %dma_wait3A_961 = arith.constant 256 : i32
      %dma_wait3A_962 = arith.constant 0 : i32
      %dma_wait3A_963 = tpu.memref_slice %arg11[%dma_wait3A_961, %dma_wait3A_962] : memref<1920x8xf32, #tpu.memory_space<vmem>> -> memref<128x8xf32, #tpu.memory_space<vmem>>
      %dma_wait3A_964 = arith.constant 0 : i32
      %dma_wait3A_965 = tpu.memref_slice %arg9[%dma_wait3A_960, %dma_wait3A_964] : memref<15x128xi32, #tpu.memory_space<vmem>> -> memref<1x128xi32, #tpu.memory_space<vmem>>
      %dma_wait3A_966 = tpu.memref_squeeze %dma_wait3A_965 : memref<1x128xi32, #tpu.memory_space<vmem>> -> memref<128xi32, #tpu.memory_space<vmem>>
      %dma_wait3A_967 = arith.constant 0 : i32
      %dma_wait3A_968 = arith.constant 0 : i32
      %dma_wait3A_969 = tpu.memref_slice %arg13[%dma_wait3A_967, %dma_wait3A_968] : memref<100352x8xf32, #tpu.memory_space<vmem_shared>> -> memref<100352x8xf32, #tpu.memory_space<vmem_shared>>
      tpu.wait_indirect_dma semaphore(%arg14 : memref<!tpu.dma_semaphore, #tpu.memory_space<semaphore_mem>>) src(%dma_wait3A_963 : memref<128x8xf32, #tpu.memory_space<vmem>>) dst(%dma_wait3A_969 : memref<100352x8xf32, #tpu.memory_space<vmem_shared>>)
      %dma_wait3A_970 = arith.constant 2 : i32
      %dma_wait3A_971 = arith.constant 0 : i32
      %dma_wait3A_972 = tpu.memref_slice %arg10[%dma_wait3A_970, %dma_wait3A_971] : memref<15x128xi32, #tpu.memory_space<vmem>> -> memref<1x128xi32, #tpu.memory_space<vmem>>
      %dma_wait3A_973 = tpu.memref_squeeze %dma_wait3A_972 : memref<1x128xi32, #tpu.memory_space<vmem>> -> memref<128xi32, #tpu.memory_space<vmem>>
      %dma_wait3A_974 = arith.constant 0 : i32
      %dma_wait3A_975 = arith.constant 0 : i32
      %dma_wait3A_976 = tpu.memref_slice %arg13[%dma_wait3A_974, %dma_wait3A_975] : memref<100352x8xf32, #tpu.memory_space<vmem_shared>> -> memref<100352x8xf32, #tpu.memory_space<vmem_shared>>
      tpu.wait_indirect_dma semaphore(%arg14 : memref<!tpu.dma_semaphore, #tpu.memory_space<semaphore_mem>>) src(%arg12 : memref<128x8xf32, #tpu.memory_space<vmem>>) dst(%dma_wait3A_976 : memref<100352x8xf32, #tpu.memory_space<vmem_shared>>)
      %dma_wait3A_977 = arith.constant 3 : i32
      %dma_wait3A_978 = arith.constant 384 : i32
      %dma_wait3A_979 = arith.constant 0 : i32
      %dma_wait3A_980 = tpu.memref_slice %arg11[%dma_wait3A_978, %dma_wait3A_979] : memref<1920x8xf32, #tpu.memory_space<vmem>> -> memref<128x8xf32, #tpu.memory_space<vmem>>
      %dma_wait3A_981 = arith.constant 0 : i32
      %dma_wait3A_982 = tpu.memref_slice %arg9[%dma_wait3A_977, %dma_wait3A_981] : memref<15x128xi32, #tpu.memory_space<vmem>> -> memref<1x128xi32, #tpu.memory_space<vmem>>
      %dma_wait3A_983 = tpu.memref_squeeze %dma_wait3A_982 : memref<1x128xi32, #tpu.memory_space<vmem>> -> memref<128xi32, #tpu.memory_space<vmem>>
      %dma_wait3A_984 = arith.constant 0 : i32
      %dma_wait3A_985 = arith.constant 0 : i32
      %dma_wait3A_986 = tpu.memref_slice %arg13[%dma_wait3A_984, %dma_wait3A_985] : memref<100352x8xf32, #tpu.memory_space<vmem_shared>> -> memref<100352x8xf32, #tpu.memory_space<vmem_shared>>
      tpu.wait_indirect_dma semaphore(%arg14 : memref<!tpu.dma_semaphore, #tpu.memory_space<semaphore_mem>>) src(%dma_wait3A_980 : memref<128x8xf32, #tpu.memory_space<vmem>>) dst(%dma_wait3A_986 : memref<100352x8xf32, #tpu.memory_space<vmem_shared>>)
      %dma_wait3A_987 = arith.constant 3 : i32
      %dma_wait3A_988 = arith.constant 0 : i32
      %dma_wait3A_989 = tpu.memref_slice %arg10[%dma_wait3A_987, %dma_wait3A_988] : memref<15x128xi32, #tpu.memory_space<vmem>> -> memref<1x128xi32, #tpu.memory_space<vmem>>
      %dma_wait3A_990 = tpu.memref_squeeze %dma_wait3A_989 : memref<1x128xi32, #tpu.memory_space<vmem>> -> memref<128xi32, #tpu.memory_space<vmem>>
      %dma_wait3A_991 = arith.constant 0 : i32
      %dma_wait3A_992 = arith.constant 0 : i32
      %dma_wait3A_993 = tpu.memref_slice %arg13[%dma_wait3A_991, %dma_wait3A_992] : memref<100352x8xf32, #tpu.memory_space<vmem_shared>> -> memref<100352x8xf32, #tpu.memory_space<vmem_shared>>
      tpu.wait_indirect_dma semaphore(%arg14 : memref<!tpu.dma_semaphore, #tpu.memory_space<semaphore_mem>>) src(%arg12 : memref<128x8xf32, #tpu.memory_space<vmem>>) dst(%dma_wait3A_993 : memref<100352x8xf32, #tpu.memory_space<vmem_shared>>)
      %dma_wait3A_994 = arith.constant 4 : i32
      %dma_wait3A_995 = arith.constant 512 : i32
      %dma_wait3A_996 = arith.constant 0 : i32
      %dma_wait3A_997 = tpu.memref_slice %arg11[%dma_wait3A_995, %dma_wait3A_996] : memref<1920x8xf32, #tpu.memory_space<vmem>> -> memref<128x8xf32, #tpu.memory_space<vmem>>
      %dma_wait3A_998 = arith.constant 0 : i32
      %dma_wait3A_999 = tpu.memref_slice %arg9[%dma_wait3A_994, %dma_wait3A_998] : memref<15x128xi32, #tpu.memory_space<vmem>> -> memref<1x128xi32, #tpu.memory_space<vmem>>
      %dma_wait3A_1000 = tpu.memref_squeeze %dma_wait3A_999 : memref<1x128xi32, #tpu.memory_space<vmem>> -> memref<128xi32, #tpu.memory_space<vmem>>
      %dma_wait3A_1001 = arith.constant 0 : i32
      %dma_wait3A_1002 = arith.constant 0 : i32
      %dma_wait3A_1003 = tpu.memref_slice %arg13[%dma_wait3A_1001, %dma_wait3A_1002] : memref<100352x8xf32, #tpu.memory_space<vmem_shared>> -> memref<100352x8xf32, #tpu.memory_space<vmem_shared>>
      tpu.wait_indirect_dma semaphore(%arg14 : memref<!tpu.dma_semaphore, #tpu.memory_space<semaphore_mem>>) src(%dma_wait3A_997 : memref<128x8xf32, #tpu.memory_space<vmem>>) dst(%dma_wait3A_1003 : memref<100352x8xf32, #tpu.memory_space<vmem_shared>>)
      %dma_wait3A_1004 = arith.constant 4 : i32
      %dma_wait3A_1005 = arith.constant 0 : i32
      %dma_wait3A_1006 = tpu.memref_slice %arg10[%dma_wait3A_1004, %dma_wait3A_1005] : memref<15x128xi32, #tpu.memory_space<vmem>> -> memref<1x128xi32, #tpu.memory_space<vmem>>
      %dma_wait3A_1007 = tpu.memref_squeeze %dma_wait3A_1006 : memref<1x128xi32, #tpu.memory_space<vmem>> -> memref<128xi32, #tpu.memory_space<vmem>>
      %dma_wait3A_1008 = arith.constant 0 : i32
      %dma_wait3A_1009 = arith.constant 0 : i32
      %dma_wait3A_1010 = tpu.memref_slice %arg13[%dma_wait3A_1008, %dma_wait3A_1009] : memref<100352x8xf32, #tpu.memory_space<vmem_shared>> -> memref<100352x8xf32, #tpu.memory_space<vmem_shared>>
      tpu.wait_indirect_dma semaphore(%arg14 : memref<!tpu.dma_semaphore, #tpu.memory_space<semaphore_mem>>) src(%arg12 : memref<128x8xf32, #tpu.memory_space<vmem>>) dst(%dma_wait3A_1010 : memref<100352x8xf32, #tpu.memory_space<vmem_shared>>)
      %dma_wait3A_1011 = arith.constant 5 : i32
      %dma_wait3A_1012 = arith.constant 640 : i32
      %dma_wait3A_1013 = arith.constant 0 : i32
      %dma_wait3A_1014 = tpu.memref_slice %arg11[%dma_wait3A_1012, %dma_wait3A_1013] : memref<1920x8xf32, #tpu.memory_space<vmem>> -> memref<128x8xf32, #tpu.memory_space<vmem>>
      %dma_wait3A_1015 = arith.constant 0 : i32
      %dma_wait3A_1016 = tpu.memref_slice %arg9[%dma_wait3A_1011, %dma_wait3A_1015] : memref<15x128xi32, #tpu.memory_space<vmem>> -> memref<1x128xi32, #tpu.memory_space<vmem>>
      %dma_wait3A_1017 = tpu.memref_squeeze %dma_wait3A_1016 : memref<1x128xi32, #tpu.memory_space<vmem>> -> memref<128xi32, #tpu.memory_space<vmem>>
      %dma_wait3A_1018 = arith.constant 0 : i32
      %dma_wait3A_1019 = arith.constant 0 : i32
      %dma_wait3A_1020 = tpu.memref_slice %arg13[%dma_wait3A_1018, %dma_wait3A_1019] : memref<100352x8xf32, #tpu.memory_space<vmem_shared>> -> memref<100352x8xf32, #tpu.memory_space<vmem_shared>>
      tpu.wait_indirect_dma semaphore(%arg14 : memref<!tpu.dma_semaphore, #tpu.memory_space<semaphore_mem>>) src(%dma_wait3A_1014 : memref<128x8xf32, #tpu.memory_space<vmem>>) dst(%dma_wait3A_1020 : memref<100352x8xf32, #tpu.memory_space<vmem_shared>>)
      %dma_wait3A_1021 = arith.constant 5 : i32
      %dma_wait3A_1022 = arith.constant 0 : i32
      %dma_wait3A_1023 = tpu.memref_slice %arg10[%dma_wait3A_1021, %dma_wait3A_1022] : memref<15x128xi32, #tpu.memory_space<vmem>> -> memref<1x128xi32, #tpu.memory_space<vmem>>
      %dma_wait3A_1024 = tpu.memref_squeeze %dma_wait3A_1023 : memref<1x128xi32, #tpu.memory_space<vmem>> -> memref<128xi32, #tpu.memory_space<vmem>>
      %dma_wait3A_1025 = arith.constant 0 : i32
      %dma_wait3A_1026 = arith.constant 0 : i32
      %dma_wait3A_1027 = tpu.memref_slice %arg13[%dma_wait3A_1025, %dma_wait3A_1026] : memref<100352x8xf32, #tpu.memory_space<vmem_shared>> -> memref<100352x8xf32, #tpu.memory_space<vmem_shared>>
      tpu.wait_indirect_dma semaphore(%arg14 : memref<!tpu.dma_semaphore, #tpu.memory_space<semaphore_mem>>) src(%arg12 : memref<128x8xf32, #tpu.memory_space<vmem>>) dst(%dma_wait3A_1027 : memref<100352x8xf32, #tpu.memory_space<vmem_shared>>)
      %dma_wait3A_1028 = arith.constant 6 : i32
      %dma_wait3A_1029 = arith.constant 768 : i32
      %dma_wait3A_1030 = arith.constant 0 : i32
      %dma_wait3A_1031 = tpu.memref_slice %arg11[%dma_wait3A_1029, %dma_wait3A_1030] : memref<1920x8xf32, #tpu.memory_space<vmem>> -> memref<128x8xf32, #tpu.memory_space<vmem>>
      %dma_wait3A_1032 = arith.constant 0 : i32
      %dma_wait3A_1033 = tpu.memref_slice %arg9[%dma_wait3A_1028, %dma_wait3A_1032] : memref<15x128xi32, #tpu.memory_space<vmem>> -> memref<1x128xi32, #tpu.memory_space<vmem>>
      %dma_wait3A_1034 = tpu.memref_squeeze %dma_wait3A_1033 : memref<1x128xi32, #tpu.memory_space<vmem>> -> memref<128xi32, #tpu.memory_space<vmem>>
      %dma_wait3A_1035 = arith.constant 0 : i32
      %dma_wait3A_1036 = arith.constant 0 : i32
      %dma_wait3A_1037 = tpu.memref_slice %arg13[%dma_wait3A_1035, %dma_wait3A_1036] : memref<100352x8xf32, #tpu.memory_space<vmem_shared>> -> memref<100352x8xf32, #tpu.memory_space<vmem_shared>>
      tpu.wait_indirect_dma semaphore(%arg14 : memref<!tpu.dma_semaphore, #tpu.memory_space<semaphore_mem>>) src(%dma_wait3A_1031 : memref<128x8xf32, #tpu.memory_space<vmem>>) dst(%dma_wait3A_1037 : memref<100352x8xf32, #tpu.memory_space<vmem_shared>>)
      %dma_wait3A_1038 = arith.constant 6 : i32
      %dma_wait3A_1039 = arith.constant 0 : i32
      %dma_wait3A_1040 = tpu.memref_slice %arg10[%dma_wait3A_1038, %dma_wait3A_1039] : memref<15x128xi32, #tpu.memory_space<vmem>> -> memref<1x128xi32, #tpu.memory_space<vmem>>
      %dma_wait3A_1041 = tpu.memref_squeeze %dma_wait3A_1040 : memref<1x128xi32, #tpu.memory_space<vmem>> -> memref<128xi32, #tpu.memory_space<vmem>>
      %dma_wait3A_1042 = arith.constant 0 : i32
      %dma_wait3A_1043 = arith.constant 0 : i32
      %dma_wait3A_1044 = tpu.memref_slice %arg13[%dma_wait3A_1042, %dma_wait3A_1043] : memref<100352x8xf32, #tpu.memory_space<vmem_shared>> -> memref<100352x8xf32, #tpu.memory_space<vmem_shared>>
      tpu.wait_indirect_dma semaphore(%arg14 : memref<!tpu.dma_semaphore, #tpu.memory_space<semaphore_mem>>) src(%arg12 : memref<128x8xf32, #tpu.memory_space<vmem>>) dst(%dma_wait3A_1044 : memref<100352x8xf32, #tpu.memory_space<vmem_shared>>)
      %dma_wait3A_1045 = arith.constant 7 : i32
      %dma_wait3A_1046 = arith.constant 896 : i32
      %dma_wait3A_1047 = arith.constant 0 : i32
      %dma_wait3A_1048 = tpu.memref_slice %arg11[%dma_wait3A_1046, %dma_wait3A_1047] : memref<1920x8xf32, #tpu.memory_space<vmem>> -> memref<128x8xf32, #tpu.memory_space<vmem>>
      %dma_wait3A_1049 = arith.constant 0 : i32
      %dma_wait3A_1050 = tpu.memref_slice %arg9[%dma_wait3A_1045, %dma_wait3A_1049] : memref<15x128xi32, #tpu.memory_space<vmem>> -> memref<1x128xi32, #tpu.memory_space<vmem>>
      %dma_wait3A_1051 = tpu.memref_squeeze %dma_wait3A_1050 : memref<1x128xi32, #tpu.memory_space<vmem>> -> memref<128xi32, #tpu.memory_space<vmem>>
      %dma_wait3A_1052 = arith.constant 0 : i32
      %dma_wait3A_1053 = arith.constant 0 : i32
      %dma_wait3A_1054 = tpu.memref_slice %arg13[%dma_wait3A_1052, %dma_wait3A_1053] : memref<100352x8xf32, #tpu.memory_space<vmem_shared>> -> memref<100352x8xf32, #tpu.memory_space<vmem_shared>>
      tpu.wait_indirect_dma semaphore(%arg14 : memref<!tpu.dma_semaphore, #tpu.memory_space<semaphore_mem>>) src(%dma_wait3A_1048 : memref<128x8xf32, #tpu.memory_space<vmem>>) dst(%dma_wait3A_1054 : memref<100352x8xf32, #tpu.memory_space<vmem_shared>>)
      %dma_wait3A_1055 = arith.constant 7 : i32
      %dma_wait3A_1056 = arith.constant 0 : i32
      %dma_wait3A_1057 = tpu.memref_slice %arg10[%dma_wait3A_1055, %dma_wait3A_1056] : memref<15x128xi32, #tpu.memory_space<vmem>> -> memref<1x128xi32, #tpu.memory_space<vmem>>
      %dma_wait3A_1058 = tpu.memref_squeeze %dma_wait3A_1057 : memref<1x128xi32, #tpu.memory_space<vmem>> -> memref<128xi32, #tpu.memory_space<vmem>>
      %dma_wait3A_1059 = arith.constant 0 : i32
      %dma_wait3A_1060 = arith.constant 0 : i32
      %dma_wait3A_1061 = tpu.memref_slice %arg13[%dma_wait3A_1059, %dma_wait3A_1060] : memref<100352x8xf32, #tpu.memory_space<vmem_shared>> -> memref<100352x8xf32, #tpu.memory_space<vmem_shared>>
      tpu.wait_indirect_dma semaphore(%arg14 : memref<!tpu.dma_semaphore, #tpu.memory_space<semaphore_mem>>) src(%arg12 : memref<128x8xf32, #tpu.memory_space<vmem>>) dst(%dma_wait3A_1061 : memref<100352x8xf32, #tpu.memory_space<vmem_shared>>)
      %dma_wait3A_1062 = arith.constant 8 : i32
      %dma_wait3A_1063 = arith.constant 1024 : i32
      %dma_wait3A_1064 = arith.constant 0 : i32
      %dma_wait3A_1065 = tpu.memref_slice %arg11[%dma_wait3A_1063, %dma_wait3A_1064] : memref<1920x8xf32, #tpu.memory_space<vmem>> -> memref<128x8xf32, #tpu.memory_space<vmem>>
      %dma_wait3A_1066 = arith.constant 0 : i32
      %dma_wait3A_1067 = tpu.memref_slice %arg9[%dma_wait3A_1062, %dma_wait3A_1066] : memref<15x128xi32, #tpu.memory_space<vmem>> -> memref<1x128xi32, #tpu.memory_space<vmem>>
      %dma_wait3A_1068 = tpu.memref_squeeze %dma_wait3A_1067 : memref<1x128xi32, #tpu.memory_space<vmem>> -> memref<128xi32, #tpu.memory_space<vmem>>
      %dma_wait3A_1069 = arith.constant 0 : i32
      %dma_wait3A_1070 = arith.constant 0 : i32
      %dma_wait3A_1071 = tpu.memref_slice %arg13[%dma_wait3A_1069, %dma_wait3A_1070] : memref<100352x8xf32, #tpu.memory_space<vmem_shared>> -> memref<100352x8xf32, #tpu.memory_space<vmem_shared>>
      tpu.wait_indirect_dma semaphore(%arg14 : memref<!tpu.dma_semaphore, #tpu.memory_space<semaphore_mem>>) src(%dma_wait3A_1065 : memref<128x8xf32, #tpu.memory_space<vmem>>) dst(%dma_wait3A_1071 : memref<100352x8xf32, #tpu.memory_space<vmem_shared>>)
      %dma_wait3A_1072 = arith.constant 8 : i32
      %dma_wait3A_1073 = arith.constant 0 : i32
      %dma_wait3A_1074 = tpu.memref_slice %arg10[%dma_wait3A_1072, %dma_wait3A_1073] : memref<15x128xi32, #tpu.memory_space<vmem>> -> memref<1x128xi32, #tpu.memory_space<vmem>>
      %dma_wait3A_1075 = tpu.memref_squeeze %dma_wait3A_1074 : memref<1x128xi32, #tpu.memory_space<vmem>> -> memref<128xi32, #tpu.memory_space<vmem>>
      %dma_wait3A_1076 = arith.constant 0 : i32
      %dma_wait3A_1077 = arith.constant 0 : i32
      %dma_wait3A_1078 = tpu.memref_slice %arg13[%dma_wait3A_1076, %dma_wait3A_1077] : memref<100352x8xf32, #tpu.memory_space<vmem_shared>> -> memref<100352x8xf32, #tpu.memory_space<vmem_shared>>
      tpu.wait_indirect_dma semaphore(%arg14 : memref<!tpu.dma_semaphore, #tpu.memory_space<semaphore_mem>>) src(%arg12 : memref<128x8xf32, #tpu.memory_space<vmem>>) dst(%dma_wait3A_1078 : memref<100352x8xf32, #tpu.memory_space<vmem_shared>>)
      %dma_wait3A_1079 = arith.constant 9 : i32
      %dma_wait3A_1080 = arith.constant 1152 : i32
      %dma_wait3A_1081 = arith.constant 0 : i32
      %dma_wait3A_1082 = tpu.memref_slice %arg11[%dma_wait3A_1080, %dma_wait3A_1081] : memref<1920x8xf32, #tpu.memory_space<vmem>> -> memref<128x8xf32, #tpu.memory_space<vmem>>
      %dma_wait3A_1083 = arith.constant 0 : i32
      %dma_wait3A_1084 = tpu.memref_slice %arg9[%dma_wait3A_1079, %dma_wait3A_1083] : memref<15x128xi32, #tpu.memory_space<vmem>> -> memref<1x128xi32, #tpu.memory_space<vmem>>
      %dma_wait3A_1085 = tpu.memref_squeeze %dma_wait3A_1084 : memref<1x128xi32, #tpu.memory_space<vmem>> -> memref<128xi32, #tpu.memory_space<vmem>>
      %dma_wait3A_1086 = arith.constant 0 : i32
      %dma_wait3A_1087 = arith.constant 0 : i32
      %dma_wait3A_1088 = tpu.memref_slice %arg13[%dma_wait3A_1086, %dma_wait3A_1087] : memref<100352x8xf32, #tpu.memory_space<vmem_shared>> -> memref<100352x8xf32, #tpu.memory_space<vmem_shared>>
      tpu.wait_indirect_dma semaphore(%arg14 : memref<!tpu.dma_semaphore, #tpu.memory_space<semaphore_mem>>) src(%dma_wait3A_1082 : memref<128x8xf32, #tpu.memory_space<vmem>>) dst(%dma_wait3A_1088 : memref<100352x8xf32, #tpu.memory_space<vmem_shared>>)
      %dma_wait3A_1089 = arith.constant 9 : i32
      %dma_wait3A_1090 = arith.constant 0 : i32
      %dma_wait3A_1091 = tpu.memref_slice %arg10[%dma_wait3A_1089, %dma_wait3A_1090] : memref<15x128xi32, #tpu.memory_space<vmem>> -> memref<1x128xi32, #tpu.memory_space<vmem>>
      %dma_wait3A_1092 = tpu.memref_squeeze %dma_wait3A_1091 : memref<1x128xi32, #tpu.memory_space<vmem>> -> memref<128xi32, #tpu.memory_space<vmem>>
      %dma_wait3A_1093 = arith.constant 0 : i32
      %dma_wait3A_1094 = arith.constant 0 : i32
      %dma_wait3A_1095 = tpu.memref_slice %arg13[%dma_wait3A_1093, %dma_wait3A_1094] : memref<100352x8xf32, #tpu.memory_space<vmem_shared>> -> memref<100352x8xf32, #tpu.memory_space<vmem_shared>>
      tpu.wait_indirect_dma semaphore(%arg14 : memref<!tpu.dma_semaphore, #tpu.memory_space<semaphore_mem>>) src(%arg12 : memref<128x8xf32, #tpu.memory_space<vmem>>) dst(%dma_wait3A_1095 : memref<100352x8xf32, #tpu.memory_space<vmem_shared>>)
      %dma_wait3A_1096 = arith.constant 10 : i32
      %dma_wait3A_1097 = arith.constant 1280 : i32
      %dma_wait3A_1098 = arith.constant 0 : i32
      %dma_wait3A_1099 = tpu.memref_slice %arg11[%dma_wait3A_1097, %dma_wait3A_1098] : memref<1920x8xf32, #tpu.memory_space<vmem>> -> memref<128x8xf32, #tpu.memory_space<vmem>>
      %dma_wait3A_1100 = arith.constant 0 : i32
      %dma_wait3A_1101 = tpu.memref_slice %arg9[%dma_wait3A_1096, %dma_wait3A_1100] : memref<15x128xi32, #tpu.memory_space<vmem>> -> memref<1x128xi32, #tpu.memory_space<vmem>>
      %dma_wait3A_1102 = tpu.memref_squeeze %dma_wait3A_1101 : memref<1x128xi32, #tpu.memory_space<vmem>> -> memref<128xi32, #tpu.memory_space<vmem>>
      %dma_wait3A_1103 = arith.constant 0 : i32
      %dma_wait3A_1104 = arith.constant 0 : i32
      %dma_wait3A_1105 = tpu.memref_slice %arg13[%dma_wait3A_1103, %dma_wait3A_1104] : memref<100352x8xf32, #tpu.memory_space<vmem_shared>> -> memref<100352x8xf32, #tpu.memory_space<vmem_shared>>
      tpu.wait_indirect_dma semaphore(%arg14 : memref<!tpu.dma_semaphore, #tpu.memory_space<semaphore_mem>>) src(%dma_wait3A_1099 : memref<128x8xf32, #tpu.memory_space<vmem>>) dst(%dma_wait3A_1105 : memref<100352x8xf32, #tpu.memory_space<vmem_shared>>)
      %dma_wait3A_1106 = arith.constant 10 : i32
      %dma_wait3A_1107 = arith.constant 0 : i32
      %dma_wait3A_1108 = tpu.memref_slice %arg10[%dma_wait3A_1106, %dma_wait3A_1107] : memref<15x128xi32, #tpu.memory_space<vmem>> -> memref<1x128xi32, #tpu.memory_space<vmem>>
      %dma_wait3A_1109 = tpu.memref_squeeze %dma_wait3A_1108 : memref<1x128xi32, #tpu.memory_space<vmem>> -> memref<128xi32, #tpu.memory_space<vmem>>
      %dma_wait3A_1110 = arith.constant 0 : i32
      %dma_wait3A_1111 = arith.constant 0 : i32
      %dma_wait3A_1112 = tpu.memref_slice %arg13[%dma_wait3A_1110, %dma_wait3A_1111] : memref<100352x8xf32, #tpu.memory_space<vmem_shared>> -> memref<100352x8xf32, #tpu.memory_space<vmem_shared>>
      tpu.wait_indirect_dma semaphore(%arg14 : memref<!tpu.dma_semaphore, #tpu.memory_space<semaphore_mem>>) src(%arg12 : memref<128x8xf32, #tpu.memory_space<vmem>>) dst(%dma_wait3A_1112 : memref<100352x8xf32, #tpu.memory_space<vmem_shared>>)
      %dma_wait3A_1113 = arith.constant 11 : i32
      %dma_wait3A_1114 = arith.constant 1408 : i32
      %dma_wait3A_1115 = arith.constant 0 : i32
      %dma_wait3A_1116 = tpu.memref_slice %arg11[%dma_wait3A_1114, %dma_wait3A_1115] : memref<1920x8xf32, #tpu.memory_space<vmem>> -> memref<128x8xf32, #tpu.memory_space<vmem>>
      %dma_wait3A_1117 = arith.constant 0 : i32
      %dma_wait3A_1118 = tpu.memref_slice %arg9[%dma_wait3A_1113, %dma_wait3A_1117] : memref<15x128xi32, #tpu.memory_space<vmem>> -> memref<1x128xi32, #tpu.memory_space<vmem>>
      %dma_wait3A_1119 = tpu.memref_squeeze %dma_wait3A_1118 : memref<1x128xi32, #tpu.memory_space<vmem>> -> memref<128xi32, #tpu.memory_space<vmem>>
      %dma_wait3A_1120 = arith.constant 0 : i32
      %dma_wait3A_1121 = arith.constant 0 : i32
      %dma_wait3A_1122 = tpu.memref_slice %arg13[%dma_wait3A_1120, %dma_wait3A_1121] : memref<100352x8xf32, #tpu.memory_space<vmem_shared>> -> memref<100352x8xf32, #tpu.memory_space<vmem_shared>>
      tpu.wait_indirect_dma semaphore(%arg14 : memref<!tpu.dma_semaphore, #tpu.memory_space<semaphore_mem>>) src(%dma_wait3A_1116 : memref<128x8xf32, #tpu.memory_space<vmem>>) dst(%dma_wait3A_1122 : memref<100352x8xf32, #tpu.memory_space<vmem_shared>>)
      %dma_wait3A_1123 = arith.constant 11 : i32
      %dma_wait3A_1124 = arith.constant 0 : i32
      %dma_wait3A_1125 = tpu.memref_slice %arg10[%dma_wait3A_1123, %dma_wait3A_1124] : memref<15x128xi32, #tpu.memory_space<vmem>> -> memref<1x128xi32, #tpu.memory_space<vmem>>
      %dma_wait3A_1126 = tpu.memref_squeeze %dma_wait3A_1125 : memref<1x128xi32, #tpu.memory_space<vmem>> -> memref<128xi32, #tpu.memory_space<vmem>>
      %dma_wait3A_1127 = arith.constant 0 : i32
      %dma_wait3A_1128 = arith.constant 0 : i32
      %dma_wait3A_1129 = tpu.memref_slice %arg13[%dma_wait3A_1127, %dma_wait3A_1128] : memref<100352x8xf32, #tpu.memory_space<vmem_shared>> -> memref<100352x8xf32, #tpu.memory_space<vmem_shared>>
      tpu.wait_indirect_dma semaphore(%arg14 : memref<!tpu.dma_semaphore, #tpu.memory_space<semaphore_mem>>) src(%arg12 : memref<128x8xf32, #tpu.memory_space<vmem>>) dst(%dma_wait3A_1129 : memref<100352x8xf32, #tpu.memory_space<vmem_shared>>)
      %dma_wait3A_1130 = arith.constant 12 : i32
      %dma_wait3A_1131 = arith.constant 1536 : i32
      %dma_wait3A_1132 = arith.constant 0 : i32
      %dma_wait3A_1133 = tpu.memref_slice %arg11[%dma_wait3A_1131, %dma_wait3A_1132] : memref<1920x8xf32, #tpu.memory_space<vmem>> -> memref<128x8xf32, #tpu.memory_space<vmem>>
      %dma_wait3A_1134 = arith.constant 0 : i32
      %dma_wait3A_1135 = tpu.memref_slice %arg9[%dma_wait3A_1130, %dma_wait3A_1134] : memref<15x128xi32, #tpu.memory_space<vmem>> -> memref<1x128xi32, #tpu.memory_space<vmem>>
      %dma_wait3A_1136 = tpu.memref_squeeze %dma_wait3A_1135 : memref<1x128xi32, #tpu.memory_space<vmem>> -> memref<128xi32, #tpu.memory_space<vmem>>
      %dma_wait3A_1137 = arith.constant 0 : i32
      %dma_wait3A_1138 = arith.constant 0 : i32
      %dma_wait3A_1139 = tpu.memref_slice %arg13[%dma_wait3A_1137, %dma_wait3A_1138] : memref<100352x8xf32, #tpu.memory_space<vmem_shared>> -> memref<100352x8xf32, #tpu.memory_space<vmem_shared>>
      tpu.wait_indirect_dma semaphore(%arg14 : memref<!tpu.dma_semaphore, #tpu.memory_space<semaphore_mem>>) src(%dma_wait3A_1133 : memref<128x8xf32, #tpu.memory_space<vmem>>) dst(%dma_wait3A_1139 : memref<100352x8xf32, #tpu.memory_space<vmem_shared>>)
      %dma_wait3A_1140 = arith.constant 12 : i32
      %dma_wait3A_1141 = arith.constant 0 : i32
      %dma_wait3A_1142 = tpu.memref_slice %arg10[%dma_wait3A_1140, %dma_wait3A_1141] : memref<15x128xi32, #tpu.memory_space<vmem>> -> memref<1x128xi32, #tpu.memory_space<vmem>>
      %dma_wait3A_1143 = tpu.memref_squeeze %dma_wait3A_1142 : memref<1x128xi32, #tpu.memory_space<vmem>> -> memref<128xi32, #tpu.memory_space<vmem>>
      %dma_wait3A_1144 = arith.constant 0 : i32
      %dma_wait3A_1145 = arith.constant 0 : i32
      %dma_wait3A_1146 = tpu.memref_slice %arg13[%dma_wait3A_1144, %dma_wait3A_1145] : memref<100352x8xf32, #tpu.memory_space<vmem_shared>> -> memref<100352x8xf32, #tpu.memory_space<vmem_shared>>
      tpu.wait_indirect_dma semaphore(%arg14 : memref<!tpu.dma_semaphore, #tpu.memory_space<semaphore_mem>>) src(%arg12 : memref<128x8xf32, #tpu.memory_space<vmem>>) dst(%dma_wait3A_1146 : memref<100352x8xf32, #tpu.memory_space<vmem_shared>>)
      %dma_wait3A_1147 = arith.constant 13 : i32
      %dma_wait3A_1148 = arith.constant 1664 : i32
      %dma_wait3A_1149 = arith.constant 0 : i32
      %dma_wait3A_1150 = tpu.memref_slice %arg11[%dma_wait3A_1148, %dma_wait3A_1149] : memref<1920x8xf32, #tpu.memory_space<vmem>> -> memref<128x8xf32, #tpu.memory_space<vmem>>
      %dma_wait3A_1151 = arith.constant 0 : i32
      %dma_wait3A_1152 = tpu.memref_slice %arg9[%dma_wait3A_1147, %dma_wait3A_1151] : memref<15x128xi32, #tpu.memory_space<vmem>> -> memref<1x128xi32, #tpu.memory_space<vmem>>
      %dma_wait3A_1153 = tpu.memref_squeeze %dma_wait3A_1152 : memref<1x128xi32, #tpu.memory_space<vmem>> -> memref<128xi32, #tpu.memory_space<vmem>>
      %dma_wait3A_1154 = arith.constant 0 : i32
      %dma_wait3A_1155 = arith.constant 0 : i32
      %dma_wait3A_1156 = tpu.memref_slice %arg13[%dma_wait3A_1154, %dma_wait3A_1155] : memref<100352x8xf32, #tpu.memory_space<vmem_shared>> -> memref<100352x8xf32, #tpu.memory_space<vmem_shared>>
      tpu.wait_indirect_dma semaphore(%arg14 : memref<!tpu.dma_semaphore, #tpu.memory_space<semaphore_mem>>) src(%dma_wait3A_1150 : memref<128x8xf32, #tpu.memory_space<vmem>>) dst(%dma_wait3A_1156 : memref<100352x8xf32, #tpu.memory_space<vmem_shared>>)
      %dma_wait3A_1157 = arith.constant 13 : i32
      %dma_wait3A_1158 = arith.constant 0 : i32
      %dma_wait3A_1159 = tpu.memref_slice %arg10[%dma_wait3A_1157, %dma_wait3A_1158] : memref<15x128xi32, #tpu.memory_space<vmem>> -> memref<1x128xi32, #tpu.memory_space<vmem>>
      %dma_wait3A_1160 = tpu.memref_squeeze %dma_wait3A_1159 : memref<1x128xi32, #tpu.memory_space<vmem>> -> memref<128xi32, #tpu.memory_space<vmem>>
      %dma_wait3A_1161 = arith.constant 0 : i32
      %dma_wait3A_1162 = arith.constant 0 : i32
      %dma_wait3A_1163 = tpu.memref_slice %arg13[%dma_wait3A_1161, %dma_wait3A_1162] : memref<100352x8xf32, #tpu.memory_space<vmem_shared>> -> memref<100352x8xf32, #tpu.memory_space<vmem_shared>>
      tpu.wait_indirect_dma semaphore(%arg14 : memref<!tpu.dma_semaphore, #tpu.memory_space<semaphore_mem>>) src(%arg12 : memref<128x8xf32, #tpu.memory_space<vmem>>) dst(%dma_wait3A_1163 : memref<100352x8xf32, #tpu.memory_space<vmem_shared>>)
      %dma_wait3A_1164 = arith.constant 14 : i32
      %dma_wait3A_1165 = arith.constant 1792 : i32
      %dma_wait3A_1166 = arith.constant 0 : i32
      %dma_wait3A_1167 = tpu.memref_slice %arg11[%dma_wait3A_1165, %dma_wait3A_1166] : memref<1920x8xf32, #tpu.memory_space<vmem>> -> memref<128x8xf32, #tpu.memory_space<vmem>>
      %dma_wait3A_1168 = arith.constant 0 : i32
      %dma_wait3A_1169 = tpu.memref_slice %arg9[%dma_wait3A_1164, %dma_wait3A_1168] : memref<15x128xi32, #tpu.memory_space<vmem>> -> memref<1x128xi32, #tpu.memory_space<vmem>>
      %dma_wait3A_1170 = tpu.memref_squeeze %dma_wait3A_1169 : memref<1x128xi32, #tpu.memory_space<vmem>> -> memref<128xi32, #tpu.memory_space<vmem>>
      %dma_wait3A_1171 = arith.constant 0 : i32
      %dma_wait3A_1172 = arith.constant 0 : i32
      %dma_wait3A_1173 = tpu.memref_slice %arg13[%dma_wait3A_1171, %dma_wait3A_1172] : memref<100352x8xf32, #tpu.memory_space<vmem_shared>> -> memref<100352x8xf32, #tpu.memory_space<vmem_shared>>
      tpu.wait_indirect_dma semaphore(%arg14 : memref<!tpu.dma_semaphore, #tpu.memory_space<semaphore_mem>>) src(%dma_wait3A_1167 : memref<128x8xf32, #tpu.memory_space<vmem>>) dst(%dma_wait3A_1173 : memref<100352x8xf32, #tpu.memory_space<vmem_shared>>)
      %dma_wait3A_1174 = arith.constant 14 : i32
      %dma_wait3A_1175 = arith.constant 0 : i32
      %dma_wait3A_1176 = tpu.memref_slice %arg10[%dma_wait3A_1174, %dma_wait3A_1175] : memref<15x128xi32, #tpu.memory_space<vmem>> -> memref<1x128xi32, #tpu.memory_space<vmem>>
      %dma_wait3A_1177 = tpu.memref_squeeze %dma_wait3A_1176 : memref<1x128xi32, #tpu.memory_space<vmem>> -> memref<128xi32, #tpu.memory_space<vmem>>
      %dma_wait3A_1178 = arith.constant 0 : i32
      %dma_wait3A_1179 = arith.constant 0 : i32
      %dma_wait3A_1180 = tpu.memref_slice %arg13[%dma_wait3A_1178, %dma_wait3A_1179] : memref<100352x8xf32, #tpu.memory_space<vmem_shared>> -> memref<100352x8xf32, #tpu.memory_space<vmem_shared>>
      tpu.wait_indirect_dma semaphore(%arg14 : memref<!tpu.dma_semaphore, #tpu.memory_space<semaphore_mem>>) src(%arg12 : memref<128x8xf32, #tpu.memory_space<vmem>>) dst(%dma_wait3A_1180 : memref<100352x8xf32, #tpu.memory_space<vmem_shared>>)
      %scan3A_1181 = arith.constant 0 : i32
      scf.yield %scan3A_1181 : i32
    }
    %scan3A_8 = arith.constant 26 : i32
    %mul3A_9 = arith.constant 50000 : i32
    %mul3A_10 = arith.muli %add3A, %mul3A_9 : i32
    %add3A_11 = arith.constant 49920 : i32
    %add3A_12 = arith.addi %mul3A_10, %add3A_11 : i32
    %run_scoped3A = arith.constant 0 : i32
    "tpu.region"() ({
      %run_scoped3A_56 = tpu.sem_alloc : memref<!tpu.dma_semaphore, #tpu.memory_space<semaphore_mem>>
      %dma_start3A_57 = arith.constant 0 : i32
      %dma_start3A_58 = tpu.memref_slice %arg9[%run_scoped3A, %dma_start3A_57] : memref<15x128xi32, #tpu.memory_space<vmem>> -> memref<1x128xi32, #tpu.memory_space<vmem>>
      %dma_start3A_59 = tpu.memref_squeeze %dma_start3A_58 : memref<1x128xi32, #tpu.memory_space<vmem>> -> memref<128xi32, #tpu.memory_space<vmem>>
      %dma_start3A_60 = arith.constant 0 : i32
      %dma_start3A_61 = tpu.memref_slice %dma_start3A_59[%dma_start3A_60] : memref<128xi32, #tpu.memory_space<vmem>> -> memref<80xi32, #tpu.memory_space<vmem>>
      %dma_start3A_62 = tpu.memref_slice %arg3[%add3A_12] : memref<1600000xi32, #tpu.memory_space<hbm>> -> memref<80xi32, #tpu.memory_space<hbm>>
      %dma_start3A_63 = arith.constant 0 : i32
      %dma_start3A_64 = tpu.memref_slice %arg9[%run_scoped3A, %dma_start3A_63] : memref<15x128xi32, #tpu.memory_space<vmem>> -> memref<1x128xi32, #tpu.memory_space<vmem>>
      %dma_start3A_65 = tpu.memref_squeeze %dma_start3A_64 : memref<1x128xi32, #tpu.memory_space<vmem>> -> memref<128xi32, #tpu.memory_space<vmem>>
      %dma_start3A_66 = arith.constant 0 : i32
      %dma_start3A_67 = tpu.memref_slice %dma_start3A_65[%dma_start3A_66] : memref<128xi32, #tpu.memory_space<vmem>> -> memref<80xi32, #tpu.memory_space<vmem>>
      %dma_start3A_68 = tpu.memref_slice %arg3[%add3A_12] : memref<1600000xi32, #tpu.memory_space<hbm>> -> memref<80xi32, #tpu.memory_space<hbm>>
      tpu.enqueue_dma source(%dma_start3A_68 : memref<80xi32, #tpu.memory_space<hbm>>) target(%dma_start3A_67 : memref<80xi32, #tpu.memory_space<vmem>>) target_semaphore(%run_scoped3A_56 : memref<!tpu.dma_semaphore, #tpu.memory_space<semaphore_mem>>)
      %dma_wait3A_69 = arith.constant 0 : i32
      %dma_wait3A_70 = tpu.memref_slice %arg9[%run_scoped3A, %dma_wait3A_69] : memref<15x128xi32, #tpu.memory_space<vmem>> -> memref<1x128xi32, #tpu.memory_space<vmem>>
      %dma_wait3A_71 = tpu.memref_squeeze %dma_wait3A_70 : memref<1x128xi32, #tpu.memory_space<vmem>> -> memref<128xi32, #tpu.memory_space<vmem>>
      %dma_wait3A_72 = arith.constant 0 : i32
      %dma_wait3A_73 = tpu.memref_slice %dma_wait3A_71[%dma_wait3A_72] : memref<128xi32, #tpu.memory_space<vmem>> -> memref<80xi32, #tpu.memory_space<vmem>>
      %dma_wait3A_74 = tpu.memref_slice %arg3[%add3A_12] : memref<1600000xi32, #tpu.memory_space<hbm>> -> memref<80xi32, #tpu.memory_space<hbm>>
      %dma_wait3A_75 = arith.constant 0 : i32
      %dma_wait3A_76 = tpu.memref_slice %arg9[%run_scoped3A, %dma_wait3A_75] : memref<15x128xi32, #tpu.memory_space<vmem>> -> memref<1x128xi32, #tpu.memory_space<vmem>>
      %dma_wait3A_77 = tpu.memref_squeeze %dma_wait3A_76 : memref<1x128xi32, #tpu.memory_space<vmem>> -> memref<128xi32, #tpu.memory_space<vmem>>
      %dma_wait3A_78 = arith.constant 0 : i32
      %dma_wait3A_79 = tpu.memref_slice %dma_wait3A_77[%dma_wait3A_78] : memref<128xi32, #tpu.memory_space<vmem>> -> memref<80xi32, #tpu.memory_space<vmem>>
      %dma_wait3A_80 = tpu.memref_slice %arg3[%add3A_12] : memref<1600000xi32, #tpu.memory_space<hbm>> -> memref<80xi32, #tpu.memory_space<hbm>>
      tpu.wait_dma2 semaphore(%run_scoped3A_56 : memref<!tpu.dma_semaphore, #tpu.memory_space<semaphore_mem>>) src(%dma_wait3A_80 : memref<80xi32, #tpu.memory_space<hbm>>) dst(%dma_wait3A_79 : memref<80xi32, #tpu.memory_space<vmem>>)
      tpu.yield
    }) : () -> ()
    %run_scoped3A_13 = arith.constant 0 : i32
    "tpu.region"() ({
      %run_scoped3A_56 = tpu.sem_alloc : memref<!tpu.dma_semaphore, #tpu.memory_space<semaphore_mem>>
      %dma_start3A_57 = arith.constant 0 : i32
      %dma_start3A_58 = tpu.memref_slice %arg10[%run_scoped3A_13, %dma_start3A_57] : memref<15x128xi32, #tpu.memory_space<vmem>> -> memref<1x128xi32, #tpu.memory_space<vmem>>
      %dma_start3A_59 = tpu.memref_squeeze %dma_start3A_58 : memref<1x128xi32, #tpu.memory_space<vmem>> -> memref<128xi32, #tpu.memory_space<vmem>>
      %dma_start3A_60 = arith.constant 0 : i32
      %dma_start3A_61 = tpu.memref_slice %dma_start3A_59[%dma_start3A_60] : memref<128xi32, #tpu.memory_space<vmem>> -> memref<80xi32, #tpu.memory_space<vmem>>
      %dma_start3A_62 = tpu.memref_slice %arg4[%add3A_12] : memref<1600000xi32, #tpu.memory_space<hbm>> -> memref<80xi32, #tpu.memory_space<hbm>>
      %dma_start3A_63 = arith.constant 0 : i32
      %dma_start3A_64 = tpu.memref_slice %arg10[%run_scoped3A_13, %dma_start3A_63] : memref<15x128xi32, #tpu.memory_space<vmem>> -> memref<1x128xi32, #tpu.memory_space<vmem>>
      %dma_start3A_65 = tpu.memref_squeeze %dma_start3A_64 : memref<1x128xi32, #tpu.memory_space<vmem>> -> memref<128xi32, #tpu.memory_space<vmem>>
      %dma_start3A_66 = arith.constant 0 : i32
      %dma_start3A_67 = tpu.memref_slice %dma_start3A_65[%dma_start3A_66] : memref<128xi32, #tpu.memory_space<vmem>> -> memref<80xi32, #tpu.memory_space<vmem>>
      %dma_start3A_68 = tpu.memref_slice %arg4[%add3A_12] : memref<1600000xi32, #tpu.memory_space<hbm>> -> memref<80xi32, #tpu.memory_space<hbm>>
      tpu.enqueue_dma source(%dma_start3A_68 : memref<80xi32, #tpu.memory_space<hbm>>) target(%dma_start3A_67 : memref<80xi32, #tpu.memory_space<vmem>>) target_semaphore(%run_scoped3A_56 : memref<!tpu.dma_semaphore, #tpu.memory_space<semaphore_mem>>)
      %dma_wait3A_69 = arith.constant 0 : i32
      %dma_wait3A_70 = tpu.memref_slice %arg10[%run_scoped3A_13, %dma_wait3A_69] : memref<15x128xi32, #tpu.memory_space<vmem>> -> memref<1x128xi32, #tpu.memory_space<vmem>>
      %dma_wait3A_71 = tpu.memref_squeeze %dma_wait3A_70 : memref<1x128xi32, #tpu.memory_space<vmem>> -> memref<128xi32, #tpu.memory_space<vmem>>
      %dma_wait3A_72 = arith.constant 0 : i32
      %dma_wait3A_73 = tpu.memref_slice %dma_wait3A_71[%dma_wait3A_72] : memref<128xi32, #tpu.memory_space<vmem>> -> memref<80xi32, #tpu.memory_space<vmem>>
      %dma_wait3A_74 = tpu.memref_slice %arg4[%add3A_12] : memref<1600000xi32, #tpu.memory_space<hbm>> -> memref<80xi32, #tpu.memory_space<hbm>>
      %dma_wait3A_75 = arith.constant 0 : i32
      %dma_wait3A_76 = tpu.memref_slice %arg10[%run_scoped3A_13, %dma_wait3A_75] : memref<15x128xi32, #tpu.memory_space<vmem>> -> memref<1x128xi32, #tpu.memory_space<vmem>>
      %dma_wait3A_77 = tpu.memref_squeeze %dma_wait3A_76 : memref<1x128xi32, #tpu.memory_space<vmem>> -> memref<128xi32, #tpu.memory_space<vmem>>
      %dma_wait3A_78 = arith.constant 0 : i32
      %dma_wait3A_79 = tpu.memref_slice %dma_wait3A_77[%dma_wait3A_78] : memref<128xi32, #tpu.memory_space<vmem>> -> memref<80xi32, #tpu.memory_space<vmem>>
      %dma_wait3A_80 = tpu.memref_slice %arg4[%add3A_12] : memref<1600000xi32, #tpu.memory_space<hbm>> -> memref<80xi32, #tpu.memory_space<hbm>>
      tpu.wait_dma2 semaphore(%run_scoped3A_56 : memref<!tpu.dma_semaphore, #tpu.memory_space<semaphore_mem>>) src(%dma_wait3A_80 : memref<80xi32, #tpu.memory_space<hbm>>) dst(%dma_wait3A_79 : memref<80xi32, #tpu.memory_space<vmem>>)
      tpu.yield
    }) : () -> ()
    %run_scoped3A_14 = arith.constant 0 : i32
    "tpu.region"() ({
      %run_scoped3A_56 = tpu.sem_alloc : memref<!tpu.dma_semaphore, #tpu.memory_space<semaphore_mem>>
      %dma_start3A_57 = arith.constant 0 : i32
      %dma_start3A_58 = tpu.memref_slice %arg9[%run_scoped3A_14, %dma_start3A_57] : memref<15x128xi32, #tpu.memory_space<vmem>> -> memref<1x128xi32, #tpu.memory_space<vmem>>
      %dma_start3A_59 = tpu.memref_squeeze %dma_start3A_58 : memref<1x128xi32, #tpu.memory_space<vmem>> -> memref<128xi32, #tpu.memory_space<vmem>>
      %dma_start3A_60 = arith.constant 80 : i32
      %dma_start3A_61 = tpu.memref_slice %dma_start3A_59[%dma_start3A_60] : memref<128xi32, #tpu.memory_space<vmem>> -> memref<48xi32, #tpu.memory_space<vmem>>
      %dma_start3A_62 = arith.constant 0 : i32
      %dma_start3A_63 = tpu.memref_slice %arg9[%run_scoped3A_14, %dma_start3A_62] : memref<15x128xi32, #tpu.memory_space<vmem>> -> memref<1x128xi32, #tpu.memory_space<vmem>>
      %dma_start3A_64 = tpu.memref_squeeze %dma_start3A_63 : memref<1x128xi32, #tpu.memory_space<vmem>> -> memref<128xi32, #tpu.memory_space<vmem>>
      %dma_start3A_65 = arith.constant 80 : i32
      %dma_start3A_66 = tpu.memref_slice %dma_start3A_64[%dma_start3A_65] : memref<128xi32, #tpu.memory_space<vmem>> -> memref<48xi32, #tpu.memory_space<vmem>>
      tpu.enqueue_dma source(%arg7 : memref<48xi32, #tpu.memory_space<hbm>>) target(%dma_start3A_66 : memref<48xi32, #tpu.memory_space<vmem>>) target_semaphore(%run_scoped3A_56 : memref<!tpu.dma_semaphore, #tpu.memory_space<semaphore_mem>>)
      %dma_wait3A_67 = arith.constant 0 : i32
      %dma_wait3A_68 = tpu.memref_slice %arg9[%run_scoped3A_14, %dma_wait3A_67] : memref<15x128xi32, #tpu.memory_space<vmem>> -> memref<1x128xi32, #tpu.memory_space<vmem>>
      %dma_wait3A_69 = tpu.memref_squeeze %dma_wait3A_68 : memref<1x128xi32, #tpu.memory_space<vmem>> -> memref<128xi32, #tpu.memory_space<vmem>>
      %dma_wait3A_70 = arith.constant 80 : i32
      %dma_wait3A_71 = tpu.memref_slice %dma_wait3A_69[%dma_wait3A_70] : memref<128xi32, #tpu.memory_space<vmem>> -> memref<48xi32, #tpu.memory_space<vmem>>
      %dma_wait3A_72 = arith.constant 0 : i32
      %dma_wait3A_73 = tpu.memref_slice %arg9[%run_scoped3A_14, %dma_wait3A_72] : memref<15x128xi32, #tpu.memory_space<vmem>> -> memref<1x128xi32, #tpu.memory_space<vmem>>
      %dma_wait3A_74 = tpu.memref_squeeze %dma_wait3A_73 : memref<1x128xi32, #tpu.memory_space<vmem>> -> memref<128xi32, #tpu.memory_space<vmem>>
      %dma_wait3A_75 = arith.constant 80 : i32
      %dma_wait3A_76 = tpu.memref_slice %dma_wait3A_74[%dma_wait3A_75] : memref<128xi32, #tpu.memory_space<vmem>> -> memref<48xi32, #tpu.memory_space<vmem>>
      tpu.wait_dma2 semaphore(%run_scoped3A_56 : memref<!tpu.dma_semaphore, #tpu.memory_space<semaphore_mem>>) src(%arg7 : memref<48xi32, #tpu.memory_space<hbm>>) dst(%dma_wait3A_76 : memref<48xi32, #tpu.memory_space<vmem>>)
      tpu.yield
    }) : () -> ()
    %run_scoped3A_15 = arith.constant 0 : i32
    "tpu.region"() ({
      %run_scoped3A_56 = tpu.sem_alloc : memref<!tpu.dma_semaphore, #tpu.memory_space<semaphore_mem>>
      %dma_start3A_57 = arith.constant 0 : i32
      %dma_start3A_58 = tpu.memref_slice %arg10[%run_scoped3A_15, %dma_start3A_57] : memref<15x128xi32, #tpu.memory_space<vmem>> -> memref<1x128xi32, #tpu.memory_space<vmem>>
      %dma_start3A_59 = tpu.memref_squeeze %dma_start3A_58 : memref<1x128xi32, #tpu.memory_space<vmem>> -> memref<128xi32, #tpu.memory_space<vmem>>
      %dma_start3A_60 = arith.constant 80 : i32
      %dma_start3A_61 = tpu.memref_slice %dma_start3A_59[%dma_start3A_60] : memref<128xi32, #tpu.memory_space<vmem>> -> memref<48xi32, #tpu.memory_space<vmem>>
      %dma_start3A_62 = arith.constant 0 : i32
      %dma_start3A_63 = tpu.memref_slice %arg10[%run_scoped3A_15, %dma_start3A_62] : memref<15x128xi32, #tpu.memory_space<vmem>> -> memref<1x128xi32, #tpu.memory_space<vmem>>
      %dma_start3A_64 = tpu.memref_squeeze %dma_start3A_63 : memref<1x128xi32, #tpu.memory_space<vmem>> -> memref<128xi32, #tpu.memory_space<vmem>>
      %dma_start3A_65 = arith.constant 80 : i32
      %dma_start3A_66 = tpu.memref_slice %dma_start3A_64[%dma_start3A_65] : memref<128xi32, #tpu.memory_space<vmem>> -> memref<48xi32, #tpu.memory_space<vmem>>
      tpu.enqueue_dma source(%arg7 : memref<48xi32, #tpu.memory_space<hbm>>) target(%dma_start3A_66 : memref<48xi32, #tpu.memory_space<vmem>>) target_semaphore(%run_scoped3A_56 : memref<!tpu.dma_semaphore, #tpu.memory_space<semaphore_mem>>)
      %dma_wait3A_67 = arith.constant 0 : i32
      %dma_wait3A_68 = tpu.memref_slice %arg10[%run_scoped3A_15, %dma_wait3A_67] : memref<15x128xi32, #tpu.memory_space<vmem>> -> memref<1x128xi32, #tpu.memory_space<vmem>>
      %dma_wait3A_69 = tpu.memref_squeeze %dma_wait3A_68 : memref<1x128xi32, #tpu.memory_space<vmem>> -> memref<128xi32, #tpu.memory_space<vmem>>
      %dma_wait3A_70 = arith.constant 80 : i32
      %dma_wait3A_71 = tpu.memref_slice %dma_wait3A_69[%dma_wait3A_70] : memref<128xi32, #tpu.memory_space<vmem>> -> memref<48xi32, #tpu.memory_space<vmem>>
      %dma_wait3A_72 = arith.constant 0 : i32
      %dma_wait3A_73 = tpu.memref_slice %arg10[%run_scoped3A_15, %dma_wait3A_72] : memref<15x128xi32, #tpu.memory_space<vmem>> -> memref<1x128xi32, #tpu.memory_space<vmem>>
      %dma_wait3A_74 = tpu.memref_squeeze %dma_wait3A_73 : memref<1x128xi32, #tpu.memory_space<vmem>> -> memref<128xi32, #tpu.memory_space<vmem>>
      %dma_wait3A_75 = arith.constant 80 : i32
      %dma_wait3A_76 = tpu.memref_slice %dma_wait3A_74[%dma_wait3A_75] : memref<128xi32, #tpu.memory_space<vmem>> -> memref<48xi32, #tpu.memory_space<vmem>>
      tpu.wait_dma2 semaphore(%run_scoped3A_56 : memref<!tpu.dma_semaphore, #tpu.memory_space<semaphore_mem>>) src(%arg7 : memref<48xi32, #tpu.memory_space<hbm>>) dst(%dma_wait3A_76 : memref<48xi32, #tpu.memory_space<vmem>>)
      tpu.yield
    }) : () -> ()
    "tpu.region"() ({
      %run_scoped3A_56 = tpu.sem_alloc : memref<!tpu.dma_semaphore, #tpu.memory_space<semaphore_mem>>
      %dma_start3A_57 = arith.constant 0 : i32
      %dma_start3A_58 = arith.constant 0 : i32
      %dma_start3A_59 = tpu.memref_slice %arg11[%dma_start3A_57, %dma_start3A_58] : memref<1920x8xf32, #tpu.memory_space<vmem>> -> memref<80x8xf32, #tpu.memory_space<vmem>>
      %dma_start3A_60 = arith.constant 0 : i32
      %dma_start3A_61 = tpu.memref_slice %arg2[%add3A_12, %dma_start3A_60] : memref<1600000x8xf32, #tpu.memory_space<hbm>> -> memref<80x8xf32, #tpu.memory_space<hbm>>
      %dma_start3A_62 = arith.constant 0 : i32
      %dma_start3A_63 = arith.constant 0 : i32
      %dma_start3A_64 = tpu.memref_slice %arg11[%dma_start3A_62, %dma_start3A_63] : memref<1920x8xf32, #tpu.memory_space<vmem>> -> memref<80x8xf32, #tpu.memory_space<vmem>>
      %dma_start3A_65 = arith.constant 0 : i32
      %dma_start3A_66 = tpu.memref_slice %arg2[%add3A_12, %dma_start3A_65] : memref<1600000x8xf32, #tpu.memory_space<hbm>> -> memref<80x8xf32, #tpu.memory_space<hbm>>
      tpu.enqueue_dma source(%dma_start3A_66 : memref<80x8xf32, #tpu.memory_space<hbm>>) target(%dma_start3A_64 : memref<80x8xf32, #tpu.memory_space<vmem>>) target_semaphore(%run_scoped3A_56 : memref<!tpu.dma_semaphore, #tpu.memory_space<semaphore_mem>>)
      %dma_wait3A_67 = arith.constant 0 : i32
      %dma_wait3A_68 = arith.constant 0 : i32
      %dma_wait3A_69 = tpu.memref_slice %arg11[%dma_wait3A_67, %dma_wait3A_68] : memref<1920x8xf32, #tpu.memory_space<vmem>> -> memref<80x8xf32, #tpu.memory_space<vmem>>
      %dma_wait3A_70 = arith.constant 0 : i32
      %dma_wait3A_71 = tpu.memref_slice %arg2[%add3A_12, %dma_wait3A_70] : memref<1600000x8xf32, #tpu.memory_space<hbm>> -> memref<80x8xf32, #tpu.memory_space<hbm>>
      %dma_wait3A_72 = arith.constant 0 : i32
      %dma_wait3A_73 = arith.constant 0 : i32
      %dma_wait3A_74 = tpu.memref_slice %arg11[%dma_wait3A_72, %dma_wait3A_73] : memref<1920x8xf32, #tpu.memory_space<vmem>> -> memref<80x8xf32, #tpu.memory_space<vmem>>
      %dma_wait3A_75 = arith.constant 0 : i32
      %dma_wait3A_76 = tpu.memref_slice %arg2[%add3A_12, %dma_wait3A_75] : memref<1600000x8xf32, #tpu.memory_space<hbm>> -> memref<80x8xf32, #tpu.memory_space<hbm>>
      tpu.wait_dma2 semaphore(%run_scoped3A_56 : memref<!tpu.dma_semaphore, #tpu.memory_space<semaphore_mem>>) src(%dma_wait3A_76 : memref<80x8xf32, #tpu.memory_space<hbm>>) dst(%dma_wait3A_74 : memref<80x8xf32, #tpu.memory_space<vmem>>)
      tpu.yield
    }) : () -> ()
    "tpu.region"() ({
      %run_scoped3A_56 = tpu.sem_alloc : memref<!tpu.dma_semaphore, #tpu.memory_space<semaphore_mem>>
      %dma_start3A_57 = arith.constant 80 : i32
      %dma_start3A_58 = arith.constant 0 : i32
      %dma_start3A_59 = tpu.memref_slice %arg11[%dma_start3A_57, %dma_start3A_58] : memref<1920x8xf32, #tpu.memory_space<vmem>> -> memref<48x8xf32, #tpu.memory_space<vmem>>
      %dma_start3A_60 = arith.constant 0 : i32
      %dma_start3A_61 = arith.constant 0 : i32
      %dma_start3A_62 = tpu.memref_slice %arg6[%dma_start3A_60, %dma_start3A_61] : memref<6272x8xf32, #tpu.memory_space<hbm>> -> memref<48x8xf32, #tpu.memory_space<hbm>>
      %dma_start3A_63 = arith.constant 80 : i32
      %dma_start3A_64 = arith.constant 0 : i32
      %dma_start3A_65 = tpu.memref_slice %arg11[%dma_start3A_63, %dma_start3A_64] : memref<1920x8xf32, #tpu.memory_space<vmem>> -> memref<48x8xf32, #tpu.memory_space<vmem>>
      %dma_start3A_66 = arith.constant 0 : i32
      %dma_start3A_67 = arith.constant 0 : i32
      %dma_start3A_68 = tpu.memref_slice %arg6[%dma_start3A_66, %dma_start3A_67] : memref<6272x8xf32, #tpu.memory_space<hbm>> -> memref<48x8xf32, #tpu.memory_space<hbm>>
      tpu.enqueue_dma source(%dma_start3A_68 : memref<48x8xf32, #tpu.memory_space<hbm>>) target(%dma_start3A_65 : memref<48x8xf32, #tpu.memory_space<vmem>>) target_semaphore(%run_scoped3A_56 : memref<!tpu.dma_semaphore, #tpu.memory_space<semaphore_mem>>)
      %dma_wait3A_69 = arith.constant 80 : i32
      %dma_wait3A_70 = arith.constant 0 : i32
      %dma_wait3A_71 = tpu.memref_slice %arg11[%dma_wait3A_69, %dma_wait3A_70] : memref<1920x8xf32, #tpu.memory_space<vmem>> -> memref<48x8xf32, #tpu.memory_space<vmem>>
      %dma_wait3A_72 = arith.constant 0 : i32
      %dma_wait3A_73 = arith.constant 0 : i32
      %dma_wait3A_74 = tpu.memref_slice %arg6[%dma_wait3A_72, %dma_wait3A_73] : memref<6272x8xf32, #tpu.memory_space<hbm>> -> memref<48x8xf32, #tpu.memory_space<hbm>>
      %dma_wait3A_75 = arith.constant 80 : i32
      %dma_wait3A_76 = arith.constant 0 : i32
      %dma_wait3A_77 = tpu.memref_slice %arg11[%dma_wait3A_75, %dma_wait3A_76] : memref<1920x8xf32, #tpu.memory_space<vmem>> -> memref<48x8xf32, #tpu.memory_space<vmem>>
      %dma_wait3A_78 = arith.constant 0 : i32
      %dma_wait3A_79 = arith.constant 0 : i32
      %dma_wait3A_80 = tpu.memref_slice %arg6[%dma_wait3A_78, %dma_wait3A_79] : memref<6272x8xf32, #tpu.memory_space<hbm>> -> memref<48x8xf32, #tpu.memory_space<hbm>>
      tpu.wait_dma2 semaphore(%run_scoped3A_56 : memref<!tpu.dma_semaphore, #tpu.memory_space<semaphore_mem>>) src(%dma_wait3A_80 : memref<48x8xf32, #tpu.memory_space<hbm>>) dst(%dma_wait3A_77 : memref<48x8xf32, #tpu.memory_space<vmem>>)
      tpu.yield
    }) : () -> ()
    %dma_start3A = arith.constant 0 : i32
    %dma_start3A_16 = arith.constant 0 : i32
    %dma_start3A_17 = arith.constant 0 : i32
    %dma_start3A_18 = tpu.memref_slice %arg11[%dma_start3A_16, %dma_start3A_17] : memref<1920x8xf32, #tpu.memory_space<vmem>> -> memref<128x8xf32, #tpu.memory_space<vmem>>
    %dma_start3A_19 = arith.constant 0 : i32
    %dma_start3A_20 = tpu.memref_slice %arg9[%dma_start3A, %dma_start3A_19] : memref<15x128xi32, #tpu.memory_space<vmem>> -> memref<1x128xi32, #tpu.memory_space<vmem>>
    %dma_start3A_21 = tpu.memref_squeeze %dma_start3A_20 : memref<1x128xi32, #tpu.memory_space<vmem>> -> memref<128xi32, #tpu.memory_space<vmem>>
    %dma_start3A_22 = arith.constant 0 : i32
    %dma_start3A_23 = arith.constant 0 : i32
    %dma_start3A_24 = tpu.memref_slice %arg13[%dma_start3A_22, %dma_start3A_23] : memref<100352x8xf32, #tpu.memory_space<vmem_shared>> -> memref<100352x8xf32, #tpu.memory_space<vmem_shared>>
    tpu.enqueue_indirect_dma source(%dma_start3A_18 : memref<128x8xf32, #tpu.memory_space<vmem>>) target(%dma_start3A_24 : memref<100352x8xf32, #tpu.memory_space<vmem_shared>>) offsets(%dma_start3A_21 : memref<128xi32, #tpu.memory_space<vmem>>) semaphore(%arg14 : memref<!tpu.dma_semaphore, #tpu.memory_space<semaphore_mem>>) {add = true}
    %dma_start3A_25 = arith.constant 0 : i32
    %dma_start3A_26 = arith.constant 0 : i32
    %dma_start3A_27 = tpu.memref_slice %arg10[%dma_start3A_25, %dma_start3A_26] : memref<15x128xi32, #tpu.memory_space<vmem>> -> memref<1x128xi32, #tpu.memory_space<vmem>>
    %dma_start3A_28 = tpu.memref_squeeze %dma_start3A_27 : memref<1x128xi32, #tpu.memory_space<vmem>> -> memref<128xi32, #tpu.memory_space<vmem>>
    %dma_start3A_29 = arith.constant 0 : i32
    %dma_start3A_30 = arith.constant 0 : i32
    %dma_start3A_31 = tpu.memref_slice %arg13[%dma_start3A_29, %dma_start3A_30] : memref<100352x8xf32, #tpu.memory_space<vmem_shared>> -> memref<100352x8xf32, #tpu.memory_space<vmem_shared>>
    tpu.enqueue_indirect_dma source(%arg12 : memref<128x8xf32, #tpu.memory_space<vmem>>) target(%dma_start3A_31 : memref<100352x8xf32, #tpu.memory_space<vmem_shared>>) offsets(%dma_start3A_28 : memref<128xi32, #tpu.memory_space<vmem>>) semaphore(%arg14 : memref<!tpu.dma_semaphore, #tpu.memory_space<semaphore_mem>>) {add = true}
    %dma_wait3A = arith.constant 0 : i32
    %dma_wait3A_32 = arith.constant 0 : i32
    %dma_wait3A_33 = arith.constant 0 : i32
    %dma_wait3A_34 = tpu.memref_slice %arg11[%dma_wait3A_32, %dma_wait3A_33] : memref<1920x8xf32, #tpu.memory_space<vmem>> -> memref<128x8xf32, #tpu.memory_space<vmem>>
    %dma_wait3A_35 = arith.constant 0 : i32
    %dma_wait3A_36 = tpu.memref_slice %arg9[%dma_wait3A, %dma_wait3A_35] : memref<15x128xi32, #tpu.memory_space<vmem>> -> memref<1x128xi32, #tpu.memory_space<vmem>>
    %dma_wait3A_37 = tpu.memref_squeeze %dma_wait3A_36 : memref<1x128xi32, #tpu.memory_space<vmem>> -> memref<128xi32, #tpu.memory_space<vmem>>
    %dma_wait3A_38 = arith.constant 0 : i32
    %dma_wait3A_39 = arith.constant 0 : i32
    %dma_wait3A_40 = tpu.memref_slice %arg13[%dma_wait3A_38, %dma_wait3A_39] : memref<100352x8xf32, #tpu.memory_space<vmem_shared>> -> memref<100352x8xf32, #tpu.memory_space<vmem_shared>>
    tpu.wait_indirect_dma semaphore(%arg14 : memref<!tpu.dma_semaphore, #tpu.memory_space<semaphore_mem>>) src(%dma_wait3A_34 : memref<128x8xf32, #tpu.memory_space<vmem>>) dst(%dma_wait3A_40 : memref<100352x8xf32, #tpu.memory_space<vmem_shared>>)
    %dma_wait3A_41 = arith.constant 0 : i32
    %dma_wait3A_42 = arith.constant 0 : i32
    %dma_wait3A_43 = tpu.memref_slice %arg10[%dma_wait3A_41, %dma_wait3A_42] : memref<15x128xi32, #tpu.memory_space<vmem>> -> memref<1x128xi32, #tpu.memory_space<vmem>>
    %dma_wait3A_44 = tpu.memref_squeeze %dma_wait3A_43 : memref<1x128xi32, #tpu.memory_space<vmem>> -> memref<128xi32, #tpu.memory_space<vmem>>
    %dma_wait3A_45 = arith.constant 0 : i32
    %dma_wait3A_46 = arith.constant 0 : i32
    %dma_wait3A_47 = tpu.memref_slice %arg13[%dma_wait3A_45, %dma_wait3A_46] : memref<100352x8xf32, #tpu.memory_space<vmem_shared>> -> memref<100352x8xf32, #tpu.memory_space<vmem_shared>>
    tpu.wait_indirect_dma semaphore(%arg14 : memref<!tpu.dma_semaphore, #tpu.memory_space<semaphore_mem>>) src(%arg12 : memref<128x8xf32, #tpu.memory_space<vmem>>) dst(%dma_wait3A_47 : memref<100352x8xf32, #tpu.memory_space<vmem_shared>>)
    %barrier3A_48 = arith.constant 0 : index
    tpu.barrier barrier_id(%barrier3A_48)
    %mul3A_49 = arith.constant 6272 : i32
    %mul3A_50 = arith.muli %arg1, %mul3A_49 : i32
    %mul3A_51 = arith.constant 100352 : i32
    %mul3A_52 = arith.muli %arg0, %mul3A_51 : i32
    %mul3A_53 = arith.constant 6272 : i32
    %mul3A_54 = arith.muli %arg1, %mul3A_53 : i32
    %add3A_55 = arith.addi %mul3A_52, %mul3A_54 : i32
    "tpu.region"() ({
      %run_scoped3A_56 = tpu.sem_alloc : memref<!tpu.dma_semaphore, #tpu.memory_space<semaphore_mem>>
      %dma_start3A_57 = arith.constant 0 : i32
      %dma_start3A_58 = tpu.memref_slice %arg8[%add3A_55, %dma_start3A_57] : memref<200704x8xf32, #tpu.memory_space<hbm>> -> memref<6272x8xf32, #tpu.memory_space<hbm>>
      %dma_start3A_59 = arith.constant 0 : i32
      %dma_start3A_60 = tpu.memref_slice %arg13[%mul3A_50, %dma_start3A_59] : memref<100352x8xf32, #tpu.memory_space<vmem_shared>> -> memref<6272x8xf32, #tpu.memory_space<vmem_shared>>
      tpu.enqueue_dma source(%dma_start3A_60 : memref<6272x8xf32, #tpu.memory_space<vmem_shared>>) target(%dma_start3A_58 : memref<6272x8xf32, #tpu.memory_space<hbm>>) target_semaphore(%run_scoped3A_56 : memref<!tpu.dma_semaphore, #tpu.memory_space<semaphore_mem>>)
      %dma_wait3A_61 = arith.constant 0 : i32
      %dma_wait3A_62 = tpu.memref_slice %arg8[%add3A_55, %dma_wait3A_61] : memref<200704x8xf32, #tpu.memory_space<hbm>> -> memref<6272x8xf32, #tpu.memory_space<hbm>>
      %dma_wait3A_63 = arith.constant 0 : i32
      %dma_wait3A_64 = tpu.memref_slice %arg13[%mul3A_50, %dma_wait3A_63] : memref<100352x8xf32, #tpu.memory_space<vmem_shared>> -> memref<6272x8xf32, #tpu.memory_space<vmem_shared>>
      tpu.wait_dma2 semaphore(%run_scoped3A_56 : memref<!tpu.dma_semaphore, #tpu.memory_space<semaphore_mem>>) src(%dma_wait3A_64 : memref<6272x8xf32, #tpu.memory_space<vmem_shared>>) dst(%dma_wait3A_62 : memref<6272x8xf32, #tpu.memory_space<hbm>>)
      tpu.yield
    }) : () -> ()
    return
  }
}

module attributes {stable_mosaic.version = 14 : i64} {
  func.func @_stage_b_body(%arg0: memref<12544x128xf32, #tpu.memory_space<vmem>>, %arg1: memref<128x128xf32, #tpu.memory_space<vmem>>, %arg2: memref<128x512xf32, #tpu.memory_space<vmem>>, %arg3: memref<128x512xf32, #tpu.memory_space<vmem>>, %arg4: memref<512x512xf32, #tpu.memory_space<vmem>>, %arg5: memref<512x384xf32, #tpu.memory_space<vmem>>, %arg6: memref<512x512xf32, #tpu.memory_space<vmem>>, %arg7: memref<1x512xf32, #tpu.memory_space<vmem>>, %arg8: memref<1x512xf32, #tpu.memory_space<vmem>>, %arg9: memref<1x512xf32, #tpu.memory_space<vmem>>, %arg10: memref<1x512xf32, #tpu.memory_space<vmem>>, %arg11: memref<1x512xf32, #tpu.memory_space<vmem>>, %arg12: memref<1x384xf32, #tpu.memory_space<vmem>>, %arg13: memref<6272x384xf32, #tpu.memory_space<vmem>>) attributes {dimension_semantics = [], scalar_prefetch = 0 : i64, scratch_operands = 0 : i64, tpu.core_type = #tpu.core_type<tc>} {
    %get3A = arith.constant 0 : index
    %get3A_0 = arith.constant 0 : index
    %get3A_1 = vector.load %arg0[%get3A, %get3A_0] : memref<12544x128xf32, #tpu.memory_space<vmem>>, vector<6272x128xf32>
    %get3A_2 = arith.constant 6272 : index
    %get3A_3 = arith.constant 0 : index
    %get3A_4 = vector.load %arg0[%get3A_2, %get3A_3] : memref<12544x128xf32, #tpu.memory_space<vmem>>, vector<6272x128xf32>
    %add3A = arith.addf %get3A_1, %get3A_4 : vector<6272x128xf32>
    %iota3A = tpu.iota {dimensions = array<i32: 0>} : vector<6272x1xi32>
    %lt3A = arith.constant 6250 : i32
    %lt3A_5 = vector.broadcast %lt3A : i32 to vector<6272x1xi32>
    %lt3A_6 = arith.cmpi slt, %iota3A, %lt3A_5 : vector<6272x1xi32>
    %get3A_7 = arith.constant 0 : index
    %get3A_8 = arith.constant 0 : index
    %get3A_9 = vector.load %arg1[%get3A_7, %get3A_8] : memref<128x128xf32, #tpu.memory_space<vmem>>, vector<128x128xf32>
    %dot_general3A = arith.constant dense<0.000000e+00> : vector<6272x128xf32>
    %dot_general3A_10 = tpu.matmul %add3A, %get3A_9, %dot_general3A {dimension_numbers = #tpu.dot_dimension_numbers<[1], [0], [0], [1], [0, 0, 1, 1], [], []>, transpose_lhs_hint = false} : vector<6272x128xf32>, vector<128x128xf32>, vector<6272x128xf32> -> vector<6272x128xf32>
    %max3A = arith.constant 1.000000e+00 : f32
    %max3A_11 = vector.broadcast %max3A : f32 to vector<6272x128xf32>
    %max3A_12 = arith.maximumf %dot_general3A_10, %max3A_11 : vector<6272x128xf32>
    %div3A = arith.divf %add3A, %max3A_12 : vector<6272x128xf32>
    %get3A_13 = arith.constant 0 : index
    %get3A_14 = arith.constant 0 : index
    %get3A_15 = vector.load %arg2[%get3A_13, %get3A_14] : memref<128x512xf32, #tpu.memory_space<vmem>>, vector<128x512xf32>
    %dot_general3A_16 = arith.constant dense<0.000000e+00> : vector<6272x512xf32>
    %dot_general3A_17 = tpu.matmul %div3A, %get3A_15, %dot_general3A_16 {dimension_numbers = #tpu.dot_dimension_numbers<[1], [0], [0], [1], [0, 0, 1, 1], [], []>, transpose_lhs_hint = false} : vector<6272x128xf32>, vector<128x512xf32>, vector<6272x512xf32> -> vector<6272x512xf32>
    %get3A_18 = arith.constant 0 : index
    %get3A_19 = arith.constant 0 : index
    %get3A_20 = vector.load %arg3[%get3A_18, %get3A_19] : memref<128x512xf32, #tpu.memory_space<vmem>>, vector<128x512xf32>
    %dot_general3A_21 = arith.constant dense<0.000000e+00> : vector<6272x512xf32>
    %dot_general3A_22 = tpu.matmul %add3A, %get3A_20, %dot_general3A_21 {dimension_numbers = #tpu.dot_dimension_numbers<[1], [0], [0], [1], [0, 0, 1, 1], [], []>, transpose_lhs_hint = false} : vector<6272x128xf32>, vector<128x512xf32>, vector<6272x512xf32> -> vector<6272x512xf32>
    %jit3A = arith.constant 0.000000e+00 : f32
    %broadcast_in_dim3A = vector.shape_cast %lt3A_6 : vector<6272x1xi1> to vector<6272x1xi1>
    %broadcast_in_dim3A_23 = vector.broadcast %broadcast_in_dim3A : vector<6272x1xi1> to vector<6272x512xi1>
    %broadcast_in_dim3A_24 = vector.broadcast %jit3A : f32 to vector<6272x512xf32>
    %select_n3A = arith.select %broadcast_in_dim3A_23, %dot_general3A_22, %broadcast_in_dim3A_24 : vector<6272x512xi1>, vector<6272x512xf32>
    %reduce_sum3A = arith.constant dense<0.000000e+00> : vector<512xf32>
    %reduce_sum3A_25 = vector.multi_reduction <add>, %dot_general3A_17, %reduce_sum3A [0] : vector<6272x512xf32> to vector<512xf32>
    %broadcast_in_dim3A_26 = vector.shape_cast %reduce_sum3A_25 : vector<512xf32> to vector<1x512xf32>
    %get3A_27 = arith.constant 0 : index
    %get3A_28 = arith.constant 0 : index
    %get3A_29 = vector.load %arg6[%get3A_27, %get3A_28] : memref<512x512xf32, #tpu.memory_space<vmem>>, vector<512x512xf32>
    %dot_general3A_30 = arith.constant dense<0.000000e+00> : vector<1x512xf32>
    %dot_general3A_31 = tpu.matmul %broadcast_in_dim3A_26, %get3A_29, %dot_general3A_30 {dimension_numbers = #tpu.dot_dimension_numbers<[1], [0], [0], [1], [0, 0, 1, 1], [], []>, transpose_lhs_hint = false} : vector<1x512xf32>, vector<512x512xf32>, vector<1x512xf32> -> vector<1x512xf32>
    %div3A_32 = arith.constant 1.000000e+05 : f32
    %div3A_33 = vector.broadcast %div3A_32 : f32 to vector<1x512xf32>
    %div3A_34 = arith.divf %dot_general3A_31, %div3A_33 : vector<1x512xf32>
    %sub3A = vector.broadcast %div3A_34 : vector<1x512xf32> to vector<6272x512xf32>
    %sub3A_35 = arith.subf %dot_general3A_17, %sub3A : vector<6272x512xf32>
    %integer_pow3A = arith.mulf %sub3A_35, %sub3A_35 : vector<6272x512xf32>
    %jit3A_36 = arith.constant 0.000000e+00 : f32
    %broadcast_in_dim3A_37 = vector.shape_cast %lt3A_6 : vector<6272x1xi1> to vector<6272x1xi1>
    %broadcast_in_dim3A_38 = vector.broadcast %broadcast_in_dim3A_37 : vector<6272x1xi1> to vector<6272x512xi1>
    %broadcast_in_dim3A_39 = vector.broadcast %jit3A_36 : f32 to vector<6272x512xf32>
    %select_n3A_40 = arith.select %broadcast_in_dim3A_38, %integer_pow3A, %broadcast_in_dim3A_39 : vector<6272x512xi1>, vector<6272x512xf32>
    %reduce_sum3A_41 = arith.constant dense<0.000000e+00> : vector<512xf32>
    %reduce_sum3A_42 = vector.multi_reduction <add>, %select_n3A_40, %reduce_sum3A_41 [0] : vector<6272x512xf32> to vector<512xf32>
    %broadcast_in_dim3A_43 = vector.shape_cast %reduce_sum3A_42 : vector<512xf32> to vector<1x512xf32>
    %get3A_44 = arith.constant 0 : index
    %get3A_45 = arith.constant 0 : index
    %get3A_46 = vector.load %arg6[%get3A_44, %get3A_45] : memref<512x512xf32, #tpu.memory_space<vmem>>, vector<512x512xf32>
    %dot_general3A_47 = arith.constant dense<0.000000e+00> : vector<1x512xf32>
    %dot_general3A_48 = tpu.matmul %broadcast_in_dim3A_43, %get3A_46, %dot_general3A_47 {dimension_numbers = #tpu.dot_dimension_numbers<[1], [0], [0], [1], [0, 0, 1, 1], [], []>, transpose_lhs_hint = false} : vector<1x512xf32>, vector<512x512xf32>, vector<1x512xf32> -> vector<1x512xf32>
    %div3A_49 = arith.constant 1.000000e+05 : f32
    %div3A_50 = vector.broadcast %div3A_49 : f32 to vector<1x512xf32>
    %div3A_51 = arith.divf %dot_general3A_48, %div3A_50 : vector<1x512xf32>
    %sub3A_52 = vector.broadcast %div3A_34 : vector<1x512xf32> to vector<6272x512xf32>
    %sub3A_53 = arith.subf %dot_general3A_17, %sub3A_52 : vector<6272x512xf32>
    %add3A_54 = arith.constant 9.99999974E-5 : f32
    %add3A_55 = vector.broadcast %add3A_54 : f32 to vector<1x512xf32>
    %add3A_56 = arith.addf %div3A_51, %add3A_55 : vector<1x512xf32>
    %rsqrt3A = math.rsqrt %add3A_56 : vector<1x512xf32>
    %mul3A = vector.broadcast %rsqrt3A : vector<1x512xf32> to vector<6272x512xf32>
    %mul3A_57 = arith.mulf %sub3A_53, %mul3A : vector<6272x512xf32>
    %get3A_58 = arith.constant 0 : index
    %get3A_59 = arith.constant 0 : index
    %get3A_60 = vector.load %arg7[%get3A_58, %get3A_59] : memref<1x512xf32, #tpu.memory_space<vmem>>, vector<1x512xf32>
    %mul3A_61 = vector.broadcast %get3A_60 : vector<1x512xf32> to vector<6272x512xf32>
    %mul3A_62 = arith.mulf %mul3A_57, %mul3A_61 : vector<6272x512xf32>
    %get3A_63 = arith.constant 0 : index
    %get3A_64 = arith.constant 0 : index
    %get3A_65 = vector.load %arg8[%get3A_63, %get3A_64] : memref<1x512xf32, #tpu.memory_space<vmem>>, vector<1x512xf32>
    %add3A_66 = vector.broadcast %get3A_65 : vector<1x512xf32> to vector<6272x512xf32>
    %add3A_67 = arith.addf %mul3A_62, %add3A_66 : vector<6272x512xf32>
    %max3A_68 = arith.constant 0.000000e+00 : f32
    %max3A_69 = vector.broadcast %max3A_68 : f32 to vector<6272x512xf32>
    %max3A_70 = arith.maximumf %add3A_67, %max3A_69 : vector<6272x512xf32>
    %get3A_71 = arith.constant 0 : index
    %get3A_72 = arith.constant 0 : index
    %get3A_73 = vector.load %arg4[%get3A_71, %get3A_72] : memref<512x512xf32, #tpu.memory_space<vmem>>, vector<512x512xf32>
    %dot_general3A_74 = arith.constant dense<0.000000e+00> : vector<6272x512xf32>
    %dot_general3A_75 = tpu.matmul %max3A_70, %get3A_73, %dot_general3A_74 {dimension_numbers = #tpu.dot_dimension_numbers<[1], [0], [0], [1], [0, 0, 1, 1], [], []>, transpose_lhs_hint = false} : vector<6272x512xf32>, vector<512x512xf32>, vector<6272x512xf32> -> vector<6272x512xf32>
    %get3A_76 = arith.constant 0 : index
    %get3A_77 = arith.constant 0 : index
    %get3A_78 = vector.load %arg9[%get3A_76, %get3A_77] : memref<1x512xf32, #tpu.memory_space<vmem>>, vector<1x512xf32>
    %add3A_79 = vector.broadcast %get3A_78 : vector<1x512xf32> to vector<6272x512xf32>
    %add3A_80 = arith.addf %dot_general3A_75, %add3A_79 : vector<6272x512xf32>
    %mul3A_81 = arith.mulf %add3A_80, %select_n3A : vector<6272x512xf32>
    %reduce_sum3A_82 = arith.constant dense<0.000000e+00> : vector<512xf32>
    %reduce_sum3A_83 = vector.multi_reduction <add>, %mul3A_81, %reduce_sum3A_82 [0] : vector<6272x512xf32> to vector<512xf32>
    %broadcast_in_dim3A_84 = vector.shape_cast %reduce_sum3A_83 : vector<512xf32> to vector<1x512xf32>
    %get3A_85 = arith.constant 0 : index
    %get3A_86 = arith.constant 0 : index
    %get3A_87 = vector.load %arg6[%get3A_85, %get3A_86] : memref<512x512xf32, #tpu.memory_space<vmem>>, vector<512x512xf32>
    %dot_general3A_88 = arith.constant dense<0.000000e+00> : vector<1x512xf32>
    %dot_general3A_89 = tpu.matmul %broadcast_in_dim3A_84, %get3A_87, %dot_general3A_88 {dimension_numbers = #tpu.dot_dimension_numbers<[1], [0], [0], [1], [0, 0, 1, 1], [], []>, transpose_lhs_hint = false} : vector<1x512xf32>, vector<512x512xf32>, vector<1x512xf32> -> vector<1x512xf32>
    %div3A_90 = arith.constant 1.600000e+06 : f32
    %div3A_91 = vector.broadcast %div3A_90 : f32 to vector<1x512xf32>
    %div3A_92 = arith.divf %dot_general3A_89, %div3A_91 : vector<1x512xf32>
    %sub3A_93 = vector.broadcast %div3A_92 : vector<1x512xf32> to vector<6272x512xf32>
    %sub3A_94 = arith.subf %add3A_80, %sub3A_93 : vector<6272x512xf32>
    %integer_pow3A_95 = arith.mulf %sub3A_94, %sub3A_94 : vector<6272x512xf32>
    %mul3A_96 = arith.mulf %select_n3A, %integer_pow3A_95 : vector<6272x512xf32>
    %reduce_sum3A_97 = arith.constant dense<0.000000e+00> : vector<512xf32>
    %reduce_sum3A_98 = vector.multi_reduction <add>, %mul3A_96, %reduce_sum3A_97 [0] : vector<6272x512xf32> to vector<512xf32>
    %broadcast_in_dim3A_99 = vector.shape_cast %reduce_sum3A_98 : vector<512xf32> to vector<1x512xf32>
    %get3A_100 = arith.constant 0 : index
    %get3A_101 = arith.constant 0 : index
    %get3A_102 = vector.load %arg6[%get3A_100, %get3A_101] : memref<512x512xf32, #tpu.memory_space<vmem>>, vector<512x512xf32>
    %dot_general3A_103 = arith.constant dense<0.000000e+00> : vector<1x512xf32>
    %dot_general3A_104 = tpu.matmul %broadcast_in_dim3A_99, %get3A_102, %dot_general3A_103 {dimension_numbers = #tpu.dot_dimension_numbers<[1], [0], [0], [1], [0, 0, 1, 1], [], []>, transpose_lhs_hint = false} : vector<1x512xf32>, vector<512x512xf32>, vector<1x512xf32> -> vector<1x512xf32>
    %div3A_105 = arith.constant 1.600000e+06 : f32
    %div3A_106 = vector.broadcast %div3A_105 : f32 to vector<1x512xf32>
    %div3A_107 = arith.divf %dot_general3A_104, %div3A_106 : vector<1x512xf32>
    %sub3A_108 = vector.broadcast %div3A_92 : vector<1x512xf32> to vector<6272x512xf32>
    %sub3A_109 = arith.subf %add3A_80, %sub3A_108 : vector<6272x512xf32>
    %add3A_110 = arith.constant 9.99999974E-5 : f32
    %add3A_111 = vector.broadcast %add3A_110 : f32 to vector<1x512xf32>
    %add3A_112 = arith.addf %div3A_107, %add3A_111 : vector<1x512xf32>
    %rsqrt3A_113 = math.rsqrt %add3A_112 : vector<1x512xf32>
    %mul3A_114 = vector.broadcast %rsqrt3A_113 : vector<1x512xf32> to vector<6272x512xf32>
    %mul3A_115 = arith.mulf %sub3A_109, %mul3A_114 : vector<6272x512xf32>
    %get3A_116 = arith.constant 0 : index
    %get3A_117 = arith.constant 0 : index
    %get3A_118 = vector.load %arg10[%get3A_116, %get3A_117] : memref<1x512xf32, #tpu.memory_space<vmem>>, vector<1x512xf32>
    %mul3A_119 = vector.broadcast %get3A_118 : vector<1x512xf32> to vector<6272x512xf32>
    %mul3A_120 = arith.mulf %mul3A_115, %mul3A_119 : vector<6272x512xf32>
    %get3A_121 = arith.constant 0 : index
    %get3A_122 = arith.constant 0 : index
    %get3A_123 = vector.load %arg11[%get3A_121, %get3A_122] : memref<1x512xf32, #tpu.memory_space<vmem>>, vector<1x512xf32>
    %add3A_124 = vector.broadcast %get3A_123 : vector<1x512xf32> to vector<6272x512xf32>
    %add3A_125 = arith.addf %mul3A_120, %add3A_124 : vector<6272x512xf32>
    %max3A_126 = arith.constant 0.000000e+00 : f32
    %max3A_127 = vector.broadcast %max3A_126 : f32 to vector<6272x512xf32>
    %max3A_128 = arith.maximumf %add3A_125, %max3A_127 : vector<6272x512xf32>
    %get3A_129 = arith.constant 0 : index
    %get3A_130 = arith.constant 0 : index
    %get3A_131 = vector.load %arg5[%get3A_129, %get3A_130] : memref<512x384xf32, #tpu.memory_space<vmem>>, vector<512x384xf32>
    %dot_general3A_132 = arith.constant dense<0.000000e+00> : vector<6272x384xf32>
    %dot_general3A_133 = tpu.matmul %max3A_128, %get3A_131, %dot_general3A_132 {dimension_numbers = #tpu.dot_dimension_numbers<[1], [0], [0], [1], [0, 0, 1, 1], [], []>, transpose_lhs_hint = false} : vector<6272x512xf32>, vector<512x384xf32>, vector<6272x384xf32> -> vector<6272x384xf32>
    %get3A_134 = arith.constant 0 : index
    %get3A_135 = arith.constant 0 : index
    %get3A_136 = vector.load %arg12[%get3A_134, %get3A_135] : memref<1x384xf32, #tpu.memory_space<vmem>>, vector<1x384xf32>
    %add3A_137 = vector.broadcast %get3A_136 : vector<1x384xf32> to vector<6272x384xf32>
    %add3A_138 = arith.addf %dot_general3A_133, %add3A_137 : vector<6272x384xf32>
    %swap3A = arith.constant 0 : index
    %swap3A_139 = arith.constant 0 : index
    %swap3A_140 = vector.load %arg13[%swap3A, %swap3A_139] : memref<6272x384xf32, #tpu.memory_space<vmem>>, vector<6272x384xf32>
    tpu.vector_store %arg13[%swap3A, %swap3A_139], %add3A_138 {strides = array<i32>} : memref<6272x384xf32, #tpu.memory_space<vmem>>, vector<6272x384xf32>,
    return
  }
}

</mosaic_0001>

<sc_bundles>
// kernel: kernel.5.cloned.1.call-start
scs
__scs_entry_jumppad:
0x0: {  	(pc) =	sbr.rel $0x88, $3  }
0x1: {  	(tag) =	ssettag $0x0;
	lr =	simm.s32 $0x1  }
0x2: {  	[smem:$0x3F94] =	sst lr;
	_ =	strace $0xD0000000  }
0x3: {  	_ = 	snop  }
0x4: {  	_ = 	snop  }
0x5: {  	_ = 	snop  }
0x6: {  	_ = 	snop  }
0x7: {  	_ = 	snop  }
__scs_overlays_trampoline_lowered:
0x8: {  	[smem:$0x3FA3] =	sst s0  }
0x9: {  	[smem:$0x3FA4] =	sst s1  }
0xa: {  	[smem:$0x3FA5] =	sst s2  }
0xb: {  	[smem:$0x3FA6] =	sst s3  }
0xc: {  	[smem:$0x3FA7] =	sst s4  }
0xd: {  	[smem:$0x3FA8] =	sst s5  }
0xe: {  	[smem:$0x3FA9] =	sst s6  }
0xf: {  	[smem:$0x3FAA] =	sst s7  }
0x10: {  	[smem:$0x3FAB] =	sst s8  }
0x11: {  	[smem:$0x3FAC] =	sst s9;
	s0 =	simm.s32 @!p0 $0x0  }
0x12: {  	s1 =	sld [smem:$0x3F92];
	s0 =	simm.s32 @p0 $0x1  }
0x13: {  	[smem:$0x3FAD] =	sst s0;
	s0 =	simm.s32 @!p1 $0x0  }
0x14: {  	s2 =	sld [smem:$0x3F91];
	s0 =	simm.s32 @p1 $0x1  }
0x15: {  	[smem:$0x3FAE] =	sst s0;
	s0 =	simm.s32 @!p2 $0x0  }
0x16: {  	s3 =	sld [smem:$0x3FDB];
	s0 =	simm.s32 @p2 $0x1  }
0x17: {  	s4 =	simm.s32 $0x1BF5;
	[smem:$0x3FB0] =	sst s0  }
0x18: {  	s0 =	sld [smem:$0x3F93];
	_ =	swait.ge [sflag:s4], $0x0  }
0x19: {  	s7 =	sld [smem:$0x3F94]  }
0x1a: {  	s8 =	sadd.s32 $0xFFFFE003, lr  }
0x1b: {  	s9 =	sadd.s32 $0xFFFFFEF7, lr;
	s5 =	simm.s32 $0xFFFFFFFF;
	p2 =	slt.u32 s8, $0xFFFFF086  }
0x1c: {  	p1 =	slt.u32 s9, $0xF7A;
	s5 =	simm.s32 @!p2 $0x0  }
0x1d: {  	s5 =	simm.s32 @p1 $0x1;
	p0 =	seq.s32 s7, s2  }
0x1e: {  	s7 =	smul.u32 @!p0 $0xF7A, s2;
	p2 =	seq.s32 @!p0 s5, $0x0  }
0x1f: {  	s9 =	smul.u32 $0xF7A, s1;
	s8 =	simm.s32 @!p0 $0x1BF5;
	p2 =	por !p2, p0  }
0x20: {  	[sflag:s8] =	ssyncset.s32 @!p0 $0xFFFFF086;
	s6 =	sadd.s32 @!p0 s3, s7;
	s7 =	simm.s32 @!p0 $0x108  }
0x21: {  	s3 =	sadd.s32 s3, s9;
	s6 =	sadd.s32 @!p0 $0x88, s6;
	s7 =	simm.s32 @p2 $0x1082  }
0x22: {  	[simem:s7], [sflag:s8] =	dma.local @!p0 [hbm:s6], $0xF7A  }
0x23: {  	s9 =	sor.u32 $0xD0000000, s2;
	s6 =	simm.s32 $0x108;
	_ =	swait.ge @!p0 [sflag:s8], $0x0  }
0x24: {  	s3 =	sadd.s32 $0x88, s3;
	s6 =	simm.s32 @!p1 $0x1082;
	[sflag:s4] =	ssyncset.s32 $0xFFFFF086  }
0x25: {  	[simem:s6], [sflag:s4] =	dma.local [hbm:s3], $0xF7A  }
0x26: {  	[smem:$0x3F94] =	sst s1;
	(tag) =	ssettag s2;
	_ =	strace s9  }
0x27: {  	s1 =	sld [smem:$0x3FA4]  }
0x28: {  	s2 =	sld [smem:$0x3FA5]  }
0x29: {  	s4 =	sld [smem:$0x3FA7]  }
0x2a: {  	p0 =	seq.s32 s5, $0x0;
	s5 =	sld [smem:$0x3FA8]  }
0x2b: {  	s6 =	sld [smem:$0x3FA9]  }
0x2c: {  	s7 =	sld [smem:$0x3FAA]  }
0x2d: {  	s3 =	simm.s32 $0x108;
	s8 =	sld [smem:$0x3FAB]  }
0x2e: {  	s3 =	simm.s32 @!p0 $0x1082;
	s9 =	sld [smem:$0x3FAC]  }
0x2f: {  	lr =	sadd.s32 s0, s3;
	s0 =	sld [smem:$0x3FA3]  }
0x30: {  	s3 =	sld [smem:$0x3FA6]  }
0x31: {  	[smem:$0x3FAF] =	sst s10  }
0x32: {  	s10 =	sld [smem:$0x3FAD];
	_ =	sdelay $0x3  }
0x33: {  	p0 =	seq.s32 s10, $0x1;
	s10 =	sld [smem:$0x3FAF];
	_ =	sdelay $0x3  }
0x34: {  	[smem:$0x3FAF] =	sst s10  }
0x35: {  	s10 =	sld [smem:$0x3FAE];
	_ =	sdelay $0x3  }
0x36: {  	p1 =	seq.s32 s10, $0x1;
	s10 =	sld [smem:$0x3FAF];
	_ =	sdelay $0x3  }
0x37: {  	[smem:$0x3FAF] =	sst s10  }
0x38: {  	s10 =	sld [smem:$0x3FB0]  }
0x39: {  	_ = 	snop;
	(pc) =	sbr.ind lr, $3  }
0x3a: {  	_ = 	snop  }
0x3b: {  	_ = 	snop  }
0x3c: {  	p2 =	seq.s32 s10, $0x1;
	s10 =	sld [smem:$0x3FAF]  }
0x3d: {  	_ =	shalt  }
0x3e: {  	_ =	shalt  }
0x3f: {  	_ =	shalt  }
0x40: {  	_ =	shalt  }
0x41: {  	_ =	shalt  }
0x42: {  	_ =	shalt  }
0x43: {  	_ =	shalt  }
0x44: {  	_ =	shalt  }
0x45: {  	_ =	shalt  }
0x46: {  	_ =	shalt  }
0x47: {  	_ =	shalt  }
0x48: {  	_ =	shalt  }
0x49: {  	_ =	shalt  }
0x4a: {  	_ =	shalt  }
0x4b: {  	_ =	shalt  }
0x4c: {  	_ =	shalt  }
0x4d: {  	_ =	shalt  }
0x4e: {  	_ =	shalt  }
0x4f: {  	_ =	shalt  }
0x50: {  	_ =	shalt  }
0x51: {  	_ =	shalt  }
0x52: {  	_ =	shalt  }
0x53: {  	_ =	shalt  }
0x54: {  	_ =	shalt  }
0x55: {  	_ =	shalt  }
0x56: {  	_ =	shalt  }
0x57: {  	_ =	shalt  }
0x58: {  	_ =	shalt  }
0x59: {  	_ =	shalt  }
0x5a: {  	_ =	shalt  }
0x5b: {  	_ =	shalt  }
0x5c: {  	_ =	shalt  }
0x5d: {  	_ =	shalt  }
0x5e: {  	_ =	shalt  }
0x5f: {  	_ =	shalt  }
0x60: {  	_ =	shalt  }
0x61: {  	_ =	shalt  }
0x62: {  	_ =	shalt  }
0x63: {  	_ =	shalt  }
0x64: {  	_ =	shalt  }
0x65: {  	_ =	shalt  }
0x66: {  	_ =	shalt  }
0x67: {  	_ =	shalt  }
0x68: {  	_ =	shalt  }
0x69: {  	_ =	shalt  }
0x6a: {  	_ =	shalt  }
0x6b: {  	_ =	shalt  }
0x6c: {  	_ =	shalt  }
0x6d: {  	_ =	shalt  }
0x6e: {  	_ =	shalt  }
0x6f: {  	_ =	shalt  }
0x70: {  	_ =	shalt  }
0x71: {  	_ =	shalt  }
0x72: {  	_ =	shalt  }
0x73: {  	_ =	shalt  }
0x74: {  	_ =	shalt  }
0x75: {  	_ =	shalt  }
0x76: {  	_ =	shalt  }
0x77: {  	_ =	shalt  }
0x78: {  	_ =	shalt  }
0x79: {  	_ =	shalt  }
0x7a: {  	_ =	shalt  }
0x7b: {  	_ =	shalt  }
0x7c: {  	_ =	shalt  }
0x7d: {  	_ =	shalt  }
0x7e: {  	_ =	shalt  }
0x7f: {  	_ =	shalt  }
0x80: {  	_ =	shalt  }
0x81: {  	_ =	shalt  }
0x82: {  	_ =	shalt  }
0x83: {  	_ =	shalt  }
0x84: {  	_ =	shalt  }
0x85: {  	_ =	shalt  }
0x86: {  	_ =	shalt  }
0x87: {  	_ =	shalt  }
.Lfunc_end0:
.L_simem_size_0:
called_computation.2_lowered:
.L_overlay_start_0:
0x88: {  	s2 =	sld [smem:$0x3FD9]  }
0x89: {  	s3 =	sld [smem:$0x3FFE];
	_ =	sdelay $0x1  }
0x8a: {  	s1 =	srdreg.scid  }
0x8b: {  	s0 =	sand.u32 $0x1, s1  }
0x8c: {  	s17 =	sshll.u32 s0, $0xA;
	s2 =	sadd.s32 s3, s2  }
0x8d: {  	s2 =	sadd.s32 s2, s17  }
0x8e: {  	[smem:$0x3FBB] =	sst s2  }
0x8f: {  	_ = 	snop  }
0x90: {  	s2 =	sld [smem:$0x3FBE]  }
0x91: {  	s18 =	sld [smem:$0x3FBD]  }
0x92: {  	s4 =	sld [smem:$0x3FD0];
	(tm) =	ssettm $0x1  }
0x93: {  	s5 =	sld [smem:$0x3FFB];
	_ =	sdelay $0x3  }
0x94: {  	_ =	strace s5  }
0x95: {  	s5 =	sld [smem:$0x3FFC];
	_ =	sdelay $0x3  }
0x96: {  	_ =	strace s5  }
0x97: {  	s5 =	sld [smem:$0x3FFD];
	_ =	sdelay $0x3  }
0x98: {  	_ =	strace s5  }
0x99: {  	_ =	strace $0x8FFFFFFF  }
0x9a: {  	s19 =	sld [smem:$0x3FDB];
	_ =	sdelay $0x1  }
0x9b: {  	s6 =	simm.s32 $_scs_section_size  }
0x9c: {  	s7 =	simm.s32 $_size__tile_overlayer_lowered;
	s8 =	simm.s32 $_tile_overlayer_lowered  }
0x9d: {  	s22 =	simm.s32 $0x1BFF;
	s21 =	sshll.u32 s8, $0x1;
	s5 =	sadd.s32 s6, s19  }
0x9e: {  	s9 =	simm.s32 $0x0;
	s20 =	sshll.u32 s7, $0x1;
	s7 =	sadd.s32 s21, s5  }
0x9f: {  	[timem:s9], [sflag:s22] =	dma.local [hbm:s7], s20  }
0xa0: {  	_ =	swait.ge [sflag:s22], s20  }
0xa1: {  	s6 =	ssub.s32 $0x0, s20;
	[sflag:s22] =	ssyncset.done $0x0  }
0xa2: {  	[sflag:s22] =	ssyncadd.s32 s6;
	_ =	sdelay $0x1  }
0xa3: {  	s23 =	simm.s32 $0x1B8B  }
0xa4: {  	_ =	swait.ge [sflag:s23], $0x1  }
0xa5: {  	[sflag:s23] =	ssyncset.done $0x0  }
0xa6: {  	s25 =	simm.s32 $0x1B8E;
	s24 =	sld [smem:$0x3FFE];
	[sflag:s23] =	ssyncadd.s32 $0xFFFFFFFF  }
0xa7: {  	s26 =	simm.s32 $execute0_lowered;
	[smem:$0x3FD2] =	sst s25  }
0xa8: {  	s7 =	sshll.u32 s26, $0x1;
	_ =	strace $0x80000049;
	[dreg:$0x1] =	wrdreg $0xFFFFFFFF  }
0xa9: {  	s28 =	simm.s32 $_size_execute0_lowered;
	s5 =	sadd.s32 s5, s7;
	[dreg:$0x0] =	wrdreg $0x0  }
0xaa: {  	s7 =	sshll.u32 s28, $0x1;
	[dreg:$0x2] =	wrdreg s5  }
0xab: {  	[dreg:$0x3] =	wrdreg s7  }
0xac: {  	[dreg:$0x4] =	wrdreg $0xC0  }
0xad: {  	_ =	task [dreg:s9], $0x5FFFF  }
0xae: {  	[dreg:$0x1] =	wrdreg $0xFFFFFFFF  }
0xaf: {  	[dreg:$0x0] =	wrdreg $0x60  }
0xb0: {  	[dreg:$0x2] =	wrdreg s4  }
0xb1: {  	[dreg:$0x3] =	wrdreg s2  }
0xb2: {  	[dreg:$0x4] =	wrdreg s18  }
0xb3: {  	[dreg:$0x5] =	wrdreg s24  }
0xb4: {  	[dreg:$0x6] =	wrdreg $0x4F000  }
0xb5: {  	[dreg:$0x7] =	wrdreg $0x9  }
0xb6: {  	_ =	task.clear_ibuf [dreg:s9], $0x8FFFF;
	_ =	strace $0x90000049  }
0xb7: {  	s29 =	simm.s32 $0x9;
	_ =	strace $0x8000004B  }
0xb8: {  	_ =	swait.ge [sflag:s29], $0x1  }
0xb9: {  	[sflag:s29] =	ssyncadd.s32 $0xFFFFFFFF  }
0xba: {  	_ =	strace $0x9000004B  }
0xbb: {  	_ =	sfence  }
0xbc: {  	s30 =	sld [smem:$0x0];
	_ =	sdelay $0x2  }
0xbd: {  	s31 =	sshll.u32 s1, $0xD;
	s1 =	sshrl.u32 s1, $0x2  }
0xbe: {  	s3 =	sand.u32 $0x4000, s31;
	s1 =	sadd.s32 s1, s30  }
0xbf: {  	s0 =	sor.u32 s3, s0;
	s1 =	sshll.u32 s1, $0x11  }
0xc0: {  	s0 =	sor.u32 s1, s0  }
0xc1: {  	s0 =	sadd.s32 $0x8F2B, s0  }
0xc2: {  	[sflag:s0] =	ssyncadd.remote.s32 $0x1  }
0xc3: {  	_ =	sfence.sel $0xFFFF  }
0xc4: {  	[dreg:$0x0] =	wrdreg $0xFFFFFFFF;
	(pc) =	sbr.abs _section_cstart, $3  }
0xc5: {  	[dreg:$0x1] =	wrdreg $0xFFFFFFFF  }
0xc6: {  	_ =	task.clear_ibuf [dreg:s9], $0x2FFFF;
	_ =	strace $0x9FFFFFFF  }
0xc7: {  	(tm) =	ssettm $0x7FFFFFFF  }
tec
execute0_lowered:
.L_overlay_start_1:
0x0: {  	(tag) =	ssettag $0x1  }
0x1: {  	s0 =	rddreg [dreg:$0x0]  }
0x2: {  	s2 =	rddreg [dreg:$0x1]  }
0x3: {  	s4 =	rddreg [dreg:$0x2]  }
0x4: {  	s5 =	rddreg [dreg:$0x3]  }
0x5: {  	s1 =	rddreg [dreg:$0x4]  }
0x6: {  	s3 =	simm.s32 $0x0;
	s13 =	stileid.u32;
	s15 =	srdreg.scid  }
0x7: {  	[smem:$0x7FF] =	sst s3;
	s6 =	sadd.s32 $0x186CC00, s5;
	s14 =	smul.u32 $0x1880, s13  }
0x8: {  	s21 =	sadd.s32 $0x2E00, s5;
	s7 =	sadd.s32 $0x2C00, s5;
	s8 =	sand.u32 $0x1, s15  }
0x9: {  	s16 =	smul.u32 $0x31000, s13;
	_ =	strace $0x8000004A;
	[smem:$0x7E1] =	sst s6  }
0xa: {  	s12 =	smul.u32 $0xC350, s13;
	s18 =	sshll.u32 s13, $0x6;
	[smem:$0x7E2] =	sst s7  }
0xb: {  	s17 =	ssub.s32 $0x2, s8;
	s9 =	sshll.u32 s8, $0x4;
	s10 =	smul.u32 $0xC3500, s8  }
0xc: {  	s23 =	sor.u32 $0x1C02, s18;
	[smem:$0x7FC] =	sst s21;
	s7 =	sshrl.u32 s16, $0x2  }
0xd: {  	s5 =	sadd.s32 s14, s5;
	s9 =	sor.u32 s13, s9;
	s7 =	sadd.s32 s7, s1  }
0xe: {  	s9 =	smul.u32 $0xC350, s9;
	[smem:$0x7E3] =	sst s7;
	s7 =	sadd.s32 s12, s10  }
0xf: {  	s11 =	sshrl.u32 s17, $0x1;
	[smem:$0x7FD] =	sst s23;
	s19 =	sshrl.u32 s7, $0x3  }
0x10: {  	s6 =	ssub.s32 s17, s11;
	s9 =	sadd.s32 $0xC300, s9;
	s20 =	sadd.s32 s19, s4  }
0x11: {  	s22 =	sadd.s32 $0x700, s7;
	s11 =	sadd.s32 s19, s2;
	[dreg:$0x6] =	wrdreg s20  }
0x12: {  	s26 =	sadd.s32 $0x680, s7;
	s13 =	sadd.s32 s0, s9;
	[dreg:$0x7] =	wrdreg s11  }
0x13: {  	s24 =	sshrl.u32 s22, $0x3;
	s0 =	sadd.s32 s0, s7;
	[smem:$0x7EA] =	sst s13  }
0x14: {  	s31 =	sadd.s32 $0x600, s7;
	s25 =	sadd.s32 s24, s4;
	[smem:$0x7F1] =	sst s0  }
0x15: {  	s29 =	sshrl.u32 s26, $0x3;
	s28 =	sadd.s32 s24, s2;
	[dreg:$0x8] =	wrdreg s25  }
0x16: {  	s16 =	sadd.s32 $0x580, s7;
	s30 =	sadd.s32 s29, s4;
	[dreg:$0x9] =	wrdreg s28  }
0x17: {  	s14 =	sshrl.u32 s31, $0x3;
	s12 =	sadd.s32 s29, s2;
	[dreg:$0xa] =	wrdreg s30  }
0x18: {  	s18 =	sshrl.u32 s16, $0x3;
	s15 =	sadd.s32 s14, s4;
	[dreg:$0xb] =	wrdreg s12  }
0x19: {  	s26 =	sadd.s32 $0x480, s7;
	s17 =	sadd.s32 s14, s2;
	[dreg:$0xc] =	wrdreg s15  }
0x1a: {  	s31 =	sadd.s32 $0x400, s7;
	s19 =	sadd.s32 s18, s4;
	[dreg:$0xd] =	wrdreg s17  }
0x1b: {  	s22 =	sadd.s32 s18, s2;
	s29 =	sshrl.u32 s26, $0x3;
	[dreg:$0xe] =	wrdreg s19  }
0x1c: {  	s16 =	sadd.s32 $0x380, s7;
	[dreg:$0xf] =	wrdreg s22;
	s30 =	sadd.s32 s29, s4  }
0x1d: {  	s14 =	sshrl.u32 s31, $0x3;
	s12 =	sadd.s32 s29, s2;
	[dreg:$0x12] =	wrdreg s30  }
0x1e: {  	s20 =	sadd.s32 $0x500, s7;
	s15 =	sadd.s32 s14, s4;
	[dreg:$0x13] =	wrdreg s12  }
0x1f: {  	s18 =	sshrl.u32 s16, $0x3;
	s17 =	sadd.s32 s14, s2;
	[dreg:$0x14] =	wrdreg s15  }
0x20: {  	s16 =	sadd.s32 $0x180, s7;
	s19 =	sadd.s32 s18, s4;
	[dreg:$0x15] =	wrdreg s17  }
0x21: {  	s24 =	sshrl.u32 s20, $0x3;
	s22 =	sadd.s32 s18, s2;
	[dreg:$0x16] =	wrdreg s19  }
0x22: {  	s18 =	sshrl.u32 s16, $0x3;
	s16 =	simm.s32 $0x1F00;
	[dreg:$0x17] =	wrdreg s22  }
0x23: {  	s26 =	sadd.s32 $0x280, s7;
	s25 =	sadd.s32 s24, s4;
	[smem:$0x7F0] =	sst s16  }
0x24: {  	s29 =	sshrl.u32 s26, $0x3;
	s28 =	sadd.s32 s24, s2;
	[dreg:$0x10] =	wrdreg s25  }
0x25: {  	s31 =	sadd.s32 $0x200, s7;
	s30 =	sadd.s32 s29, s4;
	[dreg:$0x11] =	wrdreg s28  }
0x26: {  	s14 =	sshrl.u32 s31, $0x3;
	s12 =	sadd.s32 s29, s2;
	[dreg:$0x1a] =	wrdreg s30  }
0x27: {  	s15 =	sadd.s32 s14, s4;
	[dreg:$0x1b] =	wrdreg s12  }
0x28: {  	s17 =	sadd.s32 s14, s2;
	[dreg:$0x1c] =	wrdreg s15  }
0x29: {  	s19 =	sadd.s32 s18, s4;
	[dreg:$0x1d] =	wrdreg s17  }
0x2a: {  	s20 =	sadd.s32 $0x300, s7;
	s22 =	sadd.s32 s18, s2;
	[dreg:$0x1e] =	wrdreg s19  }
0x2b: {  	s26 =	sadd.s32 $0x80, s7;
	s14 =	simm.s32 $0x1700;
	[dreg:$0x1f] =	wrdreg s22  }
0x2c: {  	s24 =	sshrl.u32 s20, $0x3;
	s18 =	simm.s32 $0x2300;
	[smem:$0x7EC] =	sst s14  }
0x2d: {  	s29 =	sshrl.u32 s26, $0x3;
	s26 =	simm.s32 $0x3700;
	[smem:$0x7F2] =	sst s18  }
0x2e: {  	s25 =	sadd.s32 s24, s4;
	[smem:$0x7F7] =	sst s26  }
0x2f: {  	s10 =	sshrl.u32 s9, $0x3;
	s28 =	sadd.s32 s24, s2;
	[dreg:$0x18] =	wrdreg s25  }
0x30: {  	s30 =	sadd.s32 s2, s10;
	[dreg:$0x19] =	wrdreg s28  }
0x31: {  	s31 =	sadd.s32 s29, s4;
	[smem:$0x7E5] =	sst s30  }
0x32: {  	s12 =	simm.s32 $0x1300;
	[smem:$0x7E8] =	sst s31  }
0x33: {  	s15 =	simm.s32 $0x1B00;
	[smem:$0x7EB] =	sst s12  }
0x34: {  	s17 =	smax.u32 s6, $0x1;
	[smem:$0x7EE] =	sst s15  }
0x35: {  	s20 =	sadd.s32 $0x100, s7;
	s19 =	simm.s32 $0x2700;
	[smem:$0x7EF] =	sst s17  }
0x36: {  	s24 =	sshrl.u32 s20, $0x3;
	s20 =	simm.s32 $0x2B00;
	[smem:$0x7F3] =	sst s19  }
0x37: {  	s22 =	simm.s32 $0x2F00;
	[smem:$0x7F4] =	sst s20  }
0x38: {  	s25 =	sadd.s32 s24, s4;
	[smem:$0x7F5] =	sst s22  }
0x39: {  	s28 =	sadd.s32 s24, s2;
	[smem:$0x7E4] =	sst s25  }
0x3a: {  	s4 =	sadd.s32 s4, s10;
	[smem:$0x7E6] =	sst s28  }
0x3b: {  	s2 =	sadd.s32 s29, s2;
	[smem:$0x7E7] =	sst s4  }
0x3c: {  	s29 =	simm.s32 $0x3F00;
	[smem:$0x7E9] =	sst s2  }
0x3d: {  	s11 =	smul.u32 $0x18800, s8;
	s30 =	simm.s32 $0x4300;
	[smem:$0x7F9] =	sst s29  }
0x3e: {  	s0 =	simm.s32 $0x0;
	s31 =	simm.s32 $0x4700;
	[smem:$0x7FA] =	sst s30  }
0x3f: {  	s16 =	simm.s32 $0x4B00;
	s25 =	simm.s32 $0x3300;
	[smem:$0x7FB] =	sst s31  }
0x40: {  	s4 =	sadd.s32 s11, s5;
	s28 =	simm.s32 $0x3B00;
	[smem:$0x7F6] =	sst s25  }
0x41: {  	s24 =	simm.s32 $0x2;
	s4 =	sadd.s32 $0x4800, s4;
	[smem:$0x7F8] =	sst s28  }
0x42: {  	s19 =	simm.s32 $0x80;
	s20 =	simm.s32 $0x1;
	[smem:$0x7ED] =	sst s4  }
.LBB2_1:
0x43: {  	s22 =	sld [smem:$0x7E3];
	_ =	sdelay $0x2  }
0x44: {  	[smem:$0x7DF] =	sst s0;
	s28 =	sshrl.u32 s22, $0x3  }
0x45: {  	[smem:$0x7E0] =	sst s28  }
0x46: {  	[spmem:s28], [sflag:s23] =	dma.local [hbm:s21], $0x1880  }
0x47: {  	_ =	swait.ge [sflag:s24], $0x1880  }
0x48: {  	s29 =	sld [smem:$0x7E1]  }
0x49: {  	[sflag:s24] =	ssyncset.done $0x0  }
0x4a: {  	[sflag:s24] =	ssyncadd.s32 $0xFFFFE780  }
0x4b: {  	[tilespmem:s16], [sflag:$0x2] =	stream.linear.gather [hbm4b:s29+s3], $0x400, $0x38;
	[tilespmem:$0x11300] =	vst v63  }
0x4c: {  	_ =	swait.ge [sflag:s24], $0x400  }
0x4d: {  	[sflag:s24] =	ssyncset.done $0x0  }
0x4e: {  	[sflag:s24] =	ssyncadd.s32 $0xFFFFFC00  }
0x4f: {  	[bflag:$0x0] =	sbarrier.arrive $0xFFFF  }
0x50: {  	s24 =	sld [smem:$0x7F1]  }
0x51: {  	s30 =	rddreg [dreg:$0x7]  }
0x52: {  	s2 =	simm.s32 $0xF00;
	s31 =	rddreg [dreg:$0x6]  }
0x53: {  	[tilespmem:s2], [sflag:$0x1] =	stream.linear.gather [hbm4b:s24+s3], $0x3C00, $0x38;
	[tilespmem:$0x11300] =	vst v63  }
0x54: {  	s4 =	sld [smem:$0x7E9];
	s21 =	sadd.s32 $0x0, s30  }
0x55: {  	[tilespmem:s3], [sflag:$0x1] =	stream.linear.gather [hbm4b:s21+s3], $0x80, $0x38;
	[tilespmem:$0x11300] =	vst v63  }
0x56: {  	s7 =	simm.s32 $0x780;
	s6 =	sld [smem:$0x7E8];
	s5 =	sadd.s32 $0x0, s31  }
0x57: {  	[tilespmem:s7], [sflag:$0x1] =	stream.linear.gather [hbm4b:s5+s3], $0x80, $0x38;
	[tilespmem:$0x11300] =	vst v63  }
0x58: {  	s9 =	sld [smem:$0x7E6];
	s8 =	sadd.s32 $0x0, s4  }
0x59: {  	[tilespmem:s19], [sflag:$0x1] =	stream.linear.gather [hbm4b:s8+s3], $0x80, $0x38;
	[tilespmem:$0x11300] =	vst v63  }
0x5a: {  	s12 =	simm.s32 $0x800;
	s11 =	sld [smem:$0x7E4];
	s10 =	sadd.s32 $0x0, s6  }
0x5b: {  	[tilespmem:s12], [sflag:$0x1] =	stream.linear.gather [hbm4b:s10+s3], $0x80, $0x38;
	[tilespmem:$0x11300] =	vst v63  }
0x5c: {  	s15 =	simm.s32 $0x100;
	s13 =	sadd.s32 $0x0, s9  }
0x5d: {  	[tilespmem:s15], [sflag:$0x1] =	stream.linear.gather [hbm4b:s13+s3], $0x80, $0x38;
	[tilespmem:$0x11300] =	vst v63  }
0x5e: {  	s25 =	simm.s32 $0x880;
	s14 =	rddreg [dreg:$0x1f];
	s17 =	sadd.s32 $0x0, s11  }
0x5f: {  	[tilespmem:s25], [sflag:$0x1] =	stream.linear.gather [hbm4b:s17+s3], $0x80, $0x38;
	[tilespmem:$0x11300] =	vst v63  }
0x60: {  	s29 =	simm.s32 $0x180;
	s18 =	rddreg [dreg:$0x1e];
	s26 =	sadd.s32 $0x0, s14  }
0x61: {  	[tilespmem:s29], [sflag:$0x1] =	stream.linear.gather [hbm4b:s26+s3], $0x80, $0x38;
	[tilespmem:$0x11300] =	vst v63  }
0x62: {  	s28 =	rddreg [dreg:$0x1d];
	s30 =	sadd.s32 $0x0, s18;
	s26 =	simm.s32 $0x900  }
0x63: {  	[tilespmem:s26], [sflag:$0x1] =	stream.linear.gather [hbm4b:s30+s3], $0x80, $0x38;
	[tilespmem:$0x11300] =	vst v63  }
0x64: {  	s31 =	rddreg [dreg:$0x1c];
	s0 =	sadd.s32 $0x0, s28;
	s25 =	simm.s32 $0x200  }
0x65: {  	[tilespmem:s25], [sflag:$0x1] =	stream.linear.gather [hbm4b:s0+s3], $0x80, $0x38;
	[tilespmem:$0x11300] =	vst v63  }
0x66: {  	s2 =	rddreg [dreg:$0x1b];
	s4 =	sadd.s32 $0x0, s31;
	s10 =	simm.s32 $0x980  }
0x67: {  	[tilespmem:s10], [sflag:$0x1] =	stream.linear.gather [hbm4b:s4+s3], $0x80, $0x38;
	[tilespmem:$0x11300] =	vst v63  }
0x68: {  	s11 =	simm.s32 $0x280;
	s6 =	sadd.s32 $0x0, s2;
	s5 =	rddreg [dreg:$0x1a]  }
0x69: {  	[tilespmem:s11], [sflag:$0x1] =	stream.linear.gather [hbm4b:s6+s3], $0x80, $0x38;
	[tilespmem:$0x11300] =	vst v63  }
0x6a: {  	s7 =	rddreg [dreg:$0x19];
	s8 =	sadd.s32 $0x0, s5;
	s12 =	simm.s32 $0xA00  }
0x6b: {  	[tilespmem:s12], [sflag:$0x1] =	stream.linear.gather [hbm4b:s8+s3], $0x80, $0x38;
	[tilespmem:$0x11300] =	vst v63  }
0x6c: {  	s9 =	rddreg [dreg:$0x18];
	s14 =	sadd.s32 $0x0, s7;
	s13 =	simm.s32 $0x300  }
0x6d: {  	[tilespmem:s13], [sflag:$0x1] =	stream.linear.gather [hbm4b:s14+s3], $0x80, $0x38;
	[tilespmem:$0x11300] =	vst v63  }
0x6e: {  	s15 =	rddreg [dreg:$0x17];
	s17 =	sadd.s32 $0x0, s9;
	s9 =	simm.s32 $0xA80  }
0x6f: {  	[tilespmem:s9], [sflag:$0x1] =	stream.linear.gather [hbm4b:s17+s3], $0x80, $0x38;
	[tilespmem:$0x11300] =	vst v63  }
0x70: {  	s18 =	rddreg [dreg:$0x16];
	s7 =	simm.s32 $0x380;
	s23 =	sadd.s32 $0x0, s15  }
0x71: {  	[tilespmem:s7], [sflag:$0x1] =	stream.linear.gather [hbm4b:s23+s3], $0x80, $0x38;
	[tilespmem:$0x11300] =	vst v63  }
0x72: {  	s28 =	rddreg [dreg:$0x15];
	s29 =	sadd.s32 $0x0, s18;
	s8 =	simm.s32 $0xB00  }
0x73: {  	[tilespmem:s8], [sflag:$0x1] =	stream.linear.gather [hbm4b:s29+s3], $0x80, $0x38;
	[tilespmem:$0x11300] =	vst v63  }
0x74: {  	s31 =	sadd.s32 $0x0, s28;
	s30 =	rddreg [dreg:$0x14];
	s14 =	simm.s32 $0x400  }
0x75: {  	[tilespmem:s14], [sflag:$0x1] =	stream.linear.gather [hbm4b:s31+s3], $0x80, $0x38;
	[tilespmem:$0x11300] =	vst v63  }
0x76: {  	s15 =	simm.s32 $0xB80;
	s2 =	sadd.s32 $0x0, s30;
	s0 =	rddreg [dreg:$0x13]  }
0x77: {  	[tilespmem:s15], [sflag:$0x1] =	stream.linear.gather [hbm4b:s2+s3], $0x80, $0x38;
	[tilespmem:$0x11300] =	vst v63  }
0x78: {  	s5 =	sadd.s32 $0x0, s0;
	s4 =	rddreg [dreg:$0x12];
	s17 =	simm.s32 $0x480  }
0x79: {  	[tilespmem:s17], [sflag:$0x1] =	stream.linear.gather [hbm4b:s5+s3], $0x80, $0x38;
	[tilespmem:$0x11300] =	vst v63  }
0x7a: {  	s18 =	simm.s32 $0xC00;
	s22 =	sadd.s32 $0x0, s4;
	s6 =	rddreg [dreg:$0x11]  }
0x7b: {  	[tilespmem:s18], [sflag:$0x1] =	stream.linear.gather [hbm4b:s22+s3], $0x80, $0x38;
	[tilespmem:$0x11300] =	vst v63  }
0x7c: {  	s28 =	rddreg [dreg:$0x10];
	s30 =	sadd.s32 $0x0, s6;
	s29 =	simm.s32 $0x500  }
0x7d: {  	[tilespmem:s29], [sflag:$0x1] =	stream.linear.gather [hbm4b:s30+s3], $0x80, $0x38;
	[tilespmem:$0x11300] =	vst v63  }
0x7e: {  	s0 =	sadd.s32 $0x0, s28;
	s31 =	rddreg [dreg:$0xf];
	s30 =	simm.s32 $0xC80  }
0x7f: {  	[tilespmem:s30], [sflag:$0x1] =	stream.linear.gather [hbm4b:s0+s3], $0x80, $0x38;
	[tilespmem:$0x11300] =	vst v63  }
0x80: {  	s4 =	sadd.s32 $0x0, s31;
	s31 =	simm.s32 $0x580;
	s2 =	rddreg [dreg:$0xe]  }
0x81: {  	[tilespmem:s31], [sflag:$0x1] =	stream.linear.gather [hbm4b:s4+s3], $0x80, $0x38;
	[tilespmem:$0x11300] =	vst v63  }
0x82: {  	s6 =	simm.s32 $0xD00;
	s5 =	rddreg [dreg:$0xd];
	s22 =	sadd.s32 $0x0, s2  }
0x83: {  	[tilespmem:s6], [sflag:$0x1] =	stream.linear.gather [hbm4b:s22+s3], $0x80, $0x38;
	[tilespmem:$0x11300] =	vst v63  }
0x84: {  	s28 =	rddreg [dreg:$0xc];
	s0 =	sadd.s32 $0x0, s5;
	s5 =	simm.s32 $0x600  }
0x85: {  	[tilespmem:s5], [sflag:$0x1] =	stream.linear.gather [hbm4b:s0+s3], $0x80, $0x38;
	[tilespmem:$0x11300] =	vst v63  }
0x86: {  	s2 =	rddreg [dreg:$0xb];
	s4 =	simm.s32 $0xD80;
	s22 =	sadd.s32 $0x0, s28  }
0x87: {  	[tilespmem:s4], [sflag:$0x1] =	stream.linear.gather [hbm4b:s22+s3], $0x80, $0x38;
	[tilespmem:$0x11300] =	vst v63  }
0x88: {  	s28 =	rddreg [dreg:$0xa];
	s0 =	sadd.s32 $0x0, s2;
	s2 =	simm.s32 $0x680  }
0x89: {  	[tilespmem:s2], [sflag:$0x1] =	stream.linear.gather [hbm4b:s0+s3], $0x80, $0x38;
	[tilespmem:$0x11300] =	vst v63  }
0x8a: {  	s23 =	rddreg [dreg:$0x9];
	s28 =	sadd.s32 $0x0, s28;
	s0 =	simm.s32 $0xE00  }
0x8b: {  	[tilespmem:s0], [sflag:$0x1] =	stream.linear.gather [hbm4b:s28+s3], $0x80, $0x38;
	[tilespmem:$0x11300] =	vst v63  }
0x8c: {  	s22 =	rddreg [dreg:$0x8];
	s28 =	sadd.s32 $0x0, s23;
	s23 =	simm.s32 $0x700  }
0x8d: {  	[tilespmem:s23], [sflag:$0x1] =	stream.linear.gather [hbm4b:s28+s3], $0x80, $0x38;
	[tilespmem:$0x11300] =	vst v63  }
0x8e: {  	s28 =	sadd.s32 $0x0, s22;
	s22 =	simm.s32 $0xE80  }
0x8f: {  	[tilespmem:s22], [sflag:$0x1] =	stream.linear.gather [hbm4b:s28+s3], $0x80, $0x38;
	[tilespmem:$0x11300] =	vst v63  }
0x90: {  	_ =	swait.ge [sflag:s20], $0x3C00  }
0x91: {  	[sflag:s20] =	ssyncset.done $0x0  }
0x92: {  	[sflag:s20] =	ssyncadd.s32 $0xFFFFC400  }
0x93: {  	_ =	swait.ge [sflag:s20], $0x80  }
0x94: {  	[sflag:s20] =	ssyncset.done $0x0  }
0x95: {  	[sflag:s20] =	ssyncadd.s32 $0xFFFFFF80  }
0x96: {  	_ =	swait.ge [sflag:s20], $0x80  }
0x97: {  	[sflag:s20] =	ssyncset.done $0x0  }
0x98: {  	[sflag:s20] =	ssyncadd.s32 $0xFFFFFF80  }
0x99: {  	_ =	swait.ge [sflag:s20], $0x80  }
0x9a: {  	[sflag:s20] =	ssyncset.done $0x0  }
0x9b: {  	[sflag:s20] =	ssyncadd.s32 $0xFFFFFF80  }
0x9c: {  	_ =	swait.ge [sflag:s20], $0x80  }
0x9d: {  	[sflag:s20] =	ssyncset.done $0x0  }
0x9e: {  	[sflag:s20] =	ssyncadd.s32 $0xFFFFFF80  }
0x9f: {  	_ =	swait.ge [sflag:s20], $0x80  }
0xa0: {  	[sflag:s20] =	ssyncset.done $0x0  }
0xa1: {  	[sflag:s20] =	ssyncadd.s32 $0xFFFFFF80  }
0xa2: {  	_ =	swait.ge [sflag:s20], $0x80  }
0xa3: {  	[sflag:s20] =	ssyncset.done $0x0  }
0xa4: {  	[sflag:s20] =	ssyncadd.s32 $0xFFFFFF80  }
0xa5: {  	_ =	swait.ge [sflag:s20], $0x80  }
0xa6: {  	[sflag:s20] =	ssyncset.done $0x0  }
0xa7: {  	[sflag:s20] =	ssyncadd.s32 $0xFFFFFF80  }
0xa8: {  	_ =	swait.ge [sflag:s20], $0x80  }
0xa9: {  	[sflag:s20] =	ssyncset.done $0x0  }
0xaa: {  	[sflag:s20] =	ssyncadd.s32 $0xFFFFFF80  }
0xab: {  	_ =	swait.ge [sflag:s20], $0x80  }
0xac: {  	[sflag:s20] =	ssyncset.done $0x0  }
0xad: {  	[sflag:s20] =	ssyncadd.s32 $0xFFFFFF80  }
0xae: {  	_ =	swait.ge [sflag:s20], $0x80  }
0xaf: {  	[sflag:s20] =	ssyncset.done $0x0  }
0xb0: {  	[sflag:s20] =	ssyncadd.s32 $0xFFFFFF80  }
0xb1: {  	_ =	swait.ge [sflag:s20], $0x80  }
0xb2: {  	[sflag:s20] =	ssyncset.done $0x0  }
0xb3: {  	[sflag:s20] =	ssyncadd.s32 $0xFFFFFF80  }
0xb4: {  	_ =	swait.ge [sflag:s20], $0x80  }
0xb5: {  	[sflag:s20] =	ssyncset.done $0x0  }
0xb6: {  	[sflag:s20] =	ssyncadd.s32 $0xFFFFFF80  }
0xb7: {  	_ =	swait.ge [sflag:s20], $0x80  }
0xb8: {  	[sflag:s20] =	ssyncset.done $0x0  }
0xb9: {  	[sflag:s20] =	ssyncadd.s32 $0xFFFFFF80  }
0xba: {  	_ =	swait.ge [sflag:s20], $0x80  }
0xbb: {  	[sflag:s20] =	ssyncset.done $0x0  }
0xbc: {  	[sflag:s20] =	ssyncadd.s32 $0xFFFFFF80  }
0xbd: {  	_ =	swait.ge [sflag:s20], $0x80  }
0xbe: {  	[sflag:s20] =	ssyncset.done $0x0  }
0xbf: {  	[sflag:s20] =	ssyncadd.s32 $0xFFFFFF80  }
0xc0: {  	_ =	swait.ge [sflag:s20], $0x80  }
0xc1: {  	[sflag:s20] =	ssyncset.done $0x0  }
0xc2: {  	[sflag:s20] =	ssyncadd.s32 $0xFFFFFF80  }
0xc3: {  	_ =	swait.ge [sflag:s20], $0x80  }
0xc4: {  	[sflag:s20] =	ssyncset.done $0x0  }
0xc5: {  	[sflag:s20] =	ssyncadd.s32 $0xFFFFFF80  }
0xc6: {  	_ =	swait.ge [sflag:s20], $0x80  }
0xc7: {  	[sflag:s20] =	ssyncset.done $0x0  }
0xc8: {  	[sflag:s20] =	ssyncadd.s32 $0xFFFFFF80  }
0xc9: {  	_ =	swait.ge [sflag:s20], $0x80  }
0xca: {  	[sflag:s20] =	ssyncset.done $0x0  }
0xcb: {  	[sflag:s20] =	ssyncadd.s32 $0xFFFFFF80  }
0xcc: {  	_ =	swait.ge [sflag:s20], $0x80  }
0xcd: {  	[sflag:s20] =	ssyncset.done $0x0  }
0xce: {  	[sflag:s20] =	ssyncadd.s32 $0xFFFFFF80  }
0xcf: {  	_ =	swait.ge [sflag:s20], $0x80  }
0xd0: {  	[sflag:s20] =	ssyncset.done $0x0  }
0xd1: {  	[sflag:s20] =	ssyncadd.s32 $0xFFFFFF80  }
0xd2: {  	_ =	swait.ge [sflag:s20], $0x80  }
0xd3: {  	[sflag:s20] =	ssyncset.done $0x0  }
0xd4: {  	[sflag:s20] =	ssyncadd.s32 $0xFFFFFF80  }
0xd5: {  	_ =	swait.ge [sflag:s20], $0x80  }
0xd6: {  	[sflag:s20] =	ssyncset.done $0x0  }
0xd7: {  	[sflag:s20] =	ssyncadd.s32 $0xFFFFFF80  }
0xd8: {  	_ =	swait.ge [sflag:s20], $0x80  }
0xd9: {  	[sflag:s20] =	ssyncset.done $0x0  }
0xda: {  	[sflag:s20] =	ssyncadd.s32 $0xFFFFFF80  }
0xdb: {  	_ =	swait.ge [sflag:s20], $0x80  }
0xdc: {  	[sflag:s20] =	ssyncset.done $0x0  }
0xdd: {  	[sflag:s20] =	ssyncadd.s32 $0xFFFFFF80  }
0xde: {  	_ =	swait.ge [sflag:s20], $0x80  }
0xdf: {  	[sflag:s20] =	ssyncset.done $0x0  }
0xe0: {  	[sflag:s20] =	ssyncadd.s32 $0xFFFFFF80  }
0xe1: {  	_ =	swait.ge [sflag:s20], $0x80  }
0xe2: {  	[sflag:s20] =	ssyncset.done $0x0  }
0xe3: {  	[sflag:s20] =	ssyncadd.s32 $0xFFFFFF80  }
0xe4: {  	_ =	swait.ge [sflag:s20], $0x80  }
0xe5: {  	[sflag:s20] =	ssyncset.done $0x0  }
0xe6: {  	[sflag:s20] =	ssyncadd.s32 $0xFFFFFF80  }
0xe7: {  	_ =	swait.ge [sflag:s20], $0x80  }
0xe8: {  	[sflag:s20] =	ssyncset.done $0x0  }
0xe9: {  	[sflag:s20] =	ssyncadd.s32 $0xFFFFFF80  }
0xea: {  	_ =	swait.ge [sflag:s20], $0x80  }
0xeb: {  	[sflag:s20] =	ssyncset.done $0x0  }
0xec: {  	s28 =	simm.s32 $0xF00;
	[sflag:s20] =	ssyncadd.s32 $0xFFFFFF80  }
0xed: {  	[spmem:s1] =	stream.indirect.scatter.add.f32 [tilespmem:s28], [sflag:$0x1], $0x8, s3, s19, $0xb8;
	[tilespmem:$0x11300] =	vst v63  }
0xee: {  	s21 =	sld [smem:$0x7EB];
	s28 =	simm.s32 $0x780  }
0xef: {  	[spmem:s1] =	stream.indirect.scatter.add.f32 [tilespmem:s16], [sflag:$0x1], $0x8, s28, s19, $0xb8;
	[tilespmem:$0x11300] =	vst v63  }
0xf0: {  	_ = 	snop  }
0xf1: {  	[spmem:s1] =	stream.indirect.scatter.add.f32 [tilespmem:s21], [sflag:$0x1], $0x8, s19, s19, $0xb8;
	[tilespmem:$0x11300] =	vst v63  }
0xf2: {  	s28 =	simm.s32 $0x800;
	s21 =	sld [smem:$0x7EC]  }
0xf3: {  	[spmem:s1] =	stream.indirect.scatter.add.f32 [tilespmem:s16], [sflag:$0x1], $0x8, s28, s19, $0xb8;
	[tilespmem:$0x11300] =	vst v63  }
0xf4: {  	s28 =	simm.s32 $0x100  }
0xf5: {  	[spmem:s1] =	stream.indirect.scatter.add.f32 [tilespmem:s21], [sflag:$0x1], $0x8, s28, s19, $0xb8;
	[tilespmem:$0x11300] =	vst v63  }
0xf6: {  	s21 =	sld [smem:$0x7EE];
	s28 =	simm.s32 $0x880  }
0xf7: {  	[spmem:s1] =	stream.indirect.scatter.add.f32 [tilespmem:s16], [sflag:$0x1], $0x8, s28, s19, $0xb8;
	[tilespmem:$0x11300] =	vst v63  }
0xf8: {  	s28 =	simm.s32 $0x180  }
0xf9: {  	[spmem:s1] =	stream.indirect.scatter.add.f32 [tilespmem:s21], [sflag:$0x1], $0x8, s28, s19, $0xb8;
	[tilespmem:$0x11300] =	vst v63  }
0xfa: {  	s28 =	sld [smem:$0x7F0]  }
0xfb: {  	[spmem:s1] =	stream.indirect.scatter.add.f32 [tilespmem:s16], [sflag:$0x1], $0x8, s26, s19, $0xb8;
	[tilespmem:$0x11300] =	vst v63  }
0xfc: {  	_ = 	snop  }
0xfd: {  	[spmem:s1] =	stream.indirect.scatter.add.f32 [tilespmem:s28], [sflag:$0x1], $0x8, s25, s19, $0xb8;
	[tilespmem:$0x11300] =	vst v63  }
0xfe: {  	s28 =	sld [smem:$0x7F2]  }
0xff: {  	[spmem:s1] =	stream.indirect.scatter.add.f32 [tilespmem:s16], [sflag:$0x1], $0x8, s10, s19, $0xb8;
	[tilespmem:$0x11300] =	vst v63  }
0x100: {  	_ = 	snop  }
0x101: {  	[spmem:s1] =	stream.indirect.scatter.add.f32 [tilespmem:s28], [sflag:$0x1], $0x8, s11, s19, $0xb8;
	[tilespmem:$0x11300] =	vst v63  }
0x102: {  	s11 =	sld [smem:$0x7F3]  }
0x103: {  	[spmem:s1] =	stream.indirect.scatter.add.f32 [tilespmem:s16], [sflag:$0x1], $0x8, s12, s19, $0xb8;
	[tilespmem:$0x11300] =	vst v63  }
0x104: {  	_ = 	snop  }
0x105: {  	[spmem:s1] =	stream.indirect.scatter.add.f32 [tilespmem:s11], [sflag:$0x1], $0x8, s13, s19, $0xb8;
	[tilespmem:$0x11300] =	vst v63  }
0x106: {  	s12 =	sld [smem:$0x7F4]  }
0x107: {  	[spmem:s1] =	stream.indirect.scatter.add.f32 [tilespmem:s16], [sflag:$0x1], $0x8, s9, s19, $0xb8;
	[tilespmem:$0x11300] =	vst v63  }
0x108: {  	_ = 	snop  }
0x109: {  	[spmem:s1] =	stream.indirect.scatter.add.f32 [tilespmem:s12], [sflag:$0x1], $0x8, s7, s19, $0xb8;
	[tilespmem:$0x11300] =	vst v63  }
0x10a: {  	s13 =	sld [smem:$0x7F5]  }
0x10b: {  	[spmem:s1] =	stream.indirect.scatter.add.f32 [tilespmem:s16], [sflag:$0x1], $0x8, s8, s19, $0xb8;
	[tilespmem:$0x11300] =	vst v63  }
0x10c: {  	_ = 	snop  }
0x10d: {  	[spmem:s1] =	stream.indirect.scatter.add.f32 [tilespmem:s13], [sflag:$0x1], $0x8, s14, s19, $0xb8;
	[tilespmem:$0x11300] =	vst v63  }
0x10e: {  	s25 =	sld [smem:$0x7F6]  }
0x10f: {  	[spmem:s1] =	stream.indirect.scatter.add.f32 [tilespmem:s16], [sflag:$0x1], $0x8, s15, s19, $0xb8;
	[tilespmem:$0x11300] =	vst v63  }
0x110: {  	_ = 	snop  }
0x111: {  	[spmem:s1] =	stream.indirect.scatter.add.f32 [tilespmem:s25], [sflag:$0x1], $0x8, s17, s19, $0xb8;
	[tilespmem:$0x11300] =	vst v63  }
0x112: {  	s26 =	sld [smem:$0x7F7]  }
0x113: {  	[spmem:s1] =	stream.indirect.scatter.add.f32 [tilespmem:s16], [sflag:$0x1], $0x8, s18, s19, $0xb8;
	[tilespmem:$0x11300] =	vst v63  }
0x114: {  	_ = 	snop  }
0x115: {  	[spmem:s1] =	stream.indirect.scatter.add.f32 [tilespmem:s26], [sflag:$0x1], $0x8, s29, s19, $0xb8;
	[tilespmem:$0x11300] =	vst v63  }
0x116: {  	s28 =	sld [smem:$0x7F8]  }
0x117: {  	[spmem:s1] =	stream.indirect.scatter.add.f32 [tilespmem:s16], [sflag:$0x1], $0x8, s30, s19, $0xb8;
	[tilespmem:$0x11300] =	vst v63  }
0x118: {  	_ = 	snop  }
0x119: {  	[spmem:s1] =	stream.indirect.scatter.add.f32 [tilespmem:s28], [sflag:$0x1], $0x8, s31, s19, $0xb8;
	[tilespmem:$0x11300] =	vst v63  }
0x11a: {  	s29 =	sld [smem:$0x7F9]  }
0x11b: {  	[spmem:s1] =	stream.indirect.scatter.add.f32 [tilespmem:s16], [sflag:$0x1], $0x8, s6, s19, $0xb8;
	[tilespmem:$0x11300] =	vst v63  }
0x11c: {  	_ = 	snop  }
0x11d: {  	[spmem:s1] =	stream.indirect.scatter.add.f32 [tilespmem:s29], [sflag:$0x1], $0x8, s5, s19, $0xb8;
	[tilespmem:$0x11300] =	vst v63  }
0x11e: {  	s30 =	sld [smem:$0x7FA]  }
0x11f: {  	[spmem:s1] =	stream.indirect.scatter.add.f32 [tilespmem:s16], [sflag:$0x1], $0x8, s4, s19, $0xb8;
	[tilespmem:$0x11300] =	vst v63  }
0x120: {  	_ = 	snop  }
0x121: {  	[spmem:s1] =	stream.indirect.scatter.add.f32 [tilespmem:s30], [sflag:$0x1], $0x8, s2, s19, $0xb8;
	[tilespmem:$0x11300] =	vst v63  }
0x122: {  	s31 =	sld [smem:$0x7FB]  }
0x123: {  	[spmem:s1] =	stream.indirect.scatter.add.f32 [tilespmem:s16], [sflag:$0x1], $0x8, s0, s19, $0xb8;
	[tilespmem:$0x11300] =	vst v63  }
0x124: {  	_ = 	snop  }
0x125: {  	[spmem:s1] =	stream.indirect.scatter.add.f32 [tilespmem:s31], [sflag:$0x1], $0x8, s23, s19, $0xb8;
	[tilespmem:$0x11300] =	vst v63  }
0x126: {  	_ = 	snop  }
0x127: {  	[spmem:s1] =	stream.indirect.scatter.add.f32 [tilespmem:s16], [sflag:$0x1], $0x8, s22, s19, $0xb8;
	[tilespmem:$0x11300] =	vst v63  }
0x128: {  	_ =	swait.ge [sflag:s20], $0x400  }
0x129: {  	[sflag:s20] =	ssyncset.done $0x0  }
0x12a: {  	[sflag:s20] =	ssyncadd.s32 $0xFFFFFC00  }
0x12b: {  	_ =	swait.ge [sflag:s20], $0x400  }
0x12c: {  	[sflag:s20] =	ssyncset.done $0x0  }
0x12d: {  	[sflag:s20] =	ssyncadd.s32 $0xFFFFFC00  }
0x12e: {  	_ =	swait.ge [sflag:s20], $0x400  }
0x12f: {  	[sflag:s20] =	ssyncset.done $0x0  }
0x130: {  	[sflag:s20] =	ssyncadd.s32 $0xFFFFFC00  }
0x131: {  	_ =	swait.ge [sflag:s20], $0x400  }
0x132: {  	[sflag:s20] =	ssyncset.done $0x0  }
0x133: {  	[sflag:s20] =	ssyncadd.s32 $0xFFFFFC00  }
0x134: {  	_ =	swait.ge [sflag:s20], $0x400  }
0x135: {  	[sflag:s20] =	ssyncset.done $0x0  }
0x136: {  	[sflag:s20] =	ssyncadd.s32 $0xFFFFFC00  }
0x137: {  	_ =	swait.ge [sflag:s20], $0x400  }
0x138: {  	[sflag:s20] =	ssyncset.done $0x0  }
0x139: {  	[sflag:s20] =	ssyncadd.s32 $0xFFFFFC00  }
0x13a: {  	_ =	swait.ge [sflag:s20], $0x400  }
0x13b: {  	[sflag:s20] =	ssyncset.done $0x0  }
0x13c: {  	[sflag:s20] =	ssyncadd.s32 $0xFFFFFC00  }
0x13d: {  	_ =	swait.ge [sflag:s20], $0x400  }
0x13e: {  	[sflag:s20] =	ssyncset.done $0x0  }
0x13f: {  	[sflag:s20] =	ssyncadd.s32 $0xFFFFFC00  }
0x140: {  	_ =	swait.ge [sflag:s20], $0x400  }
0x141: {  	[sflag:s20] =	ssyncset.done $0x0  }
0x142: {  	[sflag:s20] =	ssyncadd.s32 $0xFFFFFC00  }
0x143: {  	_ =	swait.ge [sflag:s20], $0x400  }
0x144: {  	[sflag:s20] =	ssyncset.done $0x0  }
0x145: {  	[sflag:s20] =	ssyncadd.s32 $0xFFFFFC00  }
0x146: {  	_ =	swait.ge [sflag:s20], $0x400  }
0x147: {  	[sflag:s20] =	ssyncset.done $0x0  }
0x148: {  	[sflag:s20] =	ssyncadd.s32 $0xFFFFFC00  }
0x149: {  	_ =	swait.ge [sflag:s20], $0x400  }
0x14a: {  	[sflag:s20] =	ssyncset.done $0x0  }
0x14b: {  	[sflag:s20] =	ssyncadd.s32 $0xFFFFFC00  }
0x14c: {  	_ =	swait.ge [sflag:s20], $0x400  }
0x14d: {  	[sflag:s20] =	ssyncset.done $0x0  }
0x14e: {  	[sflag:s20] =	ssyncadd.s32 $0xFFFFFC00  }
0x14f: {  	_ =	swait.ge [sflag:s20], $0x400  }
0x150: {  	[sflag:s20] =	ssyncset.done $0x0  }
0x151: {  	[sflag:s20] =	ssyncadd.s32 $0xFFFFFC00  }
0x152: {  	_ =	swait.ge [sflag:s20], $0x400  }
0x153: {  	[sflag:s20] =	ssyncset.done $0x0  }
0x154: {  	[sflag:s20] =	ssyncadd.s32 $0xFFFFFC00  }
0x155: {  	_ =	swait.ge [sflag:s20], $0x400  }
0x156: {  	[sflag:s20] =	ssyncset.done $0x0  }
0x157: {  	[sflag:s20] =	ssyncadd.s32 $0xFFFFFC00  }
0x158: {  	_ =	swait.ge [sflag:s20], $0x400  }
0x159: {  	[sflag:s20] =	ssyncset.done $0x0  }
0x15a: {  	[sflag:s20] =	ssyncadd.s32 $0xFFFFFC00  }
0x15b: {  	_ =	swait.ge [sflag:s20], $0x400  }
0x15c: {  	[sflag:s20] =	ssyncset.done $0x0  }
0x15d: {  	[sflag:s20] =	ssyncadd.s32 $0xFFFFFC00  }
0x15e: {  	_ =	swait.ge [sflag:s20], $0x400  }
0x15f: {  	[sflag:s20] =	ssyncset.done $0x0  }
0x160: {  	[sflag:s20] =	ssyncadd.s32 $0xFFFFFC00  }
0x161: {  	_ =	swait.ge [sflag:s20], $0x400  }
0x162: {  	[sflag:s20] =	ssyncset.done $0x0  }
0x163: {  	[sflag:s20] =	ssyncadd.s32 $0xFFFFFC00  }
0x164: {  	_ =	swait.ge [sflag:s20], $0x400  }
0x165: {  	[sflag:s20] =	ssyncset.done $0x0  }
0x166: {  	[sflag:s20] =	ssyncadd.s32 $0xFFFFFC00  }
0x167: {  	_ =	swait.ge [sflag:s20], $0x400  }
0x168: {  	[sflag:s20] =	ssyncset.done $0x0  }
0x169: {  	[sflag:s20] =	ssyncadd.s32 $0xFFFFFC00  }
0x16a: {  	_ =	swait.ge [sflag:s20], $0x400  }
0x16b: {  	[sflag:s20] =	ssyncset.done $0x0  }
0x16c: {  	[sflag:s20] =	ssyncadd.s32 $0xFFFFFC00  }
0x16d: {  	_ =	swait.ge [sflag:s20], $0x400  }
0x16e: {  	[sflag:s20] =	ssyncset.done $0x0  }
0x16f: {  	[sflag:s20] =	ssyncadd.s32 $0xFFFFFC00  }
0x170: {  	_ =	swait.ge [sflag:s20], $0x400  }
0x171: {  	[sflag:s20] =	ssyncset.done $0x0  }
0x172: {  	[sflag:s20] =	ssyncadd.s32 $0xFFFFFC00  }
0x173: {  	_ =	swait.ge [sflag:s20], $0x400  }
0x174: {  	[sflag:s20] =	ssyncset.done $0x0  }
0x175: {  	[sflag:s20] =	ssyncadd.s32 $0xFFFFFC00  }
0x176: {  	_ =	swait.ge [sflag:s20], $0x400  }
0x177: {  	[sflag:s20] =	ssyncset.done $0x0  }
0x178: {  	[sflag:s20] =	ssyncadd.s32 $0xFFFFFC00  }
0x179: {  	_ =	swait.ge [sflag:s20], $0x400  }
0x17a: {  	[sflag:s20] =	ssyncset.done $0x0  }
0x17b: {  	[sflag:s20] =	ssyncadd.s32 $0xFFFFFC00  }
0x17c: {  	_ =	swait.ge [sflag:s20], $0x400  }
0x17d: {  	[sflag:s20] =	ssyncset.done $0x0  }
0x17e: {  	[sflag:s20] =	ssyncadd.s32 $0xFFFFFC00  }
0x17f: {  	s21 =	simm.s32 $0xF0;
	s23 =	smov.u32 s24;
	_ =	swait.ge [sflag:s20], $0x400  }
0x180: {  	s22 =	simm.s32 $0x1E0;
	s25 =	rddreg [dreg:$0x7];
	[sflag:s20] =	ssyncset.done $0x0  }
.LBB2_2:
0x181: {  	s26 =	rddreg [dreg:$0x6]  }
0x182: {  	[sflag:s20] =	ssyncadd.s32 $0xFFFFFC00;
	s23 =	sadd.s32 $0x780, s23;
	s0 =	simm.s32 $0xF00  }
0x183: {  	[tilespmem:s0], [sflag:$0x1] =	stream.linear.gather [hbm4b:s23+s3], $0x3C00, $0x38;
	[tilespmem:$0x11300] =	vst v63  }
0x184: {  	s25 =	sadd.s32 s21, s25;
	s28 =	sld [smem:$0x7E9]  }
0x185: {  	[tilespmem:s3], [sflag:$0x1] =	stream.linear.gather [hbm4b:s25+s3], $0x80, $0x38;
	[tilespmem:$0x11300] =	vst v63  }
0x186: {  	s6 =	sld [smem:$0x7E8];
	s7 =	simm.s32 $0x780;
	s5 =	sadd.s32 s21, s26  }
0x187: {  	[tilespmem:s7], [sflag:$0x1] =	stream.linear.gather [hbm4b:s5+s3], $0x80, $0x38;
	[tilespmem:$0x11300] =	vst v63  }
0x188: {  	s9 =	sld [smem:$0x7E6];
	s8 =	sadd.s32 s21, s28  }
0x189: {  	[tilespmem:s19], [sflag:$0x1] =	stream.linear.gather [hbm4b:s8+s3], $0x80, $0x38;
	[tilespmem:$0x11300] =	vst v63  }
0x18a: {  	s11 =	sld [smem:$0x7E4];
	s12 =	simm.s32 $0x800;
	s10 =	sadd.s32 s21, s6  }
0x18b: {  	[tilespmem:s12], [sflag:$0x1] =	stream.linear.gather [hbm4b:s10+s3], $0x80, $0x38;
	[tilespmem:$0x11300] =	vst v63  }
0x18c: {  	s15 =	simm.s32 $0x100;
	s13 =	sadd.s32 s21, s9  }
0x18d: {  	[tilespmem:s15], [sflag:$0x1] =	stream.linear.gather [hbm4b:s13+s3], $0x80, $0x38;
	[tilespmem:$0x11300] =	vst v63  }
0x18e: {  	s14 =	rddreg [dreg:$0x1f];
	s29 =	simm.s32 $0x880;
	s17 =	sadd.s32 s21, s11  }
0x18f: {  	[tilespmem:s29], [sflag:$0x1] =	stream.linear.gather [hbm4b:s17+s3], $0x80, $0x38;
	[tilespmem:$0x11300] =	vst v63  }
0x190: {  	s18 =	rddreg [dreg:$0x1e];
	s2 =	simm.s32 $0x180;
	s30 =	sadd.s32 s21, s14  }
0x191: {  	[tilespmem:s2], [sflag:$0x1] =	stream.linear.gather [hbm4b:s30+s3], $0x80, $0x38;
	[tilespmem:$0x11300] =	vst v63  }
0x192: {  	s31 =	rddreg [dreg:$0x1d];
	s4 =	sadd.s32 s21, s18;
	s6 =	simm.s32 $0x900  }
0x193: {  	[tilespmem:s6], [sflag:$0x1] =	stream.linear.gather [hbm4b:s4+s3], $0x80, $0x38;
	[tilespmem:$0x11300] =	vst v63  }
0x194: {  	s9 =	simm.s32 $0x200;
	s5 =	rddreg [dreg:$0x1c];
	s7 =	sadd.s32 s21, s31  }
0x195: {  	[tilespmem:s9], [sflag:$0x1] =	stream.linear.gather [hbm4b:s7+s3], $0x80, $0x38;
	[tilespmem:$0x11300] =	vst v63  }
0x196: {  	s31 =	simm.s32 $0x980;
	s8 =	rddreg [dreg:$0x1b];
	s10 =	sadd.s32 s21, s5  }
0x197: {  	[tilespmem:s31], [sflag:$0x1] =	stream.linear.gather [hbm4b:s10+s3], $0x80, $0x38;
	[tilespmem:$0x11300] =	vst v63  }
0x198: {  	s11 =	rddreg [dreg:$0x1a];
	s12 =	sadd.s32 s21, s8;
	s30 =	simm.s32 $0x280  }
0x199: {  	[tilespmem:s30], [sflag:$0x1] =	stream.linear.gather [hbm4b:s12+s3], $0x80, $0x38;
	[tilespmem:$0x11300] =	vst v63  }
0x19a: {  	s14 =	sadd.s32 s21, s11;
	s13 =	rddreg [dreg:$0x19];
	s29 =	simm.s32 $0xA00  }
0x19b: {  	[tilespmem:s29], [sflag:$0x1] =	stream.linear.gather [hbm4b:s14+s3], $0x80, $0x38;
	[tilespmem:$0x11300] =	vst v63  }
0x19c: {  	s15 =	rddreg [dreg:$0x18];
	s17 =	sadd.s32 s21, s13;
	s13 =	simm.s32 $0x300  }
0x19d: {  	[tilespmem:s13], [sflag:$0x1] =	stream.linear.gather [hbm4b:s17+s3], $0x80, $0x38;
	[tilespmem:$0x11300] =	vst v63  }
0x19e: {  	s18 =	rddreg [dreg:$0x17];
	s0 =	sadd.s32 s21, s15;
	s12 =	simm.s32 $0xA80  }
0x19f: {  	[tilespmem:s12], [sflag:$0x1] =	stream.linear.gather [hbm4b:s0+s3], $0x80, $0x38;
	[tilespmem:$0x11300] =	vst v63  }
0x1a0: {  	s11 =	simm.s32 $0x380;
	s2 =	rddreg [dreg:$0x16];
	s4 =	sadd.s32 s21, s18  }
0x1a1: {  	[tilespmem:s11], [sflag:$0x1] =	stream.linear.gather [hbm4b:s4+s3], $0x80, $0x38;
	[tilespmem:$0x11300] =	vst v63  }
0x1a2: {  	s5 =	rddreg [dreg:$0x15];
	s6 =	sadd.s32 s21, s2;
	s10 =	simm.s32 $0xB00  }
0x1a3: {  	[tilespmem:s10], [sflag:$0x1] =	stream.linear.gather [hbm4b:s6+s3], $0x80, $0x38;
	[tilespmem:$0x11300] =	vst v63  }
0x1a4: {  	s8 =	sadd.s32 s21, s5;
	s7 =	rddreg [dreg:$0x14];
	s14 =	simm.s32 $0x400  }
0x1a5: {  	[tilespmem:s14], [sflag:$0x1] =	stream.linear.gather [hbm4b:s8+s3], $0x80, $0x38;
	[tilespmem:$0x11300] =	vst v63  }
0x1a6: {  	s15 =	simm.s32 $0xB80;
	s9 =	rddreg [dreg:$0x13];
	s17 =	sadd.s32 s21, s7  }
0x1a7: {  	[tilespmem:s15], [sflag:$0x1] =	stream.linear.gather [hbm4b:s17+s3], $0x80, $0x38;
	[tilespmem:$0x11300] =	vst v63  }
0x1a8: {  	s18 =	rddreg [dreg:$0x12];
	s0 =	sadd.s32 s21, s9;
	s17 =	simm.s32 $0x480  }
0x1a9: {  	[tilespmem:s17], [sflag:$0x1] =	stream.linear.gather [hbm4b:s0+s3], $0x80, $0x38;
	[tilespmem:$0x11300] =	vst v63  }
0x1aa: {  	s2 =	rddreg [dreg:$0x11];
	s4 =	sadd.s32 s21, s18;
	s18 =	simm.s32 $0xC00  }
0x1ab: {  	[tilespmem:s18], [sflag:$0x1] =	stream.linear.gather [hbm4b:s4+s3], $0x80, $0x38;
	[tilespmem:$0x11300] =	vst v63  }
0x1ac: {  	s5 =	rddreg [dreg:$0x10];
	s9 =	simm.s32 $0x500;
	s6 =	sadd.s32 s21, s2  }
0x1ad: {  	[tilespmem:s9], [sflag:$0x1] =	stream.linear.gather [hbm4b:s6+s3], $0x80, $0x38;
	[tilespmem:$0x11300] =	vst v63  }
0x1ae: {  	s7 =	rddreg [dreg:$0xf];
	s8 =	simm.s32 $0xC80;
	s0 =	sadd.s32 s21, s5  }
0x1af: {  	[tilespmem:s8], [sflag:$0x1] =	stream.linear.gather [hbm4b:s0+s3], $0x80, $0x38;
	[tilespmem:$0x11300] =	vst v63  }
0x1b0: {  	s2 =	rddreg [dreg:$0xe];
	s4 =	sadd.s32 s21, s7;
	s7 =	simm.s32 $0x580  }
0x1b1: {  	[tilespmem:s7], [sflag:$0x1] =	stream.linear.gather [hbm4b:s4+s3], $0x80, $0x38;
	[tilespmem:$0x11300] =	vst v63  }
0x1b2: {  	s5 =	rddreg [dreg:$0xd];
	s6 =	simm.s32 $0xD00;
	s0 =	sadd.s32 s21, s2  }
0x1b3: {  	[tilespmem:s6], [sflag:$0x1] =	stream.linear.gather [hbm4b:s0+s3], $0x80, $0x38;
	[tilespmem:$0x11300] =	vst v63  }
0x1b4: {  	s2 =	rddreg [dreg:$0xc];
	s4 =	sadd.s32 s21, s5;
	s5 =	simm.s32 $0x600  }
0x1b5: {  	[tilespmem:s5], [sflag:$0x1] =	stream.linear.gather [hbm4b:s4+s3], $0x80, $0x38;
	[tilespmem:$0x11300] =	vst v63  }
0x1b6: {  	s2 =	sadd.s32 s21, s2;
	s0 =	rddreg [dreg:$0xb];
	s4 =	simm.s32 $0xD80  }
0x1b7: {  	[tilespmem:s4], [sflag:$0x1] =	stream.linear.gather [hbm4b:s2+s3], $0x80, $0x38;
	[tilespmem:$0x11300] =	vst v63  }
0x1b8: {  	s26 =	rddreg [dreg:$0xa];
	s0 =	sadd.s32 s21, s0;
	s2 =	simm.s32 $0x680  }
0x1b9: {  	[tilespmem:s2], [sflag:$0x1] =	stream.linear.gather [hbm4b:s0+s3], $0x80, $0x38;
	[tilespmem:$0x11300] =	vst v63  }
0x1ba: {  	s28 =	rddreg [dreg:$0x9];
	s25 =	sadd.s32 s21, s26;
	s0 =	simm.s32 $0xE00  }
0x1bb: {  	[tilespmem:s0], [sflag:$0x1] =	stream.linear.gather [hbm4b:s25+s3], $0x80, $0x38;
	[tilespmem:$0x11300] =	vst v63  }
0x1bc: {  	s26 =	rddreg [dreg:$0x8];
	s25 =	sadd.s32 s21, s28;
	s28 =	simm.s32 $0x700  }
0x1bd: {  	[tilespmem:s28], [sflag:$0x1] =	stream.linear.gather [hbm4b:s25+s3], $0x80, $0x38;
	[tilespmem:$0x11300] =	vst v63  }
0x1be: {  	s25 =	sadd.s32 s21, s26;
	s26 =	simm.s32 $0xE80  }
0x1bf: {  	[tilespmem:s26], [sflag:$0x1] =	stream.linear.gather [hbm4b:s25+s3], $0x80, $0x38;
	[tilespmem:$0x11300] =	vst v63  }
0x1c0: {  	_ =	swait.ge [sflag:s20], $0x3C00  }
0x1c1: {  	[sflag:s20] =	ssyncset.done $0x0  }
0x1c2: {  	[sflag:s20] =	ssyncadd.s32 $0xFFFFC400  }
0x1c3: {  	_ =	swait.ge [sflag:s20], $0x80  }
0x1c4: {  	[sflag:s20] =	ssyncset.done $0x0  }
0x1c5: {  	[sflag:s20] =	ssyncadd.s32 $0xFFFFFF80  }
0x1c6: {  	_ =	swait.ge [sflag:s20], $0x80  }
0x1c7: {  	[sflag:s20] =	ssyncset.done $0x0  }
0x1c8: {  	[sflag:s20] =	ssyncadd.s32 $0xFFFFFF80  }
0x1c9: {  	_ =	swait.ge [sflag:s20], $0x80  }
0x1ca: {  	[sflag:s20] =	ssyncset.done $0x0  }
0x1cb: {  	[sflag:s20] =	ssyncadd.s32 $0xFFFFFF80  }
0x1cc: {  	_ =	swait.ge [sflag:s20], $0x80  }
0x1cd: {  	[sflag:s20] =	ssyncset.done $0x0  }
0x1ce: {  	[sflag:s20] =	ssyncadd.s32 $0xFFFFFF80  }
0x1cf: {  	_ =	swait.ge [sflag:s20], $0x80  }
0x1d0: {  	[sflag:s20] =	ssyncset.done $0x0  }
0x1d1: {  	[sflag:s20] =	ssyncadd.s32 $0xFFFFFF80  }
0x1d2: {  	_ =	swait.ge [sflag:s20], $0x80  }
0x1d3: {  	[sflag:s20] =	ssyncset.done $0x0  }
0x1d4: {  	[sflag:s20] =	ssyncadd.s32 $0xFFFFFF80  }
0x1d5: {  	_ =	swait.ge [sflag:s20], $0x80  }
0x1d6: {  	[sflag:s20] =	ssyncset.done $0x0  }
0x1d7: {  	[sflag:s20] =	ssyncadd.s32 $0xFFFFFF80  }
0x1d8: {  	_ =	swait.ge [sflag:s20], $0x80  }
0x1d9: {  	[sflag:s20] =	ssyncset.done $0x0  }
0x1da: {  	[sflag:s20] =	ssyncadd.s32 $0xFFFFFF80  }
0x1db: {  	_ =	swait.ge [sflag:s20], $0x80  }
0x1dc: {  	[sflag:s20] =	ssyncset.done $0x0  }
0x1dd: {  	[sflag:s20] =	ssyncadd.s32 $0xFFFFFF80  }
0x1de: {  	_ =	swait.ge [sflag:s20], $0x80  }
0x1df: {  	[sflag:s20] =	ssyncset.done $0x0  }
0x1e0: {  	[sflag:s20] =	ssyncadd.s32 $0xFFFFFF80  }
0x1e1: {  	_ =	swait.ge [sflag:s20], $0x80  }
0x1e2: {  	[sflag:s20] =	ssyncset.done $0x0  }
0x1e3: {  	[sflag:s20] =	ssyncadd.s32 $0xFFFFFF80  }
0x1e4: {  	_ =	swait.ge [sflag:s20], $0x80  }
0x1e5: {  	[sflag:s20] =	ssyncset.done $0x0  }
0x1e6: {  	[sflag:s20] =	ssyncadd.s32 $0xFFFFFF80  }
0x1e7: {  	_ =	swait.ge [sflag:s20], $0x80  }
0x1e8: {  	[sflag:s20] =	ssyncset.done $0x0  }
0x1e9: {  	[sflag:s20] =	ssyncadd.s32 $0xFFFFFF80  }
0x1ea: {  	_ =	swait.ge [sflag:s20], $0x80  }
0x1eb: {  	[sflag:s20] =	ssyncset.done $0x0  }
0x1ec: {  	[sflag:s20] =	ssyncadd.s32 $0xFFFFFF80  }
0x1ed: {  	_ =	swait.ge [sflag:s20], $0x80  }
0x1ee: {  	[sflag:s20] =	ssyncset.done $0x0  }
0x1ef: {  	[sflag:s20] =	ssyncadd.s32 $0xFFFFFF80  }
0x1f0: {  	_ =	swait.ge [sflag:s20], $0x80  }
0x1f1: {  	[sflag:s20] =	ssyncset.done $0x0  }
0x1f2: {  	[sflag:s20] =	ssyncadd.s32 $0xFFFFFF80  }
0x1f3: {  	_ =	swait.ge [sflag:s20], $0x80  }
0x1f4: {  	[sflag:s20] =	ssyncset.done $0x0  }
0x1f5: {  	[sflag:s20] =	ssyncadd.s32 $0xFFFFFF80  }
0x1f6: {  	_ =	swait.ge [sflag:s20], $0x80  }
0x1f7: {  	[sflag:s20] =	ssyncset.done $0x0  }
0x1f8: {  	[sflag:s20] =	ssyncadd.s32 $0xFFFFFF80  }
0x1f9: {  	_ =	swait.ge [sflag:s20], $0x80  }
0x1fa: {  	[sflag:s20] =	ssyncset.done $0x0  }
0x1fb: {  	[sflag:s20] =	ssyncadd.s32 $0xFFFFFF80  }
0x1fc: {  	_ =	swait.ge [sflag:s20], $0x80  }
0x1fd: {  	[sflag:s20] =	ssyncset.done $0x0  }
0x1fe: {  	[sflag:s20] =	ssyncadd.s32 $0xFFFFFF80  }
0x1ff: {  	_ =	swait.ge [sflag:s20], $0x80  }
0x200: {  	[sflag:s20] =	ssyncset.done $0x0  }
0x201: {  	[sflag:s20] =	ssyncadd.s32 $0xFFFFFF80  }
0x202: {  	_ =	swait.ge [sflag:s20], $0x80  }
0x203: {  	[sflag:s20] =	ssyncset.done $0x0  }
0x204: {  	[sflag:s20] =	ssyncadd.s32 $0xFFFFFF80  }
0x205: {  	_ =	swait.ge [sflag:s20], $0x80  }
0x206: {  	[sflag:s20] =	ssyncset.done $0x0  }
0x207: {  	[sflag:s20] =	ssyncadd.s32 $0xFFFFFF80  }
0x208: {  	_ =	swait.ge [sflag:s20], $0x80  }
0x209: {  	[sflag:s20] =	ssyncset.done $0x0  }
0x20a: {  	[sflag:s20] =	ssyncadd.s32 $0xFFFFFF80  }
0x20b: {  	_ =	swait.ge [sflag:s20], $0x80  }
0x20c: {  	[sflag:s20] =	ssyncset.done $0x0  }
0x20d: {  	[sflag:s20] =	ssyncadd.s32 $0xFFFFFF80  }
0x20e: {  	_ =	swait.ge [sflag:s20], $0x80  }
0x20f: {  	[sflag:s20] =	ssyncset.done $0x0  }
0x210: {  	[sflag:s20] =	ssyncadd.s32 $0xFFFFFF80  }
0x211: {  	_ =	swait.ge [sflag:s20], $0x80  }
0x212: {  	[sflag:s20] =	ssyncset.done $0x0  }
0x213: {  	[sflag:s20] =	ssyncadd.s32 $0xFFFFFF80  }
0x214: {  	_ =	swait.ge [sflag:s20], $0x80  }
0x215: {  	[sflag:s20] =	ssyncset.done $0x0  }
0x216: {  	[sflag:s20] =	ssyncadd.s32 $0xFFFFFF80  }
0x217: {  	_ =	swait.ge [sflag:s20], $0x80  }
0x218: {  	[sflag:s20] =	ssyncset.done $0x0  }
0x219: {  	[sflag:s20] =	ssyncadd.s32 $0xFFFFFF80  }
0x21a: {  	_ =	swait.ge [sflag:s20], $0x80  }
0x21b: {  	[sflag:s20] =	ssyncset.done $0x0  }
0x21c: {  	s24 =	smov.u32 s22;
	s25 =	simm.s32 $0xF00;
	[sflag:s20] =	ssyncadd.s32 $0xFFFFFF80  }
0x21d: {  	[spmem:s1] =	stream.indirect.scatter.add.f32 [tilespmem:s25], [sflag:$0x1], $0x8, s3, s19, $0xb8;
	[tilespmem:$0x11300] =	vst v63  }
0x21e: {  	s21 =	smov.u32 s24;
	s24 =	sld [smem:$0x7EB];
	s25 =	simm.s32 $0x780  }
0x21f: {  	[spmem:s1] =	stream.indirect.scatter.add.f32 [tilespmem:s16], [sflag:$0x1], $0x8, s25, s19, $0xb8;
	[tilespmem:$0x11300] =	vst v63  }
0x220: {  	_ = 	snop  }
0x221: {  	[spmem:s1] =	stream.indirect.scatter.add.f32 [tilespmem:s24], [sflag:$0x1], $0x8, s19, s19, $0xb8;
	[tilespmem:$0x11300] =	vst v63  }
0x222: {  	s25 =	simm.s32 $0x800;
	s24 =	sld [smem:$0x7EC]  }
0x223: {  	[spmem:s1] =	stream.indirect.scatter.add.f32 [tilespmem:s16], [sflag:$0x1], $0x8, s25, s19, $0xb8;
	[tilespmem:$0x11300] =	vst v63  }
0x224: {  	s25 =	simm.s32 $0x100  }
0x225: {  	[spmem:s1] =	stream.indirect.scatter.add.f32 [tilespmem:s24], [sflag:$0x1], $0x8, s25, s19, $0xb8;
	[tilespmem:$0x11300] =	vst v63  }
0x226: {  	s24 =	sld [smem:$0x7EE];
	s25 =	simm.s32 $0x880  }
0x227: {  	[spmem:s1] =	stream.indirect.scatter.add.f32 [tilespmem:s16], [sflag:$0x1], $0x8, s25, s19, $0xb8;
	[tilespmem:$0x11300] =	vst v63  }
0x228: {  	s25 =	simm.s32 $0x180  }
0x229: {  	[spmem:s1] =	stream.indirect.scatter.add.f32 [tilespmem:s24], [sflag:$0x1], $0x8, s25, s19, $0xb8;
	[tilespmem:$0x11300] =	vst v63  }
0x22a: {  	s24 =	sld [smem:$0x7F0];
	s25 =	simm.s32 $0x900  }
0x22b: {  	[spmem:s1] =	stream.indirect.scatter.add.f32 [tilespmem:s16], [sflag:$0x1], $0x8, s25, s19, $0xb8;
	[tilespmem:$0x11300] =	vst v63  }
0x22c: {  	s25 =	simm.s32 $0x200  }
0x22d: {  	[spmem:s1] =	stream.indirect.scatter.add.f32 [tilespmem:s24], [sflag:$0x1], $0x8, s25, s19, $0xb8;
	[tilespmem:$0x11300] =	vst v63  }
0x22e: {  	s25 =	sld [smem:$0x7F2]  }
0x22f: {  	[spmem:s1] =	stream.indirect.scatter.add.f32 [tilespmem:s16], [sflag:$0x1], $0x8, s31, s19, $0xb8;
	[tilespmem:$0x11300] =	vst v63  }
0x230: {  	_ = 	snop  }
0x231: {  	[spmem:s1] =	stream.indirect.scatter.add.f32 [tilespmem:s25], [sflag:$0x1], $0x8, s30, s19, $0xb8;
	[tilespmem:$0x11300] =	vst v63  }
0x232: {  	s30 =	sld [smem:$0x7F3]  }
0x233: {  	[spmem:s1] =	stream.indirect.scatter.add.f32 [tilespmem:s16], [sflag:$0x1], $0x8, s29, s19, $0xb8;
	[tilespmem:$0x11300] =	vst v63  }
0x234: {  	_ = 	snop  }
0x235: {  	[spmem:s1] =	stream.indirect.scatter.add.f32 [tilespmem:s30], [sflag:$0x1], $0x8, s13, s19, $0xb8;
	[tilespmem:$0x11300] =	vst v63  }
0x236: {  	s31 =	sld [smem:$0x7F4]  }
0x237: {  	[spmem:s1] =	stream.indirect.scatter.add.f32 [tilespmem:s16], [sflag:$0x1], $0x8, s12, s19, $0xb8;
	[tilespmem:$0x11300] =	vst v63  }
0x238: {  	_ = 	snop  }
0x239: {  	[spmem:s1] =	stream.indirect.scatter.add.f32 [tilespmem:s31], [sflag:$0x1], $0x8, s11, s19, $0xb8;
	[tilespmem:$0x11300] =	vst v63  }
0x23a: {  	s13 =	sld [smem:$0x7F5]  }
0x23b: {  	[spmem:s1] =	stream.indirect.scatter.add.f32 [tilespmem:s16], [sflag:$0x1], $0x8, s10, s19, $0xb8;
	[tilespmem:$0x11300] =	vst v63  }
0x23c: {  	_ = 	snop  }
0x23d: {  	[spmem:s1] =	stream.indirect.scatter.add.f32 [tilespmem:s13], [sflag:$0x1], $0x8, s14, s19, $0xb8;
	[tilespmem:$0x11300] =	vst v63  }
0x23e: {  	s14 =	sld [smem:$0x7F6]  }
0x23f: {  	[spmem:s1] =	stream.indirect.scatter.add.f32 [tilespmem:s16], [sflag:$0x1], $0x8, s15, s19, $0xb8;
	[tilespmem:$0x11300] =	vst v63  }
0x240: {  	_ = 	snop  }
0x241: {  	[spmem:s1] =	stream.indirect.scatter.add.f32 [tilespmem:s14], [sflag:$0x1], $0x8, s17, s19, $0xb8;
	[tilespmem:$0x11300] =	vst v63  }
0x242: {  	s17 =	sld [smem:$0x7F7]  }
0x243: {  	[spmem:s1] =	stream.indirect.scatter.add.f32 [tilespmem:s16], [sflag:$0x1], $0x8, s18, s19, $0xb8;
	[tilespmem:$0x11300] =	vst v63  }
0x244: {  	_ = 	snop  }
0x245: {  	[spmem:s1] =	stream.indirect.scatter.add.f32 [tilespmem:s17], [sflag:$0x1], $0x8, s9, s19, $0xb8;
	[tilespmem:$0x11300] =	vst v63  }
0x246: {  	s25 =	sld [smem:$0x7F8]  }
0x247: {  	[spmem:s1] =	stream.indirect.scatter.add.f32 [tilespmem:s16], [sflag:$0x1], $0x8, s8, s19, $0xb8;
	[tilespmem:$0x11300] =	vst v63  }
0x248: {  	_ = 	snop  }
0x249: {  	[spmem:s1] =	stream.indirect.scatter.add.f32 [tilespmem:s25], [sflag:$0x1], $0x8, s7, s19, $0xb8;
	[tilespmem:$0x11300] =	vst v63  }
0x24a: {  	s29 =	sld [smem:$0x7F9]  }
0x24b: {  	[spmem:s1] =	stream.indirect.scatter.add.f32 [tilespmem:s16], [sflag:$0x1], $0x8, s6, s19, $0xb8;
	[tilespmem:$0x11300] =	vst v63  }
0x24c: {  	_ = 	snop  }
0x24d: {  	[spmem:s1] =	stream.indirect.scatter.add.f32 [tilespmem:s29], [sflag:$0x1], $0x8, s5, s19, $0xb8;
	[tilespmem:$0x11300] =	vst v63  }
0x24e: {  	s30 =	sld [smem:$0x7FA]  }
0x24f: {  	[spmem:s1] =	stream.indirect.scatter.add.f32 [tilespmem:s16], [sflag:$0x1], $0x8, s4, s19, $0xb8;
	[tilespmem:$0x11300] =	vst v63  }
0x250: {  	_ = 	snop  }
0x251: {  	[spmem:s1] =	stream.indirect.scatter.add.f32 [tilespmem:s30], [sflag:$0x1], $0x8, s2, s19, $0xb8;
	[tilespmem:$0x11300] =	vst v63  }
0x252: {  	s31 =	sld [smem:$0x7FB]  }
0x253: {  	[spmem:s1] =	stream.indirect.scatter.add.f32 [tilespmem:s16], [sflag:$0x1], $0x8, s0, s19, $0xb8;
	[tilespmem:$0x11300] =	vst v63  }
0x254: {  	_ = 	snop  }
0x255: {  	[spmem:s1] =	stream.indirect.scatter.add.f32 [tilespmem:s31], [sflag:$0x1], $0x8, s28, s19, $0xb8;
	[tilespmem:$0x11300] =	vst v63  }
0x256: {  	_ = 	snop  }
0x257: {  	[spmem:s1] =	stream.indirect.scatter.add.f32 [tilespmem:s16], [sflag:$0x1], $0x8, s26, s19, $0xb8;
	[tilespmem:$0x11300] =	vst v63  }
0x258: {  	_ =	swait.ge [sflag:s20], $0x400  }
0x259: {  	[sflag:s20] =	ssyncset.done $0x0  }
0x25a: {  	[sflag:s20] =	ssyncadd.s32 $0xFFFFFC00  }
0x25b: {  	_ =	swait.ge [sflag:s20], $0x400  }
0x25c: {  	[sflag:s20] =	ssyncset.done $0x0  }
0x25d: {  	[sflag:s20] =	ssyncadd.s32 $0xFFFFFC00  }
0x25e: {  	_ =	swait.ge [sflag:s20], $0x400  }
0x25f: {  	[sflag:s20] =	ssyncset.done $0x0  }
0x260: {  	[sflag:s20] =	ssyncadd.s32 $0xFFFFFC00  }
0x261: {  	_ =	swait.ge [sflag:s20], $0x400  }
0x262: {  	[sflag:s20] =	ssyncset.done $0x0  }
0x263: {  	[sflag:s20] =	ssyncadd.s32 $0xFFFFFC00  }
0x264: {  	_ =	swait.ge [sflag:s20], $0x400  }
0x265: {  	[sflag:s20] =	ssyncset.done $0x0  }
0x266: {  	[sflag:s20] =	ssyncadd.s32 $0xFFFFFC00  }
0x267: {  	_ =	swait.ge [sflag:s20], $0x400  }
0x268: {  	[sflag:s20] =	ssyncset.done $0x0  }
0x269: {  	[sflag:s20] =	ssyncadd.s32 $0xFFFFFC00  }
0x26a: {  	_ =	swait.ge [sflag:s20], $0x400  }
0x26b: {  	[sflag:s20] =	ssyncset.done $0x0  }
0x26c: {  	[sflag:s20] =	ssyncadd.s32 $0xFFFFFC00  }
0x26d: {  	_ =	swait.ge [sflag:s20], $0x400  }
0x26e: {  	[sflag:s20] =	ssyncset.done $0x0  }
0x26f: {  	[sflag:s20] =	ssyncadd.s32 $0xFFFFFC00  }
0x270: {  	_ =	swait.ge [sflag:s20], $0x400  }
0x271: {  	[sflag:s20] =	ssyncset.done $0x0  }
0x272: {  	[sflag:s20] =	ssyncadd.s32 $0xFFFFFC00  }
0x273: {  	_ =	swait.ge [sflag:s20], $0x400  }
0x274: {  	[sflag:s20] =	ssyncset.done $0x0  }
0x275: {  	[sflag:s20] =	ssyncadd.s32 $0xFFFFFC00  }
0x276: {  	_ =	swait.ge [sflag:s20], $0x400  }
0x277: {  	[sflag:s20] =	ssyncset.done $0x0  }
0x278: {  	[sflag:s20] =	ssyncadd.s32 $0xFFFFFC00  }
0x279: {  	_ =	swait.ge [sflag:s20], $0x400  }
0x27a: {  	[sflag:s20] =	ssyncset.done $0x0  }
0x27b: {  	[sflag:s20] =	ssyncadd.s32 $0xFFFFFC00  }
0x27c: {  	_ =	swait.ge [sflag:s20], $0x400  }
0x27d: {  	[sflag:s20] =	ssyncset.done $0x0  }
0x27e: {  	[sflag:s20] =	ssyncadd.s32 $0xFFFFFC00  }
0x27f: {  	_ =	swait.ge [sflag:s20], $0x400  }
0x280: {  	[sflag:s20] =	ssyncset.done $0x0  }
0x281: {  	[sflag:s20] =	ssyncadd.s32 $0xFFFFFC00  }
0x282: {  	_ =	swait.ge [sflag:s20], $0x400  }
0x283: {  	[sflag:s20] =	ssyncset.done $0x0  }
0x284: {  	[sflag:s20] =	ssyncadd.s32 $0xFFFFFC00  }
0x285: {  	_ =	swait.ge [sflag:s20], $0x400  }
0x286: {  	[sflag:s20] =	ssyncset.done $0x0  }
0x287: {  	[sflag:s20] =	ssyncadd.s32 $0xFFFFFC00  }
0x288: {  	_ =	swait.ge [sflag:s20], $0x400  }
0x289: {  	[sflag:s20] =	ssyncset.done $0x0  }
0x28a: {  	[sflag:s20] =	ssyncadd.s32 $0xFFFFFC00  }
0x28b: {  	_ =	swait.ge [sflag:s20], $0x400  }
0x28c: {  	[sflag:s20] =	ssyncset.done $0x0  }
0x28d: {  	[sflag:s20] =	ssyncadd.s32 $0xFFFFFC00  }
0x28e: {  	_ =	swait.ge [sflag:s20], $0x400  }
0x28f: {  	[sflag:s20] =	ssyncset.done $0x0  }
0x290: {  	[sflag:s20] =	ssyncadd.s32 $0xFFFFFC00  }
0x291: {  	_ =	swait.ge [sflag:s20], $0x400  }
0x292: {  	[sflag:s20] =	ssyncset.done $0x0  }
0x293: {  	[sflag:s20] =	ssyncadd.s32 $0xFFFFFC00  }
0x294: {  	_ =	swait.ge [sflag:s20], $0x400  }
0x295: {  	[sflag:s20] =	ssyncset.done $0x0  }
0x296: {  	[sflag:s20] =	ssyncadd.s32 $0xFFFFFC00  }
0x297: {  	_ =	swait.ge [sflag:s20], $0x400  }
0x298: {  	[sflag:s20] =	ssyncset.done $0x0  }
0x299: {  	[sflag:s20] =	ssyncadd.s32 $0xFFFFFC00  }
0x29a: {  	_ =	swait.ge [sflag:s20], $0x400  }
0x29b: {  	[sflag:s20] =	ssyncset.done $0x0  }
0x29c: {  	[sflag:s20] =	ssyncadd.s32 $0xFFFFFC00  }
0x29d: {  	_ =	swait.ge [sflag:s20], $0x400  }
0x29e: {  	[sflag:s20] =	ssyncset.done $0x0  }
0x29f: {  	[sflag:s20] =	ssyncadd.s32 $0xFFFFFC00  }
0x2a0: {  	_ =	swait.ge [sflag:s20], $0x400  }
0x2a1: {  	[sflag:s20] =	ssyncset.done $0x0  }
0x2a2: {  	[sflag:s20] =	ssyncadd.s32 $0xFFFFFC00  }
0x2a3: {  	_ =	swait.ge [sflag:s20], $0x400  }
0x2a4: {  	[sflag:s20] =	ssyncset.done $0x0  }
0x2a5: {  	[sflag:s20] =	ssyncadd.s32 $0xFFFFFC00  }
0x2a6: {  	_ =	swait.ge [sflag:s20], $0x400  }
0x2a7: {  	[sflag:s20] =	ssyncset.done $0x0  }
0x2a8: {  	[sflag:s20] =	ssyncadd.s32 $0xFFFFFC00  }
0x2a9: {  	_ =	swait.ge [sflag:s20], $0x400  }
0x2aa: {  	[sflag:s20] =	ssyncset.done $0x0  }
0x2ab: {  	p0 =	sne.s32 s22, $0x1770;
	[sflag:s20] =	ssyncadd.s32 $0xFFFFFC00  }
.Ltmp0:
0x2ac: {  	_ =	swait.ge [sflag:s20], $0x400;
	(pc) =	sbr.rel @p0 .LBB2_2-.Ltmp0, $4  }
0x2ad: {  	[sflag:s20] =	ssyncset.done $0x0  }
0x2ae: {  	[sflag:s20] =	ssyncadd.s32 $0xFFFFFC00  }
0x2af: {  	_ =	swait.ge [sflag:s20], $0x400  }
0x2b0: {  	s22 =	sadd.s32 $0xF0, s22;
	s25 =	rddreg [dreg:$0x7];
	[sflag:s20] =	ssyncset.done $0x0  }
0x2b1: {  	[sflag:s20] =	ssyncadd.s32 $0xFFFFFC00  }
0x2b2: {  	s22 =	sadd.s32 $0x780, s23;
	s0 =	simm.s32 $0xF00;
	s28 =	rddreg [dreg:$0x6]  }
0x2b3: {  	[tilespmem:s0], [sflag:$0x1] =	stream.linear.gather [hbm4b:s22+s3], $0x3C00, $0x38;
	[tilespmem:$0x11300] =	vst v63  }
0x2b4: {  	s29 =	sadd.s32 s21, s25;
	s30 =	sld [smem:$0x7E9]  }
0x2b5: {  	[tilespmem:s3], [sflag:$0x1] =	stream.linear.gather [hbm4b:s29+s3], $0x80, $0x38;
	[tilespmem:$0x11300] =	vst v63  }
0x2b6: {  	s31 =	simm.s32 $0x780;
	s2 =	sld [smem:$0x7E8];
	s22 =	sadd.s32 s21, s28  }
0x2b7: {  	[tilespmem:s31], [sflag:$0x1] =	stream.linear.gather [hbm4b:s22+s3], $0x80, $0x38;
	[tilespmem:$0x11300] =	vst v63  }
0x2b8: {  	s4 =	sld [smem:$0x7E6];
	s23 =	sadd.s32 s21, s30  }
0x2b9: {  	[tilespmem:s19], [sflag:$0x1] =	stream.linear.gather [hbm4b:s23+s3], $0x80, $0x38;
	[tilespmem:$0x11300] =	vst v63  }
0x2ba: {  	s5 =	simm.s32 $0x800;
	s6 =	sld [smem:$0x7E4];
	s22 =	sadd.s32 s21, s2  }
0x2bb: {  	[tilespmem:s5], [sflag:$0x1] =	stream.linear.gather [hbm4b:s22+s3], $0x80, $0x38;
	[tilespmem:$0x11300] =	vst v63  }
0x2bc: {  	s7 =	simm.s32 $0x100;
	s23 =	sadd.s32 s21, s4  }
0x2bd: {  	[tilespmem:s7], [sflag:$0x1] =	stream.linear.gather [hbm4b:s23+s3], $0x80, $0x38;
	[tilespmem:$0x11300] =	vst v63  }
0x2be: {  	s8 =	rddreg [dreg:$0x1f];
	s9 =	simm.s32 $0x880;
	s22 =	sadd.s32 s21, s6  }
0x2bf: {  	[tilespmem:s9], [sflag:$0x1] =	stream.linear.gather [hbm4b:s22+s3], $0x80, $0x38;
	[tilespmem:$0x11300] =	vst v63  }
0x2c0: {  	s10 =	rddreg [dreg:$0x1e];
	s11 =	simm.s32 $0x180;
	s23 =	sadd.s32 s21, s8  }
0x2c1: {  	[tilespmem:s11], [sflag:$0x1] =	stream.linear.gather [hbm4b:s23+s3], $0x80, $0x38;
	[tilespmem:$0x11300] =	vst v63  }
0x2c2: {  	s12 =	rddreg [dreg:$0x1d];
	s13 =	simm.s32 $0x900;
	s22 =	sadd.s32 s21, s10  }
0x2c3: {  	[tilespmem:s13], [sflag:$0x1] =	stream.linear.gather [hbm4b:s22+s3], $0x80, $0x38;
	[tilespmem:$0x11300] =	vst v63  }
0x2c4: {  	s14 =	rddreg [dreg:$0x1c];
	s25 =	simm.s32 $0x200;
	s23 =	sadd.s32 s21, s12  }
0x2c5: {  	[tilespmem:s25], [sflag:$0x1] =	stream.linear.gather [hbm4b:s23+s3], $0x80, $0x38;
	[tilespmem:$0x11300] =	vst v63  }
0x2c6: {  	s15 =	rddreg [dreg:$0x1b];
	s24 =	simm.s32 $0x980;
	s22 =	sadd.s32 s21, s14  }
0x2c7: {  	[tilespmem:s24], [sflag:$0x1] =	stream.linear.gather [hbm4b:s22+s3], $0x80, $0x38;
	[tilespmem:$0x11300] =	vst v63  }
0x2c8: {  	s17 =	rddreg [dreg:$0x1a];
	s11 =	simm.s32 $0x280;
	s23 =	sadd.s32 s21, s15  }
0x2c9: {  	[tilespmem:s11], [sflag:$0x1] =	stream.linear.gather [hbm4b:s23+s3], $0x80, $0x38;
	[tilespmem:$0x11300] =	vst v63  }
0x2ca: {  	s18 =	rddreg [dreg:$0x19];
	s12 =	simm.s32 $0xA00;
	s22 =	sadd.s32 s21, s17  }
0x2cb: {  	[tilespmem:s12], [sflag:$0x1] =	stream.linear.gather [hbm4b:s22+s3], $0x80, $0x38;
	[tilespmem:$0x11300] =	vst v63  }
0x2cc: {  	s26 =	rddreg [dreg:$0x18];
	s13 =	simm.s32 $0x300;
	s23 =	sadd.s32 s21, s18  }
0x2cd: {  	[tilespmem:s13], [sflag:$0x1] =	stream.linear.gather [hbm4b:s23+s3], $0x80, $0x38;
	[tilespmem:$0x11300] =	vst v63  }
0x2ce: {  	s28 =	rddreg [dreg:$0x17];
	s10 =	simm.s32 $0xA80;
	s22 =	sadd.s32 s21, s26  }
0x2cf: {  	[tilespmem:s10], [sflag:$0x1] =	stream.linear.gather [hbm4b:s22+s3], $0x80, $0x38;
	[tilespmem:$0x11300] =	vst v63  }
0x2d0: {  	s29 =	rddreg [dreg:$0x16];
	s9 =	simm.s32 $0x380;
	s23 =	sadd.s32 s21, s28  }
0x2d1: {  	[tilespmem:s9], [sflag:$0x1] =	stream.linear.gather [hbm4b:s23+s3], $0x80, $0x38;
	[tilespmem:$0x11300] =	vst v63  }
0x2d2: {  	s30 =	rddreg [dreg:$0x15];
	s8 =	simm.s32 $0xB00;
	s22 =	sadd.s32 s21, s29  }
0x2d3: {  	[tilespmem:s8], [sflag:$0x1] =	stream.linear.gather [hbm4b:s22+s3], $0x80, $0x38;
	[tilespmem:$0x11300] =	vst v63  }
0x2d4: {  	s31 =	rddreg [dreg:$0x14];
	s14 =	simm.s32 $0x400;
	s23 =	sadd.s32 s21, s30  }
0x2d5: {  	[tilespmem:s14], [sflag:$0x1] =	stream.linear.gather [hbm4b:s23+s3], $0x80, $0x38;
	[tilespmem:$0x11300] =	vst v63  }
0x2d6: {  	s0 =	rddreg [dreg:$0x13];
	s15 =	simm.s32 $0xB80;
	s22 =	sadd.s32 s21, s31  }
0x2d7: {  	[tilespmem:s15], [sflag:$0x1] =	stream.linear.gather [hbm4b:s22+s3], $0x80, $0x38;
	[tilespmem:$0x11300] =	vst v63  }
0x2d8: {  	s2 =	rddreg [dreg:$0x12];
	s17 =	simm.s32 $0x480;
	s23 =	sadd.s32 s21, s0  }
0x2d9: {  	[tilespmem:s17], [sflag:$0x1] =	stream.linear.gather [hbm4b:s23+s3], $0x80, $0x38;
	[tilespmem:$0x11300] =	vst v63  }
0x2da: {  	s4 =	rddreg [dreg:$0x11];
	s18 =	simm.s32 $0xC00;
	s22 =	sadd.s32 s21, s2  }
0x2db: {  	[tilespmem:s18], [sflag:$0x1] =	stream.linear.gather [hbm4b:s22+s3], $0x80, $0x38;
	[tilespmem:$0x11300] =	vst v63  }
0x2dc: {  	s5 =	rddreg [dreg:$0x10];
	s28 =	simm.s32 $0x500;
	s23 =	sadd.s32 s21, s4  }
0x2dd: {  	[tilespmem:s28], [sflag:$0x1] =	stream.linear.gather [hbm4b:s23+s3], $0x80, $0x38;
	[tilespmem:$0x11300] =	vst v63  }
0x2de: {  	s6 =	rddreg [dreg:$0xf];
	s29 =	simm.s32 $0xC80;
	s22 =	sadd.s32 s21, s5  }
0x2df: {  	[tilespmem:s29], [sflag:$0x1] =	stream.linear.gather [hbm4b:s22+s3], $0x80, $0x38;
	[tilespmem:$0x11300] =	vst v63  }
0x2e0: {  	s7 =	rddreg [dreg:$0xe];
	s30 =	simm.s32 $0x580;
	s23 =	sadd.s32 s21, s6  }
0x2e1: {  	[tilespmem:s30], [sflag:$0x1] =	stream.linear.gather [hbm4b:s23+s3], $0x80, $0x38;
	[tilespmem:$0x11300] =	vst v63  }
0x2e2: {  	s26 =	rddreg [dreg:$0xd];
	s31 =	simm.s32 $0xD00;
	s22 =	sadd.s32 s21, s7  }
0x2e3: {  	[tilespmem:s31], [sflag:$0x1] =	stream.linear.gather [hbm4b:s22+s3], $0x80, $0x38;
	[tilespmem:$0x11300] =	vst v63  }
0x2e4: {  	s0 =	rddreg [dreg:$0xc];
	s7 =	simm.s32 $0x600;
	s23 =	sadd.s32 s21, s26  }
0x2e5: {  	[tilespmem:s7], [sflag:$0x1] =	stream.linear.gather [hbm4b:s23+s3], $0x80, $0x38;
	[tilespmem:$0x11300] =	vst v63  }
0x2e6: {  	s2 =	rddreg [dreg:$0xb];
	s6 =	simm.s32 $0xD80;
	s22 =	sadd.s32 s21, s0  }
0x2e7: {  	[tilespmem:s6], [sflag:$0x1] =	stream.linear.gather [hbm4b:s22+s3], $0x80, $0x38;
	[tilespmem:$0x11300] =	vst v63  }
0x2e8: {  	s4 =	rddreg [dreg:$0xa];
	s5 =	simm.s32 $0x680;
	s23 =	sadd.s32 s21, s2  }
0x2e9: {  	[tilespmem:s5], [sflag:$0x1] =	stream.linear.gather [hbm4b:s23+s3], $0x80, $0x38;
	[tilespmem:$0x11300] =	vst v63  }
0x2ea: {  	s26 =	rddreg [dreg:$0x9];
	s22 =	sadd.s32 s21, s4;
	s4 =	simm.s32 $0xE00  }
0x2eb: {  	[tilespmem:s4], [sflag:$0x1] =	stream.linear.gather [hbm4b:s22+s3], $0x80, $0x38;
	[tilespmem:$0x11300] =	vst v63  }
0x2ec: {  	s0 =	rddreg [dreg:$0x8];
	s2 =	simm.s32 $0x700;
	s23 =	sadd.s32 s21, s26  }
0x2ed: {  	[tilespmem:s2], [sflag:$0x1] =	stream.linear.gather [hbm4b:s23+s3], $0x80, $0x38;
	[tilespmem:$0x11300] =	vst v63  }
0x2ee: {  	s22 =	simm.s32 $0xE80;
	s23 =	sadd.s32 s21, s0  }
0x2ef: {  	[tilespmem:s22], [sflag:$0x1] =	stream.linear.gather [hbm4b:s23+s3], $0x80, $0x38;
	[tilespmem:$0x11300] =	vst v63  }
0x2f0: {  	_ =	swait.ge [sflag:s20], $0x3C00  }
0x2f1: {  	[sflag:s20] =	ssyncset.done $0x0  }
0x2f2: {  	[sflag:s20] =	ssyncadd.s32 $0xFFFFC400  }
0x2f3: {  	_ =	swait.ge [sflag:s20], $0x80  }
0x2f4: {  	[sflag:s20] =	ssyncset.done $0x0  }
0x2f5: {  	[sflag:s20] =	ssyncadd.s32 $0xFFFFFF80  }
0x2f6: {  	_ =	swait.ge [sflag:s20], $0x80  }
0x2f7: {  	[sflag:s20] =	ssyncset.done $0x0  }
0x2f8: {  	[sflag:s20] =	ssyncadd.s32 $0xFFFFFF80  }
0x2f9: {  	_ =	swait.ge [sflag:s20], $0x80  }
0x2fa: {  	[sflag:s20] =	ssyncset.done $0x0  }
0x2fb: {  	[sflag:s20] =	ssyncadd.s32 $0xFFFFFF80  }
0x2fc: {  	_ =	swait.ge [sflag:s20], $0x80  }
0x2fd: {  	[sflag:s20] =	ssyncset.done $0x0  }
0x2fe: {  	[sflag:s20] =	ssyncadd.s32 $0xFFFFFF80  }
0x2ff: {  	_ =	swait.ge [sflag:s20], $0x80  }
0x300: {  	[sflag:s20] =	ssyncset.done $0x0  }
0x301: {  	[sflag:s20] =	ssyncadd.s32 $0xFFFFFF80  }
0x302: {  	_ =	swait.ge [sflag:s20], $0x80  }
0x303: {  	[sflag:s20] =	ssyncset.done $0x0  }
0x304: {  	[sflag:s20] =	ssyncadd.s32 $0xFFFFFF80  }
0x305: {  	_ =	swait.ge [sflag:s20], $0x80  }
0x306: {  	[sflag:s20] =	ssyncset.done $0x0  }
0x307: {  	[sflag:s20] =	ssyncadd.s32 $0xFFFFFF80  }
0x308: {  	_ =	swait.ge [sflag:s20], $0x80  }
0x309: {  	[sflag:s20] =	ssyncset.done $0x0  }
0x30a: {  	[sflag:s20] =	ssyncadd.s32 $0xFFFFFF80  }
0x30b: {  	_ =	swait.ge [sflag:s20], $0x80  }
0x30c: {  	[sflag:s20] =	ssyncset.done $0x0  }
0x30d: {  	[sflag:s20] =	ssyncadd.s32 $0xFFFFFF80  }
0x30e: {  	_ =	swait.ge [sflag:s20], $0x80  }
0x30f: {  	[sflag:s20] =	ssyncset.done $0x0  }
0x310: {  	[sflag:s20] =	ssyncadd.s32 $0xFFFFFF80  }
0x311: {  	_ =	swait.ge [sflag:s20], $0x80  }
0x312: {  	[sflag:s20] =	ssyncset.done $0x0  }
0x313: {  	[sflag:s20] =	ssyncadd.s32 $0xFFFFFF80  }
0x314: {  	_ =	swait.ge [sflag:s20], $0x80  }
0x315: {  	[sflag:s20] =	ssyncset.done $0x0  }
0x316: {  	[sflag:s20] =	ssyncadd.s32 $0xFFFFFF80  }
0x317: {  	_ =	swait.ge [sflag:s20], $0x80  }
0x318: {  	[sflag:s20] =	ssyncset.done $0x0  }
0x319: {  	[sflag:s20] =	ssyncadd.s32 $0xFFFFFF80  }
0x31a: {  	_ =	swait.ge [sflag:s20], $0x80  }
0x31b: {  	[sflag:s20] =	ssyncset.done $0x0  }
0x31c: {  	[sflag:s20] =	ssyncadd.s32 $0xFFFFFF80  }
0x31d: {  	_ =	swait.ge [sflag:s20], $0x80  }
0x31e: {  	[sflag:s20] =	ssyncset.done $0x0  }
0x31f: {  	[sflag:s20] =	ssyncadd.s32 $0xFFFFFF80  }
0x320: {  	_ =	swait.ge [sflag:s20], $0x80  }
0x321: {  	[sflag:s20] =	ssyncset.done $0x0  }
0x322: {  	[sflag:s20] =	ssyncadd.s32 $0xFFFFFF80  }
0x323: {  	_ =	swait.ge [sflag:s20], $0x80  }
0x324: {  	[sflag:s20] =	ssyncset.done $0x0  }
0x325: {  	[sflag:s20] =	ssyncadd.s32 $0xFFFFFF80  }
0x326: {  	_ =	swait.ge [sflag:s20], $0x80  }
0x327: {  	[sflag:s20] =	ssyncset.done $0x0  }
0x328: {  	[sflag:s20] =	ssyncadd.s32 $0xFFFFFF80  }
0x329: {  	_ =	swait.ge [sflag:s20], $0x80  }
0x32a: {  	[sflag:s20] =	ssyncset.done $0x0  }
0x32b: {  	[sflag:s20] =	ssyncadd.s32 $0xFFFFFF80  }
0x32c: {  	_ =	swait.ge [sflag:s20], $0x80  }
0x32d: {  	[sflag:s20] =	ssyncset.done $0x0  }
0x32e: {  	[sflag:s20] =	ssyncadd.s32 $0xFFFFFF80  }
0x32f: {  	_ =	swait.ge [sflag:s20], $0x80  }
0x330: {  	[sflag:s20] =	ssyncset.done $0x0  }
0x331: {  	[sflag:s20] =	ssyncadd.s32 $0xFFFFFF80  }
0x332: {  	_ =	swait.ge [sflag:s20], $0x80  }
0x333: {  	[sflag:s20] =	ssyncset.done $0x0  }
0x334: {  	[sflag:s20] =	ssyncadd.s32 $0xFFFFFF80  }
0x335: {  	_ =	swait.ge [sflag:s20], $0x80  }
0x336: {  	[sflag:s20] =	ssyncset.done $0x0  }
0x337: {  	[sflag:s20] =	ssyncadd.s32 $0xFFFFFF80  }
0x338: {  	_ =	swait.ge [sflag:s20], $0x80  }
0x339: {  	[sflag:s20] =	ssyncset.done $0x0  }
0x33a: {  	[sflag:s20] =	ssyncadd.s32 $0xFFFFFF80  }
0x33b: {  	_ =	swait.ge [sflag:s20], $0x80  }
0x33c: {  	[sflag:s20] =	ssyncset.done $0x0  }
0x33d: {  	[sflag:s20] =	ssyncadd.s32 $0xFFFFFF80  }
0x33e: {  	_ =	swait.ge [sflag:s20], $0x80  }
0x33f: {  	[sflag:s20] =	ssyncset.done $0x0  }
0x340: {  	[sflag:s20] =	ssyncadd.s32 $0xFFFFFF80  }
0x341: {  	_ =	swait.ge [sflag:s20], $0x80  }
0x342: {  	[sflag:s20] =	ssyncset.done $0x0  }
0x343: {  	[sflag:s20] =	ssyncadd.s32 $0xFFFFFF80  }
0x344: {  	_ =	swait.ge [sflag:s20], $0x80  }
0x345: {  	[sflag:s20] =	ssyncset.done $0x0  }
0x346: {  	[sflag:s20] =	ssyncadd.s32 $0xFFFFFF80  }
0x347: {  	_ =	swait.ge [sflag:s20], $0x80  }
0x348: {  	[sflag:s20] =	ssyncset.done $0x0  }
0x349: {  	[sflag:s20] =	ssyncadd.s32 $0xFFFFFF80  }
0x34a: {  	_ =	swait.ge [sflag:s20], $0x80  }
0x34b: {  	[sflag:s20] =	ssyncset.done $0x0  }
0x34c: {  	s23 =	simm.s32 $0xF00;
	[sflag:s20] =	ssyncadd.s32 $0xFFFFFF80  }
0x34d: {  	[spmem:s1] =	stream.indirect.scatter.add.f32 [tilespmem:s23], [sflag:$0x1], $0x8, s3, s19, $0xb8;
	[tilespmem:$0x11300] =	vst v63  }
0x34e: {  	s0 =	simm.s32 $0x780;
	s26 =	sld [smem:$0x7EB]  }
0x34f: {  	[spmem:s1] =	stream.indirect.scatter.add.f32 [tilespmem:s16], [sflag:$0x1], $0x8, s0, s19, $0xb8;
	[tilespmem:$0x11300] =	vst v63  }
0x350: {  	_ = 	snop  }
0x351: {  	[spmem:s1] =	stream.indirect.scatter.add.f32 [tilespmem:s26], [sflag:$0x1], $0x8, s19, s19, $0xb8;
	[tilespmem:$0x11300] =	vst v63  }
0x352: {  	s21 =	sld [smem:$0x7EC];
	s26 =	simm.s32 $0x800  }
0x353: {  	[spmem:s1] =	stream.indirect.scatter.add.f32 [tilespmem:s16], [sflag:$0x1], $0x8, s26, s19, $0xb8;
	[tilespmem:$0x11300] =	vst v63  }
0x354: {  	s26 =	simm.s32 $0x100  }
0x355: {  	[spmem:s1] =	stream.indirect.scatter.add.f32 [tilespmem:s21], [sflag:$0x1], $0x8, s26, s19, $0xb8;
	[tilespmem:$0x11300] =	vst v63  }
0x356: {  	s21 =	sld [smem:$0x7EE];
	s26 =	simm.s32 $0x880  }
0x357: {  	[spmem:s1] =	stream.indirect.scatter.add.f32 [tilespmem:s16], [sflag:$0x1], $0x8, s26, s19, $0xb8;
	[tilespmem:$0x11300] =	vst v63  }
0x358: {  	s26 =	simm.s32 $0x180  }
0x359: {  	[spmem:s1] =	stream.indirect.scatter.add.f32 [tilespmem:s21], [sflag:$0x1], $0x8, s26, s19, $0xb8;
	[tilespmem:$0x11300] =	vst v63  }
0x35a: {  	s21 =	sld [smem:$0x7F0];
	s26 =	simm.s32 $0x900  }
0x35b: {  	[spmem:s1] =	stream.indirect.scatter.add.f32 [tilespmem:s16], [sflag:$0x1], $0x8, s26, s19, $0xb8;
	[tilespmem:$0x11300] =	vst v63  }
0x35c: {  	_ = 	snop  }
0x35d: {  	[spmem:s1] =	stream.indirect.scatter.add.f32 [tilespmem:s21], [sflag:$0x1], $0x8, s25, s19, $0xb8;
	[tilespmem:$0x11300] =	vst v63  }
0x35e: {  	s26 =	sld [smem:$0x7F2]  }
0x35f: {  	[spmem:s1] =	stream.indirect.scatter.add.f32 [tilespmem:s16], [sflag:$0x1], $0x8, s24, s19, $0xb8;
	[tilespmem:$0x11300] =	vst v63  }
0x360: {  	_ = 	snop  }
0x361: {  	[spmem:s1] =	stream.indirect.scatter.add.f32 [tilespmem:s26], [sflag:$0x1], $0x8, s11, s19, $0xb8;
	[tilespmem:$0x11300] =	vst v63  }
0x362: {  	s11 =	sld [smem:$0x7F3]  }
0x363: {  	[spmem:s1] =	stream.indirect.scatter.add.f32 [tilespmem:s16], [sflag:$0x1], $0x8, s12, s19, $0xb8;
	[tilespmem:$0x11300] =	vst v63  }
0x364: {  	_ = 	snop  }
0x365: {  	[spmem:s1] =	stream.indirect.scatter.add.f32 [tilespmem:s11], [sflag:$0x1], $0x8, s13, s19, $0xb8;
	[tilespmem:$0x11300] =	vst v63  }
0x366: {  	s13 =	sld [smem:$0x7F4]  }
0x367: {  	[spmem:s1] =	stream.indirect.scatter.add.f32 [tilespmem:s16], [sflag:$0x1], $0x8, s10, s19, $0xb8;
	[tilespmem:$0x11300] =	vst v63  }
0x368: {  	_ = 	snop  }
0x369: {  	[spmem:s1] =	stream.indirect.scatter.add.f32 [tilespmem:s13], [sflag:$0x1], $0x8, s9, s19, $0xb8;
	[tilespmem:$0x11300] =	vst v63  }
0x36a: {  	s24 =	sld [smem:$0x7F5]  }
0x36b: {  	[spmem:s1] =	stream.indirect.scatter.add.f32 [tilespmem:s16], [sflag:$0x1], $0x8, s8, s19, $0xb8;
	[tilespmem:$0x11300] =	vst v63  }
0x36c: {  	_ = 	snop  }
0x36d: {  	[spmem:s1] =	stream.indirect.scatter.add.f32 [tilespmem:s24], [sflag:$0x1], $0x8, s14, s19, $0xb8;
	[tilespmem:$0x11300] =	vst v63  }
0x36e: {  	s25 =	sld [smem:$0x7F6]  }
0x36f: {  	[spmem:s1] =	stream.indirect.scatter.add.f32 [tilespmem:s16], [sflag:$0x1], $0x8, s15, s19, $0xb8;
	[tilespmem:$0x11300] =	vst v63  }
0x370: {  	_ = 	snop  }
0x371: {  	[spmem:s1] =	stream.indirect.scatter.add.f32 [tilespmem:s25], [sflag:$0x1], $0x8, s17, s19, $0xb8;
	[tilespmem:$0x11300] =	vst v63  }
0x372: {  	s26 =	sld [smem:$0x7F7]  }
0x373: {  	[spmem:s1] =	stream.indirect.scatter.add.f32 [tilespmem:s16], [sflag:$0x1], $0x8, s18, s19, $0xb8;
	[tilespmem:$0x11300] =	vst v63  }
0x374: {  	_ = 	snop  }
0x375: {  	[spmem:s1] =	stream.indirect.scatter.add.f32 [tilespmem:s26], [sflag:$0x1], $0x8, s28, s19, $0xb8;
	[tilespmem:$0x11300] =	vst v63  }
0x376: {  	s8 =	sld [smem:$0x7F8]  }
0x377: {  	[spmem:s1] =	stream.indirect.scatter.add.f32 [tilespmem:s16], [sflag:$0x1], $0x8, s29, s19, $0xb8;
	[tilespmem:$0x11300] =	vst v63  }
0x378: {  	_ = 	snop  }
0x379: {  	[spmem:s1] =	stream.indirect.scatter.add.f32 [tilespmem:s8], [sflag:$0x1], $0x8, s30, s19, $0xb8;
	[tilespmem:$0x11300] =	vst v63  }
0x37a: {  	s9 =	sld [smem:$0x7F9]  }
0x37b: {  	[spmem:s1] =	stream.indirect.scatter.add.f32 [tilespmem:s16], [sflag:$0x1], $0x8, s31, s19, $0xb8;
	[tilespmem:$0x11300] =	vst v63  }
0x37c: {  	_ = 	snop  }
0x37d: {  	[spmem:s1] =	stream.indirect.scatter.add.f32 [tilespmem:s9], [sflag:$0x1], $0x8, s7, s19, $0xb8;
	[tilespmem:$0x11300] =	vst v63  }
0x37e: {  	s10 =	sld [smem:$0x7FA]  }
0x37f: {  	[spmem:s1] =	stream.indirect.scatter.add.f32 [tilespmem:s16], [sflag:$0x1], $0x8, s6, s19, $0xb8;
	[tilespmem:$0x11300] =	vst v63  }
0x380: {  	_ = 	snop  }
0x381: {  	[spmem:s1] =	stream.indirect.scatter.add.f32 [tilespmem:s10], [sflag:$0x1], $0x8, s5, s19, $0xb8;
	[tilespmem:$0x11300] =	vst v63  }
0x382: {  	s11 =	sld [smem:$0x7FB]  }
0x383: {  	[spmem:s1] =	stream.indirect.scatter.add.f32 [tilespmem:s16], [sflag:$0x1], $0x8, s4, s19, $0xb8;
	[tilespmem:$0x11300] =	vst v63  }
0x384: {  	_ = 	snop  }
0x385: {  	[spmem:s1] =	stream.indirect.scatter.add.f32 [tilespmem:s11], [sflag:$0x1], $0x8, s2, s19, $0xb8;
	[tilespmem:$0x11300] =	vst v63  }
0x386: {  	_ = 	snop  }
0x387: {  	[spmem:s1] =	stream.indirect.scatter.add.f32 [tilespmem:s16], [sflag:$0x1], $0x8, s22, s19, $0xb8;
	[tilespmem:$0x11300] =	vst v63  }
0x388: {  	_ =	swait.ge [sflag:s20], $0x400  }
0x389: {  	[sflag:s20] =	ssyncset.done $0x0  }
0x38a: {  	[sflag:s20] =	ssyncadd.s32 $0xFFFFFC00  }
0x38b: {  	_ =	swait.ge [sflag:s20], $0x400  }
0x38c: {  	[sflag:s20] =	ssyncset.done $0x0  }
0x38d: {  	[sflag:s20] =	ssyncadd.s32 $0xFFFFFC00  }
0x38e: {  	_ =	swait.ge [sflag:s20], $0x400  }
0x38f: {  	[sflag:s20] =	ssyncset.done $0x0  }
0x390: {  	[sflag:s20] =	ssyncadd.s32 $0xFFFFFC00  }
0x391: {  	_ =	swait.ge [sflag:s20], $0x400  }
0x392: {  	[sflag:s20] =	ssyncset.done $0x0  }
0x393: {  	[sflag:s20] =	ssyncadd.s32 $0xFFFFFC00  }
0x394: {  	_ =	swait.ge [sflag:s20], $0x400  }
0x395: {  	[sflag:s20] =	ssyncset.done $0x0  }
0x396: {  	[sflag:s20] =	ssyncadd.s32 $0xFFFFFC00  }
0x397: {  	_ =	swait.ge [sflag:s20], $0x400  }
0x398: {  	[sflag:s20] =	ssyncset.done $0x0  }
0x399: {  	[sflag:s20] =	ssyncadd.s32 $0xFFFFFC00  }
0x39a: {  	_ =	swait.ge [sflag:s20], $0x400  }
0x39b: {  	[sflag:s20] =	ssyncset.done $0x0  }
0x39c: {  	[sflag:s20] =	ssyncadd.s32 $0xFFFFFC00  }
0x39d: {  	_ =	swait.ge [sflag:s20], $0x400  }
0x39e: {  	[sflag:s20] =	ssyncset.done $0x0  }
0x39f: {  	[sflag:s20] =	ssyncadd.s32 $0xFFFFFC00  }
0x3a0: {  	_ =	swait.ge [sflag:s20], $0x400  }
0x3a1: {  	[sflag:s20] =	ssyncset.done $0x0  }
0x3a2: {  	[sflag:s20] =	ssyncadd.s32 $0xFFFFFC00  }
0x3a3: {  	_ =	swait.ge [sflag:s20], $0x400  }
0x3a4: {  	[sflag:s20] =	ssyncset.done $0x0  }
0x3a5: {  	[sflag:s20] =	ssyncadd.s32 $0xFFFFFC00  }
0x3a6: {  	_ =	swait.ge [sflag:s20], $0x400  }
0x3a7: {  	[sflag:s20] =	ssyncset.done $0x0  }
0x3a8: {  	[sflag:s20] =	ssyncadd.s32 $0xFFFFFC00  }
0x3a9: {  	_ =	swait.ge [sflag:s20], $0x400  }
0x3aa: {  	[sflag:s20] =	ssyncset.done $0x0  }
0x3ab: {  	[sflag:s20] =	ssyncadd.s32 $0xFFFFFC00  }
0x3ac: {  	_ =	swait.ge [sflag:s20], $0x400  }
0x3ad: {  	[sflag:s20] =	ssyncset.done $0x0  }
0x3ae: {  	[sflag:s20] =	ssyncadd.s32 $0xFFFFFC00  }
0x3af: {  	_ =	swait.ge [sflag:s20], $0x400  }
0x3b0: {  	[sflag:s20] =	ssyncset.done $0x0  }
0x3b1: {  	[sflag:s20] =	ssyncadd.s32 $0xFFFFFC00  }
0x3b2: {  	_ =	swait.ge [sflag:s20], $0x400  }
0x3b3: {  	[sflag:s20] =	ssyncset.done $0x0  }
0x3b4: {  	[sflag:s20] =	ssyncadd.s32 $0xFFFFFC00  }
0x3b5: {  	_ =	swait.ge [sflag:s20], $0x400  }
0x3b6: {  	[sflag:s20] =	ssyncset.done $0x0  }
0x3b7: {  	[sflag:s20] =	ssyncadd.s32 $0xFFFFFC00  }
0x3b8: {  	_ =	swait.ge [sflag:s20], $0x400  }
0x3b9: {  	[sflag:s20] =	ssyncset.done $0x0  }
0x3ba: {  	[sflag:s20] =	ssyncadd.s32 $0xFFFFFC00  }
0x3bb: {  	_ =	swait.ge [sflag:s20], $0x400  }
0x3bc: {  	[sflag:s20] =	ssyncset.done $0x0  }
0x3bd: {  	[sflag:s20] =	ssyncadd.s32 $0xFFFFFC00  }
0x3be: {  	_ =	swait.ge [sflag:s20], $0x400  }
0x3bf: {  	[sflag:s20] =	ssyncset.done $0x0  }
0x3c0: {  	[sflag:s20] =	ssyncadd.s32 $0xFFFFFC00  }
0x3c1: {  	_ =	swait.ge [sflag:s20], $0x400  }
0x3c2: {  	[sflag:s20] =	ssyncset.done $0x0  }
0x3c3: {  	[sflag:s20] =	ssyncadd.s32 $0xFFFFFC00  }
0x3c4: {  	_ =	swait.ge [sflag:s20], $0x400  }
0x3c5: {  	[sflag:s20] =	ssyncset.done $0x0  }
0x3c6: {  	[sflag:s20] =	ssyncadd.s32 $0xFFFFFC00  }
0x3c7: {  	_ =	swait.ge [sflag:s20], $0x400  }
0x3c8: {  	[sflag:s20] =	ssyncset.done $0x0  }
0x3c9: {  	[sflag:s20] =	ssyncadd.s32 $0xFFFFFC00  }
0x3ca: {  	_ =	swait.ge [sflag:s20], $0x400  }
0x3cb: {  	[sflag:s20] =	ssyncset.done $0x0  }
0x3cc: {  	[sflag:s20] =	ssyncadd.s32 $0xFFFFFC00  }
0x3cd: {  	_ =	swait.ge [sflag:s20], $0x400  }
0x3ce: {  	[sflag:s20] =	ssyncset.done $0x0  }
0x3cf: {  	[sflag:s20] =	ssyncadd.s32 $0xFFFFFC00  }
0x3d0: {  	_ =	swait.ge [sflag:s20], $0x400  }
0x3d1: {  	[sflag:s20] =	ssyncset.done $0x0  }
0x3d2: {  	[sflag:s20] =	ssyncadd.s32 $0xFFFFFC00  }
0x3d3: {  	_ =	swait.ge [sflag:s20], $0x400  }
0x3d4: {  	[sflag:s20] =	ssyncset.done $0x0  }
0x3d5: {  	[sflag:s20] =	ssyncadd.s32 $0xFFFFFC00  }
0x3d6: {  	_ =	swait.ge [sflag:s20], $0x400  }
0x3d7: {  	[sflag:s20] =	ssyncset.done $0x0  }
0x3d8: {  	[sflag:s20] =	ssyncadd.s32 $0xFFFFFC00  }
0x3d9: {  	_ =	swait.ge [sflag:s20], $0x400  }
0x3da: {  	[sflag:s20] =	ssyncset.done $0x0  }
0x3db: {  	[sflag:s20] =	ssyncadd.s32 $0xFFFFFC00  }
0x3dc: {  	_ =	swait.ge [sflag:s20], $0x400  }
0x3dd: {  	[sflag:s20] =	ssyncset.done $0x0  }
0x3de: {  	[sflag:s20] =	ssyncadd.s32 $0xFFFFFC00  }
0x3df: {  	_ =	swait.ge [sflag:s20], $0x400  }
0x3e0: {  	s12 =	sld [smem:$0x7E5]  }
0x3e1: {  	[sflag:s20] =	ssyncset.done $0x0  }
0x3e2: {  	s24 =	simm.s32 $0x2;
	[sflag:s20] =	ssyncadd.s32 $0xFFFFFC00  }
0x3e3: {  	[tilespmem:s3], [sflag:$0x2] =	stream.linear.gather [hbm4b:s12+s3], $0x50, $0x38;
	[tilespmem:$0x11300] =	vst v63  }
0x3e4: {  	_ =	swait.ge [sflag:s24], $0x50  }
0x3e5: {  	s13 =	sld [smem:$0x7E7]  }
0x3e6: {  	[sflag:s24] =	ssyncset.done $0x0  }
0x3e7: {  	[sflag:s24] =	ssyncadd.s32 $0xFFFFFFB0  }
0x3e8: {  	[tilespmem:s0], [sflag:$0x2] =	stream.linear.gather [hbm4b:s13+s3], $0x50, $0x38;
	[tilespmem:$0x11300] =	vst v63  }
0x3e9: {  	_ =	swait.ge [sflag:s24], $0x50  }
0x3ea: {  	s15 =	sld [smem:$0x7E2]  }
0x3eb: {  	[sflag:s24] =	ssyncset.done $0x0  }
0x3ec: {  	s17 =	simm.s32 $0x50;
	[sflag:s24] =	ssyncadd.s32 $0xFFFFFFB0  }
0x3ed: {  	[tilespmem:s17], [sflag:$0x2] =	stream.linear.gather [hbm4b:s15+s3], $0x30, $0x38;
	[tilespmem:$0x11300] =	vst v63  }
0x3ee: {  	_ =	swait.ge [sflag:s24], $0x30  }
0x3ef: {  	[sflag:s24] =	ssyncset.done $0x0  }
0x3f0: {  	s18 =	simm.s32 $0x7D0;
	[sflag:s24] =	ssyncadd.s32 $0xFFFFFFD0  }
0x3f1: {  	[tilespmem:s18], [sflag:$0x2] =	stream.linear.gather [hbm4b:s15+s3], $0x30, $0x38;
	[tilespmem:$0x11300] =	vst v63  }
0x3f2: {  	_ =	swait.ge [sflag:s24], $0x30  }
0x3f3: {  	s22 =	sld [smem:$0x7EA]  }
0x3f4: {  	[sflag:s24] =	ssyncset.done $0x0  }
0x3f5: {  	[sflag:s24] =	ssyncadd.s32 $0xFFFFFFD0  }
0x3f6: {  	[tilespmem:s23], [sflag:$0x2] =	stream.linear.gather [hbm4b:s22+s3], $0x280, $0x38;
	[tilespmem:$0x11300] =	vst v63  }
0x3f7: {  	_ =	swait.ge [sflag:s24], $0x280  }
0x3f8: {  	s21 =	sld [smem:$0x7FC]  }
0x3f9: {  	[sflag:s24] =	ssyncset.done $0x0  }
0x3fa: {  	s26 =	simm.s32 $0x1180;
	[sflag:s24] =	ssyncadd.s32 $0xFFFFFD80  }
0x3fb: {  	[tilespmem:s26], [sflag:$0x2] =	stream.linear.gather [hbm4b:s21+s3], $0x180, $0x38;
	[tilespmem:$0x11300] =	vst v63  }
0x3fc: {  	_ =	swait.ge [sflag:s24], $0x180  }
0x3fd: {  	[sflag:s24] =	ssyncset.done $0x0  }
0x3fe: {  	s25 =	simm.s32 $0xF00;
	[sflag:s24] =	ssyncadd.s32 $0xFFFFFE80  }
0x3ff: {  	[spmem:s1] =	stream.indirect.scatter.add.f32 [tilespmem:s25], [sflag:$0x1], $0x8, s3, s19, $0xb8;
	[tilespmem:$0x11300] =	vst v63  }
0x400: {  	s14 =	simm.s32 $0x780  }
0x401: {  	[spmem:s1] =	stream.indirect.scatter.add.f32 [tilespmem:s16], [sflag:$0x1], $0x8, s14, s19, $0xb8;
	[tilespmem:$0x11300] =	vst v63  }
0x402: {  	_ =	swait.ge [sflag:s20], $0x400  }
0x403: {  	[sflag:s20] =	ssyncset.done $0x0  }
0x404: {  	[sflag:s20] =	ssyncadd.s32 $0xFFFFFC00  }
0x405: {  	_ =	swait.ge [sflag:s20], $0x400  }
0x406: {  	[sflag:s20] =	ssyncset.done $0x0  }
0x407: {  	[sflag:s20] =	ssyncadd.s32 $0xFFFFFC00  }
0x408: {  	[bflag:$0x0] =	sbarrier.arrive $0xFFFF  }
0x409: {  	s23 =	sld [smem:$0x7FD]  }
0x40a: {  	s28 =	sld [smem:$0x7ED]  }
0x40b: {  	s29 =	sld [smem:$0x7E0];
	_ =	sdelay $0x2  }
0x40c: {  	[hbm:s28], [sflag:s23] =	dma.local [spmem:s29], $0x1880  }
0x40d: {  	_ =	swait.ge [sflag:s24], $0x1880  }
0x40e: {  	s30 =	sld [smem:$0x7DF]  }
0x40f: {  	s31 =	sld [smem:$0x7EF];
	_ =	sdelay $0x1  }
0x410: {  	s0 =	sadd.s32 $0x1, s30  }
0x411: {  	p0 =	sne.s32 s0, s31  }
.Ltmp1:
0x412: {  	_ = 	snop;
	(pc) =	sbr.rel @p0 .LBB2_1-.Ltmp1, $3  }
0x413: {  	_ =	sdelay $0x1  }
0x414: {  	[sflag:s24] =	ssyncset.done $0x0  }
0x415: {  	[sflag:s24] =	ssyncadd.s32 $0xFFFFE780  }
0x416: {  	_ =	sfence.sel $0x180000  }
0x417: {  	[bflag:$0x0] =	sbarrier.arrive $0xFFFF  }
0x418: {  	_ =	strace $0x9000004A  }
0x419: {  	s0 =	stileid.u32;
	[bflag:$0x2] =	sbarrier.arrive $0xFFFF  }
0x41a: {  	p0 =	sne.s32 s0, $0x0;
	s0 =	rddreg [dreg:$0x5]  }
0x41b: {  	s0 =	sadd.s32 @!p0 $0x100000, s0  }
0x41c: {  	[sflag:s0] =	ssyncadd.tile.s32 @!p0 $0x1;
	_ =	shalt  }
.Lfunc_end2:
_tile_overlayer_lowered:
.L_overlay_start_2:
0x41d: {  	(tag) =	ssettag $0x2  }
0x41e: {  	s0 =	rddreg [dreg:$0x0];
	s2 =	stileid.u32  }
0x41f: {  	s1 =	rddreg [dreg:$0x1];
	p0 =	sne.s32 s2, $0x0  }
0x420: {  	s3 =	rddreg [dreg:$0x2];
	[bflag:$0x3] =	sbarrier.arrive $0xFFFF;
	s2 =	simm.s32 @!p0 $0x1C02  }
0x421: {  	[timem:s3], [sflag:s2] =	dma.local @!p0 [hbm:s0], s1  }
0x422: {  	s0 =	simm.s32 @!p0 $0x2  }
0x423: {  	_ =	swait.ge @!p0 [sflag:s0], s1  }
0x424: {  	s1 =	ssub.s32 @!p0 $0x0, s1;
	[sflag:s0] =	ssyncset.done @!p0 $0x0  }
0x425: {  	[sflag:s0] =	ssyncadd.s32 @!p0 s1  }
0x426: {  	[bflag:$0x3] =	sbarrier.arrive $0xFFFF  }
0x427: {  	_ =	shalt  }

// kernel: kernel.8.cloned.1.call-start
scs
__scs_entry_jumppad:
0x0: {  	(pc) =	sbr.rel $0x88, $3  }
0x1: {  	(tag) =	ssettag $0x0;
	lr =	simm.s32 $0x1  }
0x2: {  	[smem:$0x3F94] =	sst lr;
	_ =	strace $0xD0000000  }
0x3: {  	_ = 	snop  }
0x4: {  	_ = 	snop  }
0x5: {  	_ = 	snop  }
0x6: {  	_ = 	snop  }
0x7: {  	_ = 	snop  }
__scs_overlays_trampoline_lowered:
0x8: {  	[smem:$0x3FA3] =	sst s0  }
0x9: {  	[smem:$0x3FA4] =	sst s1  }
0xa: {  	[smem:$0x3FA5] =	sst s2  }
0xb: {  	[smem:$0x3FA6] =	sst s3  }
0xc: {  	[smem:$0x3FA7] =	sst s4  }
0xd: {  	[smem:$0x3FA8] =	sst s5  }
0xe: {  	[smem:$0x3FA9] =	sst s6  }
0xf: {  	[smem:$0x3FAA] =	sst s7  }
0x10: {  	[smem:$0x3FAB] =	sst s8  }
0x11: {  	[smem:$0x3FAC] =	sst s9;
	s0 =	simm.s32 @!p0 $0x0  }
0x12: {  	s1 =	sld [smem:$0x3F92];
	s0 =	simm.s32 @p0 $0x1  }
0x13: {  	[smem:$0x3FAD] =	sst s0;
	s0 =	simm.s32 @!p1 $0x0  }
0x14: {  	s2 =	sld [smem:$0x3F91];
	s0 =	simm.s32 @p1 $0x1  }
0x15: {  	[smem:$0x3FAE] =	sst s0;
	s0 =	simm.s32 @!p2 $0x0  }
0x16: {  	s3 =	sld [smem:$0x3FDB];
	s0 =	simm.s32 @p2 $0x1  }
0x17: {  	s4 =	simm.s32 $0x1BF5;
	[smem:$0x3FB0] =	sst s0  }
0x18: {  	s0 =	sld [smem:$0x3F93];
	_ =	swait.ge [sflag:s4], $0x0  }
0x19: {  	s7 =	sld [smem:$0x3F94]  }
0x1a: {  	s8 =	sadd.s32 $0xFFFFE003, lr  }
0x1b: {  	s9 =	sadd.s32 $0xFFFFFEF7, lr;
	s5 =	simm.s32 $0xFFFFFFFF;
	p2 =	slt.u32 s8, $0xFFFFF086  }
0x1c: {  	p1 =	slt.u32 s9, $0xF7A;
	s5 =	simm.s32 @!p2 $0x0  }
0x1d: {  	s5 =	simm.s32 @p1 $0x1;
	p0 =	seq.s32 s7, s2  }
0x1e: {  	s7 =	smul.u32 @!p0 $0xF7A, s2;
	p2 =	seq.s32 @!p0 s5, $0x0  }
0x1f: {  	s9 =	smul.u32 $0xF7A, s1;
	s8 =	simm.s32 @!p0 $0x1BF5;
	p2 =	por !p2, p0  }
0x20: {  	[sflag:s8] =	ssyncset.s32 @!p0 $0xFFFFF086;
	s6 =	sadd.s32 @!p0 s3, s7;
	s7 =	simm.s32 @!p0 $0x108  }
0x21: {  	s3 =	sadd.s32 s3, s9;
	s6 =	sadd.s32 @!p0 $0x88, s6;
	s7 =	simm.s32 @p2 $0x1082  }
0x22: {  	[simem:s7], [sflag:s8] =	dma.local @!p0 [hbm:s6], $0xF7A  }
0x23: {  	s9 =	sor.u32 $0xD0000000, s2;
	s6 =	simm.s32 $0x108;
	_ =	swait.ge @!p0 [sflag:s8], $0x0  }
0x24: {  	s3 =	sadd.s32 $0x88, s3;
	s6 =	simm.s32 @!p1 $0x1082;
	[sflag:s4] =	ssyncset.s32 $0xFFFFF086  }
0x25: {  	[simem:s6], [sflag:s4] =	dma.local [hbm:s3], $0xF7A  }
0x26: {  	[smem:$0x3F94] =	sst s1;
	(tag) =	ssettag s2;
	_ =	strace s9  }
0x27: {  	s1 =	sld [smem:$0x3FA4]  }
0x28: {  	s2 =	sld [smem:$0x3FA5]  }
0x29: {  	s4 =	sld [smem:$0x3FA7]  }
0x2a: {  	p0 =	seq.s32 s5, $0x0;
	s5 =	sld [smem:$0x3FA8]  }
0x2b: {  	s6 =	sld [smem:$0x3FA9]  }
0x2c: {  	s7 =	sld [smem:$0x3FAA]  }
0x2d: {  	s3 =	simm.s32 $0x108;
	s8 =	sld [smem:$0x3FAB]  }
0x2e: {  	s3 =	simm.s32 @!p0 $0x1082;
	s9 =	sld [smem:$0x3FAC]  }
0x2f: {  	lr =	sadd.s32 s0, s3;
	s0 =	sld [smem:$0x3FA3]  }
0x30: {  	s3 =	sld [smem:$0x3FA6]  }
0x31: {  	[smem:$0x3FAF] =	sst s10  }
0x32: {  	s10 =	sld [smem:$0x3FAD];
	_ =	sdelay $0x3  }
0x33: {  	p0 =	seq.s32 s10, $0x1;
	s10 =	sld [smem:$0x3FAF];
	_ =	sdelay $0x3  }
0x34: {  	[smem:$0x3FAF] =	sst s10  }
0x35: {  	s10 =	sld [smem:$0x3FAE];
	_ =	sdelay $0x3  }
0x36: {  	p1 =	seq.s32 s10, $0x1;
	s10 =	sld [smem:$0x3FAF];
	_ =	sdelay $0x3  }
0x37: {  	[smem:$0x3FAF] =	sst s10  }
0x38: {  	s10 =	sld [smem:$0x3FB0]  }
0x39: {  	_ = 	snop;
	(pc) =	sbr.ind lr, $3  }
0x3a: {  	_ = 	snop  }
0x3b: {  	_ = 	snop  }
0x3c: {  	p2 =	seq.s32 s10, $0x1;
	s10 =	sld [smem:$0x3FAF]  }
0x3d: {  	_ =	shalt  }
0x3e: {  	_ =	shalt  }
0x3f: {  	_ =	shalt  }
0x40: {  	_ =	shalt  }
0x41: {  	_ =	shalt  }
0x42: {  	_ =	shalt  }
0x43: {  	_ =	shalt  }
0x44: {  	_ =	shalt  }
0x45: {  	_ =	shalt  }
0x46: {  	_ =	shalt  }
0x47: {  	_ =	shalt  }
0x48: {  	_ =	shalt  }
0x49: {  	_ =	shalt  }
0x4a: {  	_ =	shalt  }
0x4b: {  	_ =	shalt  }
0x4c: {  	_ =	shalt  }
0x4d: {  	_ =	shalt  }
0x4e: {  	_ =	shalt  }
0x4f: {  	_ =	shalt  }
0x50: {  	_ =	shalt  }
0x51: {  	_ =	shalt  }
0x52: {  	_ =	shalt  }
0x53: {  	_ =	shalt  }
0x54: {  	_ =	shalt  }
0x55: {  	_ =	shalt  }
0x56: {  	_ =	shalt  }
0x57: {  	_ =	shalt  }
0x58: {  	_ =	shalt  }
0x59: {  	_ =	shalt  }
0x5a: {  	_ =	shalt  }
0x5b: {  	_ =	shalt  }
0x5c: {  	_ =	shalt  }
0x5d: {  	_ =	shalt  }
0x5e: {  	_ =	shalt  }
0x5f: {  	_ =	shalt  }
0x60: {  	_ =	shalt  }
0x61: {  	_ =	shalt  }
0x62: {  	_ =	shalt  }
0x63: {  	_ =	shalt  }
0x64: {  	_ =	shalt  }
0x65: {  	_ =	shalt  }
0x66: {  	_ =	shalt  }
0x67: {  	_ =	shalt  }
0x68: {  	_ =	shalt  }
0x69: {  	_ =	shalt  }
0x6a: {  	_ =	shalt  }
0x6b: {  	_ =	shalt  }
0x6c: {  	_ =	shalt  }
0x6d: {  	_ =	shalt  }
0x6e: {  	_ =	shalt  }
0x6f: {  	_ =	shalt  }
0x70: {  	_ =	shalt  }
0x71: {  	_ =	shalt  }
0x72: {  	_ =	shalt  }
0x73: {  	_ =	shalt  }
0x74: {  	_ =	shalt  }
0x75: {  	_ =	shalt  }
0x76: {  	_ =	shalt  }
0x77: {  	_ =	shalt  }
0x78: {  	_ =	shalt  }
0x79: {  	_ =	shalt  }
0x7a: {  	_ =	shalt  }
0x7b: {  	_ =	shalt  }
0x7c: {  	_ =	shalt  }
0x7d: {  	_ =	shalt  }
0x7e: {  	_ =	shalt  }
0x7f: {  	_ =	shalt  }
0x80: {  	_ =	shalt  }
0x81: {  	_ =	shalt  }
0x82: {  	_ =	shalt  }
0x83: {  	_ =	shalt  }
0x84: {  	_ =	shalt  }
0x85: {  	_ =	shalt  }
0x86: {  	_ =	shalt  }
0x87: {  	_ =	shalt  }
.Lfunc_end0:
.L_simem_size_0:
called_computation.3_lowered:
.L_overlay_start_0:
0x88: {  	s2 =	sld [smem:$0x3FD9]  }
0x89: {  	s3 =	sld [smem:$0x3FFE];
	_ =	sdelay $0x1  }
0x8a: {  	s1 =	srdreg.scid  }
0x8b: {  	s0 =	sand.u32 $0x1, s1  }
0x8c: {  	s17 =	sshll.u32 s0, $0xA;
	s2 =	sadd.s32 s3, s2  }
0x8d: {  	s2 =	sadd.s32 s2, s17  }
0x8e: {  	[smem:$0x3FBB] =	sst s2  }
0x8f: {  	_ = 	snop  }
0x90: {  	s2 =	sld [smem:$0x3FBD]  }
0x91: {  	s18 =	sld [smem:$0x3FD0];
	(tm) =	ssettm $0x1  }
0x92: {  	s4 =	sld [smem:$0x3FFB];
	_ =	sdelay $0x3  }
0x93: {  	_ =	strace s4  }
0x94: {  	s4 =	sld [smem:$0x3FFC];
	_ =	sdelay $0x3  }
0x95: {  	_ =	strace s4  }
0x96: {  	s4 =	sld [smem:$0x3FFD];
	_ =	sdelay $0x3  }
0x97: {  	_ =	strace s4  }
0x98: {  	_ =	strace $0x8FFFFFFF  }
0x99: {  	s19 =	sld [smem:$0x3FDB];
	_ =	sdelay $0x1  }
0x9a: {  	s5 =	simm.s32 $_scs_section_size  }
0x9b: {  	s6 =	simm.s32 $_size__tile_overlayer_lowered;
	s7 =	simm.s32 $_tile_overlayer_lowered  }
0x9c: {  	s22 =	simm.s32 $0x1BFF;
	s21 =	sshll.u32 s7, $0x1;
	s4 =	sadd.s32 s5, s19  }
0x9d: {  	s8 =	simm.s32 $0x0;
	s20 =	sshll.u32 s6, $0x1;
	s6 =	sadd.s32 s21, s4  }
0x9e: {  	[timem:s8], [sflag:s22] =	dma.local [hbm:s6], s20  }
0x9f: {  	_ =	swait.ge [sflag:s22], s20  }
0xa0: {  	s5 =	ssub.s32 $0x0, s20;
	[sflag:s22] =	ssyncset.done $0x0  }
0xa1: {  	[sflag:s22] =	ssyncadd.s32 s5;
	_ =	sdelay $0x1  }
0xa2: {  	s23 =	simm.s32 $0x1B8B  }
0xa3: {  	_ =	swait.ge [sflag:s23], $0x1  }
0xa4: {  	[sflag:s23] =	ssyncset.done $0x0  }
0xa5: {  	s25 =	simm.s32 $0x1B8E;
	s24 =	sld [smem:$0x3FFE];
	[sflag:s23] =	ssyncadd.s32 $0xFFFFFFFF  }
0xa6: {  	s26 =	simm.s32 $execute0_lowered;
	[smem:$0x3FD2] =	sst s25  }
0xa7: {  	s6 =	sshll.u32 s26, $0x1;
	_ =	strace $0x8000004C;
	[dreg:$0x1] =	wrdreg $0xFFFFFFFF  }
0xa8: {  	s28 =	simm.s32 $_size_execute0_lowered;
	s4 =	sadd.s32 s4, s6;
	[dreg:$0x0] =	wrdreg $0x0  }
0xa9: {  	s6 =	sshll.u32 s28, $0x1;
	[dreg:$0x2] =	wrdreg s4  }
0xaa: {  	[dreg:$0x3] =	wrdreg s6  }
0xab: {  	[dreg:$0x4] =	wrdreg $0xC0  }
0xac: {  	_ =	task [dreg:s8], $0x5FFFF  }
0xad: {  	[dreg:$0x1] =	wrdreg $0xFFFFFFFF  }
0xae: {  	[dreg:$0x0] =	wrdreg $0x60  }
0xaf: {  	[dreg:$0x2] =	wrdreg s24  }
0xb0: {  	[dreg:$0x3] =	wrdreg s2  }
0xb1: {  	[dreg:$0x4] =	wrdreg s18  }
0xb2: {  	[dreg:$0x5] =	wrdreg $0x9  }
0xb3: {  	_ =	task.clear_ibuf [dreg:s8], $0x6FFFF;
	_ =	strace $0x9000004C  }
0xb4: {  	s29 =	simm.s32 $0x9;
	_ =	strace $0x8000004E  }
0xb5: {  	_ =	swait.ge [sflag:s29], $0x1  }
0xb6: {  	[sflag:s29] =	ssyncadd.s32 $0xFFFFFFFF  }
0xb7: {  	_ =	strace $0x9000004E  }
0xb8: {  	_ =	sfence  }
0xb9: {  	s30 =	sld [smem:$0x0];
	_ =	sdelay $0x2  }
0xba: {  	s31 =	sshll.u32 s1, $0xD;
	s1 =	sshrl.u32 s1, $0x2  }
0xbb: {  	s3 =	sand.u32 $0x4000, s31;
	s1 =	sadd.s32 s1, s30  }
0xbc: {  	s0 =	sor.u32 s3, s0;
	s1 =	sshll.u32 s1, $0x11  }
0xbd: {  	s0 =	sor.u32 s1, s0  }
0xbe: {  	s0 =	sadd.s32 $0x8F2B, s0  }
0xbf: {  	[sflag:s0] =	ssyncadd.remote.s32 $0x1  }
0xc0: {  	_ =	sfence.sel $0xFFFF  }
0xc1: {  	[dreg:$0x0] =	wrdreg $0xFFFFFFFF;
	(pc) =	sbr.abs _section_cstart, $3  }
0xc2: {  	[dreg:$0x1] =	wrdreg $0xFFFFFFFF  }
0xc3: {  	_ =	task.clear_ibuf [dreg:s8], $0x2FFFF;
	_ =	strace $0x9FFFFFFF  }
0xc4: {  	(tm) =	ssettm $0x7FFFFFFF  }
0xc5: {  	_ =	shalt  }
tec
execute0_lowered:
.L_overlay_start_1:
0x0: {  	(tag) =	ssettag $0x1  }
0x1: {  	s1 =	rddreg [dreg:$0x0]  }
0x2: {  	s0 =	srdreg.scid;
	s4 =	rddreg [dreg:$0x1]  }
0x3: {  	s11 =	stileid.u32;
	s5 =	rddreg [dreg:$0x2];
	s19 =	simm.s32 $0x1380  }
0x4: {  	s21 =	simm.s32 $0x100;
	s22 =	simm.s32 $0x1F80;
	s23 =	simm.s32 $0x180  }
0x5: {  	s24 =	simm.s32 $0x2B80;
	s25 =	simm.s32 $0x200;
	s26 =	simm.s32 $0x3780  }
0x6: {  	s12 =	simm.s32 $0x4380;
	s13 =	simm.s32 $0x300;
	s14 =	simm.s32 $0x4F80  }
0x7: {  	s15 =	simm.s32 $0x380;
	s28 =	simm.s32 $0x680;
	s29 =	simm.s32 $0xA380  }
0x8: {  	s30 =	simm.s32 $0x700;
	s0 =	sand.u32 $0x1, s0;
	s9 =	smul.u32 $0xC350, s11  }
0x9: {  	s31 =	simm.s32 $0xAF80;
	s20 =	smul.u32 $0x249F0, s11;
	s2 =	sshll.u32 s0, $0x4  }
0xa: {  	s7 =	smul.u32 $0xC3500, s0;
	s3 =	sor.u32 s11, s2;
	s2 =	simm.s32 $0x0  }
0xb: {  	s8 =	ssub.s32 $0x2, s0;
	s0 =	smul.u32 $0x249F00, s0;
	[smem:$0x7FF] =	sst s2  }
0xc: {  	s16 =	sshrl.u32 s8, $0x1;
	_ =	strace $0x8000004D;
	[dreg:$0x5] =	wrdreg s19  }
0xd: {  	s11 =	simm.s32 $0x280;
	s6 =	smul.u32 $0xC350, s3;
	[dreg:$0x6] =	wrdreg s21  }
0xe: {  	s3 =	sadd.s32 $0x2C00, s1;
	s7 =	sadd.s32 s9, s7;
	[dreg:$0x7] =	wrdreg s22  }
0xf: {  	s1 =	ssub.s32 s8, s16;
	s0 =	sadd.s32 s0, s5;
	[dreg:$0x8] =	wrdreg s23  }
0x10: {  	s8 =	simm.s32 $0x2;
	s9 =	simm.s32 $0x80;
	[dreg:$0x9] =	wrdreg s24  }
0x11: {  	s16 =	simm.s32 $0x5B80;
	s7 =	sshrl.u32 s7, $0x3;
	[dreg:$0xa] =	wrdreg s25  }
0x12: {  	s1 =	smax.u32 s1, $0x1;
	s0 =	sadd.s32 s20, s0;
	[dreg:$0xb] =	wrdreg s26  }
0x13: {  	s19 =	simm.s32 $0x480;
	s20 =	simm.s32 $0x7380;
	s21 =	simm.s32 $0x500  }
0x14: {  	s22 =	simm.s32 $0x7F80;
	s23 =	simm.s32 $0x580;
	s24 =	simm.s32 $0x8B80  }
0x15: {  	s25 =	simm.s32 $0x600;
	s26 =	simm.s32 $0x9780;
	[dreg:$0xe] =	wrdreg s1  }
0x16: {  	s6 =	sadd.s32 $0xC300, s6;
	s18 =	sadd.s32 s7, s4;
	[dreg:$0xf] =	wrdreg s0  }
0x17: {  	s1 =	simm.s32 $0x1;
	s10 =	sshrl.u32 s6, $0x3;
	s6 =	smul.u32 $0x3, s6  }
0x18: {  	[dreg:$0x4] =	wrdreg s18;
	s18 =	simm.s32 $0x6780;
	s17 =	sadd.s32 s4, s10  }
0x19: {  	s10 =	simm.s32 $0x780;
	[dreg:$0xc] =	wrdreg s17;
	s6 =	sadd.s32 s5, s6  }
0x1a: {  	s4 =	simm.s32 $0x0;
	s17 =	simm.s32 $0x400;
	[dreg:$0xd] =	wrdreg s6  }
.LBB2_1:
0x1b: {  	s7 =	rddreg [dreg:$0x4]  }
0x1c: {  	[dreg:$0x10] =	wrdreg s4;
	s4 =	sadd.s32 $0x0, s7  }
0x1d: {  	[tilespmem:s2], [sflag:$0x2] =	stream.linear.gather [hbm4b:s4+s2], $0x780, $0x38;
	[tilespmem:$0xBB80] =	vst v63  }
0x1e: {  	_ =	swait.ge [sflag:s8], $0x780  }
0x1f: {  	s0 =	rddreg [dreg:$0x6]  }
0x20: {  	[sflag:s8] =	ssyncset.done $0x0;
	s7 =	rddreg [dreg:$0x5]  }
0x21: {  	s6 =	rddreg [dreg:$0x7];
	[sflag:s8] =	ssyncadd.s32 $0xFFFFF880  }
0x22: {  	[tilespmem:s10], [sflag:$0x1] =	stream.indirect.gather [hbm4b:s3+s9], $0x18, s2, s9, $0xb8;
	[tilespmem:$0xBB80] =	vst v63  }
0x23: {  	s5 =	rddreg [dreg:$0x9]  }
0x24: {  	[tilespmem:s7], [sflag:$0x1] =	stream.indirect.gather [hbm4b:s3+s9], $0x18, s9, s9, $0xb8;
	[tilespmem:$0xBB80] =	vst v63  }
0x25: {  	s7 =	rddreg [dreg:$0x8]  }
0x26: {  	[tilespmem:s6], [sflag:$0x1] =	stream.indirect.gather [hbm4b:s3+s9], $0x18, s0, s9, $0xb8;
	[tilespmem:$0xBB80] =	vst v63  }
0x27: {  	s6 =	rddreg [dreg:$0xb]  }
0x28: {  	[tilespmem:s5], [sflag:$0x1] =	stream.indirect.gather [hbm4b:s3+s9], $0x18, s7, s9, $0xb8;
	[tilespmem:$0xBB80] =	vst v63  }
0x29: {  	s0 =	rddreg [dreg:$0xa]  }
0x2a: {  	[tilespmem:s6], [sflag:$0x1] =	stream.indirect.gather [hbm4b:s3+s9], $0x18, s0, s9, $0xb8;
	[tilespmem:$0xBB80] =	vst v63  }
0x2b: {  	_ = 	snop  }
0x2c: {  	[tilespmem:s12], [sflag:$0x1] =	stream.indirect.gather [hbm4b:s3+s9], $0x18, s11, s9, $0xb8;
	[tilespmem:$0xBB80] =	vst v63  }
0x2d: {  	_ = 	snop  }
0x2e: {  	[tilespmem:s14], [sflag:$0x1] =	stream.indirect.gather [hbm4b:s3+s9], $0x18, s13, s9, $0xb8;
	[tilespmem:$0xBB80] =	vst v63  }
0x2f: {  	_ = 	snop  }
0x30: {  	[tilespmem:s16], [sflag:$0x1] =	stream.indirect.gather [hbm4b:s3+s9], $0x18, s15, s9, $0xb8;
	[tilespmem:$0xBB80] =	vst v63  }
0x31: {  	_ = 	snop  }
0x32: {  	[tilespmem:s18], [sflag:$0x1] =	stream.indirect.gather [hbm4b:s3+s9], $0x18, s17, s9, $0xb8;
	[tilespmem:$0xBB80] =	vst v63  }
0x33: {  	_ = 	snop  }
0x34: {  	[tilespmem:s20], [sflag:$0x1] =	stream.indirect.gather [hbm4b:s3+s9], $0x18, s19, s9, $0xb8;
	[tilespmem:$0xBB80] =	vst v63  }
0x35: {  	_ = 	snop  }
0x36: {  	[tilespmem:s22], [sflag:$0x1] =	stream.indirect.gather [hbm4b:s3+s9], $0x18, s21, s9, $0xb8;
	[tilespmem:$0xBB80] =	vst v63  }
0x37: {  	_ = 	snop  }
0x38: {  	[tilespmem:s24], [sflag:$0x1] =	stream.indirect.gather [hbm4b:s3+s9], $0x18, s23, s9, $0xb8;
	[tilespmem:$0xBB80] =	vst v63  }
0x39: {  	_ = 	snop  }
0x3a: {  	[tilespmem:s26], [sflag:$0x1] =	stream.indirect.gather [hbm4b:s3+s9], $0x18, s25, s9, $0xb8;
	[tilespmem:$0xBB80] =	vst v63  }
0x3b: {  	_ = 	snop  }
0x3c: {  	[tilespmem:s29], [sflag:$0x1] =	stream.indirect.gather [hbm4b:s3+s9], $0x18, s28, s9, $0xb8;
	[tilespmem:$0xBB80] =	vst v63  }
0x3d: {  	_ = 	snop  }
0x3e: {  	[tilespmem:s31], [sflag:$0x1] =	stream.indirect.gather [hbm4b:s3+s9], $0x18, s30, s9, $0xb8;
	[tilespmem:$0xBB80] =	vst v63  }
0x3f: {  	_ =	swait.ge [sflag:s1], $0xC00  }
0x40: {  	[sflag:s1] =	ssyncset.done $0x0  }
0x41: {  	[sflag:s1] =	ssyncadd.s32 $0xFFFFF400  }
0x42: {  	_ =	swait.ge [sflag:s1], $0xC00  }
0x43: {  	[sflag:s1] =	ssyncset.done $0x0  }
0x44: {  	[sflag:s1] =	ssyncadd.s32 $0xFFFFF400  }
0x45: {  	_ =	swait.ge [sflag:s1], $0xC00  }
0x46: {  	[sflag:s1] =	ssyncset.done $0x0  }
0x47: {  	[sflag:s1] =	ssyncadd.s32 $0xFFFFF400  }
0x48: {  	_ =	swait.ge [sflag:s1], $0xC00  }
0x49: {  	[sflag:s1] =	ssyncset.done $0x0  }
0x4a: {  	[sflag:s1] =	ssyncadd.s32 $0xFFFFF400  }
0x4b: {  	_ =	swait.ge [sflag:s1], $0xC00  }
0x4c: {  	[sflag:s1] =	ssyncset.done $0x0  }
0x4d: {  	[sflag:s1] =	ssyncadd.s32 $0xFFFFF400  }
0x4e: {  	_ =	swait.ge [sflag:s1], $0xC00  }
0x4f: {  	[sflag:s1] =	ssyncset.done $0x0  }
0x50: {  	[sflag:s1] =	ssyncadd.s32 $0xFFFFF400  }
0x51: {  	_ =	swait.ge [sflag:s1], $0xC00  }
0x52: {  	[sflag:s1] =	ssyncset.done $0x0  }
0x53: {  	[sflag:s1] =	ssyncadd.s32 $0xFFFFF400  }
0x54: {  	_ =	swait.ge [sflag:s1], $0xC00  }
0x55: {  	[sflag:s1] =	ssyncset.done $0x0  }
0x56: {  	[sflag:s1] =	ssyncadd.s32 $0xFFFFF400  }
0x57: {  	_ =	swait.ge [sflag:s1], $0xC00  }
0x58: {  	[sflag:s1] =	ssyncset.done $0x0  }
0x59: {  	[sflag:s1] =	ssyncadd.s32 $0xFFFFF400  }
0x5a: {  	_ =	swait.ge [sflag:s1], $0xC00  }
0x5b: {  	[sflag:s1] =	ssyncset.done $0x0  }
0x5c: {  	[sflag:s1] =	ssyncadd.s32 $0xFFFFF400  }
0x5d: {  	_ =	swait.ge [sflag:s1], $0xC00  }
0x5e: {  	[sflag:s1] =	ssyncset.done $0x0  }
0x5f: {  	[sflag:s1] =	ssyncadd.s32 $0xFFFFF400  }
0x60: {  	_ =	swait.ge [sflag:s1], $0xC00  }
0x61: {  	[sflag:s1] =	ssyncset.done $0x0  }
0x62: {  	[sflag:s1] =	ssyncadd.s32 $0xFFFFF400  }
0x63: {  	_ =	swait.ge [sflag:s1], $0xC00  }
0x64: {  	[sflag:s1] =	ssyncset.done $0x0  }
0x65: {  	[sflag:s1] =	ssyncadd.s32 $0xFFFFF400  }
0x66: {  	_ =	swait.ge [sflag:s1], $0xC00  }
0x67: {  	[sflag:s1] =	ssyncset.done $0x0  }
0x68: {  	[sflag:s1] =	ssyncadd.s32 $0xFFFFF400  }
0x69: {  	_ =	swait.ge [sflag:s1], $0xC00  }
0x6a: {  	[sflag:s1] =	ssyncset.done $0x0  }
0x6b: {  	s4 =	simm.s32 $0xF0;
	s7 =	rddreg [dreg:$0xf];
	[sflag:s1] =	ssyncadd.s32 $0xFFFFF400  }
0x6c: {  	[hbm4b:s7+s2] =	stream.linear.scatter [tilespmem:s10], [sflag:$0x2], $0xB400, $0x38;
	[tilespmem:$0xBB80] =	vst v63  }
.LBB2_2:
0x6d: {  	_ =	swait.ge [sflag:s8], $0xB400  }
0x6e: {  	s5 =	smov.u32 s4;
	s6 =	rddreg [dreg:$0x4];
	[sflag:s8] =	ssyncset.done $0x0  }
0x6f: {  	[sflag:s8] =	ssyncadd.s32 $0xFFFF4C00;
	s5 =	sadd.s32 s5, s6  }
0x70: {  	[tilespmem:s2], [sflag:$0x2] =	stream.linear.gather [hbm4b:s5+s2], $0x780, $0x38;
	[tilespmem:$0xBB80] =	vst v63  }
0x71: {  	_ =	swait.ge [sflag:s8], $0x780  }
0x72: {  	s5 =	rddreg [dreg:$0xb]  }
0x73: {  	[sflag:s8] =	ssyncset.done $0x0;
	s6 =	rddreg [dreg:$0x6]  }
0x74: {  	s0 =	rddreg [dreg:$0x5];
	[sflag:s8] =	ssyncadd.s32 $0xFFFFF880  }
0x75: {  	[tilespmem:s10], [sflag:$0x1] =	stream.indirect.gather [hbm4b:s3+s9], $0x18, s2, s9, $0xb8;
	[tilespmem:$0xBB80] =	vst v63  }
0x76: {  	s11 =	rddreg [dreg:$0x7]  }
0x77: {  	[tilespmem:s0], [sflag:$0x1] =	stream.indirect.gather [hbm4b:s3+s9], $0x18, s9, s9, $0xb8;
	[tilespmem:$0xBB80] =	vst v63  }
0x78: {  	s12 =	rddreg [dreg:$0x9]  }
0x79: {  	[tilespmem:s11], [sflag:$0x1] =	stream.indirect.gather [hbm4b:s3+s9], $0x18, s6, s9, $0xb8;
	[tilespmem:$0xBB80] =	vst v63  }
0x7a: {  	s0 =	rddreg [dreg:$0x8]  }
0x7b: {  	[tilespmem:s12], [sflag:$0x1] =	stream.indirect.gather [hbm4b:s3+s9], $0x18, s0, s9, $0xb8;
	[tilespmem:$0xBB80] =	vst v63  }
0x7c: {  	s6 =	rddreg [dreg:$0xa]  }
0x7d: {  	[tilespmem:s5], [sflag:$0x1] =	stream.indirect.gather [hbm4b:s3+s9], $0x18, s6, s9, $0xb8;
	[tilespmem:$0xBB80] =	vst v63  }
0x7e: {  	s11 =	simm.s32 $0x280;
	s12 =	simm.s32 $0x4380  }
0x7f: {  	[tilespmem:s12], [sflag:$0x1] =	stream.indirect.gather [hbm4b:s3+s9], $0x18, s11, s9, $0xb8;
	[tilespmem:$0xBB80] =	vst v63  }
0x80: {  	_ = 	snop  }
0x81: {  	[tilespmem:s14], [sflag:$0x1] =	stream.indirect.gather [hbm4b:s3+s9], $0x18, s13, s9, $0xb8;
	[tilespmem:$0xBB80] =	vst v63  }
0x82: {  	_ = 	snop  }
0x83: {  	[tilespmem:s16], [sflag:$0x1] =	stream.indirect.gather [hbm4b:s3+s9], $0x18, s15, s9, $0xb8;
	[tilespmem:$0xBB80] =	vst v63  }
0x84: {  	_ = 	snop  }
0x85: {  	[tilespmem:s18], [sflag:$0x1] =	stream.indirect.gather [hbm4b:s3+s9], $0x18, s17, s9, $0xb8;
	[tilespmem:$0xBB80] =	vst v63  }
0x86: {  	_ = 	snop  }
0x87: {  	[tilespmem:s20], [sflag:$0x1] =	stream.indirect.gather [hbm4b:s3+s9], $0x18, s19, s9, $0xb8;
	[tilespmem:$0xBB80] =	vst v63  }
0x88: {  	_ = 	snop  }
0x89: {  	[tilespmem:s22], [sflag:$0x1] =	stream.indirect.gather [hbm4b:s3+s9], $0x18, s21, s9, $0xb8;
	[tilespmem:$0xBB80] =	vst v63  }
0x8a: {  	_ = 	snop  }
0x8b: {  	[tilespmem:s24], [sflag:$0x1] =	stream.indirect.gather [hbm4b:s3+s9], $0x18, s23, s9, $0xb8;
	[tilespmem:$0xBB80] =	vst v63  }
0x8c: {  	_ = 	snop  }
0x8d: {  	[tilespmem:s26], [sflag:$0x1] =	stream.indirect.gather [hbm4b:s3+s9], $0x18, s25, s9, $0xb8;
	[tilespmem:$0xBB80] =	vst v63  }
0x8e: {  	_ = 	snop  }
0x8f: {  	[tilespmem:s29], [sflag:$0x1] =	stream.indirect.gather [hbm4b:s3+s9], $0x18, s28, s9, $0xb8;
	[tilespmem:$0xBB80] =	vst v63  }
0x90: {  	_ = 	snop  }
0x91: {  	[tilespmem:s31], [sflag:$0x1] =	stream.indirect.gather [hbm4b:s3+s9], $0x18, s30, s9, $0xb8;
	[tilespmem:$0xBB80] =	vst v63  }
0x92: {  	_ =	swait.ge [sflag:s1], $0xC00  }
0x93: {  	[sflag:s1] =	ssyncset.done $0x0  }
0x94: {  	[sflag:s1] =	ssyncadd.s32 $0xFFFFF400  }
0x95: {  	_ =	swait.ge [sflag:s1], $0xC00  }
0x96: {  	[sflag:s1] =	ssyncset.done $0x0  }
0x97: {  	[sflag:s1] =	ssyncadd.s32 $0xFFFFF400  }
0x98: {  	_ =	swait.ge [sflag:s1], $0xC00  }
0x99: {  	[sflag:s1] =	ssyncset.done $0x0  }
0x9a: {  	[sflag:s1] =	ssyncadd.s32 $0xFFFFF400  }
0x9b: {  	_ =	swait.ge [sflag:s1], $0xC00  }
0x9c: {  	[sflag:s1] =	ssyncset.done $0x0  }
0x9d: {  	[sflag:s1] =	ssyncadd.s32 $0xFFFFF400  }
0x9e: {  	_ =	swait.ge [sflag:s1], $0xC00  }
0x9f: {  	[sflag:s1] =	ssyncset.done $0x0  }
0xa0: {  	[sflag:s1] =	ssyncadd.s32 $0xFFFFF400  }
0xa1: {  	_ =	swait.ge [sflag:s1], $0xC00  }
0xa2: {  	[sflag:s1] =	ssyncset.done $0x0  }
0xa3: {  	[sflag:s1] =	ssyncadd.s32 $0xFFFFF400  }
0xa4: {  	_ =	swait.ge [sflag:s1], $0xC00  }
0xa5: {  	[sflag:s1] =	ssyncset.done $0x0  }
0xa6: {  	[sflag:s1] =	ssyncadd.s32 $0xFFFFF400  }
0xa7: {  	_ =	swait.ge [sflag:s1], $0xC00  }
0xa8: {  	[sflag:s1] =	ssyncset.done $0x0  }
0xa9: {  	[sflag:s1] =	ssyncadd.s32 $0xFFFFF400  }
0xaa: {  	_ =	swait.ge [sflag:s1], $0xC00  }
0xab: {  	[sflag:s1] =	ssyncset.done $0x0  }
0xac: {  	[sflag:s1] =	ssyncadd.s32 $0xFFFFF400  }
0xad: {  	_ =	swait.ge [sflag:s1], $0xC00  }
0xae: {  	[sflag:s1] =	ssyncset.done $0x0  }
0xaf: {  	[sflag:s1] =	ssyncadd.s32 $0xFFFFF400  }
0xb0: {  	_ =	swait.ge [sflag:s1], $0xC00  }
0xb1: {  	[sflag:s1] =	ssyncset.done $0x0  }
0xb2: {  	[sflag:s1] =	ssyncadd.s32 $0xFFFFF400  }
0xb3: {  	_ =	swait.ge [sflag:s1], $0xC00  }
0xb4: {  	[sflag:s1] =	ssyncset.done $0x0  }
0xb5: {  	[sflag:s1] =	ssyncadd.s32 $0xFFFFF400  }
0xb6: {  	_ =	swait.ge [sflag:s1], $0xC00  }
0xb7: {  	[sflag:s1] =	ssyncset.done $0x0  }
0xb8: {  	[sflag:s1] =	ssyncadd.s32 $0xFFFFF400  }
0xb9: {  	_ =	swait.ge [sflag:s1], $0xC00  }
0xba: {  	p0 =	sne.s32 s4, $0x1770;
	[sflag:s1] =	ssyncset.done $0x0  }
.Ltmp0:
0xbb: {  	[sflag:s1] =	ssyncadd.s32 $0xFFFFF400;
	(pc) =	sbr.rel @p0 .LBB2_2-.Ltmp0, $4  }
0xbc: {  	_ =	swait.ge [sflag:s1], $0xC00  }
0xbd: {  	[sflag:s1] =	ssyncset.done $0x0  }
0xbe: {  	s7 =	sadd.s32 $0x1680, s7;
	s4 =	sadd.s32 $0xF0, s4;
	[sflag:s1] =	ssyncadd.s32 $0xFFFFF400  }
0xbf: {  	[hbm4b:s7+s2] =	stream.linear.scatter [tilespmem:s10], [sflag:$0x2], $0xB400, $0x38;
	[tilespmem:$0xBB80] =	vst v63  }
0xc0: {  	_ =	swait.ge [sflag:s8], $0xB400  }
0xc1: {  	[sflag:s8] =	ssyncset.done $0x0  }
0xc2: {  	s0 =	rddreg [dreg:$0xc];
	[sflag:s8] =	ssyncadd.s32 $0xFFFF4C00  }
0xc3: {  	[tilespmem:s2], [sflag:$0x2] =	stream.linear.gather [hbm4b:s0+s2], $0x50, $0x38;
	[tilespmem:$0xBB80] =	vst v63  }
0xc4: {  	_ =	swait.ge [sflag:s8], $0x50  }
0xc5: {  	[sflag:s8] =	ssyncset.done $0x0  }
0xc6: {  	s5 =	simm.s32 $0x50;
	[sflag:s8] =	ssyncadd.s32 $0xFFFFFFB0  }
0xc7: {  	[tilespmem:s10], [sflag:$0x1] =	stream.indirect.gather [hbm4b:s3+s5], $0x18, s2, s5, $0xb8;
	[tilespmem:$0xBB80] =	vst v63  }
0xc8: {  	_ =	swait.ge [sflag:s1], $0x780  }
0xc9: {  	[sflag:s1] =	ssyncset.done $0x0  }
0xca: {  	s6 =	rddreg [dreg:$0xd];
	[sflag:s1] =	ssyncadd.s32 $0xFFFFF880  }
0xcb: {  	[hbm4b:s6+s2] =	stream.linear.scatter [tilespmem:s10], [sflag:$0x2], $0x780, $0x38;
	[tilespmem:$0xBB80] =	vst v63  }
0xcc: {  	_ =	swait.ge [sflag:s8], $0x780  }
0xcd: {  	s4 =	rddreg [dreg:$0x10]  }
0xce: {  	s7 =	rddreg [dreg:$0xe];
	s4 =	sadd.s32 $0x1, s4  }
0xcf: {  	p0 =	sne.s32 s4, s7  }
.Ltmp1:
0xd0: {  	_ = 	snop;
	(pc) =	sbr.rel @p0 .LBB2_1-.Ltmp1, $3  }
0xd1: {  	_ =	sdelay $0x1  }
0xd2: {  	[sflag:s8] =	ssyncset.done $0x0  }
0xd3: {  	[sflag:s8] =	ssyncadd.s32 $0xFFFFF880  }
0xd4: {  	_ =	sfence.sel $0x180000  }
0xd5: {  	[bflag:$0x0] =	sbarrier.arrive $0xFFFF  }
0xd6: {  	_ =	strace $0x9000004D  }
0xd7: {  	s0 =	stileid.u32;
	[bflag:$0x2] =	sbarrier.arrive $0xFFFF  }
0xd8: {  	p0 =	sne.s32 s0, $0x0;
	s0 =	rddreg [dreg:$0x3]  }
0xd9: {  	s0 =	sadd.s32 @!p0 $0x100000, s0  }
0xda: {  	[sflag:s0] =	ssyncadd.tile.s32 @!p0 $0x1;
	_ =	shalt  }
.Lfunc_end2:
_tile_overlayer_lowered:
.L_overlay_start_2:
0xdb: {  	(tag) =	ssettag $0x2  }
0xdc: {  	s0 =	rddreg [dreg:$0x0];
	s2 =	stileid.u32  }
0xdd: {  	s1 =	rddreg [dreg:$0x1];
	p0 =	sne.s32 s2, $0x0  }
0xde: {  	s3 =	rddreg [dreg:$0x2];
	[bflag:$0x3] =	sbarrier.arrive $0xFFFF;
	s2 =	simm.s32 @!p0 $0x1C02  }
0xdf: {  	[timem:s3], [sflag:s2] =	dma.local @!p0 [hbm:s0], s1  }
0xe0: {  	s0 =	simm.s32 @!p0 $0x2  }
0xe1: {  	_ =	swait.ge @!p0 [sflag:s0], s1  }
0xe2: {  	s1 =	ssub.s32 @!p0 $0x0, s1;
	[sflag:s0] =	ssyncset.done @!p0 $0x0  }
0xe3: {  	[sflag:s0] =	ssyncadd.s32 @!p0 s1  }
0xe4: {  	[bflag:$0x3] =	sbarrier.arrive $0xFFFF  }
0xe5: {  	_ =	shalt  }

// kernel: sparse-core-data-format-call.1.cloned.1.call-start
scs
called_computation.1_lowered:
.L_overlay_start_0:
0x0: {  	s2 =	sld [smem:$0x3FD9]  }
0x1: {  	s3 =	sld [smem:$0x3FFE];
	_ =	sdelay $0x1  }
0x2: {  	s1 =	srdreg.scid  }
0x3: {  	s0 =	sand.u32 $0x1, s1  }
0x4: {  	s18 =	sshll.u32 s0, $0xA;
	s2 =	sadd.s32 s3, s2  }
0x5: {  	s2 =	sadd.s32 s2, s18  }
0x6: {  	[smem:$0x3FBB] =	sst s2  }
0x7: {  	_ = 	snop  }
0x8: {  	s2 =	sld [smem:$0x3FD0];
	(tm) =	ssettm $0x1  }
0x9: {  	s19 =	sld [smem:$0x3FFB];
	_ =	sdelay $0x3  }
0xa: {  	_ =	strace s19  }
0xb: {  	s3 =	sld [smem:$0x3FFC];
	_ =	sdelay $0x3  }
0xc: {  	_ =	strace s3  }
0xd: {  	s3 =	sld [smem:$0x3FFD];
	_ =	sdelay $0x3  }
0xe: {  	_ =	strace s3  }
0xf: {  	_ =	strace $0x8FFFFFFF  }
0x10: {  	s20 =	sld [smem:$0x3FDB];
	_ =	sdelay $0x1  }
0x11: {  	s4 =	simm.s32 $_scs_section_size  }
0x12: {  	s5 =	simm.s32 $_size__tile_overlayer_lowered;
	s6 =	simm.s32 $_tile_overlayer_lowered  }
0x13: {  	s23 =	simm.s32 $0x1BFF;
	s22 =	sshll.u32 s6, $0x1;
	s3 =	sadd.s32 s4, s20  }
0x14: {  	s7 =	simm.s32 $0x0;
	s21 =	sshll.u32 s5, $0x1;
	s5 =	sadd.s32 s22, s3  }
0x15: {  	[timem:s7], [sflag:s23] =	dma.local [hbm:s5], s21  }
0x16: {  	_ =	swait.ge [sflag:s23], s21  }
0x17: {  	s4 =	ssub.s32 $0x0, s21;
	[sflag:s23] =	ssyncset.done $0x0  }
0x18: {  	[sflag:s23] =	ssyncadd.s32 s4;
	_ =	sdelay $0x1  }
0x19: {  	s24 =	simm.s32 $0x1B8B  }
0x1a: {  	_ =	swait.ge [sflag:s24], $0x1  }
0x1b: {  	[sflag:s24] =	ssyncset.done $0x0  }
0x1c: {  	s26 =	simm.s32 $0x1B8E;
	s25 =	sld [smem:$0x3FFE];
	[sflag:s24] =	ssyncadd.s32 $0xFFFFFFFF  }
0x1d: {  	s27 =	simm.s32 $execute0_lowered;
	[smem:$0x3FD2] =	sst s26  }
0x1e: {  	s5 =	sshll.u32 s27, $0x1;
	_ =	strace $0x80000046;
	[dreg:$0x1] =	wrdreg $0xFFFFFFFF  }
0x1f: {  	s28 =	simm.s32 $_size_execute0_lowered;
	s3 =	sadd.s32 s3, s5;
	[dreg:$0x0] =	wrdreg $0x0  }
0x20: {  	s5 =	sshll.u32 s28, $0x1;
	[dreg:$0x2] =	wrdreg s3  }
0x21: {  	[dreg:$0x3] =	wrdreg s5  }
0x22: {  	[dreg:$0x4] =	wrdreg $0xC0  }
0x23: {  	_ =	task [dreg:s7], $0x5FFFF  }
0x24: {  	[dreg:$0x1] =	wrdreg $0xFFFFFFFF  }
0x25: {  	[dreg:$0x0] =	wrdreg $0x60  }
0x26: {  	[dreg:$0x2] =	wrdreg s2  }
0x27: {  	[dreg:$0x3] =	wrdreg s25  }
0x28: {  	[dreg:$0x4] =	wrdreg $0x9  }
0x29: {  	_ =	task.clear_ibuf [dreg:s7], $0x5FFFF;
	_ =	strace $0x90000046  }
0x2a: {  	s29 =	simm.s32 $0x9;
	_ =	strace $0x80000048  }
0x2b: {  	_ =	swait.ge [sflag:s29], $0x1  }
0x2c: {  	[sflag:s29] =	ssyncadd.s32 $0xFFFFFFFF  }
0x2d: {  	_ =	strace $0x90000048  }
0x2e: {  	_ =	sfence  }
0x2f: {  	s30 =	sld [smem:$0x0];
	_ =	sdelay $0x2  }
0x30: {  	s31 =	sshll.u32 s1, $0xD;
	s1 =	sshrl.u32 s1, $0x2  }
0x31: {  	s3 =	sand.u32 $0x4000, s31;
	s1 =	sadd.s32 s1, s30  }
0x32: {  	s0 =	sor.u32 s3, s0;
	s1 =	sshll.u32 s1, $0x11  }
0x33: {  	s0 =	sor.u32 s1, s0  }
0x34: {  	s0 =	sadd.s32 $0x8F2B, s0  }
0x35: {  	[sflag:s0] =	ssyncadd.remote.s32 $0x1  }
0x36: {  	_ =	sfence.sel $0xFFFF  }
0x37: {  	[dreg:$0x0] =	wrdreg $0xFFFFFFFF;
	(pc) =	sbr.abs _section_cstart, $3  }
0x38: {  	[dreg:$0x1] =	wrdreg $0xFFFFFFFF  }
0x39: {  	_ =	task.clear_ibuf [dreg:s7], $0x2FFFF;
	_ =	strace $0x9FFFFFFF  }
0x3a: {  	(tm) =	ssettm $0x7FFFFFFF  }
0x3b: {  	_ =	shalt  }
tec
execute0_lowered:
.L_overlay_start_1:
0x0: {  	(tag) =	ssettag $0x1  }
0x1: {  	s0 =	srdreg.scid;
	s2 =	rddreg [dreg:$0x0]  }
0x2: {  	s6 =	rddreg [dreg:$0x1];
	s1 =	sshll.u32 s0, $0x4  }
0x3: {  	s7 =	simm.s32 $0x1;
	s0 =	stileid.u32;
	s1 =	sand.u32 $0x10, s1  }
0x4: {  	s8 =	simm.s32 $0x2;
	s13 =	simm.s32 $0x0;
	s1 =	sor.u32 s0, s1  }
0x5: {  	s12 =	simm.s32 $0x0;
	s10 =	simm.s32 $0x0;
	s3 =	sshll.u32 s1, $0x9  }
0x6: {  	s11 =	simm.s32 $0x0;
	s6 =	sadd.s32 $0x2C00, s6;
	s5 =	ssub.s32 $0x186A00, s3  }
.Ltmp0:
0x7: {  	s1 =	rddreg [dreg:$0x2];
	s4 =	sand.u32 $0x3E00, s5;
	(pc) =	sbr.rel .LBB1_1-.Ltmp0, $4  }
0x8: {  	_ =	strace $0x80000047;
	s9 =	smov.u32 s3;
	p0 =	sne.s32 s4, $0x0  }
0x9: {  	s5 =	sshrl.u32 s5, $0xE;
	s4 =	simm.s32 $0x1;
	s7 =	simm.s32 @!p0 $0x0  }
0xa: {  	[sflag:s4] =	ssyncpa.u1 $0x0;
	p0 =	por $0x0, $0x0;
	s5 =	sadd.s32 s7, s5  }
0xb: {  	[sflag:s8] =	ssyncpa.u1 $0x0;
	s8 =	simm.s32 $0x80;
	s7 =	sadd.s32 $0x1, s5  }
.LBB1_4:
0xc: {  	[tilespmem:s17+$0xE10 ss:$0x9] =	vst.msk $0xffff, v3;
	v31 =	vld [tilespmem:s18+$0x450]  }
0xd: {  	[tilespmem:s17+$0xEA0 ss:$0x9] =	vst.msk $0xffff, v1;
	v32 =	vld [tilespmem:s18+$0x460];
	s23 =	sadd.s32 $0x80, s18  }
0xe: {  	[tilespmem:s17+$0xF30 ss:$0x9] =	vst.msk $0xffff, v0;
	v35 =	vld [tilespmem:s23+$0xFFFFF7F0]  }
0xf: {  	[tilespmem:s17+$0xFC0 ss:$0x9] =	vst.msk $0xffff, v2;
	v36 =	vld [tilespmem:s23+$0xFFFFF800]  }
0x10: {  	[tilespmem:s17+$0x1050 ss:$0x9] =	vst.msk $0xffff, v4;
	v37 =	vld [tilespmem:s23+$0xFFFFF810]  }
0x11: {  	s24 =	sshra.s32 s19, $0x2;
	v38 =	vld [tilespmem:s23+$0xFFFFF820];
	[tilespmem:s17+$0x10E0 ss:$0x9] =	vst.msk $0xffff, v31  }
0x12: {  	s15 =	sadd.s32 s24, s15;
	v39 =	vld [tilespmem:s23+$0xFFFFF830];
	[tilespmem:s17+$0x1170 ss:$0x9] =	vst.msk $0xffff, v32  }
0x13: {  	v40 =	vld [tilespmem:s23+$0xFFFFF840];
	[tilespmem:s15+$0x0 ss:$0x9] =	vst.msk $0xffff, v35  }
0x14: {  	v41 =	vld [tilespmem:s23+$0xFFFFF850];
	[tilespmem:s15+$0x90 ss:$0x9] =	vst.msk $0xffff, v36  }
0x15: {  	v42 =	vld [tilespmem:s23+$0xFFFFF860];
	[tilespmem:s15+$0x120 ss:$0x9] =	vst.msk $0xffff, v37  }
0x16: {  	v43 =	vld [tilespmem:s23+$0xFFFFFC00];
	[tilespmem:s15+$0x1B0 ss:$0x9] =	vst.msk $0xffff, v38  }
0x17: {  	v44 =	vld [tilespmem:s23+$0xFFFFFC10];
	[tilespmem:s15+$0x240 ss:$0x9] =	vst.msk $0xffff, v39  }
0x18: {  	v45 =	vld [tilespmem:s23+$0xFFFFFC20];
	[tilespmem:s15+$0x2D0 ss:$0x9] =	vst.msk $0xffff, v40  }
0x19: {  	v46 =	vld [tilespmem:s23+$0xFFFFFC30];
	[tilespmem:s15+$0x360 ss:$0x9] =	vst.msk $0xffff, v41  }
0x1a: {  	v47 =	vld [tilespmem:s23+$0xFFFFFC40];
	[tilespmem:s15+$0x3F0 ss:$0x9] =	vst.msk $0xffff, v42  }
0x1b: {  	v48 =	vld [tilespmem:s23+$0xFFFFFC50];
	[tilespmem:s15+$0x510 ss:$0x9] =	vst.msk $0xffff, v43  }
0x1c: {  	v49 =	vld [tilespmem:s23+$0xFFFFFC60];
	[tilespmem:s15+$0x5A0 ss:$0x9] =	vst.msk $0xffff, v44  }
0x1d: {  	v50 =	vld [tilespmem:s23+$0x0];
	[tilespmem:s15+$0x630 ss:$0x9] =	vst.msk $0xffff, v45  }
0x1e: {  	v51 =	vld [tilespmem:s23+$0x10];
	[tilespmem:s15+$0x6C0 ss:$0x9] =	vst.msk $0xffff, v46  }
0x1f: {  	v52 =	vld [tilespmem:s23+$0x20];
	[tilespmem:s15+$0x750 ss:$0x9] =	vst.msk $0xffff, v47  }
0x20: {  	v53 =	vld [tilespmem:s23+$0x30];
	[tilespmem:s15+$0x7E0 ss:$0x9] =	vst.msk $0xffff, v48  }
0x21: {  	v54 =	vld [tilespmem:s23+$0x40];
	[tilespmem:s15+$0x870 ss:$0x9] =	vst.msk $0xffff, v49  }
0x22: {  	v55 =	vld [tilespmem:s23+$0x50];
	[tilespmem:s15+$0x990 ss:$0x9] =	vst.msk $0xffff, v50  }
0x23: {  	v56 =	vld [tilespmem:s23+$0x60];
	[tilespmem:s15+$0xA20 ss:$0x9] =	vst.msk $0xffff, v51  }
0x24: {  	v57 =	vld [tilespmem:s23+$0x400];
	[tilespmem:s15+$0xAB0 ss:$0x9] =	vst.msk $0xffff, v52  }
0x25: {  	v58 =	vld [tilespmem:s23+$0x410];
	[tilespmem:s15+$0xB40 ss:$0x9] =	vst.msk $0xffff, v53  }
0x26: {  	s13 =	sshll.u32 s13, $0x7;
	s25 =	sshll.u32 s12, $0x3;
	v59 =	vld [tilespmem:s23+$0x420];
	[tilespmem:s15+$0xBD0 ss:$0x9] =	vst.msk $0xffff, v54  }
0x27: {  	s26 =	sand.u32 $0xFFFFFC00, s13;
	v60 =	vld [tilespmem:s23+$0x430];
	s17 =	sand.u32 $0xFFFFFC00, s25;
	[tilespmem:s15+$0xC60 ss:$0x9] =	vst.msk $0xffff, v55  }
0x28: {  	s13 =	sand.u32 $0x380, s13;
	v61 =	vld [tilespmem:s23+$0x440];
	s17 =	sadd.s32 s17, s26;
	[tilespmem:s15+$0xCF0 ss:$0x9] =	vst.msk $0xffff, v56  }
0x29: {  	s20 =	sand.u32 $0x180, s20;
	s16 =	sadd.s32 s22, s16;
	v62 =	vld [tilespmem:s23+$0x450];
	[tilespmem:s15+$0xE10 ss:$0x9] =	vst.msk $0xffff, v57;
	s13 =	sor.u32 s13, s17  }
0x2a: {  	s16 =	sadd.s32 s20, s16;
	v63 =	vld [tilespmem:s23+$0x460];
	[tilespmem:s15+$0xEA0 ss:$0x9] =	vst.msk $0xffff, v58;
	s13 =	sshrl.u32 s13, $0x7  }
0x2b: {  	v5 =	vld [tilespmem:s16+$0xC00];
	[tilespmem:s15+$0xF30 ss:$0x9] =	vst.msk $0xffff, v59;
	s27 =	smulhi.u32 $0x14F8B59, s13  }
0x2c: {  	v33 =	vld [tilespmem:s16+$0x400];
	[tilespmem:s15+$0xFC0 ss:$0x9] =	vst.msk $0xffff, v60  }
0x2d: {  	v34 =	vld [tilespmem:s16+$0x800];
	[tilespmem:s15+$0x1050 ss:$0x9] =	vst.msk $0xffff, v61;
	s28 =	sshrl.u32 s27, $0xD  }
0x2e: {  	[tilespmem:s15+$0x10E0 ss:$0x9] =	vst.msk $0xffff, v62;
	s16 =	smul.u32 $0x186A00, s28  }
0x2f: {  	s29 =	sshrl.u32 s12, $0x3;
	[tilespmem:s15+$0x1170 ss:$0x9] =	vst.msk $0xffff, v63  }
0x30: {  	s31 =	sand.u32 $0x7, s12;
	s30 =	sand.u32 $0xF, s29;
	[tilespmem:s15+$0xD80 ss:$0x9] =	vst.msk $0xffff, v5;
	s13 =	ssub.s32 s13, s16  }
0x31: {  	s12 =	sshll.u32 s31, $0x12;
	[tilespmem:s15+$0x480 ss:$0x9] =	vst.msk $0xffff, v33;
	s16 =	sadd.s32 s6, s30;
	s13 =	sshll.u32 s13, $0x4  }
0x32: {  	s12 =	sor.u32 $0x8, s12;
	[tilespmem:s15+$0x900 ss:$0x9] =	vst.msk $0xffff, v34;
	s13 =	sadd.s32 s13, s16  }
0x33: {  	[hbm4b:s13+s12] =	stream.strided.scatter [tilespmem:s14], [sflag:$0x2], $0x1000, s8, s12, $0x0;
	[tilespmem:$0x4400] =	vst v63  }
.LBB1_5:
0x34: {  	s14 =	sadd.s32 $0x4000, s9  }
0x35: {  	s12 =	sadd.s32 $0x8, s10;
	s16 =	smov.u32 s10;
	p2 =	sgt.s32 s14, $0x1869FF  }
0x36: {  	s16 =	smov.u32 @p2 s12  }
0x37: {  	s14 =	smov.u32 @p2 s3;
	p2 =	sgt.s32 s16, $0x7  }
0x38: {  	s16 =	simm.s32 @p2 $0x0;
	p2 =	sne.s32 s11, s7  }
.Ltmp1:
0x39: {  	p1 =	slt.u32 s11, $0x2;
	(pc) =	sbr.rel @!p2 .LBB1_6-.Ltmp1, $4  }
0x3a: {  	s15 =	simm.s32 @!p1 $0x2  }
0x3b: {  	s13 =	smov.u32 s9;
	p0 =	por !p0, !p0;
	_ =	swait.ge @!p1 [sflag:s15], $0x1000  }
0x3c: {  	s12 =	smov.u32 s10;
	[sflag:s15] =	ssyncset.done @!p1 $0x0;
	s9 =	smov.u32 s14  }
0x3d: {  	s11 =	sadd.s32 $0x1, s11;
	[sflag:s15] =	ssyncadd.s32 @!p1 $0xFFFFF000;
	s10 =	smov.u32 s16  }
.LBB1_1:
0x3e: {  	p1 =	sge.u32 s11, s5  }
0x3f: {  	s14 =	sshrl.u32 @!p1 s10, $0x3  }
0x40: {  	s15 =	sshll.u32 @!p1 s9, $0x3;
	s14 =	smul.u32 @!p1 $0xC35000, s14  }
0x41: {  	s16 =	sshll.u32 @!p1 s10, $0x7;
	s15 =	sand.u32 @!p1 $0xFFFFFC00, s15  }
0x42: {  	s14 =	sadd.s32 @!p1 s14, s15;
	s15 =	sand.u32 @!p1 $0x380, s16  }
0x43: {  	s14 =	sor.u32 @!p1 s15, s14  }
0x44: {  	s15 =	sshrl.u32 @!p1 s14, $0x9  }
0x45: {  	s15 =	smulhi.u32 @!p1 $0xA7C5AD, s15;
	_ =	sdelay $0x1  }
0x46: {  	s15 =	sshrl.u32 @!p1 s15, $0x3  }
0x47: {  	s16 =	sand.u32 @!p1 $0x7F, s9;
	s17 =	smul.u32 @!p1 $0x186A00, s15  }
0x48: {  	s14 =	sor.u32 @!p1 s16, s14  }
0x49: {  	s15 =	sand.u32 @!p1 $0x7, s15;
	s14 =	ssub.s32 @!p1 s14, s17  }
0x4a: {  	s16 =	sxor.u32 @!p1 $0xFFFFFFFF, s11;
	s15 =	smul.u32 @!p1 $0x30D40, s15;
	s17 =	sshrl.u32 @!p1 s14, $0x3  }
0x4b: {  	s31 =	sadd.s32 $0xFFFFFFFF, s11;
	s16 =	sshll.u32 @!p1 s16, $0xC;
	s17 =	sadd.s32 @!p1 s2, s17  }
0x4c: {  	s16 =	sand.u32 @!p1 $0x1000, s16;
	s14 =	sand.u32 @!p1 $0x7, s14;
	s15 =	sadd.s32 @!p1 s15, s17  }
0x4d: {  	[tilespmem:s16], [sflag:$0x1] =	stream.linear.gather @!p1 [hbm4b:s15+s14], $0x1000, $0x38;
	[tilespmem:$0x4400] =	vst v63  }
0x4e: {  	p1 =	sge.u32 s31, s5  }
.Ltmp2:
0x4f: {  	_ = 	snop;
	(pc) =	sbr.rel @p1 .LBB1_5-.Ltmp2, $1  }
0x50: {  	_ =	sdelay $0x3  }
0x51: {  	s14 =	simm.s32 $0x1;
	s19 =	sand.u32 $0x1, s11;
	s15 =	simm.s32 $0x0  }
0x52: {  	_ =	swait.ge [sflag:s4], $0x1000;
	s16 =	sshll.u32 s19, $0xC;
	s17 =	sand.u32 $0x200, s15  }
0x53: {  	[sflag:s4] =	ssyncset.done $0x0;
	s15 =	sand.u32 $0x180, s15;
	s17 =	sadd.s32 s17, s16  }
0x54: {  	s14 =	simm.s32 @!p0 $0x0;
	[sflag:s4] =	ssyncadd.s32 $0xFFFFF000;
	s15 =	sadd.s32 s15, s17  }
0x55: {  	s30 =	smul.u32 $0x4800, s14;
	v0 =	vld [tilespmem:s15+$0xC00]  }
0x56: {  	s14 =	sshll.u32 s14, $0xC;
	v1 =	vld [tilespmem:s15+$0x400]  }
0x57: {  	s18 =	sor.u32 $0x810, s14;
	s17 =	sshrl.u32 s30, $0x2;
	v2 =	vld [tilespmem:s15+$0x800]  }
0x58: {  	v3 =	vld [tilespmem:s18+$0xFFFFF7F0];
	s15 =	sor.u32 $0x2000, s17  }
0x59: {  	v4 =	vld [tilespmem:s18+$0xFFFFF800];
	s17 =	sadd.s32 $0x0, s15  }
0x5a: {  	v5 =	vld [tilespmem:s18+$0xFFFFF810];
	[tilespmem:s17+$0xD80 ss:$0x9] =	vst.msk $0xffff, v0  }
0x5b: {  	v6 =	vld [tilespmem:s18+$0x60];
	[tilespmem:s17+$0x480 ss:$0x9] =	vst.msk $0xffff, v1  }
0x5c: {  	v0 =	vld [tilespmem:s18+$0xFFFFF820];
	[tilespmem:s17+$0x900 ss:$0x9] =	vst.msk $0xffff, v2  }
0x5d: {  	[tilespmem:s17+$0x0 ss:$0x9] =	vst.msk $0xffff, v3;
	v2 =	vld [tilespmem:s18+$0xFFFFF840]  }
0x5e: {  	v1 =	vld [tilespmem:s18+$0xFFFFF830];
	[tilespmem:s17+$0x90 ss:$0x9] =	vst.msk $0xffff, v4  }
0x5f: {  	v3 =	vld [tilespmem:s18+$0xFFFFF850];
	[tilespmem:s17+$0x120 ss:$0x9] =	vst.msk $0xffff, v5  }
0x60: {  	v4 =	vld [tilespmem:s18+$0xFFFFF860];
	[tilespmem:s17+$0xCF0 ss:$0x9] =	vst.msk $0xffff, v6  }
0x61: {  	[tilespmem:s17+$0x1B0 ss:$0x9] =	vst.msk $0xffff, v0;
	v0 =	vld [tilespmem:s18+$0xFFFFFC00]  }
0x62: {  	[tilespmem:s17+$0x2D0 ss:$0x9] =	vst.msk $0xffff, v2;
	v2 =	vld [tilespmem:s18+$0xFFFFFC20]  }
0x63: {  	v5 =	vld [tilespmem:s18+$0x40];
	[tilespmem:s17+$0x240 ss:$0x9] =	vst.msk $0xffff, v1  }
0x64: {  	[tilespmem:s17+$0x360 ss:$0x9] =	vst.msk $0xffff, v3;
	v3 =	vld [tilespmem:s18+$0xFFFFFC30]  }
0x65: {  	v1 =	vld [tilespmem:s18+$0xFFFFFC10];
	[tilespmem:s17+$0x3F0 ss:$0x9] =	vst.msk $0xffff, v4  }
0x66: {  	[tilespmem:s17+$0x510 ss:$0x9] =	vst.msk $0xffff, v0;
	v0 =	vld [tilespmem:s18+$0xFFFFFC50]  }
0x67: {  	[tilespmem:s17+$0x630 ss:$0x9] =	vst.msk $0xffff, v2;
	v2 =	vld [tilespmem:s18+$0x0]  }
0x68: {  	v4 =	vld [tilespmem:s18+$0xFFFFFC40];
	[tilespmem:s17+$0xBD0 ss:$0x9] =	vst.msk $0xffff, v5  }
0x69: {  	[tilespmem:s17+$0x6C0 ss:$0x9] =	vst.msk $0xffff, v3;
	v3 =	vld [tilespmem:s18+$0x10]  }
0x6a: {  	[tilespmem:s17+$0x5A0 ss:$0x9] =	vst.msk $0xffff, v1;
	v1 =	vld [tilespmem:s18+$0xFFFFFC60]  }
0x6b: {  	[tilespmem:s17+$0x7E0 ss:$0x9] =	vst.msk $0xffff, v0;
	v0 =	vld [tilespmem:s18+$0x30]  }
0x6c: {  	[tilespmem:s17+$0x990 ss:$0x9] =	vst.msk $0xffff, v2;
	v2 =	vld [tilespmem:s18+$0x50]  }
0x6d: {  	[tilespmem:s17+$0x750 ss:$0x9] =	vst.msk $0xffff, v4;
	v4 =	vld [tilespmem:s18+$0x20]  }
0x6e: {  	[tilespmem:s17+$0xA20 ss:$0x9] =	vst.msk $0xffff, v3;
	v3 =	vld [tilespmem:s18+$0x400]  }
0x6f: {  	s31 =	smul.u32 $0x4800, s19;
	[tilespmem:s17+$0x870 ss:$0x9] =	vst.msk $0xffff, v1;
	v1 =	vld [tilespmem:s18+$0x410]  }
0x70: {  	[tilespmem:s17+$0xB40 ss:$0x9] =	vst.msk $0xffff, v0;
	v0 =	vld [tilespmem:s18+$0x420]  }
0x71: {  	s20 =	simm.s32 $0x80;
	s21 =	simm.s32 $0x8;
	s14 =	sshrl.u32 s31, $0x2;
	[tilespmem:s17+$0xC60 ss:$0x9] =	vst.msk $0xffff, v2;
	v2 =	vld [tilespmem:s18+$0x430]  }
0x72: {  	s19 =	simm.s32 $0x4;
	s22 =	sand.u32 $0x200, s20;
	s14 =	sor.u32 $0x2000, s14;
	[tilespmem:s17+$0xAB0 ss:$0x9] =	vst.msk $0xffff, v4;
	v4 =	vld [tilespmem:s18+$0x440]  }
.LBB1_3:
0x73: {  	p1 =	sne.s32 s21, $0x1C;
	s23 =	sand.u32 $0x180, s20;
	s22 =	sadd.s32 s22, s16;
	[tilespmem:s17+$0xE10 ss:$0x9] =	vst.msk $0xffff, v3;
	v3 =	vld [tilespmem:s18+$0x450]  }
0x74: {  	s22 =	sadd.s32 s23, s22;
	[tilespmem:s17+$0xEA0 ss:$0x9] =	vst.msk $0xffff, v1;
	v1 =	vld [tilespmem:s18+$0x460]  }
0x75: {  	v5 =	vld [tilespmem:s22+$0xC00];
	[tilespmem:s17+$0xF30 ss:$0x9] =	vst.msk $0xffff, v0  }
0x76: {  	v0 =	vld [tilespmem:s22+$0x400];
	[tilespmem:s17+$0xFC0 ss:$0x9] =	vst.msk $0xffff, v2  }
0x77: {  	s18 =	sadd.s32 $0x80, s18;
	v2 =	vld [tilespmem:s22+$0x800];
	[tilespmem:s17+$0x1050 ss:$0x9] =	vst.msk $0xffff, v4  }
0x78: {  	s22 =	sshra.s32 s19, $0x2;
	s19 =	smov.u32 s21;
	v4 =	vld [tilespmem:s18+$0xFFFFF7F0];
	[tilespmem:s17+$0x10E0 ss:$0x9] =	vst.msk $0xffff, v3  }
0x79: {  	v3 =	vld [tilespmem:s18+$0xFFFFF800];
	[tilespmem:s17+$0x1170 ss:$0x9] =	vst.msk $0xffff, v1;
	s17 =	sadd.s32 s22, s15  }
0x7a: {  	v1 =	vld [tilespmem:s18+$0xFFFFF810];
	[tilespmem:s17+$0xD80 ss:$0x9] =	vst.msk $0xffff, v5  }
0x7b: {  	v5 =	vld [tilespmem:s18+$0xFFFFF820];
	[tilespmem:s17+$0x480 ss:$0x9] =	vst.msk $0xffff, v0  }
0x7c: {  	v0 =	vld [tilespmem:s18+$0xFFFFF830];
	[tilespmem:s17+$0x900 ss:$0x9] =	vst.msk $0xffff, v2  }
0x7d: {  	[tilespmem:s17+$0x0 ss:$0x9] =	vst.msk $0xffff, v4;
	v2 =	vld [tilespmem:s18+$0xFFFFF840]  }
0x7e: {  	[tilespmem:s17+$0x90 ss:$0x9] =	vst.msk $0xffff, v3;
	v3 =	vld [tilespmem:s18+$0xFFFFF850]  }
0x7f: {  	[tilespmem:s17+$0x120 ss:$0x9] =	vst.msk $0xffff, v1;
	v1 =	vld [tilespmem:s18+$0xFFFFF860]  }
0x80: {  	[tilespmem:s17+$0x1B0 ss:$0x9] =	vst.msk $0xffff, v5;
	v4 =	vld [tilespmem:s18+$0xFFFFFC00]  }
0x81: {  	[tilespmem:s17+$0x240 ss:$0x9] =	vst.msk $0xffff, v0;
	v0 =	vld [tilespmem:s18+$0xFFFFFC10]  }
0x82: {  	[tilespmem:s17+$0x2D0 ss:$0x9] =	vst.msk $0xffff, v2;
	v2 =	vld [tilespmem:s18+$0xFFFFFC20]  }
0x83: {  	[tilespmem:s17+$0x360 ss:$0x9] =	vst.msk $0xffff, v3;
	v3 =	vld [tilespmem:s18+$0xFFFFFC30]  }
0x84: {  	[tilespmem:s17+$0x3F0 ss:$0x9] =	vst.msk $0xffff, v1;
	v1 =	vld [tilespmem:s18+$0xFFFFFC40]  }
0x85: {  	[tilespmem:s17+$0x510 ss:$0x9] =	vst.msk $0xffff, v4;
	v4 =	vld [tilespmem:s18+$0xFFFFFC50]  }
0x86: {  	[tilespmem:s17+$0x5A0 ss:$0x9] =	vst.msk $0xffff, v0;
	v0 =	vld [tilespmem:s18+$0xFFFFFC60]  }
0x87: {  	[tilespmem:s17+$0x630 ss:$0x9] =	vst.msk $0xffff, v2;
	v2 =	vld [tilespmem:s18+$0x0]  }
0x88: {  	[tilespmem:s17+$0x6C0 ss:$0x9] =	vst.msk $0xffff, v3;
	v3 =	vld [tilespmem:s18+$0x10]  }
0x89: {  	[tilespmem:s17+$0x750 ss:$0x9] =	vst.msk $0xffff, v1;
	v1 =	vld [tilespmem:s18+$0x20]  }
0x8a: {  	[tilespmem:s17+$0x7E0 ss:$0x9] =	vst.msk $0xffff, v4;
	v4 =	vld [tilespmem:s18+$0x30]  }
0x8b: {  	[tilespmem:s17+$0x870 ss:$0x9] =	vst.msk $0xffff, v0;
	v0 =	vld [tilespmem:s18+$0x40]  }
0x8c: {  	[tilespmem:s17+$0x990 ss:$0x9] =	vst.msk $0xffff, v2;
	v2 =	vld [tilespmem:s18+$0x50]  }
0x8d: {  	[tilespmem:s17+$0xA20 ss:$0x9] =	vst.msk $0xffff, v3;
	v5 =	vld [tilespmem:s18+$0x60]  }
.Ltmp3:
0x8e: {  	[tilespmem:s17+$0xAB0 ss:$0x9] =	vst.msk $0xffff, v1;
	v3 =	vld [tilespmem:s18+$0x400];
	(pc) =	sbr.rel @p1 .LBB1_3-.Ltmp3, $4  }
0x8f: {  	[tilespmem:s17+$0xB40 ss:$0x9] =	vst.msk $0xffff, v4;
	v1 =	vld [tilespmem:s18+$0x410]  }
0x90: {  	[tilespmem:s17+$0xBD0 ss:$0x9] =	vst.msk $0xffff, v0;
	v0 =	vld [tilespmem:s18+$0x420]  }
0x91: {  	s20 =	sadd.s32 $0x80, s20;
	[tilespmem:s17+$0xC60 ss:$0x9] =	vst.msk $0xffff, v2;
	v2 =	vld [tilespmem:s18+$0x430]  }
0x92: {  	s21 =	sadd.s32 $0x4, s21;
	s22 =	sand.u32 $0x200, s20;
	[tilespmem:s17+$0xCF0 ss:$0x9] =	vst.msk $0xffff, v5;
	v4 =	vld [tilespmem:s18+$0x440]  }
.Ltmp4:
0x93: {  	_ = 	snop;
	(pc) =	sbr.rel .LBB1_4-.Ltmp4, $1  }
0x94: {  	_ =	sdelay $0x3  }
.LBB1_6:
0x95: {  	_ =	sfence.sel $0x180000  }
0x96: {  	s2 =	simm.s32 $0x1;
	[bflag:$0x0] =	sbarrier.arrive $0xFFFF  }
0x97: {  	s31 =	simm.s32 $0x2;
	[sflag:s2] =	ssyncpa.u1 $0x1  }
0x98: {  	[sflag:s31] =	ssyncpa.u1 $0x1  }
0x99: {  	p0 =	sne.s32 s0, $0x0;
	_ =	strace $0x90000047  }
0x9a: {  	s0 =	sadd.s32 @!p0 $0x100000, s1;
	[bflag:$0x2] =	sbarrier.arrive $0xFFFF  }
0x9b: {  	[sflag:s0] =	ssyncadd.tile.s32 @!p0 $0x1;
	_ =	shalt  }
.Lfunc_end1:
_tile_overlayer_lowered:
.L_overlay_start_2:
0x9c: {  	(tag) =	ssettag $0x2  }
0x9d: {  	s0 =	rddreg [dreg:$0x0];
	s2 =	stileid.u32  }
0x9e: {  	s1 =	rddreg [dreg:$0x1];
	p0 =	sne.s32 s2, $0x0  }
0x9f: {  	s3 =	rddreg [dreg:$0x2];
	[bflag:$0x3] =	sbarrier.arrive $0xFFFF;
	s2 =	simm.s32 @!p0 $0x1C01  }
0xa0: {  	[timem:s3], [sflag:s2] =	dma.local @!p0 [hbm:s0], s1  }
0xa1: {  	s0 =	simm.s32 @!p0 $0x1  }
0xa2: {  	_ =	swait.ge @!p0 [sflag:s0], s1  }
0xa3: {  	s1 =	ssub.s32 @!p0 $0x0, s1;
	[sflag:s0] =	ssyncset.done @!p0 $0x0  }
0xa4: {  	[sflag:s0] =	ssyncadd.s32 @!p0 s1  }
0xa5: {  	[bflag:$0x3] =	sbarrier.arrive $0xFFFF  }
0xa6: {  	_ =	shalt  }

// kernel: sparse-core-data-format-call.cloned.1.call-start
scs
called_computation_lowered:
.L_overlay_start_0:
0x0: {  	s2 =	sld [smem:$0x3FD9]  }
0x1: {  	s3 =	sld [smem:$0x3FFE];
	_ =	sdelay $0x1  }
0x2: {  	s1 =	srdreg.scid  }
0x3: {  	s0 =	sand.u32 $0x1, s1  }
0x4: {  	s18 =	sshll.u32 s0, $0xA;
	s2 =	sadd.s32 s3, s2  }
0x5: {  	s2 =	sadd.s32 s2, s18  }
0x6: {  	[smem:$0x3FBB] =	sst s2  }
0x7: {  	_ = 	snop  }
0x8: {  	s2 =	sld [smem:$0x3FD0];
	(tm) =	ssettm $0x1  }
0x9: {  	s19 =	sld [smem:$0x3FFB];
	_ =	sdelay $0x3  }
0xa: {  	_ =	strace s19  }
0xb: {  	s3 =	sld [smem:$0x3FFC];
	_ =	sdelay $0x3  }
0xc: {  	_ =	strace s3  }
0xd: {  	s3 =	sld [smem:$0x3FFD];
	_ =	sdelay $0x3  }
0xe: {  	_ =	strace s3  }
0xf: {  	_ =	strace $0x8FFFFFFF  }
0x10: {  	s20 =	sld [smem:$0x3FDB];
	_ =	sdelay $0x1  }
0x11: {  	s4 =	simm.s32 $_scs_section_size  }
0x12: {  	s5 =	simm.s32 $_size__tile_overlayer_lowered;
	s6 =	simm.s32 $_tile_overlayer_lowered  }
0x13: {  	s23 =	simm.s32 $0x1BFF;
	s22 =	sshll.u32 s6, $0x1;
	s3 =	sadd.s32 s4, s20  }
0x14: {  	s7 =	simm.s32 $0x0;
	s21 =	sshll.u32 s5, $0x1;
	s5 =	sadd.s32 s22, s3  }
0x15: {  	[timem:s7], [sflag:s23] =	dma.local [hbm:s5], s21  }
0x16: {  	_ =	swait.ge [sflag:s23], s21  }
0x17: {  	s4 =	ssub.s32 $0x0, s21;
	[sflag:s23] =	ssyncset.done $0x0  }
0x18: {  	[sflag:s23] =	ssyncadd.s32 s4;
	_ =	sdelay $0x1  }
0x19: {  	s24 =	simm.s32 $0x1B8B  }
0x1a: {  	_ =	swait.ge [sflag:s24], $0x1  }
0x1b: {  	[sflag:s24] =	ssyncset.done $0x0  }
0x1c: {  	s26 =	simm.s32 $0x1B8E;
	s25 =	sld [smem:$0x3FFE];
	[sflag:s24] =	ssyncadd.s32 $0xFFFFFFFF  }
0x1d: {  	s27 =	simm.s32 $execute0_lowered;
	[smem:$0x3FD2] =	sst s26  }
0x1e: {  	s5 =	sshll.u32 s27, $0x1;
	_ =	strace $0x8000004F;
	[dreg:$0x1] =	wrdreg $0xFFFFFFFF  }
0x1f: {  	s28 =	simm.s32 $_size_execute0_lowered;
	s3 =	sadd.s32 s3, s5;
	[dreg:$0x0] =	wrdreg $0x0  }
0x20: {  	s5 =	sshll.u32 s28, $0x1;
	[dreg:$0x2] =	wrdreg s3  }
0x21: {  	[dreg:$0x3] =	wrdreg s5  }
0x22: {  	[dreg:$0x4] =	wrdreg $0xC0  }
0x23: {  	_ =	task [dreg:s7], $0x5FFFF  }
0x24: {  	[dreg:$0x1] =	wrdreg $0xFFFFFFFF  }
0x25: {  	[dreg:$0x0] =	wrdreg $0x60  }
0x26: {  	[dreg:$0x2] =	wrdreg s25  }
0x27: {  	[dreg:$0x3] =	wrdreg s2  }
0x28: {  	[dreg:$0x4] =	wrdreg $0x9  }
0x29: {  	_ =	task.clear_ibuf [dreg:s7], $0x5FFFF;
	_ =	strace $0x9000004F  }
0x2a: {  	s29 =	simm.s32 $0x9;
	_ =	strace $0x80000051  }
0x2b: {  	_ =	swait.ge [sflag:s29], $0x1  }
0x2c: {  	[sflag:s29] =	ssyncadd.s32 $0xFFFFFFFF  }
0x2d: {  	_ =	strace $0x90000051  }
0x2e: {  	_ =	sfence  }
0x2f: {  	s30 =	sld [smem:$0x0];
	_ =	sdelay $0x2  }
0x30: {  	s31 =	sshll.u32 s1, $0xD;
	s1 =	sshrl.u32 s1, $0x2  }
0x31: {  	s3 =	sand.u32 $0x4000, s31;
	s1 =	sadd.s32 s1, s30  }
0x32: {  	s0 =	sor.u32 s3, s0;
	s1 =	sshll.u32 s1, $0x11  }
0x33: {  	s0 =	sor.u32 s1, s0  }
0x34: {  	s0 =	sadd.s32 $0x8F2B, s0  }
0x35: {  	[sflag:s0] =	ssyncadd.remote.s32 $0x1  }
0x36: {  	_ =	sfence.sel $0xFFFF  }
0x37: {  	[dreg:$0x0] =	wrdreg $0xFFFFFFFF;
	(pc) =	sbr.abs _section_cstart, $3  }
0x38: {  	[dreg:$0x1] =	wrdreg $0xFFFFFFFF  }
0x39: {  	_ =	task.clear_ibuf [dreg:s7], $0x2FFFF;
	_ =	strace $0x9FFFFFFF  }
0x3a: {  	(tm) =	ssettm $0x7FFFFFFF  }
0x3b: {  	_ =	shalt  }
tec
execute0_lowered:
.L_overlay_start_1:
0x0: {  	(tag) =	ssettag $0x1  }
0x1: {  	s0 =	srdreg.scid  }
0x2: {  	s1 =	sshll.u32 s0, $0x4  }
0x3: {  	s0 =	stileid.u32;
	s1 =	sand.u32 $0x10, s1  }
0x4: {  	s1 =	sor.u32 s0, s1  }
0x5: {  	s6 =	rddreg [dreg:$0x0];
	s2 =	sshll.u32 s1, $0x7  }
0x6: {  	s3 =	rddreg [dreg:$0x1];
	s5 =	simm.s32 $0x1;
	s4 =	ssub.s32 $0x186A00, s2  }
0x7: {  	s31 =	simm.s32 $0x2;
	s12 =	simm.s32 $0x0;
	s30 =	sand.u32 $0xF80, s4  }
0x8: {  	s11 =	simm.s32 $0x0;
	s8 =	simm.s32 $0x0;
	p0 =	sne.s32 s30, $0x0  }
.Ltmp0:
0x9: {  	s7 =	sshrl.u32 s4, $0xC;
	s5 =	simm.s32 @!p0 $0x0;
	(pc) =	sbr.rel .LBB1_1-.Ltmp0, $4  }
0xa: {  	s10 =	simm.s32 $0x0;
	s1 =	rddreg [dreg:$0x2];
	s5 =	sadd.s32 s5, s7  }
0xb: {  	_ =	strace $0x80000050;
	s4 =	simm.s32 $0x1;
	s5 =	smul.u32 $0x3, s5  }
0xc: {  	s6 =	sadd.s32 $0x2C00, s6;
	s9 =	smov.u32 s2;
	[sflag:s4] =	ssyncpa.u1 $0x0  }
0xd: {  	[sflag:s31] =	ssyncpa.u1 $0x0;
	p0 =	por $0x0, $0x0;
	s7 =	sadd.s32 $0x1, s5  }
.LBB1_4:
0xe: {  	[tilespmem:s22+$0xFFFFFFFA ss:$0x81] =	vst.msk $0xff, v4  }
0xf: {  	v4 =	vld.msk [tilespmem:s24+$0xFFFFFFF0], $0xff;
	_ =	sdelay $0x3  }
0x10: {  	[tilespmem:s19+$0xFFFFFFFB ss:$0x81] =	vst.msk $0xff, v3  }
0x11: {  	v3 =	vld.msk [tilespmem:s21+$0xFFFFFFF8], $0xff;
	[tilespmem:s22+$0xFFFFFFFB ss:$0x81] =	vst.msk $0xff, v4  }
0x12: {  	v4 =	vld.msk [tilespmem:s24+$0xFFFFFFF8], $0xff;
	_ =	sdelay $0x3  }
0x13: {  	v5 =	vld.msk [tilespmem:s20+$0x0], $0xff;
	[tilespmem:s19+$0xFFFFFFFC ss:$0x81] =	vst.msk $0xff, v3  }
0x14: {  	v3 =	vld.msk [tilespmem:s21+$0x0], $0xff;
	[tilespmem:s22+$0xFFFFFFFC ss:$0x81] =	vst.msk $0xff, v4  }
0x15: {  	v4 =	vld.msk [tilespmem:s24+$0x0], $0xff;
	_ =	sdelay $0x2  }
0x16: {  	[tilespmem:s18+$0xFFFFFFFD ss:$0x81] =	vst.msk $0xff, v5  }
0x17: {  	v5 =	vld.msk [tilespmem:s20+$0x8], $0xff;
	[tilespmem:s19+$0xFFFFFFFD ss:$0x81] =	vst.msk $0xff, v3  }
0x18: {  	s25 =	sshrl.u32 s12, $0x3;
	v3 =	vld.msk [tilespmem:s21+$0x8], $0xff;
	[tilespmem:s22+$0xFFFFFFFD ss:$0x81] =	vst.msk $0xff, v4  }
0x19: {  	s26 =	sshll.u32 s11, $0x3;
	s25 =	smul.u32 $0xC35000, s25;
	v4 =	vld.msk [tilespmem:s24+$0x8], $0xff  }
0x1a: {  	s27 =	sshll.u32 s12, $0x7;
	s26 =	sand.u32 $0xFFFFFC00, s26  }
0x1b: {  	[tilespmem:s15+$0xFFFFFFFE ss:$0x81] =	vst.msk $0xff, v2;
	s12 =	sand.u32 $0x380, s27;
	s25 =	sadd.s32 s26, s25  }
0x1c: {  	v2 =	vld.msk [tilespmem:s17+$0x10], $0xff;
	s12 =	sor.u32 s12, s25;
	[tilespmem:s18+$0xFFFFFFFE ss:$0x81] =	vst.msk $0xff, v5  }
0x1d: {  	s25 =	sshrl.u32 s12, $0x9;
	v5 =	vld.msk [tilespmem:s20+$0x10], $0xff;
	[tilespmem:s19+$0xFFFFFFFE ss:$0x81] =	vst.msk $0xff, v3  }
0x1e: {  	s25 =	smulhi.u32 $0xA7C5AD, s25;
	v3 =	vld.msk [tilespmem:s21+$0x10], $0xff;
	[tilespmem:s22+$0xFFFFFFFE ss:$0x81] =	vst.msk $0xff, v4  }
0x1f: {  	v4 =	vld.msk [tilespmem:s24+$0x10], $0xff  }
0x20: {  	[tilespmem:s14+$0xFFFFFFFF ss:$0x81] =	vst.msk $0xff, v1;
	s25 =	sshrl.u32 s25, $0x3  }
0x21: {  	v1 =	vld.msk [tilespmem:s16+$0x18], $0xff;
	[tilespmem:s15+$0xFFFFFFFF ss:$0x81] =	vst.msk $0xff, v2;
	s28 =	smul.u32 $0xAAB, s25  }
0x22: {  	v2 =	vld.msk [tilespmem:s17+$0x18], $0xff;
	[tilespmem:s18+$0xFFFFFFFF ss:$0x81] =	vst.msk $0xff, v5  }
0x23: {  	s16 =	sshrl.u32 s28, $0x10;
	v61 =	vld.msk [tilespmem:s20+$0x18], $0xff;
	[tilespmem:s19+$0xFFFFFFFF ss:$0x81] =	vst.msk $0xff, v3  }
0x24: {  	s16 =	smul.u32 $0x18, s16;
	v62 =	vld.msk [tilespmem:s21+$0x18], $0xff;
	[tilespmem:s22+$0xFFFFFFFF ss:$0x81] =	vst.msk $0xff, v4  }
0x25: {  	[tilespmem:s13+$0x0 ss:$0x81] =	vst.msk $0xff, v0;
	s29 =	sand.u32 $0x7F, s11;
	s30 =	smul.u32 $0x186A00, s25;
	v63 =	vld.msk [tilespmem:s24+$0x18], $0xff  }
0x26: {  	s11 =	sor.u32 s29, s12;
	[tilespmem:s14+$0x0 ss:$0x81] =	vst.msk $0xff, v1;
	s31 =	ssub.s32 s25, s16  }
0x27: {  	s11 =	ssub.s32 s11, s30;
	[tilespmem:s15+$0x0 ss:$0x81] =	vst.msk $0xff, v2;
	s12 =	sand.u32 $0xFFFF, s31  }
0x28: {  	s13 =	sshrl.u32 s11, $0x3;
	s12 =	smul.u32 $0x30D40, s12;
	[tilespmem:s18+$0x0 ss:$0x81] =	vst.msk $0xff, v61  }
0x29: {  	s13 =	sadd.s32 s3, s13;
	[tilespmem:s19+$0x0 ss:$0x81] =	vst.msk $0xff, v62  }
0x2a: {  	s11 =	sand.u32 $0x7, s11;
	s12 =	sadd.s32 s12, s13;
	[tilespmem:s22+$0x0 ss:$0x81] =	vst.msk $0xff, v63  }
0x2b: {  	[hbm4b:s12+s11] =	stream.linear.scatter [tilespmem:s23], [sflag:$0x2], $0x400, $0x20;
	[tilespmem:$0x1010] =	vst v63  }
.LBB1_5:
0x2c: {  	s13 =	sadd.s32 $0x8, s8  }
0x2d: {  	s11 =	sadd.s32 $0x1000, s9;
	s15 =	smov.u32 s9;
	p2 =	sgt.s32 s13, $0x13  }
0x2e: {  	s15 =	smov.u32 @p2 s11  }
0x2f: {  	s13 =	simm.s32 @p2 $0x0;
	p2 =	sgt.s32 s15, $0x1869FF  }
0x30: {  	s15 =	smov.u32 @p2 s2;
	p2 =	sne.s32 s10, s7  }
.Ltmp1:
0x31: {  	p1 =	slt.u32 s10, $0x2;
	(pc) =	sbr.rel @!p2 .LBB1_6-.Ltmp1, $4  }
0x32: {  	s14 =	simm.s32 @!p1 $0x2  }
0x33: {  	s12 =	smov.u32 s8;
	p0 =	por !p0, !p0;
	_ =	swait.ge @!p1 [sflag:s14], $0x400  }
0x34: {  	s11 =	smov.u32 s9;
	[sflag:s14] =	ssyncset.done @!p1 $0x0;
	s8 =	smov.u32 s13  }
0x35: {  	s10 =	sadd.s32 $0x1, s10;
	[sflag:s14] =	ssyncadd.s32 @!p1 $0xFFFFFC00;
	s9 =	smov.u32 s15  }
.LBB1_1:
0x36: {  	p1 =	sge.u32 s10, s5  }
0x37: {  	s13 =	sshll.u32 @!p1 s9, $0x7;
	s14 =	sshll.u32 @!p1 s8, $0x3  }
0x38: {  	s15 =	sand.u32 @!p1 $0xFFFFFC00, s13;
	s14 =	sand.u32 @!p1 $0xFFFFFC00, s14  }
0x39: {  	s13 =	sand.u32 @!p1 $0x380, s13;
	s14 =	sadd.s32 @!p1 s15, s14  }
0x3a: {  	s13 =	sor.u32 @!p1 s13, s14  }
0x3b: {  	s13 =	sshrl.u32 @!p1 s13, $0x7  }
0x3c: {  	s14 =	smulhi.u32 @!p1 $0x14F8B59, s13;
	_ =	sdelay $0x1  }
0x3d: {  	s15 =	sxor.u32 @!p1 $0xFFFFFFFF, s10;
	s14 =	sshrl.u32 @!p1 s14, $0xD  }
0x3e: {  	s15 =	sshll.u32 @!p1 s15, $0xA;
	s14 =	smul.u32 @!p1 $0x186A00, s14  }
0x3f: {  	s31 =	sadd.s32 $0xFFFFFFFF, s10;
	s16 =	sshrl.u32 @!p1 s8, $0x3;
	s15 =	sand.u32 @!p1 $0x400, s15  }
0x40: {  	s13 =	ssub.s32 @!p1 s13, s14;
	s14 =	sand.u32 @!p1 $0xF, s16;
	s16 =	sand.u32 @!p1 $0x7, s8  }
0x41: {  	s13 =	sshll.u32 @!p1 s13, $0x4;
	s14 =	sadd.s32 @!p1 s6, s14;
	s16 =	sshll.u32 @!p1 s16, $0x12  }
0x42: {  	s13 =	sadd.s32 @!p1 s13, s14;
	s14 =	sor.u32 @!p1 $0x8, s16;
	s16 =	simm.s32 @!p1 $0x80  }
0x43: {  	[tilespmem:s15], [sflag:$0x1] =	stream.strided.gather @!p1 [hbm4b:s13+s14], $0x400, s16, s14, $0x38;
	[tilespmem:$0x1010] =	vst v63  }
0x44: {  	p1 =	sge.u32 s31, s5  }
.Ltmp2:
0x45: {  	_ = 	snop;
	(pc) =	sbr.rel @p1 .LBB1_5-.Ltmp2, $1  }
0x46: {  	_ =	sdelay $0x3  }
0x47: {  	s13 =	simm.s32 $0x1  }
0x48: {  	_ =	swait.ge [sflag:s4], $0x400;
	s13 =	simm.s32 @!p0 $0x0  }
0x49: {  	[sflag:s4] =	ssyncset.done $0x0;
	s14 =	sshll.u32 s13, $0xA  }
0x4a: {  	[sflag:s4] =	ssyncadd.s32 $0xFFFFFC00;
	s22 =	sor.u32 $0x20, s14  }
0x4b: {  	v0 =	vld.msk [tilespmem:s22+$0xFFFFFFE0], $0xff  }
0x4c: {  	s13 =	smul.u32 $0x1020, s13;
	_ =	sdelay $0x1  }
0x4d: {  	s13 =	sshrl.u32 s13, $0x2  }
0x4e: {  	s13 =	sor.u32 $0x807, s13  }
0x4f: {  	[tilespmem:s13+$0xFFFFFFF9 ss:$0x81] =	vst.msk $0xff, v0  }
0x50: {  	v0 =	vld.msk [tilespmem:s22+$0xFFFFFFE8], $0xff  }
0x51: {  	s16 =	sadd.s32 $0x40, s22  }
0x52: {  	v1 =	vld.msk [tilespmem:s16+$0xFFFFFFE0], $0xff;
	_ =	sdelay $0x2  }
0x53: {  	[tilespmem:s13+$0xFFFFFFFA ss:$0x81] =	vst.msk $0xff, v0  }
0x54: {  	s14 =	sadd.s32 $0x8, s13;
	v0 =	vld.msk [tilespmem:s22+$0xFFFFFFF0], $0xff  }
0x55: {  	[tilespmem:s14+$0xFFFFFFF9 ss:$0x81] =	vst.msk $0xff, v1  }
0x56: {  	v1 =	vld.msk [tilespmem:s16+$0xFFFFFFE8], $0xff  }
0x57: {  	s17 =	sadd.s32 $0x40, s16  }
0x58: {  	v2 =	vld.msk [tilespmem:s17+$0xFFFFFFE0], $0xff  }
0x59: {  	[tilespmem:s13+$0xFFFFFFFB ss:$0x81] =	vst.msk $0xff, v0  }
0x5a: {  	v0 =	vld.msk [tilespmem:s22+$0xFFFFFFF8], $0xff  }
0x5b: {  	[tilespmem:s14+$0xFFFFFFFA ss:$0x81] =	vst.msk $0xff, v1  }
0x5c: {  	s15 =	sadd.s32 $0x8, s14;
	v1 =	vld.msk [tilespmem:s16+$0xFFFFFFF0], $0xff  }
0x5d: {  	[tilespmem:s15+$0xFFFFFFF9 ss:$0x81] =	vst.msk $0xff, v2  }
0x5e: {  	s20 =	sadd.s32 $0x40, s17;
	v2 =	vld.msk [tilespmem:s17+$0xFFFFFFE8], $0xff  }
0x5f: {  	[tilespmem:s13+$0xFFFFFFFC ss:$0x81] =	vst.msk $0xff, v0;
	v0 =	vld.msk [tilespmem:s20+$0xFFFFFFE0], $0xff  }
0x60: {  	v3 =	vld.msk [tilespmem:s22+$0x0], $0xff  }
0x61: {  	[tilespmem:s14+$0xFFFFFFFB ss:$0x81] =	vst.msk $0xff, v1  }
0x62: {  	v1 =	vld.msk [tilespmem:s16+$0xFFFFFFF8], $0xff  }
0x63: {  	s18 =	sadd.s32 $0x8, s15;
	[tilespmem:s15+$0xFFFFFFFA ss:$0x81] =	vst.msk $0xff, v2  }
0x64: {  	v2 =	vld.msk [tilespmem:s17+$0xFFFFFFF0], $0xff;
	[tilespmem:s18+$0xFFFFFFF9 ss:$0x81] =	vst.msk $0xff, v0  }
0x65: {  	v0 =	vld.msk [tilespmem:s20+$0xFFFFFFE8], $0xff;
	[tilespmem:s13+$0xFFFFFFFD ss:$0x81] =	vst.msk $0xff, v3  }
0x66: {  	s21 =	sadd.s32 $0x40, s20;
	v3 =	vld.msk [tilespmem:s22+$0x8], $0xff  }
0x67: {  	[tilespmem:s14+$0xFFFFFFFC ss:$0x81] =	vst.msk $0xff, v1;
	v1 =	vld.msk [tilespmem:s21+$0xFFFFFFE0], $0xff  }
0x68: {  	v4 =	vld.msk [tilespmem:s16+$0x0], $0xff  }
0x69: {  	[tilespmem:s15+$0xFFFFFFFB ss:$0x81] =	vst.msk $0xff, v2  }
0x6a: {  	v2 =	vld.msk [tilespmem:s17+$0xFFFFFFF8], $0xff;
	[tilespmem:s18+$0xFFFFFFFA ss:$0x81] =	vst.msk $0xff, v0  }
0x6b: {  	s19 =	sadd.s32 $0x8, s18;
	v0 =	vld.msk [tilespmem:s20+$0xFFFFFFF0], $0xff;
	[tilespmem:s13+$0xFFFFFFFE ss:$0x81] =	vst.msk $0xff, v3  }
0x6c: {  	[tilespmem:s19+$0xFFFFFFF9 ss:$0x81] =	vst.msk $0xff, v1;
	v1 =	vld.msk [tilespmem:s22+$0x10], $0xff  }
0x6d: {  	[tilespmem:s14+$0xFFFFFFFD ss:$0x81] =	vst.msk $0xff, v4;
	v3 =	vld.msk [tilespmem:s21+$0xFFFFFFE8], $0xff  }
0x6e: {  	s24 =	sadd.s32 $0x40, s21;
	v4 =	vld.msk [tilespmem:s16+$0x8], $0xff  }
0x6f: {  	[tilespmem:s15+$0xFFFFFFFC ss:$0x81] =	vst.msk $0xff, v2;
	v2 =	vld.msk [tilespmem:s24+$0xFFFFFFE0], $0xff  }
0x70: {  	v5 =	vld.msk [tilespmem:s17+$0x0], $0xff;
	[tilespmem:s18+$0xFFFFFFFB ss:$0x81] =	vst.msk $0xff, v0  }
0x71: {  	v6 =	vld.msk [tilespmem:s20+$0xFFFFFFF8], $0xff;
	[tilespmem:s13+$0xFFFFFFFF ss:$0x81] =	vst.msk $0xff, v1  }
0x72: {  	s23 =	sand.u32 $0x1, s10;
	[tilespmem:s19+$0xFFFFFFFA ss:$0x81] =	vst.msk $0xff, v3;
	v0 =	vld.msk [tilespmem:s22+$0x18], $0xff  }
0x73: {  	s23 =	smul.u32 $0x1020, s23;
	[tilespmem:s14+$0xFFFFFFFE ss:$0x81] =	vst.msk $0xff, v4;
	v3 =	vld.msk [tilespmem:s21+$0xFFFFFFF0], $0xff;
	s22 =	sadd.s32 $0x8, s19  }
0x74: {  	v1 =	vld.msk [tilespmem:s16+$0x10], $0xff;
	[tilespmem:s22+$0xFFFFFFF9 ss:$0x81] =	vst.msk $0xff, v2  }
0x75: {  	s23 =	sshrl.u32 s23, $0x2;
	[tilespmem:s15+$0xFFFFFFFD ss:$0x81] =	vst.msk $0xff, v5;
	v4 =	vld.msk [tilespmem:s24+$0xFFFFFFE8], $0xff  }
0x76: {  	s25 =	simm.s32 $0x28;
	s23 =	sor.u32 $0x800, s23;
	s26 =	sadd.s32 $0x40, s24;
	v2 =	vld.msk [tilespmem:s17+$0x8], $0xff;
	[tilespmem:s18+$0xFFFFFFFC ss:$0x81] =	vst.msk $0xff, v6  }
.LBB1_3:
0x77: {  	v5 =	vld.msk [tilespmem:s26+$0xFFFFFFE0], $0xff;
	[tilespmem:s13+$0x0 ss:$0x81] =	vst.msk $0xff, v0;
	s13 =	smov.u32 s14;
	s14 =	smov.u32 s15;
	s15 =	smov.u32 s18  }
0x78: {  	s25 =	sadd.s32 $0x8, s25;
	s18 =	smov.u32 s19;
	[tilespmem:s19+$0xFFFFFFFB ss:$0x81] =	vst.msk $0xff, v3;
	v6 =	vld.msk [tilespmem:s20+$0x0], $0xff;
	s19 =	smov.u32 s22  }
0x79: {  	p1 =	slt.u32 s25, $0x78;
	v7 =	vld.msk [tilespmem:s21+$0xFFFFFFF8], $0xff;
	[tilespmem:s13+$0xFFFFFFFF ss:$0x81] =	vst.msk $0xff, v1  }
.Ltmp3:
0x7a: {  	[tilespmem:s22+$0xFFFFFFFA ss:$0x81] =	vst.msk $0xff, v4;
	v0 =	vld.msk [tilespmem:s16+$0x18], $0xff;
	s16 =	smov.u32 s17;
	s17 =	smov.u32 s20;
	(pc) =	sbr.rel @p1 .LBB1_3-.Ltmp3, $4  }
0x7b: {  	s22 =	sadd.s32 $0x8, s22;
	s20 =	smov.u32 s21;
	s21 =	smov.u32 s24;
	v3 =	vld.msk [tilespmem:s24+$0xFFFFFFF0], $0xff;
	[tilespmem:s14+$0xFFFFFFFE ss:$0x81] =	vst.msk $0xff, v2  }
0x7c: {  	s24 =	smov.u32 s26;
	[tilespmem:s22+$0xFFFFFFF9 ss:$0x81] =	vst.msk $0xff, v5;
	v1 =	vld.msk [tilespmem:s16+$0x10], $0xff  }
0x7d: {  	v4 =	vld.msk [tilespmem:s26+$0xFFFFFFE8], $0xff;
	[tilespmem:s15+$0xFFFFFFFD ss:$0x81] =	vst.msk $0xff, v6  }
0x7e: {  	s26 =	sadd.s32 $0x40, s26;
	[tilespmem:s18+$0xFFFFFFFC ss:$0x81] =	vst.msk $0xff, v7;
	v2 =	vld.msk [tilespmem:s17+$0x8], $0xff  }
.Ltmp4:
0x7f: {  	_ = 	snop;
	(pc) =	sbr.rel .LBB1_4-.Ltmp4, $1  }
0x80: {  	_ =	sdelay $0x3  }
.LBB1_6:
0x81: {  	_ =	sfence.sel $0x180000  }
0x82: {  	s2 =	simm.s32 $0x1;
	[bflag:$0x0] =	sbarrier.arrive $0xFFFF  }
0x83: {  	s31 =	simm.s32 $0x2;
	[sflag:s2] =	ssyncpa.u1 $0x1  }
0x84: {  	[sflag:s31] =	ssyncpa.u1 $0x1  }
0x85: {  	p0 =	sne.s32 s0, $0x0;
	_ =	strace $0x90000050  }
0x86: {  	s0 =	sadd.s32 @!p0 $0x100000, s1;
	[bflag:$0x2] =	sbarrier.arrive $0xFFFF  }
0x87: {  	[sflag:s0] =	ssyncadd.tile.s32 @!p0 $0x1;
	_ =	shalt  }
.Lfunc_end1:
_tile_overlayer_lowered:
.L_overlay_start_2:
0x88: {  	(tag) =	ssettag $0x2  }
0x89: {  	s0 =	rddreg [dreg:$0x0];
	s2 =	stileid.u32  }
0x8a: {  	s1 =	rddreg [dreg:$0x1];
	p0 =	sne.s32 s2, $0x0  }
0x8b: {  	s3 =	rddreg [dreg:$0x2];
	[bflag:$0x3] =	sbarrier.arrive $0xFFFF;
	s2 =	simm.s32 @!p0 $0x1C01  }
0x8c: {  	[timem:s3], [sflag:s2] =	dma.local @!p0 [hbm:s0], s1  }
0x8d: {  	s0 =	simm.s32 @!p0 $0x1  }
0x8e: {  	_ =	swait.ge @!p0 [sflag:s0], s1  }
0x8f: {  	s1 =	ssub.s32 @!p0 $0x0, s1;
	[sflag:s0] =	ssyncset.done @!p0 $0x0  }
0x90: {  	[sflag:s0] =	ssyncadd.s32 @!p0 s1  }
0x91: {  	[bflag:$0x3] =	sbarrier.arrive $0xFFFF  }
0x92: {  	_ =	shalt  }

</sc_bundles>
